<compile_context>
chip_gen: v7x
topology: tpu7x:2x2x1
jax: 0.10.2.dev20260603
libtpu: 0.0.44.dev20260713+nightly
codegen_flags: <defaults>
</compile_context>

<pallas_src>
import functools

import jax
import jax.numpy as jnp
import numpy as np
from jax import lax
from jax.experimental import pallas as pl
from jax.experimental.pallas import tpu as pltpu
from jax.experimental.pallas import tpu_sc as plsc

_B, _C, _I, _S = 32, 128, 9, 256
_P = _B * _I
_R = _P * _C
_NC, _NS = 2, 16
_NW = _NC * _NS
_PPW = _P // _NW
_HC = _C // 2
_NB = 6
_NCHT = 2 * _PPW * 2
_L = 16

_PERM_A = np.array([
    19, 76, 118, 54, 90, 30, 7, 96, 121, 115, 6, 35, 23, 58, 16, 21,
    77, 94, 116, 61, 38, 3, 105, 81, 26, 32, 64, 37, 56, 51, 2, 122,
    63, 52, 20, 89, 95, 44, 47, 123, 79, 84, 50, 78, 72, 83, 42, 62,
    69, 53, 0, 8, 109, 22, 13, 29, 99, 110, 34, 70, 18, 103, 86, 75,
    91, 111, 24, 113, 1, 65, 48, 5, 45, 49, 33, 74, 55, 60, 119, 57,
    124, 27, 112, 10, 93, 68, 15, 73, 40, 67, 88, 102, 107, 66, 80, 100,
    120, 71, 17, 59, 98, 108, 114, 36, 125, 101, 92, 28, 46, 9, 104, 117,
    4, 12, 87, 85, 14, 82, 31, 106, 127, 126, 97, 41, 25, 43, 39, 11,
], dtype=np.int32)
_PERM_B = np.array([
    83, 107, 91, 52, 58, 2, 59, 73, 15, 53, 63, 10, 113, 67, 29, 94,
    62, 92, 117, 126, 110, 98, 81, 66, 55, 9, 85, 28, 124, 80, 18, 45,
    31, 114, 12, 61, 51, 102, 14, 93, 104, 4, 115, 95, 32, 118, 68, 7,
    79, 88, 43, 26, 111, 77, 69, 17, 22, 119, 101, 87, 108, 60, 109, 13,
    112, 1, 21, 72, 38, 106, 89, 70, 24, 122, 100, 49, 116, 25, 50, 48,
    6, 20, 120, 82, 90, 33, 35, 11, 39, 71, 76, 47, 127, 74, 103, 96,
    37, 105, 16, 56, 27, 40, 86, 123, 44, 30, 64, 99, 34, 19, 121, 78,
    23, 3, 46, 65, 42, 8, 36, 57, 54, 97, 41, 125, 5, 84, 0, 75,
], dtype=np.int32)

_mesh = plsc.VectorSubcoreMesh(core_axis_name="c", subcore_axis_name="s")


@functools.partial(
    pl.kernel,
    mesh=_mesh,
    out_type=[
        jax.ShapeDtypeStruct((_R, _S), jnp.float32),
        jax.ShapeDtypeStruct((_R, _S), jnp.float32),
    ],
    scratch_types=[
        pltpu.VMEM((_C,), jnp.int32),
        pltpu.VMEM((_C,), jnp.int32),
        *([pltpu.VMEM((_HC,), jnp.int32)] * _NB),
        *([pltpu.VMEM((_HC, _S), jnp.float32)] * _NB),
        *([pltpu.SemaphoreType.DMA] * _NB),
        *([pltpu.SemaphoreType.DMA] * _NB),
    ],
    compiler_params=pltpu.CompilerParams(use_tc_tiling_on_sc=True),
)
def _shuffle(a_hbm, b_hbm, pa_hbm, pb_hbm, oa_hbm, ob_hbm,
             pa_v, pb_v, *rest):
    idxs = rest[:_NB]
    bufs = rest[_NB:2 * _NB]
    gsem = rest[2 * _NB:3 * _NB]
    ssem = rest[3 * _NB:4 * _NB]
    wid = lax.axis_index("s") * _NC + lax.axis_index("c")
    p0 = wid * _PPW
    pltpu.sync_copy(pa_hbm, pa_v)
    pltpu.sync_copy(pb_hbm, pb_v)

    def chunk(k):
        t, j = divmod(k, _PPW * 2)
        pj, h = divmod(j, 2)
        return t, p0 + pj, h

    def gather(k):
        t, p, h = chunk(k)
        src = a_hbm if t == 0 else b_hbm
        perm_v = pa_v if t == 0 else pb_v
        idx = idxs[k % _NB]
        base = p * _C
        for v in range(_HC // _L):
            idx[pl.ds(v * _L, _L)] = base + perm_v[
                pl.ds(h * _HC + v * _L, _L)]
        return pltpu.async_copy(src.at[idx], bufs[k % _NB], gsem[k % _NB])

    def store(k):
        t, p, h = chunk(k)
        dst = oa_hbm if t == 0 else ob_hbm
        return pltpu.async_copy(
            bufs[k % _NB], dst.at[pl.ds(p * _C + h * _HC, _HC)],
            ssem[k % _NB])

    gcp = [None] * _NCHT
    scp = [None] * _NCHT
    for k in range(_NB - 1):
        gcp[k] = gather(k)
    for k in range(_NCHT):
        j = k + _NB - 1
        if j < _NCHT:
            if j - _NB >= 0:
                scp[j - _NB].wait()
            gcp[j] = gather(j)
        gcp[k].wait()
        scp[k] = store(k)
    for k in range(_NCHT - _NB, _NCHT):
        scp[k].wait()


def kernel(x_shake_audio, x_shake_acc, labels):
    a = x_shake_audio.transpose(0, 2, 1, 3).reshape(_R, _S)
    b = x_shake_acc.transpose(0, 2, 1, 3).reshape(_R, _S)
    oa, ob = _shuffle(a, b, jnp.asarray(_PERM_A), jnp.asarray(_PERM_B))
    oa = oa.reshape(_B, _I, _C, _S).transpose(0, 2, 1, 3)
    ob = ob.reshape(_B, _I, _C, _S).transpose(0, 2, 1, 3)
    return (oa, ob, labels)

# --- scband reference (transcript-rebuilt; emitter-appended) ---
"""Pipeline reference for scband-channel-shuffle-augmenter-72928544686391 (READ-ONLY COPY).

The authoritative reference and input builder live on the scoring server;
editing this copy changes nothing except your own understanding.
"""

import jax, jax.numpy as jnp
import numpy as np

B, C, I, S = 32, 128, 9, 256

def setup_inputs(seed: int = 0) -> dict:
    key = jax.random.key(seed)
    k1, k2, k3 = jax.random.split(key, 3)
    x_shake_audio = jax.random.normal(k1, (B, C, I, S), dtype=jnp.float32)
    x_shake_acc = jax.random.normal(k2, (B, C, I, S), dtype=jnp.float32)
    labels = jax.random.randint(k3, (B,), 0, 10, dtype=jnp.int64)
    return {"x_shake_audio": x_shake_audio, "x_shake_acc": x_shake_acc, "labels": labels}

def reference(x_shake_audio, x_shake_acc, labels):
    # ChannelShuffleAugmenter with prob=1.0: every (loc, mod) tensor gets its
    # channel dimension (axis 1) permuted by an independent random permutation.
    # torch.randperm is replaced by deterministic jax.random.permutation keys.
    perm_audio = jax.random.permutation(jax.random.key(1), C)
    perm_acc = jax.random.permutation(jax.random.key(2), C)
    aug_audio = jnp.take(x_shake_audio, perm_audio, axis=1)
    aug_acc = jnp.take(x_shake_acc, perm_acc, axis=1)
    # Original returns ({loc: {mod: tensor}}, labels); flattened here to a tuple.
    return (aug_audio, aug_acc, labels)

if __name__ == "__main__":
    import jax
    _d = setup_inputs()
    print(jax.jit(kernel)(*tuple(_d.values())))

</pallas_src>

<mosaic_0001>
#map = affine_map<(d0, d1) -> (0, 0)>
#map1 = affine_map<(d0, d1) -> (0)>
module attributes {stable_mosaic.version = 14 : i64} {
  func.func @_shuffle(%arg0: i32, %arg1: i32, %arg2: memref<36864x256xf32, #tpu.memory_space<hbm>>, %arg3: memref<36864x256xf32, #tpu.memory_space<hbm>>, %arg4: memref<128xi32, #tpu.memory_space<hbm>>, %arg5: memref<128xi32, #tpu.memory_space<hbm>>, %arg6: memref<36864x256xf32, #tpu.memory_space<hbm>>, %arg7: memref<36864x256xf32, #tpu.memory_space<hbm>>, %arg8: memref<128xi32, #tpu.memory_space<vmem>>, %arg9: memref<128xi32, #tpu.memory_space<vmem>>, %arg10: memref<64xi32, #tpu.memory_space<vmem>>, %arg11: memref<64xi32, #tpu.memory_space<vmem>>, %arg12: memref<64xi32, #tpu.memory_space<vmem>>, %arg13: memref<64xi32, #tpu.memory_space<vmem>>, %arg14: memref<64xi32, #tpu.memory_space<vmem>>, %arg15: memref<64xi32, #tpu.memory_space<vmem>>, %arg16: memref<64x256xf32, #tpu.memory_space<vmem>>, %arg17: memref<64x256xf32, #tpu.memory_space<vmem>>, %arg18: memref<64x256xf32, #tpu.memory_space<vmem>>, %arg19: memref<64x256xf32, #tpu.memory_space<vmem>>, %arg20: memref<64x256xf32, #tpu.memory_space<vmem>>, %arg21: memref<64x256xf32, #tpu.memory_space<vmem>>, %arg22: memref<!tpu.dma_semaphore, #tpu.memory_space<semaphore_mem>>, %arg23: memref<!tpu.dma_semaphore, #tpu.memory_space<semaphore_mem>>, %arg24: memref<!tpu.dma_semaphore, #tpu.memory_space<semaphore_mem>>, %arg25: memref<!tpu.dma_semaphore, #tpu.memory_space<semaphore_mem>>, %arg26: memref<!tpu.dma_semaphore, #tpu.memory_space<semaphore_mem>>, %arg27: memref<!tpu.dma_semaphore, #tpu.memory_space<semaphore_mem>>, %arg28: memref<!tpu.dma_semaphore, #tpu.memory_space<semaphore_mem>>, %arg29: memref<!tpu.dma_semaphore, #tpu.memory_space<semaphore_mem>>, %arg30: memref<!tpu.dma_semaphore, #tpu.memory_space<semaphore_mem>>, %arg31: memref<!tpu.dma_semaphore, #tpu.memory_space<semaphore_mem>>, %arg32: memref<!tpu.dma_semaphore, #tpu.memory_space<semaphore_mem>>, %arg33: memref<!tpu.dma_semaphore, #tpu.memory_space<semaphore_mem>>) attributes {dimension_semantics = [#tpu.dimension_semantics<core_parallel>, #tpu.dimension_semantics<subcore_parallel>], iteration_bounds = array<i64: 2, 16>, scalar_prefetch = 0 : i64, scratch_operands = 26 : i64, tpu.core_type = #tpu.core_type<sc_vector_subcore>, window_params = [{transform_indices = #map}, {transform_indices = #map}, {transform_indices = #map1}, {transform_indices = #map1}, {transform_indices = #map}, {transform_indices = #map}]} {
    %mul3A = arith.constant 2 : i32
    %mul3A_0 = arith.muli %arg1, %mul3A : i32
    %add3A = arith.addi %mul3A_0, %arg0 : i32
    %mul3A_1 = arith.constant 9 : i32
    %mul3A_2 = arith.muli %add3A, %mul3A_1 : i32
    "tpu.region"() ({
      %run_scoped3A = tpu.sem_alloc : memref<!tpu.dma_semaphore, #tpu.memory_space<semaphore_mem>>
      tpu.enqueue_dma source(%arg4 : memref<128xi32, #tpu.memory_space<hbm>>) target(%arg8 : memref<128xi32, #tpu.memory_space<vmem>>) target_semaphore(%run_scoped3A : memref<!tpu.dma_semaphore, #tpu.memory_space<semaphore_mem>>)
      tpu.wait_dma2 semaphore(%run_scoped3A : memref<!tpu.dma_semaphore, #tpu.memory_space<semaphore_mem>>) src(%arg4 : memref<128xi32, #tpu.memory_space<hbm>>) dst(%arg8 : memref<128xi32, #tpu.memory_space<vmem>>)
      tpu.yield
    }) : () -> ()
    "tpu.region"() ({
      %run_scoped3A = tpu.sem_alloc : memref<!tpu.dma_semaphore, #tpu.memory_space<semaphore_mem>>
      tpu.enqueue_dma source(%arg5 : memref<128xi32, #tpu.memory_space<hbm>>) target(%arg9 : memref<128xi32, #tpu.memory_space<vmem>>) target_semaphore(%run_scoped3A : memref<!tpu.dma_semaphore, #tpu.memory_space<semaphore_mem>>)
      tpu.wait_dma2 semaphore(%run_scoped3A : memref<!tpu.dma_semaphore, #tpu.memory_space<semaphore_mem>>) src(%arg5 : memref<128xi32, #tpu.memory_space<hbm>>) dst(%arg9 : memref<128xi32, #tpu.memory_space<vmem>>)
      tpu.yield
    }) : () -> ()
    %add3A_3 = arith.constant 0 : i32
    %add3A_4 = arith.addi %mul3A_2, %add3A_3 : i32
    %mul3A_5 = arith.constant 128 : i32
    %mul3A_6 = arith.muli %add3A_4, %mul3A_5 : i32
    %get3A = arith.constant 0 : index
    %get3A_7 = tpu.vector_load %arg8[%get3A] {strides = array<i32>} : memref<128xi32, #tpu.memory_space<vmem>>, vector<16xi32>,
    %get3A_8 = vector.shape_cast %get3A_7 : vector<16xi32> to vector<16xi32>
    %add3A_9 = vector.broadcast %mul3A_6 : i32 to vector<16xi32>
    %add3A_10 = arith.addi %add3A_9, %get3A_8 : vector<16xi32>
    %swap3A = arith.constant 0 : index
    %swap3A_11 = tpu.vector_load %arg10[%swap3A] {strides = array<i32>} : memref<64xi32, #tpu.memory_space<vmem>>, vector<16xi32>,
    %swap3A_12 = vector.shape_cast %swap3A_11 : vector<16xi32> to vector<16xi32>
    %swap3A_13 = vector.shape_cast %add3A_10 : vector<16xi32> to vector<16xi32>
    tpu.vector_store %arg10[%swap3A], %swap3A_13 {strides = array<i32>} : memref<64xi32, #tpu.memory_space<vmem>>, vector<16xi32>,
    %get3A_14 = arith.constant 16 : index
    %get3A_15 = tpu.vector_load %arg8[%get3A_14] {strides = array<i32>} : memref<128xi32, #tpu.memory_space<vmem>>, vector<16xi32>,
    %get3A_16 = vector.shape_cast %get3A_15 : vector<16xi32> to vector<16xi32>
    %add3A_17 = vector.broadcast %mul3A_6 : i32 to vector<16xi32>
    %add3A_18 = arith.addi %add3A_17, %get3A_16 : vector<16xi32>
    %swap3A_19 = arith.constant 16 : index
    %swap3A_20 = tpu.vector_load %arg10[%swap3A_19] {strides = array<i32>} : memref<64xi32, #tpu.memory_space<vmem>>, vector<16xi32>,
    %swap3A_21 = vector.shape_cast %swap3A_20 : vector<16xi32> to vector<16xi32>
    %swap3A_22 = vector.shape_cast %add3A_18 : vector<16xi32> to vector<16xi32>
    tpu.vector_store %arg10[%swap3A_19], %swap3A_22 {strides = array<i32>} : memref<64xi32, #tpu.memory_space<vmem>>, vector<16xi32>,
    %get3A_23 = arith.constant 32 : index
    %get3A_24 = tpu.vector_load %arg8[%get3A_23] {strides = array<i32>} : memref<128xi32, #tpu.memory_space<vmem>>, vector<16xi32>,
    %get3A_25 = vector.shape_cast %get3A_24 : vector<16xi32> to vector<16xi32>
    %add3A_26 = vector.broadcast %mul3A_6 : i32 to vector<16xi32>
    %add3A_27 = arith.addi %add3A_26, %get3A_25 : vector<16xi32>
    %swap3A_28 = arith.constant 32 : index
    %swap3A_29 = tpu.vector_load %arg10[%swap3A_28] {strides = array<i32>} : memref<64xi32, #tpu.memory_space<vmem>>, vector<16xi32>,
    %swap3A_30 = vector.shape_cast %swap3A_29 : vector<16xi32> to vector<16xi32>
    %swap3A_31 = vector.shape_cast %add3A_27 : vector<16xi32> to vector<16xi32>
    tpu.vector_store %arg10[%swap3A_28], %swap3A_31 {strides = array<i32>} : memref<64xi32, #tpu.memory_space<vmem>>, vector<16xi32>,
    %get3A_32 = arith.constant 48 : index
    %get3A_33 = tpu.vector_load %arg8[%get3A_32] {strides = array<i32>} : memref<128xi32, #tpu.memory_space<vmem>>, vector<16xi32>,
    %get3A_34 = vector.shape_cast %get3A_33 : vector<16xi32> to vector<16xi32>
    %add3A_35 = vector.broadcast %mul3A_6 : i32 to vector<16xi32>
    %add3A_36 = arith.addi %add3A_35, %get3A_34 : vector<16xi32>
    %swap3A_37 = arith.constant 48 : index
    %swap3A_38 = tpu.vector_load %arg10[%swap3A_37] {strides = array<i32>} : memref<64xi32, #tpu.memory_space<vmem>>, vector<16xi32>,
    %swap3A_39 = vector.shape_cast %swap3A_38 : vector<16xi32> to vector<16xi32>
    %swap3A_40 = vector.shape_cast %add3A_36 : vector<16xi32> to vector<16xi32>
    tpu.vector_store %arg10[%swap3A_37], %swap3A_40 {strides = array<i32>} : memref<64xi32, #tpu.memory_space<vmem>>, vector<16xi32>,
    %dma_start3A = arith.constant 0 : i32
    %dma_start3A_41 = arith.constant 0 : i32
    %dma_start3A_42 = tpu.memref_slice %arg2[%dma_start3A, %dma_start3A_41] : memref<36864x256xf32, #tpu.memory_space<hbm>> -> memref<36864x256xf32, #tpu.memory_space<hbm>>
    tpu.enqueue_indirect_dma source(%dma_start3A_42 : memref<36864x256xf32, #tpu.memory_space<hbm>>) target(%arg16 : memref<64x256xf32, #tpu.memory_space<vmem>>) offsets(%arg10 : memref<64xi32, #tpu.memory_space<vmem>>) semaphore(%arg22 : memref<!tpu.dma_semaphore, #tpu.memory_space<semaphore_mem>>)
    %add3A_43 = arith.constant 0 : i32
    %add3A_44 = arith.addi %mul3A_2, %add3A_43 : i32
    %mul3A_45 = arith.constant 128 : i32
    %mul3A_46 = arith.muli %add3A_44, %mul3A_45 : i32
    %get3A_47 = arith.constant 64 : index
    %get3A_48 = tpu.vector_load %arg8[%get3A_47] {strides = array<i32>} : memref<128xi32, #tpu.memory_space<vmem>>, vector<16xi32>,
    %get3A_49 = vector.shape_cast %get3A_48 : vector<16xi32> to vector<16xi32>
    %add3A_50 = vector.broadcast %mul3A_46 : i32 to vector<16xi32>
    %add3A_51 = arith.addi %add3A_50, %get3A_49 : vector<16xi32>
    %swap3A_52 = arith.constant 0 : index
    %swap3A_53 = tpu.vector_load %arg11[%swap3A_52] {strides = array<i32>} : memref<64xi32, #tpu.memory_space<vmem>>, vector<16xi32>,
    %swap3A_54 = vector.shape_cast %swap3A_53 : vector<16xi32> to vector<16xi32>
    %swap3A_55 = vector.shape_cast %add3A_51 : vector<16xi32> to vector<16xi32>
    tpu.vector_store %arg11[%swap3A_52], %swap3A_55 {strides = array<i32>} : memref<64xi32, #tpu.memory_space<vmem>>, vector<16xi32>,
    %get3A_56 = arith.constant 80 : index
    %get3A_57 = tpu.vector_load %arg8[%get3A_56] {strides = array<i32>} : memref<128xi32, #tpu.memory_space<vmem>>, vector<16xi32>,
    %get3A_58 = vector.shape_cast %get3A_57 : vector<16xi32> to vector<16xi32>
    %add3A_59 = vector.broadcast %mul3A_46 : i32 to vector<16xi32>
    %add3A_60 = arith.addi %add3A_59, %get3A_58 : vector<16xi32>
    %swap3A_61 = arith.constant 16 : index
    %swap3A_62 = tpu.vector_load %arg11[%swap3A_61] {strides = array<i32>} : memref<64xi32, #tpu.memory_space<vmem>>, vector<16xi32>,
    %swap3A_63 = vector.shape_cast %swap3A_62 : vector<16xi32> to vector<16xi32>
    %swap3A_64 = vector.shape_cast %add3A_60 : vector<16xi32> to vector<16xi32>
    tpu.vector_store %arg11[%swap3A_61], %swap3A_64 {strides = array<i32>} : memref<64xi32, #tpu.memory_space<vmem>>, vector<16xi32>,
    %get3A_65 = arith.constant 96 : index
    %get3A_66 = tpu.vector_load %arg8[%get3A_65] {strides = array<i32>} : memref<128xi32, #tpu.memory_space<vmem>>, vector<16xi32>,
    %get3A_67 = vector.shape_cast %get3A_66 : vector<16xi32> to vector<16xi32>
    %add3A_68 = vector.broadcast %mul3A_46 : i32 to vector<16xi32>
    %add3A_69 = arith.addi %add3A_68, %get3A_67 : vector<16xi32>
    %swap3A_70 = arith.constant 32 : index
    %swap3A_71 = tpu.vector_load %arg11[%swap3A_70] {strides = array<i32>} : memref<64xi32, #tpu.memory_space<vmem>>, vector<16xi32>,
    %swap3A_72 = vector.shape_cast %swap3A_71 : vector<16xi32> to vector<16xi32>
    %swap3A_73 = vector.shape_cast %add3A_69 : vector<16xi32> to vector<16xi32>
    tpu.vector_store %arg11[%swap3A_70], %swap3A_73 {strides = array<i32>} : memref<64xi32, #tpu.memory_space<vmem>>, vector<16xi32>,
    %get3A_74 = arith.constant 112 : index
    %get3A_75 = tpu.vector_load %arg8[%get3A_74] {strides = array<i32>} : memref<128xi32, #tpu.memory_space<vmem>>, vector<16xi32>,
    %get3A_76 = vector.shape_cast %get3A_75 : vector<16xi32> to vector<16xi32>
    %add3A_77 = vector.broadcast %mul3A_46 : i32 to vector<16xi32>
    %add3A_78 = arith.addi %add3A_77, %get3A_76 : vector<16xi32>
    %swap3A_79 = arith.constant 48 : index
    %swap3A_80 = tpu.vector_load %arg11[%swap3A_79] {strides = array<i32>} : memref<64xi32, #tpu.memory_space<vmem>>, vector<16xi32>,
    %swap3A_81 = vector.shape_cast %swap3A_80 : vector<16xi32> to vector<16xi32>
    %swap3A_82 = vector.shape_cast %add3A_78 : vector<16xi32> to vector<16xi32>
    tpu.vector_store %arg11[%swap3A_79], %swap3A_82 {strides = array<i32>} : memref<64xi32, #tpu.memory_space<vmem>>, vector<16xi32>,
    %dma_start3A_83 = arith.constant 0 : i32
    %dma_start3A_84 = arith.constant 0 : i32
    %dma_start3A_85 = tpu.memref_slice %arg2[%dma_start3A_83, %dma_start3A_84] : memref<36864x256xf32, #tpu.memory_space<hbm>> -> memref<36864x256xf32, #tpu.memory_space<hbm>>
    tpu.enqueue_indirect_dma source(%dma_start3A_85 : memref<36864x256xf32, #tpu.memory_space<hbm>>) target(%arg17 : memref<64x256xf32, #tpu.memory_space<vmem>>) offsets(%arg11 : memref<64xi32, #tpu.memory_space<vmem>>) semaphore(%arg23 : memref<!tpu.dma_semaphore, #tpu.memory_space<semaphore_mem>>)
    %add3A_86 = arith.constant 1 : i32
    %add3A_87 = arith.addi %mul3A_2, %add3A_86 : i32
    %mul3A_88 = arith.constant 128 : i32
    %mul3A_89 = arith.muli %add3A_87, %mul3A_88 : i32
    %get3A_90 = arith.constant 0 : index
    %get3A_91 = tpu.vector_load %arg8[%get3A_90] {strides = array<i32>} : memref<128xi32, #tpu.memory_space<vmem>>, vector<16xi32>,
    %get3A_92 = vector.shape_cast %get3A_91 : vector<16xi32> to vector<16xi32>
    %add3A_93 = vector.broadcast %mul3A_89 : i32 to vector<16xi32>
    %add3A_94 = arith.addi %add3A_93, %get3A_92 : vector<16xi32>
    %swap3A_95 = arith.constant 0 : index
    %swap3A_96 = tpu.vector_load %arg12[%swap3A_95] {strides = array<i32>} : memref<64xi32, #tpu.memory_space<vmem>>, vector<16xi32>,
    %swap3A_97 = vector.shape_cast %swap3A_96 : vector<16xi32> to vector<16xi32>
    %swap3A_98 = vector.shape_cast %add3A_94 : vector<16xi32> to vector<16xi32>
    tpu.vector_store %arg12[%swap3A_95], %swap3A_98 {strides = array<i32>} : memref<64xi32, #tpu.memory_space<vmem>>, vector<16xi32>,
    %get3A_99 = arith.constant 16 : index
    %get3A_100 = tpu.vector_load %arg8[%get3A_99] {strides = array<i32>} : memref<128xi32, #tpu.memory_space<vmem>>, vector<16xi32>,
    %get3A_101 = vector.shape_cast %get3A_100 : vector<16xi32> to vector<16xi32>
    %add3A_102 = vector.broadcast %mul3A_89 : i32 to vector<16xi32>
    %add3A_103 = arith.addi %add3A_102, %get3A_101 : vector<16xi32>
    %swap3A_104 = arith.constant 16 : index
    %swap3A_105 = tpu.vector_load %arg12[%swap3A_104] {strides = array<i32>} : memref<64xi32, #tpu.memory_space<vmem>>, vector<16xi32>,
    %swap3A_106 = vector.shape_cast %swap3A_105 : vector<16xi32> to vector<16xi32>
    %swap3A_107 = vector.shape_cast %add3A_103 : vector<16xi32> to vector<16xi32>
    tpu.vector_store %arg12[%swap3A_104], %swap3A_107 {strides = array<i32>} : memref<64xi32, #tpu.memory_space<vmem>>, vector<16xi32>,
    %get3A_108 = arith.constant 32 : index
    %get3A_109 = tpu.vector_load %arg8[%get3A_108] {strides = array<i32>} : memref<128xi32, #tpu.memory_space<vmem>>, vector<16xi32>,
    %get3A_110 = vector.shape_cast %get3A_109 : vector<16xi32> to vector<16xi32>
    %add3A_111 = vector.broadcast %mul3A_89 : i32 to vector<16xi32>
    %add3A_112 = arith.addi %add3A_111, %get3A_110 : vector<16xi32>
    %swap3A_113 = arith.constant 32 : index
    %swap3A_114 = tpu.vector_load %arg12[%swap3A_113] {strides = array<i32>} : memref<64xi32, #tpu.memory_space<vmem>>, vector<16xi32>,
    %swap3A_115 = vector.shape_cast %swap3A_114 : vector<16xi32> to vector<16xi32>
    %swap3A_116 = vector.shape_cast %add3A_112 : vector<16xi32> to vector<16xi32>
    tpu.vector_store %arg12[%swap3A_113], %swap3A_116 {strides = array<i32>} : memref<64xi32, #tpu.memory_space<vmem>>, vector<16xi32>,
    %get3A_117 = arith.constant 48 : index
    %get3A_118 = tpu.vector_load %arg8[%get3A_117] {strides = array<i32>} : memref<128xi32, #tpu.memory_space<vmem>>, vector<16xi32>,
    %get3A_119 = vector.shape_cast %get3A_118 : vector<16xi32> to vector<16xi32>
    %add3A_120 = vector.broadcast %mul3A_89 : i32 to vector<16xi32>
    %add3A_121 = arith.addi %add3A_120, %get3A_119 : vector<16xi32>
    %swap3A_122 = arith.constant 48 : index
    %swap3A_123 = tpu.vector_load %arg12[%swap3A_122] {strides = array<i32>} : memref<64xi32, #tpu.memory_space<vmem>>, vector<16xi32>,
    %swap3A_124 = vector.shape_cast %swap3A_123 : vector<16xi32> to vector<16xi32>
    %swap3A_125 = vector.shape_cast %add3A_121 : vector<16xi32> to vector<16xi32>
    tpu.vector_store %arg12[%swap3A_122], %swap3A_125 {strides = array<i32>} : memref<64xi32, #tpu.memory_space<vmem>>, vector<16xi32>,
    %dma_start3A_126 = arith.constant 0 : i32
    %dma_start3A_127 = arith.constant 0 : i32
    %dma_start3A_128 = tpu.memref_slice %arg2[%dma_start3A_126, %dma_start3A_127] : memref<36864x256xf32, #tpu.memory_space<hbm>> -> memref<36864x256xf32, #tpu.memory_space<hbm>>
    tpu.enqueue_indirect_dma source(%dma_start3A_128 : memref<36864x256xf32, #tpu.memory_space<hbm>>) target(%arg18 : memref<64x256xf32, #tpu.memory_space<vmem>>) offsets(%arg12 : memref<64xi32, #tpu.memory_space<vmem>>) semaphore(%arg24 : memref<!tpu.dma_semaphore, #tpu.memory_space<semaphore_mem>>)
    %add3A_129 = arith.constant 1 : i32
    %add3A_130 = arith.addi %mul3A_2, %add3A_129 : i32
    %mul3A_131 = arith.constant 128 : i32
    %mul3A_132 = arith.muli %add3A_130, %mul3A_131 : i32
    %get3A_133 = arith.constant 64 : index
    %get3A_134 = tpu.vector_load %arg8[%get3A_133] {strides = array<i32>} : memref<128xi32, #tpu.memory_space<vmem>>, vector<16xi32>,
    %get3A_135 = vector.shape_cast %get3A_134 : vector<16xi32> to vector<16xi32>
    %add3A_136 = vector.broadcast %mul3A_132 : i32 to vector<16xi32>
    %add3A_137 = arith.addi %add3A_136, %get3A_135 : vector<16xi32>
    %swap3A_138 = arith.constant 0 : index
    %swap3A_139 = tpu.vector_load %arg13[%swap3A_138] {strides = array<i32>} : memref<64xi32, #tpu.memory_space<vmem>>, vector<16xi32>,
    %swap3A_140 = vector.shape_cast %swap3A_139 : vector<16xi32> to vector<16xi32>
    %swap3A_141 = vector.shape_cast %add3A_137 : vector<16xi32> to vector<16xi32>
    tpu.vector_store %arg13[%swap3A_138], %swap3A_141 {strides = array<i32>} : memref<64xi32, #tpu.memory_space<vmem>>, vector<16xi32>,
    %get3A_142 = arith.constant 80 : index
    %get3A_143 = tpu.vector_load %arg8[%get3A_142] {strides = array<i32>} : memref<128xi32, #tpu.memory_space<vmem>>, vector<16xi32>,
    %get3A_144 = vector.shape_cast %get3A_143 : vector<16xi32> to vector<16xi32>
    %add3A_145 = vector.broadcast %mul3A_132 : i32 to vector<16xi32>
    %add3A_146 = arith.addi %add3A_145, %get3A_144 : vector<16xi32>
    %swap3A_147 = arith.constant 16 : index
    %swap3A_148 = tpu.vector_load %arg13[%swap3A_147] {strides = array<i32>} : memref<64xi32, #tpu.memory_space<vmem>>, vector<16xi32>,
    %swap3A_149 = vector.shape_cast %swap3A_148 : vector<16xi32> to vector<16xi32>
    %swap3A_150 = vector.shape_cast %add3A_146 : vector<16xi32> to vector<16xi32>
    tpu.vector_store %arg13[%swap3A_147], %swap3A_150 {strides = array<i32>} : memref<64xi32, #tpu.memory_space<vmem>>, vector<16xi32>,
    %get3A_151 = arith.constant 96 : index
    %get3A_152 = tpu.vector_load %arg8[%get3A_151] {strides = array<i32>} : memref<128xi32, #tpu.memory_space<vmem>>, vector<16xi32>,
    %get3A_153 = vector.shape_cast %get3A_152 : vector<16xi32> to vector<16xi32>
    %add3A_154 = vector.broadcast %mul3A_132 : i32 to vector<16xi32>
    %add3A_155 = arith.addi %add3A_154, %get3A_153 : vector<16xi32>
    %swap3A_156 = arith.constant 32 : index
    %swap3A_157 = tpu.vector_load %arg13[%swap3A_156] {strides = array<i32>} : memref<64xi32, #tpu.memory_space<vmem>>, vector<16xi32>,
    %swap3A_158 = vector.shape_cast %swap3A_157 : vector<16xi32> to vector<16xi32>
    %swap3A_159 = vector.shape_cast %add3A_155 : vector<16xi32> to vector<16xi32>
    tpu.vector_store %arg13[%swap3A_156], %swap3A_159 {strides = array<i32>} : memref<64xi32, #tpu.memory_space<vmem>>, vector<16xi32>,
    %get3A_160 = arith.constant 112 : index
    %get3A_161 = tpu.vector_load %arg8[%get3A_160] {strides = array<i32>} : memref<128xi32, #tpu.memory_space<vmem>>, vector<16xi32>,
    %get3A_162 = vector.shape_cast %get3A_161 : vector<16xi32> to vector<16xi32>
    %add3A_163 = vector.broadcast %mul3A_132 : i32 to vector<16xi32>
    %add3A_164 = arith.addi %add3A_163, %get3A_162 : vector<16xi32>
    %swap3A_165 = arith.constant 48 : index
    %swap3A_166 = tpu.vector_load %arg13[%swap3A_165] {strides = array<i32>} : memref<64xi32, #tpu.memory_space<vmem>>, vector<16xi32>,
    %swap3A_167 = vector.shape_cast %swap3A_166 : vector<16xi32> to vector<16xi32>
    %swap3A_168 = vector.shape_cast %add3A_164 : vector<16xi32> to vector<16xi32>
    tpu.vector_store %arg13[%swap3A_165], %swap3A_168 {strides = array<i32>} : memref<64xi32, #tpu.memory_space<vmem>>, vector<16xi32>,
    %dma_start3A_169 = arith.constant 0 : i32
    %dma_start3A_170 = arith.constant 0 : i32
    %dma_start3A_171 = tpu.memref_slice %arg2[%dma_start3A_169, %dma_start3A_170] : memref<36864x256xf32, #tpu.memory_space<hbm>> -> memref<36864x256xf32, #tpu.memory_space<hbm>>
    tpu.enqueue_indirect_dma source(%dma_start3A_171 : memref<36864x256xf32, #tpu.memory_space<hbm>>) target(%arg19 : memref<64x256xf32, #tpu.memory_space<vmem>>) offsets(%arg13 : memref<64xi32, #tpu.memory_space<vmem>>) semaphore(%arg25 : memref<!tpu.dma_semaphore, #tpu.memory_space<semaphore_mem>>)
    %add3A_172 = arith.constant 2 : i32
    %add3A_173 = arith.addi %mul3A_2, %add3A_172 : i32
    %mul3A_174 = arith.constant 128 : i32
    %mul3A_175 = arith.muli %add3A_173, %mul3A_174 : i32
    %get3A_176 = arith.constant 0 : index
    %get3A_177 = tpu.vector_load %arg8[%get3A_176] {strides = array<i32>} : memref<128xi32, #tpu.memory_space<vmem>>, vector<16xi32>,
    %get3A_178 = vector.shape_cast %get3A_177 : vector<16xi32> to vector<16xi32>
    %add3A_179 = vector.broadcast %mul3A_175 : i32 to vector<16xi32>
    %add3A_180 = arith.addi %add3A_179, %get3A_178 : vector<16xi32>
    %swap3A_181 = arith.constant 0 : index
    %swap3A_182 = tpu.vector_load %arg14[%swap3A_181] {strides = array<i32>} : memref<64xi32, #tpu.memory_space<vmem>>, vector<16xi32>,
    %swap3A_183 = vector.shape_cast %swap3A_182 : vector<16xi32> to vector<16xi32>
    %swap3A_184 = vector.shape_cast %add3A_180 : vector<16xi32> to vector<16xi32>
    tpu.vector_store %arg14[%swap3A_181], %swap3A_184 {strides = array<i32>} : memref<64xi32, #tpu.memory_space<vmem>>, vector<16xi32>,
    %get3A_185 = arith.constant 16 : index
    %get3A_186 = tpu.vector_load %arg8[%get3A_185] {strides = array<i32>} : memref<128xi32, #tpu.memory_space<vmem>>, vector<16xi32>,
    %get3A_187 = vector.shape_cast %get3A_186 : vector<16xi32> to vector<16xi32>
    %add3A_188 = vector.broadcast %mul3A_175 : i32 to vector<16xi32>
    %add3A_189 = arith.addi %add3A_188, %get3A_187 : vector<16xi32>
    %swap3A_190 = arith.constant 16 : index
    %swap3A_191 = tpu.vector_load %arg14[%swap3A_190] {strides = array<i32>} : memref<64xi32, #tpu.memory_space<vmem>>, vector<16xi32>,
    %swap3A_192 = vector.shape_cast %swap3A_191 : vector<16xi32> to vector<16xi32>
    %swap3A_193 = vector.shape_cast %add3A_189 : vector<16xi32> to vector<16xi32>
    tpu.vector_store %arg14[%swap3A_190], %swap3A_193 {strides = array<i32>} : memref<64xi32, #tpu.memory_space<vmem>>, vector<16xi32>,
    %get3A_194 = arith.constant 32 : index
    %get3A_195 = tpu.vector_load %arg8[%get3A_194] {strides = array<i32>} : memref<128xi32, #tpu.memory_space<vmem>>, vector<16xi32>,
    %get3A_196 = vector.shape_cast %get3A_195 : vector<16xi32> to vector<16xi32>
    %add3A_197 = vector.broadcast %mul3A_175 : i32 to vector<16xi32>
    %add3A_198 = arith.addi %add3A_197, %get3A_196 : vector<16xi32>
    %swap3A_199 = arith.constant 32 : index
    %swap3A_200 = tpu.vector_load %arg14[%swap3A_199] {strides = array<i32>} : memref<64xi32, #tpu.memory_space<vmem>>, vector<16xi32>,
    %swap3A_201 = vector.shape_cast %swap3A_200 : vector<16xi32> to vector<16xi32>
    %swap3A_202 = vector.shape_cast %add3A_198 : vector<16xi32> to vector<16xi32>
    tpu.vector_store %arg14[%swap3A_199], %swap3A_202 {strides = array<i32>} : memref<64xi32, #tpu.memory_space<vmem>>, vector<16xi32>,
    %get3A_203 = arith.constant 48 : index
    %get3A_204 = tpu.vector_load %arg8[%get3A_203] {strides = array<i32>} : memref<128xi32, #tpu.memory_space<vmem>>, vector<16xi32>,
    %get3A_205 = vector.shape_cast %get3A_204 : vector<16xi32> to vector<16xi32>
    %add3A_206 = vector.broadcast %mul3A_175 : i32 to vector<16xi32>
    %add3A_207 = arith.addi %add3A_206, %get3A_205 : vector<16xi32>
    %swap3A_208 = arith.constant 48 : index
    %swap3A_209 = tpu.vector_load %arg14[%swap3A_208] {strides = array<i32>} : memref<64xi32, #tpu.memory_space<vmem>>, vector<16xi32>,
    %swap3A_210 = vector.shape_cast %swap3A_209 : vector<16xi32> to vector<16xi32>
    %swap3A_211 = vector.shape_cast %add3A_207 : vector<16xi32> to vector<16xi32>
    tpu.vector_store %arg14[%swap3A_208], %swap3A_211 {strides = array<i32>} : memref<64xi32, #tpu.memory_space<vmem>>, vector<16xi32>,
    %dma_start3A_212 = arith.constant 0 : i32
    %dma_start3A_213 = arith.constant 0 : i32
    %dma_start3A_214 = tpu.memref_slice %arg2[%dma_start3A_212, %dma_start3A_213] : memref<36864x256xf32, #tpu.memory_space<hbm>> -> memref<36864x256xf32, #tpu.memory_space<hbm>>
    tpu.enqueue_indirect_dma source(%dma_start3A_214 : memref<36864x256xf32, #tpu.memory_space<hbm>>) target(%arg20 : memref<64x256xf32, #tpu.memory_space<vmem>>) offsets(%arg14 : memref<64xi32, #tpu.memory_space<vmem>>) semaphore(%arg26 : memref<!tpu.dma_semaphore, #tpu.memory_space<semaphore_mem>>)
    %add3A_215 = arith.constant 2 : i32
    %add3A_216 = arith.addi %mul3A_2, %add3A_215 : i32
    %mul3A_217 = arith.constant 128 : i32
    %mul3A_218 = arith.muli %add3A_216, %mul3A_217 : i32
    %get3A_219 = arith.constant 64 : index
    %get3A_220 = tpu.vector_load %arg8[%get3A_219] {strides = array<i32>} : memref<128xi32, #tpu.memory_space<vmem>>, vector<16xi32>,
    %get3A_221 = vector.shape_cast %get3A_220 : vector<16xi32> to vector<16xi32>
    %add3A_222 = vector.broadcast %mul3A_218 : i32 to vector<16xi32>
    %add3A_223 = arith.addi %add3A_222, %get3A_221 : vector<16xi32>
    %swap3A_224 = arith.constant 0 : index
    %swap3A_225 = tpu.vector_load %arg15[%swap3A_224] {strides = array<i32>} : memref<64xi32, #tpu.memory_space<vmem>>, vector<16xi32>,
    %swap3A_226 = vector.shape_cast %swap3A_225 : vector<16xi32> to vector<16xi32>
    %swap3A_227 = vector.shape_cast %add3A_223 : vector<16xi32> to vector<16xi32>
    tpu.vector_store %arg15[%swap3A_224], %swap3A_227 {strides = array<i32>} : memref<64xi32, #tpu.memory_space<vmem>>, vector<16xi32>,
    %get3A_228 = arith.constant 80 : index
    %get3A_229 = tpu.vector_load %arg8[%get3A_228] {strides = array<i32>} : memref<128xi32, #tpu.memory_space<vmem>>, vector<16xi32>,
    %get3A_230 = vector.shape_cast %get3A_229 : vector<16xi32> to vector<16xi32>
    %add3A_231 = vector.broadcast %mul3A_218 : i32 to vector<16xi32>
    %add3A_232 = arith.addi %add3A_231, %get3A_230 : vector<16xi32>
    %swap3A_233 = arith.constant 16 : index
    %swap3A_234 = tpu.vector_load %arg15[%swap3A_233] {strides = array<i32>} : memref<64xi32, #tpu.memory_space<vmem>>, vector<16xi32>,
    %swap3A_235 = vector.shape_cast %swap3A_234 : vector<16xi32> to vector<16xi32>
    %swap3A_236 = vector.shape_cast %add3A_232 : vector<16xi32> to vector<16xi32>
    tpu.vector_store %arg15[%swap3A_233], %swap3A_236 {strides = array<i32>} : memref<64xi32, #tpu.memory_space<vmem>>, vector<16xi32>,
    %get3A_237 = arith.constant 96 : index
    %get3A_238 = tpu.vector_load %arg8[%get3A_237] {strides = array<i32>} : memref<128xi32, #tpu.memory_space<vmem>>, vector<16xi32>,
    %get3A_239 = vector.shape_cast %get3A_238 : vector<16xi32> to vector<16xi32>
    %add3A_240 = vector.broadcast %mul3A_218 : i32 to vector<16xi32>
    %add3A_241 = arith.addi %add3A_240, %get3A_239 : vector<16xi32>
    %swap3A_242 = arith.constant 32 : index
    %swap3A_243 = tpu.vector_load %arg15[%swap3A_242] {strides = array<i32>} : memref<64xi32, #tpu.memory_space<vmem>>, vector<16xi32>,
    %swap3A_244 = vector.shape_cast %swap3A_243 : vector<16xi32> to vector<16xi32>
    %swap3A_245 = vector.shape_cast %add3A_241 : vector<16xi32> to vector<16xi32>
    tpu.vector_store %arg15[%swap3A_242], %swap3A_245 {strides = array<i32>} : memref<64xi32, #tpu.memory_space<vmem>>, vector<16xi32>,
    %get3A_246 = arith.constant 112 : index
    %get3A_247 = tpu.vector_load %arg8[%get3A_246] {strides = array<i32>} : memref<128xi32, #tpu.memory_space<vmem>>, vector<16xi32>,
    %get3A_248 = vector.shape_cast %get3A_247 : vector<16xi32> to vector<16xi32>
    %add3A_249 = vector.broadcast %mul3A_218 : i32 to vector<16xi32>
    %add3A_250 = arith.addi %add3A_249, %get3A_248 : vector<16xi32>
    %swap3A_251 = arith.constant 48 : index
    %swap3A_252 = tpu.vector_load %arg15[%swap3A_251] {strides = array<i32>} : memref<64xi32, #tpu.memory_space<vmem>>, vector<16xi32>,
    %swap3A_253 = vector.shape_cast %swap3A_252 : vector<16xi32> to vector<16xi32>
    %swap3A_254 = vector.shape_cast %add3A_250 : vector<16xi32> to vector<16xi32>
    tpu.vector_store %arg15[%swap3A_251], %swap3A_254 {strides = array<i32>} : memref<64xi32, #tpu.memory_space<vmem>>, vector<16xi32>,
    %dma_start3A_255 = arith.constant 0 : i32
    %dma_start3A_256 = arith.constant 0 : i32
    %dma_start3A_257 = tpu.memref_slice %arg2[%dma_start3A_255, %dma_start3A_256] : memref<36864x256xf32, #tpu.memory_space<hbm>> -> memref<36864x256xf32, #tpu.memory_space<hbm>>
    tpu.enqueue_indirect_dma source(%dma_start3A_257 : memref<36864x256xf32, #tpu.memory_space<hbm>>) target(%arg21 : memref<64x256xf32, #tpu.memory_space<vmem>>) offsets(%arg15 : memref<64xi32, #tpu.memory_space<vmem>>) semaphore(%arg27 : memref<!tpu.dma_semaphore, #tpu.memory_space<semaphore_mem>>)
    %dma_wait3A = arith.constant 0 : i32
    %dma_wait3A_258 = arith.constant 0 : i32
    %dma_wait3A_259 = tpu.memref_slice %arg2[%dma_wait3A, %dma_wait3A_258] : memref<36864x256xf32, #tpu.memory_space<hbm>> -> memref<36864x256xf32, #tpu.memory_space<hbm>>
    tpu.wait_indirect_dma semaphore(%arg22 : memref<!tpu.dma_semaphore, #tpu.memory_space<semaphore_mem>>) src(%dma_wait3A_259 : memref<36864x256xf32, #tpu.memory_space<hbm>>) dst(%arg16 : memref<64x256xf32, #tpu.memory_space<vmem>>)
    %add3A_260 = arith.constant 0 : i32
    %add3A_261 = arith.addi %mul3A_2, %add3A_260 : i32
    %mul3A_262 = arith.constant 128 : i32
    %mul3A_263 = arith.muli %add3A_261, %mul3A_262 : i32
    %add3A_264 = arith.constant 0 : i32
    %add3A_265 = arith.addi %mul3A_263, %add3A_264 : i32
    %dma_start3A_266 = arith.constant 0 : i32
    %dma_start3A_267 = tpu.memref_slice %arg6[%add3A_265, %dma_start3A_266] : memref<36864x256xf32, #tpu.memory_space<hbm>> -> memref<64x256xf32, #tpu.memory_space<hbm>>
    %dma_start3A_268 = arith.constant 0 : i32
    %dma_start3A_269 = tpu.memref_slice %arg6[%add3A_265, %dma_start3A_268] : memref<36864x256xf32, #tpu.memory_space<hbm>> -> memref<64x256xf32, #tpu.memory_space<hbm>>
    tpu.enqueue_dma source(%arg16 : memref<64x256xf32, #tpu.memory_space<vmem>>) target(%dma_start3A_269 : memref<64x256xf32, #tpu.memory_space<hbm>>) target_semaphore(%arg28 : memref<!tpu.dma_semaphore, #tpu.memory_space<semaphore_mem>>)
    %dma_wait3A_270 = arith.constant 0 : i32
    %dma_wait3A_271 = tpu.memref_slice %arg6[%add3A_265, %dma_wait3A_270] : memref<36864x256xf32, #tpu.memory_space<hbm>> -> memref<64x256xf32, #tpu.memory_space<hbm>>
    %dma_wait3A_272 = arith.constant 0 : i32
    %dma_wait3A_273 = tpu.memref_slice %arg6[%add3A_265, %dma_wait3A_272] : memref<36864x256xf32, #tpu.memory_space<hbm>> -> memref<64x256xf32, #tpu.memory_space<hbm>>
    tpu.wait_dma2 semaphore(%arg28 : memref<!tpu.dma_semaphore, #tpu.memory_space<semaphore_mem>>) src(%arg16 : memref<64x256xf32, #tpu.memory_space<vmem>>) dst(%dma_wait3A_273 : memref<64x256xf32, #tpu.memory_space<hbm>>)
    %add3A_274 = arith.constant 3 : i32
    %add3A_275 = arith.addi %mul3A_2, %add3A_274 : i32
    %mul3A_276 = arith.constant 128 : i32
    %mul3A_277 = arith.muli %add3A_275, %mul3A_276 : i32
    %get3A_278 = arith.constant 0 : index
    %get3A_279 = tpu.vector_load %arg8[%get3A_278] {strides = array<i32>} : memref<128xi32, #tpu.memory_space<vmem>>, vector<16xi32>,
    %get3A_280 = vector.shape_cast %get3A_279 : vector<16xi32> to vector<16xi32>
    %add3A_281 = vector.broadcast %mul3A_277 : i32 to vector<16xi32>
    %add3A_282 = arith.addi %add3A_281, %get3A_280 : vector<16xi32>
    %swap3A_283 = arith.constant 0 : index
    %swap3A_284 = tpu.vector_load %arg10[%swap3A_283] {strides = array<i32>} : memref<64xi32, #tpu.memory_space<vmem>>, vector<16xi32>,
    %swap3A_285 = vector.shape_cast %swap3A_284 : vector<16xi32> to vector<16xi32>
    %swap3A_286 = vector.shape_cast %add3A_282 : vector<16xi32> to vector<16xi32>
    tpu.vector_store %arg10[%swap3A_283], %swap3A_286 {strides = array<i32>} : memref<64xi32, #tpu.memory_space<vmem>>, vector<16xi32>,
    %get3A_287 = arith.constant 16 : index
    %get3A_288 = tpu.vector_load %arg8[%get3A_287] {strides = array<i32>} : memref<128xi32, #tpu.memory_space<vmem>>, vector<16xi32>,
    %get3A_289 = vector.shape_cast %get3A_288 : vector<16xi32> to vector<16xi32>
    %add3A_290 = vector.broadcast %mul3A_277 : i32 to vector<16xi32>
    %add3A_291 = arith.addi %add3A_290, %get3A_289 : vector<16xi32>
    %swap3A_292 = arith.constant 16 : index
    %swap3A_293 = tpu.vector_load %arg10[%swap3A_292] {strides = array<i32>} : memref<64xi32, #tpu.memory_space<vmem>>, vector<16xi32>,
    %swap3A_294 = vector.shape_cast %swap3A_293 : vector<16xi32> to vector<16xi32>
    %swap3A_295 = vector.shape_cast %add3A_291 : vector<16xi32> to vector<16xi32>
    tpu.vector_store %arg10[%swap3A_292], %swap3A_295 {strides = array<i32>} : memref<64xi32, #tpu.memory_space<vmem>>, vector<16xi32>,
    %get3A_296 = arith.constant 32 : index
    %get3A_297 = tpu.vector_load %arg8[%get3A_296] {strides = array<i32>} : memref<128xi32, #tpu.memory_space<vmem>>, vector<16xi32>,
    %get3A_298 = vector.shape_cast %get3A_297 : vector<16xi32> to vector<16xi32>
    %add3A_299 = vector.broadcast %mul3A_277 : i32 to vector<16xi32>
    %add3A_300 = arith.addi %add3A_299, %get3A_298 : vector<16xi32>
    %swap3A_301 = arith.constant 32 : index
    %swap3A_302 = tpu.vector_load %arg10[%swap3A_301] {strides = array<i32>} : memref<64xi32, #tpu.memory_space<vmem>>, vector<16xi32>,
    %swap3A_303 = vector.shape_cast %swap3A_302 : vector<16xi32> to vector<16xi32>
    %swap3A_304 = vector.shape_cast %add3A_300 : vector<16xi32> to vector<16xi32>
    tpu.vector_store %arg10[%swap3A_301], %swap3A_304 {strides = array<i32>} : memref<64xi32, #tpu.memory_space<vmem>>, vector<16xi32>,
    %get3A_305 = arith.constant 48 : index
    %get3A_306 = tpu.vector_load %arg8[%get3A_305] {strides = array<i32>} : memref<128xi32, #tpu.memory_space<vmem>>, vector<16xi32>,
    %get3A_307 = vector.shape_cast %get3A_306 : vector<16xi32> to vector<16xi32>
    %add3A_308 = vector.broadcast %mul3A_277 : i32 to vector<16xi32>
    %add3A_309 = arith.addi %add3A_308, %get3A_307 : vector<16xi32>
    %swap3A_310 = arith.constant 48 : index
    %swap3A_311 = tpu.vector_load %arg10[%swap3A_310] {strides = array<i32>} : memref<64xi32, #tpu.memory_space<vmem>>, vector<16xi32>,
    %swap3A_312 = vector.shape_cast %swap3A_311 : vector<16xi32> to vector<16xi32>
    %swap3A_313 = vector.shape_cast %add3A_309 : vector<16xi32> to vector<16xi32>
    tpu.vector_store %arg10[%swap3A_310], %swap3A_313 {strides = array<i32>} : memref<64xi32, #tpu.memory_space<vmem>>, vector<16xi32>,
    %dma_start3A_314 = arith.constant 0 : i32
    %dma_start3A_315 = arith.constant 0 : i32
    %dma_start3A_316 = tpu.memref_slice %arg2[%dma_start3A_314, %dma_start3A_315] : memref<36864x256xf32, #tpu.memory_space<hbm>> -> memref<36864x256xf32, #tpu.memory_space<hbm>>
    tpu.enqueue_indirect_dma source(%dma_start3A_316 : memref<36864x256xf32, #tpu.memory_space<hbm>>) target(%arg16 : memref<64x256xf32, #tpu.memory_space<vmem>>) offsets(%arg10 : memref<64xi32, #tpu.memory_space<vmem>>) semaphore(%arg22 : memref<!tpu.dma_semaphore, #tpu.memory_space<semaphore_mem>>)
    %dma_wait3A_317 = arith.constant 0 : i32
    %dma_wait3A_318 = arith.constant 0 : i32
    %dma_wait3A_319 = tpu.memref_slice %arg2[%dma_wait3A_317, %dma_wait3A_318] : memref<36864x256xf32, #tpu.memory_space<hbm>> -> memref<36864x256xf32, #tpu.memory_space<hbm>>
    tpu.wait_indirect_dma semaphore(%arg23 : memref<!tpu.dma_semaphore, #tpu.memory_space<semaphore_mem>>) src(%dma_wait3A_319 : memref<36864x256xf32, #tpu.memory_space<hbm>>) dst(%arg17 : memref<64x256xf32, #tpu.memory_space<vmem>>)
    %add3A_320 = arith.constant 0 : i32
    %add3A_321 = arith.addi %mul3A_2, %add3A_320 : i32
    %mul3A_322 = arith.constant 128 : i32
    %mul3A_323 = arith.muli %add3A_321, %mul3A_322 : i32
    %add3A_324 = arith.constant 64 : i32
    %add3A_325 = arith.addi %mul3A_323, %add3A_324 : i32
    %dma_start3A_326 = arith.constant 0 : i32
    %dma_start3A_327 = tpu.memref_slice %arg6[%add3A_325, %dma_start3A_326] : memref<36864x256xf32, #tpu.memory_space<hbm>> -> memref<64x256xf32, #tpu.memory_space<hbm>>
    %dma_start3A_328 = arith.constant 0 : i32
    %dma_start3A_329 = tpu.memref_slice %arg6[%add3A_325, %dma_start3A_328] : memref<36864x256xf32, #tpu.memory_space<hbm>> -> memref<64x256xf32, #tpu.memory_space<hbm>>
    tpu.enqueue_dma source(%arg17 : memref<64x256xf32, #tpu.memory_space<vmem>>) target(%dma_start3A_329 : memref<64x256xf32, #tpu.memory_space<hbm>>) target_semaphore(%arg29 : memref<!tpu.dma_semaphore, #tpu.memory_space<semaphore_mem>>)
    %dma_wait3A_330 = arith.constant 0 : i32
    %dma_wait3A_331 = tpu.memref_slice %arg6[%add3A_325, %dma_wait3A_330] : memref<36864x256xf32, #tpu.memory_space<hbm>> -> memref<64x256xf32, #tpu.memory_space<hbm>>
    %dma_wait3A_332 = arith.constant 0 : i32
    %dma_wait3A_333 = tpu.memref_slice %arg6[%add3A_325, %dma_wait3A_332] : memref<36864x256xf32, #tpu.memory_space<hbm>> -> memref<64x256xf32, #tpu.memory_space<hbm>>
    tpu.wait_dma2 semaphore(%arg29 : memref<!tpu.dma_semaphore, #tpu.memory_space<semaphore_mem>>) src(%arg17 : memref<64x256xf32, #tpu.memory_space<vmem>>) dst(%dma_wait3A_333 : memref<64x256xf32, #tpu.memory_space<hbm>>)
    %add3A_334 = arith.constant 3 : i32
    %add3A_335 = arith.addi %mul3A_2, %add3A_334 : i32
    %mul3A_336 = arith.constant 128 : i32
    %mul3A_337 = arith.muli %add3A_335, %mul3A_336 : i32
    %get3A_338 = arith.constant 64 : index
    %get3A_339 = tpu.vector_load %arg8[%get3A_338] {strides = array<i32>} : memref<128xi32, #tpu.memory_space<vmem>>, vector<16xi32>,
    %get3A_340 = vector.shape_cast %get3A_339 : vector<16xi32> to vector<16xi32>
    %add3A_341 = vector.broadcast %mul3A_337 : i32 to vector<16xi32>
    %add3A_342 = arith.addi %add3A_341, %get3A_340 : vector<16xi32>
    %swap3A_343 = arith.constant 0 : index
    %swap3A_344 = tpu.vector_load %arg11[%swap3A_343] {strides = array<i32>} : memref<64xi32, #tpu.memory_space<vmem>>, vector<16xi32>,
    %swap3A_345 = vector.shape_cast %swap3A_344 : vector<16xi32> to vector<16xi32>
    %swap3A_346 = vector.shape_cast %add3A_342 : vector<16xi32> to vector<16xi32>
    tpu.vector_store %arg11[%swap3A_343], %swap3A_346 {strides = array<i32>} : memref<64xi32, #tpu.memory_space<vmem>>, vector<16xi32>,
    %get3A_347 = arith.constant 80 : index
    %get3A_348 = tpu.vector_load %arg8[%get3A_347] {strides = array<i32>} : memref<128xi32, #tpu.memory_space<vmem>>, vector<16xi32>,
    %get3A_349 = vector.shape_cast %get3A_348 : vector<16xi32> to vector<16xi32>
    %add3A_350 = vector.broadcast %mul3A_337 : i32 to vector<16xi32>
    %add3A_351 = arith.addi %add3A_350, %get3A_349 : vector<16xi32>
    %swap3A_352 = arith.constant 16 : index
    %swap3A_353 = tpu.vector_load %arg11[%swap3A_352] {strides = array<i32>} : memref<64xi32, #tpu.memory_space<vmem>>, vector<16xi32>,
    %swap3A_354 = vector.shape_cast %swap3A_353 : vector<16xi32> to vector<16xi32>
    %swap3A_355 = vector.shape_cast %add3A_351 : vector<16xi32> to vector<16xi32>
    tpu.vector_store %arg11[%swap3A_352], %swap3A_355 {strides = array<i32>} : memref<64xi32, #tpu.memory_space<vmem>>, vector<16xi32>,
    %get3A_356 = arith.constant 96 : index
    %get3A_357 = tpu.vector_load %arg8[%get3A_356] {strides = array<i32>} : memref<128xi32, #tpu.memory_space<vmem>>, vector<16xi32>,
    %get3A_358 = vector.shape_cast %get3A_357 : vector<16xi32> to vector<16xi32>
    %add3A_359 = vector.broadcast %mul3A_337 : i32 to vector<16xi32>
    %add3A_360 = arith.addi %add3A_359, %get3A_358 : vector<16xi32>
    %swap3A_361 = arith.constant 32 : index
    %swap3A_362 = tpu.vector_load %arg11[%swap3A_361] {strides = array<i32>} : memref<64xi32, #tpu.memory_space<vmem>>, vector<16xi32>,
    %swap3A_363 = vector.shape_cast %swap3A_362 : vector<16xi32> to vector<16xi32>
    %swap3A_364 = vector.shape_cast %add3A_360 : vector<16xi32> to vector<16xi32>
    tpu.vector_store %arg11[%swap3A_361], %swap3A_364 {strides = array<i32>} : memref<64xi32, #tpu.memory_space<vmem>>, vector<16xi32>,
    %get3A_365 = arith.constant 112 : index
    %get3A_366 = tpu.vector_load %arg8[%get3A_365] {strides = array<i32>} : memref<128xi32, #tpu.memory_space<vmem>>, vector<16xi32>,
    %get3A_367 = vector.shape_cast %get3A_366 : vector<16xi32> to vector<16xi32>
    %add3A_368 = vector.broadcast %mul3A_337 : i32 to vector<16xi32>
    %add3A_369 = arith.addi %add3A_368, %get3A_367 : vector<16xi32>
    %swap3A_370 = arith.constant 48 : index
    %swap3A_371 = tpu.vector_load %arg11[%swap3A_370] {strides = array<i32>} : memref<64xi32, #tpu.memory_space<vmem>>, vector<16xi32>,
    %swap3A_372 = vector.shape_cast %swap3A_371 : vector<16xi32> to vector<16xi32>
    %swap3A_373 = vector.shape_cast %add3A_369 : vector<16xi32> to vector<16xi32>
    tpu.vector_store %arg11[%swap3A_370], %swap3A_373 {strides = array<i32>} : memref<64xi32, #tpu.memory_space<vmem>>, vector<16xi32>,
    %dma_start3A_374 = arith.constant 0 : i32
    %dma_start3A_375 = arith.constant 0 : i32
    %dma_start3A_376 = tpu.memref_slice %arg2[%dma_start3A_374, %dma_start3A_375] : memref<36864x256xf32, #tpu.memory_space<hbm>> -> memref<36864x256xf32, #tpu.memory_space<hbm>>
    tpu.enqueue_indirect_dma source(%dma_start3A_376 : memref<36864x256xf32, #tpu.memory_space<hbm>>) target(%arg17 : memref<64x256xf32, #tpu.memory_space<vmem>>) offsets(%arg11 : memref<64xi32, #tpu.memory_space<vmem>>) semaphore(%arg23 : memref<!tpu.dma_semaphore, #tpu.memory_space<semaphore_mem>>)
    %dma_wait3A_377 = arith.constant 0 : i32
    %dma_wait3A_378 = arith.constant 0 : i32
    %dma_wait3A_379 = tpu.memref_slice %arg2[%dma_wait3A_377, %dma_wait3A_378] : memref<36864x256xf32, #tpu.memory_space<hbm>> -> memref<36864x256xf32, #tpu.memory_space<hbm>>
    tpu.wait_indirect_dma semaphore(%arg24 : memref<!tpu.dma_semaphore, #tpu.memory_space<semaphore_mem>>) src(%dma_wait3A_379 : memref<36864x256xf32, #tpu.memory_space<hbm>>) dst(%arg18 : memref<64x256xf32, #tpu.memory_space<vmem>>)
    %add3A_380 = arith.constant 1 : i32
    %add3A_381 = arith.addi %mul3A_2, %add3A_380 : i32
    %mul3A_382 = arith.constant 128 : i32
    %mul3A_383 = arith.muli %add3A_381, %mul3A_382 : i32
    %add3A_384 = arith.constant 0 : i32
    %add3A_385 = arith.addi %mul3A_383, %add3A_384 : i32
    %dma_start3A_386 = arith.constant 0 : i32
    %dma_start3A_387 = tpu.memref_slice %arg6[%add3A_385, %dma_start3A_386] : memref<36864x256xf32, #tpu.memory_space<hbm>> -> memref<64x256xf32, #tpu.memory_space<hbm>>
    %dma_start3A_388 = arith.constant 0 : i32
    %dma_start3A_389 = tpu.memref_slice %arg6[%add3A_385, %dma_start3A_388] : memref<36864x256xf32, #tpu.memory_space<hbm>> -> memref<64x256xf32, #tpu.memory_space<hbm>>
    tpu.enqueue_dma source(%arg18 : memref<64x256xf32, #tpu.memory_space<vmem>>) target(%dma_start3A_389 : memref<64x256xf32, #tpu.memory_space<hbm>>) target_semaphore(%arg30 : memref<!tpu.dma_semaphore, #tpu.memory_space<semaphore_mem>>)
    %dma_wait3A_390 = arith.constant 0 : i32
    %dma_wait3A_391 = tpu.memref_slice %arg6[%add3A_385, %dma_wait3A_390] : memref<36864x256xf32, #tpu.memory_space<hbm>> -> memref<64x256xf32, #tpu.memory_space<hbm>>
    %dma_wait3A_392 = arith.constant 0 : i32
    %dma_wait3A_393 = tpu.memref_slice %arg6[%add3A_385, %dma_wait3A_392] : memref<36864x256xf32, #tpu.memory_space<hbm>> -> memref<64x256xf32, #tpu.memory_space<hbm>>
    tpu.wait_dma2 semaphore(%arg30 : memref<!tpu.dma_semaphore, #tpu.memory_space<semaphore_mem>>) src(%arg18 : memref<64x256xf32, #tpu.memory_space<vmem>>) dst(%dma_wait3A_393 : memref<64x256xf32, #tpu.memory_space<hbm>>)
    %add3A_394 = arith.constant 4 : i32
    %add3A_395 = arith.addi %mul3A_2, %add3A_394 : i32
    %mul3A_396 = arith.constant 128 : i32
    %mul3A_397 = arith.muli %add3A_395, %mul3A_396 : i32
    %get3A_398 = arith.constant 0 : index
    %get3A_399 = tpu.vector_load %arg8[%get3A_398] {strides = array<i32>} : memref<128xi32, #tpu.memory_space<vmem>>, vector<16xi32>,
    %get3A_400 = vector.shape_cast %get3A_399 : vector<16xi32> to vector<16xi32>
    %add3A_401 = vector.broadcast %mul3A_397 : i32 to vector<16xi32>
    %add3A_402 = arith.addi %add3A_401, %get3A_400 : vector<16xi32>
    %swap3A_403 = arith.constant 0 : index
    %swap3A_404 = tpu.vector_load %arg12[%swap3A_403] {strides = array<i32>} : memref<64xi32, #tpu.memory_space<vmem>>, vector<16xi32>,
    %swap3A_405 = vector.shape_cast %swap3A_404 : vector<16xi32> to vector<16xi32>
    %swap3A_406 = vector.shape_cast %add3A_402 : vector<16xi32> to vector<16xi32>
    tpu.vector_store %arg12[%swap3A_403], %swap3A_406 {strides = array<i32>} : memref<64xi32, #tpu.memory_space<vmem>>, vector<16xi32>,
    %get3A_407 = arith.constant 16 : index
    %get3A_408 = tpu.vector_load %arg8[%get3A_407] {strides = array<i32>} : memref<128xi32, #tpu.memory_space<vmem>>, vector<16xi32>,
    %get3A_409 = vector.shape_cast %get3A_408 : vector<16xi32> to vector<16xi32>
    %add3A_410 = vector.broadcast %mul3A_397 : i32 to vector<16xi32>
    %add3A_411 = arith.addi %add3A_410, %get3A_409 : vector<16xi32>
    %swap3A_412 = arith.constant 16 : index
    %swap3A_413 = tpu.vector_load %arg12[%swap3A_412] {strides = array<i32>} : memref<64xi32, #tpu.memory_space<vmem>>, vector<16xi32>,
    %swap3A_414 = vector.shape_cast %swap3A_413 : vector<16xi32> to vector<16xi32>
    %swap3A_415 = vector.shape_cast %add3A_411 : vector<16xi32> to vector<16xi32>
    tpu.vector_store %arg12[%swap3A_412], %swap3A_415 {strides = array<i32>} : memref<64xi32, #tpu.memory_space<vmem>>, vector<16xi32>,
    %get3A_416 = arith.constant 32 : index
    %get3A_417 = tpu.vector_load %arg8[%get3A_416] {strides = array<i32>} : memref<128xi32, #tpu.memory_space<vmem>>, vector<16xi32>,
    %get3A_418 = vector.shape_cast %get3A_417 : vector<16xi32> to vector<16xi32>
    %add3A_419 = vector.broadcast %mul3A_397 : i32 to vector<16xi32>
    %add3A_420 = arith.addi %add3A_419, %get3A_418 : vector<16xi32>
    %swap3A_421 = arith.constant 32 : index
    %swap3A_422 = tpu.vector_load %arg12[%swap3A_421] {strides = array<i32>} : memref<64xi32, #tpu.memory_space<vmem>>, vector<16xi32>,
    %swap3A_423 = vector.shape_cast %swap3A_422 : vector<16xi32> to vector<16xi32>
    %swap3A_424 = vector.shape_cast %add3A_420 : vector<16xi32> to vector<16xi32>
    tpu.vector_store %arg12[%swap3A_421], %swap3A_424 {strides = array<i32>} : memref<64xi32, #tpu.memory_space<vmem>>, vector<16xi32>,
    %get3A_425 = arith.constant 48 : index
    %get3A_426 = tpu.vector_load %arg8[%get3A_425] {strides = array<i32>} : memref<128xi32, #tpu.memory_space<vmem>>, vector<16xi32>,
    %get3A_427 = vector.shape_cast %get3A_426 : vector<16xi32> to vector<16xi32>
    %add3A_428 = vector.broadcast %mul3A_397 : i32 to vector<16xi32>
    %add3A_429 = arith.addi %add3A_428, %get3A_427 : vector<16xi32>
    %swap3A_430 = arith.constant 48 : index
    %swap3A_431 = tpu.vector_load %arg12[%swap3A_430] {strides = array<i32>} : memref<64xi32, #tpu.memory_space<vmem>>, vector<16xi32>,
    %swap3A_432 = vector.shape_cast %swap3A_431 : vector<16xi32> to vector<16xi32>
    %swap3A_433 = vector.shape_cast %add3A_429 : vector<16xi32> to vector<16xi32>
    tpu.vector_store %arg12[%swap3A_430], %swap3A_433 {strides = array<i32>} : memref<64xi32, #tpu.memory_space<vmem>>, vector<16xi32>,
    %dma_start3A_434 = arith.constant 0 : i32
    %dma_start3A_435 = arith.constant 0 : i32
    %dma_start3A_436 = tpu.memref_slice %arg2[%dma_start3A_434, %dma_start3A_435] : memref<36864x256xf32, #tpu.memory_space<hbm>> -> memref<36864x256xf32, #tpu.memory_space<hbm>>
    tpu.enqueue_indirect_dma source(%dma_start3A_436 : memref<36864x256xf32, #tpu.memory_space<hbm>>) target(%arg18 : memref<64x256xf32, #tpu.memory_space<vmem>>) offsets(%arg12 : memref<64xi32, #tpu.memory_space<vmem>>) semaphore(%arg24 : memref<!tpu.dma_semaphore, #tpu.memory_space<semaphore_mem>>)
    %dma_wait3A_437 = arith.constant 0 : i32
    %dma_wait3A_438 = arith.constant 0 : i32
    %dma_wait3A_439 = tpu.memref_slice %arg2[%dma_wait3A_437, %dma_wait3A_438] : memref<36864x256xf32, #tpu.memory_space<hbm>> -> memref<36864x256xf32, #tpu.memory_space<hbm>>
    tpu.wait_indirect_dma semaphore(%arg25 : memref<!tpu.dma_semaphore, #tpu.memory_space<semaphore_mem>>) src(%dma_wait3A_439 : memref<36864x256xf32, #tpu.memory_space<hbm>>) dst(%arg19 : memref<64x256xf32, #tpu.memory_space<vmem>>)
    %add3A_440 = arith.constant 1 : i32
    %add3A_441 = arith.addi %mul3A_2, %add3A_440 : i32
    %mul3A_442 = arith.constant 128 : i32
    %mul3A_443 = arith.muli %add3A_441, %mul3A_442 : i32
    %add3A_444 = arith.constant 64 : i32
    %add3A_445 = arith.addi %mul3A_443, %add3A_444 : i32
    %dma_start3A_446 = arith.constant 0 : i32
    %dma_start3A_447 = tpu.memref_slice %arg6[%add3A_445, %dma_start3A_446] : memref<36864x256xf32, #tpu.memory_space<hbm>> -> memref<64x256xf32, #tpu.memory_space<hbm>>
    %dma_start3A_448 = arith.constant 0 : i32
    %dma_start3A_449 = tpu.memref_slice %arg6[%add3A_445, %dma_start3A_448] : memref<36864x256xf32, #tpu.memory_space<hbm>> -> memref<64x256xf32, #tpu.memory_space<hbm>>
    tpu.enqueue_dma source(%arg19 : memref<64x256xf32, #tpu.memory_space<vmem>>) target(%dma_start3A_449 : memref<64x256xf32, #tpu.memory_space<hbm>>) target_semaphore(%arg31 : memref<!tpu.dma_semaphore, #tpu.memory_space<semaphore_mem>>)
    %dma_wait3A_450 = arith.constant 0 : i32
    %dma_wait3A_451 = tpu.memref_slice %arg6[%add3A_445, %dma_wait3A_450] : memref<36864x256xf32, #tpu.memory_space<hbm>> -> memref<64x256xf32, #tpu.memory_space<hbm>>
    %dma_wait3A_452 = arith.constant 0 : i32
    %dma_wait3A_453 = tpu.memref_slice %arg6[%add3A_445, %dma_wait3A_452] : memref<36864x256xf32, #tpu.memory_space<hbm>> -> memref<64x256xf32, #tpu.memory_space<hbm>>
    tpu.wait_dma2 semaphore(%arg31 : memref<!tpu.dma_semaphore, #tpu.memory_space<semaphore_mem>>) src(%arg19 : memref<64x256xf32, #tpu.memory_space<vmem>>) dst(%dma_wait3A_453 : memref<64x256xf32, #tpu.memory_space<hbm>>)
    %add3A_454 = arith.constant 4 : i32
    %add3A_455 = arith.addi %mul3A_2, %add3A_454 : i32
    %mul3A_456 = arith.constant 128 : i32
    %mul3A_457 = arith.muli %add3A_455, %mul3A_456 : i32
    %get3A_458 = arith.constant 64 : index
    %get3A_459 = tpu.vector_load %arg8[%get3A_458] {strides = array<i32>} : memref<128xi32, #tpu.memory_space<vmem>>, vector<16xi32>,
    %get3A_460 = vector.shape_cast %get3A_459 : vector<16xi32> to vector<16xi32>
    %add3A_461 = vector.broadcast %mul3A_457 : i32 to vector<16xi32>
    %add3A_462 = arith.addi %add3A_461, %get3A_460 : vector<16xi32>
    %swap3A_463 = arith.constant 0 : index
    %swap3A_464 = tpu.vector_load %arg13[%swap3A_463] {strides = array<i32>} : memref<64xi32, #tpu.memory_space<vmem>>, vector<16xi32>,
    %swap3A_465 = vector.shape_cast %swap3A_464 : vector<16xi32> to vector<16xi32>
    %swap3A_466 = vector.shape_cast %add3A_462 : vector<16xi32> to vector<16xi32>
    tpu.vector_store %arg13[%swap3A_463], %swap3A_466 {strides = array<i32>} : memref<64xi32, #tpu.memory_space<vmem>>, vector<16xi32>,
    %get3A_467 = arith.constant 80 : index
    %get3A_468 = tpu.vector_load %arg8[%get3A_467] {strides = array<i32>} : memref<128xi32, #tpu.memory_space<vmem>>, vector<16xi32>,
    %get3A_469 = vector.shape_cast %get3A_468 : vector<16xi32> to vector<16xi32>
    %add3A_470 = vector.broadcast %mul3A_457 : i32 to vector<16xi32>
    %add3A_471 = arith.addi %add3A_470, %get3A_469 : vector<16xi32>
    %swap3A_472 = arith.constant 16 : index
    %swap3A_473 = tpu.vector_load %arg13[%swap3A_472] {strides = array<i32>} : memref<64xi32, #tpu.memory_space<vmem>>, vector<16xi32>,
    %swap3A_474 = vector.shape_cast %swap3A_473 : vector<16xi32> to vector<16xi32>
    %swap3A_475 = vector.shape_cast %add3A_471 : vector<16xi32> to vector<16xi32>
    tpu.vector_store %arg13[%swap3A_472], %swap3A_475 {strides = array<i32>} : memref<64xi32, #tpu.memory_space<vmem>>, vector<16xi32>,
    %get3A_476 = arith.constant 96 : index
    %get3A_477 = tpu.vector_load %arg8[%get3A_476] {strides = array<i32>} : memref<128xi32, #tpu.memory_space<vmem>>, vector<16xi32>,
    %get3A_478 = vector.shape_cast %get3A_477 : vector<16xi32> to vector<16xi32>
    %add3A_479 = vector.broadcast %mul3A_457 : i32 to vector<16xi32>
    %add3A_480 = arith.addi %add3A_479, %get3A_478 : vector<16xi32>
    %swap3A_481 = arith.constant 32 : index
    %swap3A_482 = tpu.vector_load %arg13[%swap3A_481] {strides = array<i32>} : memref<64xi32, #tpu.memory_space<vmem>>, vector<16xi32>,
    %swap3A_483 = vector.shape_cast %swap3A_482 : vector<16xi32> to vector<16xi32>
    %swap3A_484 = vector.shape_cast %add3A_480 : vector<16xi32> to vector<16xi32>
    tpu.vector_store %arg13[%swap3A_481], %swap3A_484 {strides = array<i32>} : memref<64xi32, #tpu.memory_space<vmem>>, vector<16xi32>,
    %get3A_485 = arith.constant 112 : index
    %get3A_486 = tpu.vector_load %arg8[%get3A_485] {strides = array<i32>} : memref<128xi32, #tpu.memory_space<vmem>>, vector<16xi32>,
    %get3A_487 = vector.shape_cast %get3A_486 : vector<16xi32> to vector<16xi32>
    %add3A_488 = vector.broadcast %mul3A_457 : i32 to vector<16xi32>
    %add3A_489 = arith.addi %add3A_488, %get3A_487 : vector<16xi32>
    %swap3A_490 = arith.constant 48 : index
    %swap3A_491 = tpu.vector_load %arg13[%swap3A_490] {strides = array<i32>} : memref<64xi32, #tpu.memory_space<vmem>>, vector<16xi32>,
    %swap3A_492 = vector.shape_cast %swap3A_491 : vector<16xi32> to vector<16xi32>
    %swap3A_493 = vector.shape_cast %add3A_489 : vector<16xi32> to vector<16xi32>
    tpu.vector_store %arg13[%swap3A_490], %swap3A_493 {strides = array<i32>} : memref<64xi32, #tpu.memory_space<vmem>>, vector<16xi32>,
    %dma_start3A_494 = arith.constant 0 : i32
    %dma_start3A_495 = arith.constant 0 : i32
    %dma_start3A_496 = tpu.memref_slice %arg2[%dma_start3A_494, %dma_start3A_495] : memref<36864x256xf32, #tpu.memory_space<hbm>> -> memref<36864x256xf32, #tpu.memory_space<hbm>>
    tpu.enqueue_indirect_dma source(%dma_start3A_496 : memref<36864x256xf32, #tpu.memory_space<hbm>>) target(%arg19 : memref<64x256xf32, #tpu.memory_space<vmem>>) offsets(%arg13 : memref<64xi32, #tpu.memory_space<vmem>>) semaphore(%arg25 : memref<!tpu.dma_semaphore, #tpu.memory_space<semaphore_mem>>)
    %dma_wait3A_497 = arith.constant 0 : i32
    %dma_wait3A_498 = arith.constant 0 : i32
    %dma_wait3A_499 = tpu.memref_slice %arg2[%dma_wait3A_497, %dma_wait3A_498] : memref<36864x256xf32, #tpu.memory_space<hbm>> -> memref<36864x256xf32, #tpu.memory_space<hbm>>
    tpu.wait_indirect_dma semaphore(%arg26 : memref<!tpu.dma_semaphore, #tpu.memory_space<semaphore_mem>>) src(%dma_wait3A_499 : memref<36864x256xf32, #tpu.memory_space<hbm>>) dst(%arg20 : memref<64x256xf32, #tpu.memory_space<vmem>>)
    %add3A_500 = arith.constant 2 : i32
    %add3A_501 = arith.addi %mul3A_2, %add3A_500 : i32
    %mul3A_502 = arith.constant 128 : i32
    %mul3A_503 = arith.muli %add3A_501, %mul3A_502 : i32
    %add3A_504 = arith.constant 0 : i32
    %add3A_505 = arith.addi %mul3A_503, %add3A_504 : i32
    %dma_start3A_506 = arith.constant 0 : i32
    %dma_start3A_507 = tpu.memref_slice %arg6[%add3A_505, %dma_start3A_506] : memref<36864x256xf32, #tpu.memory_space<hbm>> -> memref<64x256xf32, #tpu.memory_space<hbm>>
    %dma_start3A_508 = arith.constant 0 : i32
    %dma_start3A_509 = tpu.memref_slice %arg6[%add3A_505, %dma_start3A_508] : memref<36864x256xf32, #tpu.memory_space<hbm>> -> memref<64x256xf32, #tpu.memory_space<hbm>>
    tpu.enqueue_dma source(%arg20 : memref<64x256xf32, #tpu.memory_space<vmem>>) target(%dma_start3A_509 : memref<64x256xf32, #tpu.memory_space<hbm>>) target_semaphore(%arg32 : memref<!tpu.dma_semaphore, #tpu.memory_space<semaphore_mem>>)
    %dma_wait3A_510 = arith.constant 0 : i32
    %dma_wait3A_511 = tpu.memref_slice %arg6[%add3A_505, %dma_wait3A_510] : memref<36864x256xf32, #tpu.memory_space<hbm>> -> memref<64x256xf32, #tpu.memory_space<hbm>>
    %dma_wait3A_512 = arith.constant 0 : i32
    %dma_wait3A_513 = tpu.memref_slice %arg6[%add3A_505, %dma_wait3A_512] : memref<36864x256xf32, #tpu.memory_space<hbm>> -> memref<64x256xf32, #tpu.memory_space<hbm>>
    tpu.wait_dma2 semaphore(%arg32 : memref<!tpu.dma_semaphore, #tpu.memory_space<semaphore_mem>>) src(%arg20 : memref<64x256xf32, #tpu.memory_space<vmem>>) dst(%dma_wait3A_513 : memref<64x256xf32, #tpu.memory_space<hbm>>)
    %add3A_514 = arith.constant 5 : i32
    %add3A_515 = arith.addi %mul3A_2, %add3A_514 : i32
    %mul3A_516 = arith.constant 128 : i32
    %mul3A_517 = arith.muli %add3A_515, %mul3A_516 : i32
    %get3A_518 = arith.constant 0 : index
    %get3A_519 = tpu.vector_load %arg8[%get3A_518] {strides = array<i32>} : memref<128xi32, #tpu.memory_space<vmem>>, vector<16xi32>,
    %get3A_520 = vector.shape_cast %get3A_519 : vector<16xi32> to vector<16xi32>
    %add3A_521 = vector.broadcast %mul3A_517 : i32 to vector<16xi32>
    %add3A_522 = arith.addi %add3A_521, %get3A_520 : vector<16xi32>
    %swap3A_523 = arith.constant 0 : index
    %swap3A_524 = tpu.vector_load %arg14[%swap3A_523] {strides = array<i32>} : memref<64xi32, #tpu.memory_space<vmem>>, vector<16xi32>,
    %swap3A_525 = vector.shape_cast %swap3A_524 : vector<16xi32> to vector<16xi32>
    %swap3A_526 = vector.shape_cast %add3A_522 : vector<16xi32> to vector<16xi32>
    tpu.vector_store %arg14[%swap3A_523], %swap3A_526 {strides = array<i32>} : memref<64xi32, #tpu.memory_space<vmem>>, vector<16xi32>,
    %get3A_527 = arith.constant 16 : index
    %get3A_528 = tpu.vector_load %arg8[%get3A_527] {strides = array<i32>} : memref<128xi32, #tpu.memory_space<vmem>>, vector<16xi32>,
    %get3A_529 = vector.shape_cast %get3A_528 : vector<16xi32> to vector<16xi32>
    %add3A_530 = vector.broadcast %mul3A_517 : i32 to vector<16xi32>
    %add3A_531 = arith.addi %add3A_530, %get3A_529 : vector<16xi32>
    %swap3A_532 = arith.constant 16 : index
    %swap3A_533 = tpu.vector_load %arg14[%swap3A_532] {strides = array<i32>} : memref<64xi32, #tpu.memory_space<vmem>>, vector<16xi32>,
    %swap3A_534 = vector.shape_cast %swap3A_533 : vector<16xi32> to vector<16xi32>
    %swap3A_535 = vector.shape_cast %add3A_531 : vector<16xi32> to vector<16xi32>
    tpu.vector_store %arg14[%swap3A_532], %swap3A_535 {strides = array<i32>} : memref<64xi32, #tpu.memory_space<vmem>>, vector<16xi32>,
    %get3A_536 = arith.constant 32 : index
    %get3A_537 = tpu.vector_load %arg8[%get3A_536] {strides = array<i32>} : memref<128xi32, #tpu.memory_space<vmem>>, vector<16xi32>,
    %get3A_538 = vector.shape_cast %get3A_537 : vector<16xi32> to vector<16xi32>
    %add3A_539 = vector.broadcast %mul3A_517 : i32 to vector<16xi32>
    %add3A_540 = arith.addi %add3A_539, %get3A_538 : vector<16xi32>
    %swap3A_541 = arith.constant 32 : index
    %swap3A_542 = tpu.vector_load %arg14[%swap3A_541] {strides = array<i32>} : memref<64xi32, #tpu.memory_space<vmem>>, vector<16xi32>,
    %swap3A_543 = vector.shape_cast %swap3A_542 : vector<16xi32> to vector<16xi32>
    %swap3A_544 = vector.shape_cast %add3A_540 : vector<16xi32> to vector<16xi32>
    tpu.vector_store %arg14[%swap3A_541], %swap3A_544 {strides = array<i32>} : memref<64xi32, #tpu.memory_space<vmem>>, vector<16xi32>,
    %get3A_545 = arith.constant 48 : index
    %get3A_546 = tpu.vector_load %arg8[%get3A_545] {strides = array<i32>} : memref<128xi32, #tpu.memory_space<vmem>>, vector<16xi32>,
    %get3A_547 = vector.shape_cast %get3A_546 : vector<16xi32> to vector<16xi32>
    %add3A_548 = vector.broadcast %mul3A_517 : i32 to vector<16xi32>
    %add3A_549 = arith.addi %add3A_548, %get3A_547 : vector<16xi32>
    %swap3A_550 = arith.constant 48 : index
    %swap3A_551 = tpu.vector_load %arg14[%swap3A_550] {strides = array<i32>} : memref<64xi32, #tpu.memory_space<vmem>>, vector<16xi32>,
    %swap3A_552 = vector.shape_cast %swap3A_551 : vector<16xi32> to vector<16xi32>
    %swap3A_553 = vector.shape_cast %add3A_549 : vector<16xi32> to vector<16xi32>
    tpu.vector_store %arg14[%swap3A_550], %swap3A_553 {strides = array<i32>} : memref<64xi32, #tpu.memory_space<vmem>>, vector<16xi32>,
    %dma_start3A_554 = arith.constant 0 : i32
    %dma_start3A_555 = arith.constant 0 : i32
    %dma_start3A_556 = tpu.memref_slice %arg2[%dma_start3A_554, %dma_start3A_555] : memref<36864x256xf32, #tpu.memory_space<hbm>> -> memref<36864x256xf32, #tpu.memory_space<hbm>>
    tpu.enqueue_indirect_dma source(%dma_start3A_556 : memref<36864x256xf32, #tpu.memory_space<hbm>>) target(%arg20 : memref<64x256xf32, #tpu.memory_space<vmem>>) offsets(%arg14 : memref<64xi32, #tpu.memory_space<vmem>>) semaphore(%arg26 : memref<!tpu.dma_semaphore, #tpu.memory_space<semaphore_mem>>)
    %dma_wait3A_557 = arith.constant 0 : i32
    %dma_wait3A_558 = arith.constant 0 : i32
    %dma_wait3A_559 = tpu.memref_slice %arg2[%dma_wait3A_557, %dma_wait3A_558] : memref<36864x256xf32, #tpu.memory_space<hbm>> -> memref<36864x256xf32, #tpu.memory_space<hbm>>
    tpu.wait_indirect_dma semaphore(%arg27 : memref<!tpu.dma_semaphore, #tpu.memory_space<semaphore_mem>>) src(%dma_wait3A_559 : memref<36864x256xf32, #tpu.memory_space<hbm>>) dst(%arg21 : memref<64x256xf32, #tpu.memory_space<vmem>>)
    %add3A_560 = arith.constant 2 : i32
    %add3A_561 = arith.addi %mul3A_2, %add3A_560 : i32
    %mul3A_562 = arith.constant 128 : i32
    %mul3A_563 = arith.muli %add3A_561, %mul3A_562 : i32
    %add3A_564 = arith.constant 64 : i32
    %add3A_565 = arith.addi %mul3A_563, %add3A_564 : i32
    %dma_start3A_566 = arith.constant 0 : i32
    %dma_start3A_567 = tpu.memref_slice %arg6[%add3A_565, %dma_start3A_566] : memref<36864x256xf32, #tpu.memory_space<hbm>> -> memref<64x256xf32, #tpu.memory_space<hbm>>
    %dma_start3A_568 = arith.constant 0 : i32
    %dma_start3A_569 = tpu.memref_slice %arg6[%add3A_565, %dma_start3A_568] : memref<36864x256xf32, #tpu.memory_space<hbm>> -> memref<64x256xf32, #tpu.memory_space<hbm>>
    tpu.enqueue_dma source(%arg21 : memref<64x256xf32, #tpu.memory_space<vmem>>) target(%dma_start3A_569 : memref<64x256xf32, #tpu.memory_space<hbm>>) target_semaphore(%arg33 : memref<!tpu.dma_semaphore, #tpu.memory_space<semaphore_mem>>)
    %dma_wait3A_570 = arith.constant 0 : i32
    %dma_wait3A_571 = tpu.memref_slice %arg6[%add3A_565, %dma_wait3A_570] : memref<36864x256xf32, #tpu.memory_space<hbm>> -> memref<64x256xf32, #tpu.memory_space<hbm>>
    %dma_wait3A_572 = arith.constant 0 : i32
    %dma_wait3A_573 = tpu.memref_slice %arg6[%add3A_565, %dma_wait3A_572] : memref<36864x256xf32, #tpu.memory_space<hbm>> -> memref<64x256xf32, #tpu.memory_space<hbm>>
    tpu.wait_dma2 semaphore(%arg33 : memref<!tpu.dma_semaphore, #tpu.memory_space<semaphore_mem>>) src(%arg21 : memref<64x256xf32, #tpu.memory_space<vmem>>) dst(%dma_wait3A_573 : memref<64x256xf32, #tpu.memory_space<hbm>>)
    %add3A_574 = arith.constant 5 : i32
    %add3A_575 = arith.addi %mul3A_2, %add3A_574 : i32
    %mul3A_576 = arith.constant 128 : i32
    %mul3A_577 = arith.muli %add3A_575, %mul3A_576 : i32
    %get3A_578 = arith.constant 64 : index
    %get3A_579 = tpu.vector_load %arg8[%get3A_578] {strides = array<i32>} : memref<128xi32, #tpu.memory_space<vmem>>, vector<16xi32>,
    %get3A_580 = vector.shape_cast %get3A_579 : vector<16xi32> to vector<16xi32>
    %add3A_581 = vector.broadcast %mul3A_577 : i32 to vector<16xi32>
    %add3A_582 = arith.addi %add3A_581, %get3A_580 : vector<16xi32>
    %swap3A_583 = arith.constant 0 : index
    %swap3A_584 = tpu.vector_load %arg15[%swap3A_583] {strides = array<i32>} : memref<64xi32, #tpu.memory_space<vmem>>, vector<16xi32>,
    %swap3A_585 = vector.shape_cast %swap3A_584 : vector<16xi32> to vector<16xi32>
    %swap3A_586 = vector.shape_cast %add3A_582 : vector<16xi32> to vector<16xi32>
    tpu.vector_store %arg15[%swap3A_583], %swap3A_586 {strides = array<i32>} : memref<64xi32, #tpu.memory_space<vmem>>, vector<16xi32>,
    %get3A_587 = arith.constant 80 : index
    %get3A_588 = tpu.vector_load %arg8[%get3A_587] {strides = array<i32>} : memref<128xi32, #tpu.memory_space<vmem>>, vector<16xi32>,
    %get3A_589 = vector.shape_cast %get3A_588 : vector<16xi32> to vector<16xi32>
    %add3A_590 = vector.broadcast %mul3A_577 : i32 to vector<16xi32>
    %add3A_591 = arith.addi %add3A_590, %get3A_589 : vector<16xi32>
    %swap3A_592 = arith.constant 16 : index
    %swap3A_593 = tpu.vector_load %arg15[%swap3A_592] {strides = array<i32>} : memref<64xi32, #tpu.memory_space<vmem>>, vector<16xi32>,
    %swap3A_594 = vector.shape_cast %swap3A_593 : vector<16xi32> to vector<16xi32>
    %swap3A_595 = vector.shape_cast %add3A_591 : vector<16xi32> to vector<16xi32>
    tpu.vector_store %arg15[%swap3A_592], %swap3A_595 {strides = array<i32>} : memref<64xi32, #tpu.memory_space<vmem>>, vector<16xi32>,
    %get3A_596 = arith.constant 96 : index
    %get3A_597 = tpu.vector_load %arg8[%get3A_596] {strides = array<i32>} : memref<128xi32, #tpu.memory_space<vmem>>, vector<16xi32>,
    %get3A_598 = vector.shape_cast %get3A_597 : vector<16xi32> to vector<16xi32>
    %add3A_599 = vector.broadcast %mul3A_577 : i32 to vector<16xi32>
    %add3A_600 = arith.addi %add3A_599, %get3A_598 : vector<16xi32>
    %swap3A_601 = arith.constant 32 : index
    %swap3A_602 = tpu.vector_load %arg15[%swap3A_601] {strides = array<i32>} : memref<64xi32, #tpu.memory_space<vmem>>, vector<16xi32>,
    %swap3A_603 = vector.shape_cast %swap3A_602 : vector<16xi32> to vector<16xi32>
    %swap3A_604 = vector.shape_cast %add3A_600 : vector<16xi32> to vector<16xi32>
    tpu.vector_store %arg15[%swap3A_601], %swap3A_604 {strides = array<i32>} : memref<64xi32, #tpu.memory_space<vmem>>, vector<16xi32>,
    %get3A_605 = arith.constant 112 : index
    %get3A_606 = tpu.vector_load %arg8[%get3A_605] {strides = array<i32>} : memref<128xi32, #tpu.memory_space<vmem>>, vector<16xi32>,
    %get3A_607 = vector.shape_cast %get3A_606 : vector<16xi32> to vector<16xi32>
    %add3A_608 = vector.broadcast %mul3A_577 : i32 to vector<16xi32>
    %add3A_609 = arith.addi %add3A_608, %get3A_607 : vector<16xi32>
    %swap3A_610 = arith.constant 48 : index
    %swap3A_611 = tpu.vector_load %arg15[%swap3A_610] {strides = array<i32>} : memref<64xi32, #tpu.memory_space<vmem>>, vector<16xi32>,
    %swap3A_612 = vector.shape_cast %swap3A_611 : vector<16xi32> to vector<16xi32>
    %swap3A_613 = vector.shape_cast %add3A_609 : vector<16xi32> to vector<16xi32>
    tpu.vector_store %arg15[%swap3A_610], %swap3A_613 {strides = array<i32>} : memref<64xi32, #tpu.memory_space<vmem>>, vector<16xi32>,
    %dma_start3A_614 = arith.constant 0 : i32
    %dma_start3A_615 = arith.constant 0 : i32
    %dma_start3A_616 = tpu.memref_slice %arg2[%dma_start3A_614, %dma_start3A_615] : memref<36864x256xf32, #tpu.memory_space<hbm>> -> memref<36864x256xf32, #tpu.memory_space<hbm>>
    tpu.enqueue_indirect_dma source(%dma_start3A_616 : memref<36864x256xf32, #tpu.memory_space<hbm>>) target(%arg21 : memref<64x256xf32, #tpu.memory_space<vmem>>) offsets(%arg15 : memref<64xi32, #tpu.memory_space<vmem>>) semaphore(%arg27 : memref<!tpu.dma_semaphore, #tpu.memory_space<semaphore_mem>>)
    %dma_wait3A_617 = arith.constant 0 : i32
    %dma_wait3A_618 = arith.constant 0 : i32
    %dma_wait3A_619 = tpu.memref_slice %arg2[%dma_wait3A_617, %dma_wait3A_618] : memref<36864x256xf32, #tpu.memory_space<hbm>> -> memref<36864x256xf32, #tpu.memory_space<hbm>>
    tpu.wait_indirect_dma semaphore(%arg22 : memref<!tpu.dma_semaphore, #tpu.memory_space<semaphore_mem>>) src(%dma_wait3A_619 : memref<36864x256xf32, #tpu.memory_space<hbm>>) dst(%arg16 : memref<64x256xf32, #tpu.memory_space<vmem>>)
    %add3A_620 = arith.constant 3 : i32
    %add3A_621 = arith.addi %mul3A_2, %add3A_620 : i32
    %mul3A_622 = arith.constant 128 : i32
    %mul3A_623 = arith.muli %add3A_621, %mul3A_622 : i32
    %add3A_624 = arith.constant 0 : i32
    %add3A_625 = arith.addi %mul3A_623, %add3A_624 : i32
    %dma_start3A_626 = arith.constant 0 : i32
    %dma_start3A_627 = tpu.memref_slice %arg6[%add3A_625, %dma_start3A_626] : memref<36864x256xf32, #tpu.memory_space<hbm>> -> memref<64x256xf32, #tpu.memory_space<hbm>>
    %dma_start3A_628 = arith.constant 0 : i32
    %dma_start3A_629 = tpu.memref_slice %arg6[%add3A_625, %dma_start3A_628] : memref<36864x256xf32, #tpu.memory_space<hbm>> -> memref<64x256xf32, #tpu.memory_space<hbm>>
    tpu.enqueue_dma source(%arg16 : memref<64x256xf32, #tpu.memory_space<vmem>>) target(%dma_start3A_629 : memref<64x256xf32, #tpu.memory_space<hbm>>) target_semaphore(%arg28 : memref<!tpu.dma_semaphore, #tpu.memory_space<semaphore_mem>>)
    %dma_wait3A_630 = arith.constant 0 : i32
    %dma_wait3A_631 = tpu.memref_slice %arg6[%add3A_625, %dma_wait3A_630] : memref<36864x256xf32, #tpu.memory_space<hbm>> -> memref<64x256xf32, #tpu.memory_space<hbm>>
    %dma_wait3A_632 = arith.constant 0 : i32
    %dma_wait3A_633 = tpu.memref_slice %arg6[%add3A_625, %dma_wait3A_632] : memref<36864x256xf32, #tpu.memory_space<hbm>> -> memref<64x256xf32, #tpu.memory_space<hbm>>
    tpu.wait_dma2 semaphore(%arg28 : memref<!tpu.dma_semaphore, #tpu.memory_space<semaphore_mem>>) src(%arg16 : memref<64x256xf32, #tpu.memory_space<vmem>>) dst(%dma_wait3A_633 : memref<64x256xf32, #tpu.memory_space<hbm>>)
    %add3A_634 = arith.constant 6 : i32
    %add3A_635 = arith.addi %mul3A_2, %add3A_634 : i32
    %mul3A_636 = arith.constant 128 : i32
    %mul3A_637 = arith.muli %add3A_635, %mul3A_636 : i32
    %get3A_638 = arith.constant 0 : index
    %get3A_639 = tpu.vector_load %arg8[%get3A_638] {strides = array<i32>} : memref<128xi32, #tpu.memory_space<vmem>>, vector<16xi32>,
    %get3A_640 = vector.shape_cast %get3A_639 : vector<16xi32> to vector<16xi32>
    %add3A_641 = vector.broadcast %mul3A_637 : i32 to vector<16xi32>
    %add3A_642 = arith.addi %add3A_641, %get3A_640 : vector<16xi32>
    %swap3A_643 = arith.constant 0 : index
    %swap3A_644 = tpu.vector_load %arg10[%swap3A_643] {strides = array<i32>} : memref<64xi32, #tpu.memory_space<vmem>>, vector<16xi32>,
    %swap3A_645 = vector.shape_cast %swap3A_644 : vector<16xi32> to vector<16xi32>
    %swap3A_646 = vector.shape_cast %add3A_642 : vector<16xi32> to vector<16xi32>
    tpu.vector_store %arg10[%swap3A_643], %swap3A_646 {strides = array<i32>} : memref<64xi32, #tpu.memory_space<vmem>>, vector<16xi32>,
    %get3A_647 = arith.constant 16 : index
    %get3A_648 = tpu.vector_load %arg8[%get3A_647] {strides = array<i32>} : memref<128xi32, #tpu.memory_space<vmem>>, vector<16xi32>,
    %get3A_649 = vector.shape_cast %get3A_648 : vector<16xi32> to vector<16xi32>
    %add3A_650 = vector.broadcast %mul3A_637 : i32 to vector<16xi32>
    %add3A_651 = arith.addi %add3A_650, %get3A_649 : vector<16xi32>
    %swap3A_652 = arith.constant 16 : index
    %swap3A_653 = tpu.vector_load %arg10[%swap3A_652] {strides = array<i32>} : memref<64xi32, #tpu.memory_space<vmem>>, vector<16xi32>,
    %swap3A_654 = vector.shape_cast %swap3A_653 : vector<16xi32> to vector<16xi32>
    %swap3A_655 = vector.shape_cast %add3A_651 : vector<16xi32> to vector<16xi32>
    tpu.vector_store %arg10[%swap3A_652], %swap3A_655 {strides = array<i32>} : memref<64xi32, #tpu.memory_space<vmem>>, vector<16xi32>,
    %get3A_656 = arith.constant 32 : index
    %get3A_657 = tpu.vector_load %arg8[%get3A_656] {strides = array<i32>} : memref<128xi32, #tpu.memory_space<vmem>>, vector<16xi32>,
    %get3A_658 = vector.shape_cast %get3A_657 : vector<16xi32> to vector<16xi32>
    %add3A_659 = vector.broadcast %mul3A_637 : i32 to vector<16xi32>
    %add3A_660 = arith.addi %add3A_659, %get3A_658 : vector<16xi32>
    %swap3A_661 = arith.constant 32 : index
    %swap3A_662 = tpu.vector_load %arg10[%swap3A_661] {strides = array<i32>} : memref<64xi32, #tpu.memory_space<vmem>>, vector<16xi32>,
    %swap3A_663 = vector.shape_cast %swap3A_662 : vector<16xi32> to vector<16xi32>
    %swap3A_664 = vector.shape_cast %add3A_660 : vector<16xi32> to vector<16xi32>
    tpu.vector_store %arg10[%swap3A_661], %swap3A_664 {strides = array<i32>} : memref<64xi32, #tpu.memory_space<vmem>>, vector<16xi32>,
    %get3A_665 = arith.constant 48 : index
    %get3A_666 = tpu.vector_load %arg8[%get3A_665] {strides = array<i32>} : memref<128xi32, #tpu.memory_space<vmem>>, vector<16xi32>,
    %get3A_667 = vector.shape_cast %get3A_666 : vector<16xi32> to vector<16xi32>
    %add3A_668 = vector.broadcast %mul3A_637 : i32 to vector<16xi32>
    %add3A_669 = arith.addi %add3A_668, %get3A_667 : vector<16xi32>
    %swap3A_670 = arith.constant 48 : index
    %swap3A_671 = tpu.vector_load %arg10[%swap3A_670] {strides = array<i32>} : memref<64xi32, #tpu.memory_space<vmem>>, vector<16xi32>,
    %swap3A_672 = vector.shape_cast %swap3A_671 : vector<16xi32> to vector<16xi32>
    %swap3A_673 = vector.shape_cast %add3A_669 : vector<16xi32> to vector<16xi32>
    tpu.vector_store %arg10[%swap3A_670], %swap3A_673 {strides = array<i32>} : memref<64xi32, #tpu.memory_space<vmem>>, vector<16xi32>,
    %dma_start3A_674 = arith.constant 0 : i32
    %dma_start3A_675 = arith.constant 0 : i32
    %dma_start3A_676 = tpu.memref_slice %arg2[%dma_start3A_674, %dma_start3A_675] : memref<36864x256xf32, #tpu.memory_space<hbm>> -> memref<36864x256xf32, #tpu.memory_space<hbm>>
    tpu.enqueue_indirect_dma source(%dma_start3A_676 : memref<36864x256xf32, #tpu.memory_space<hbm>>) target(%arg16 : memref<64x256xf32, #tpu.memory_space<vmem>>) offsets(%arg10 : memref<64xi32, #tpu.memory_space<vmem>>) semaphore(%arg22 : memref<!tpu.dma_semaphore, #tpu.memory_space<semaphore_mem>>)
    %dma_wait3A_677 = arith.constant 0 : i32
    %dma_wait3A_678 = arith.constant 0 : i32
    %dma_wait3A_679 = tpu.memref_slice %arg2[%dma_wait3A_677, %dma_wait3A_678] : memref<36864x256xf32, #tpu.memory_space<hbm>> -> memref<36864x256xf32, #tpu.memory_space<hbm>>
    tpu.wait_indirect_dma semaphore(%arg23 : memref<!tpu.dma_semaphore, #tpu.memory_space<semaphore_mem>>) src(%dma_wait3A_679 : memref<36864x256xf32, #tpu.memory_space<hbm>>) dst(%arg17 : memref<64x256xf32, #tpu.memory_space<vmem>>)
    %add3A_680 = arith.constant 3 : i32
    %add3A_681 = arith.addi %mul3A_2, %add3A_680 : i32
    %mul3A_682 = arith.constant 128 : i32
    %mul3A_683 = arith.muli %add3A_681, %mul3A_682 : i32
    %add3A_684 = arith.constant 64 : i32
    %add3A_685 = arith.addi %mul3A_683, %add3A_684 : i32
    %dma_start3A_686 = arith.constant 0 : i32
    %dma_start3A_687 = tpu.memref_slice %arg6[%add3A_685, %dma_start3A_686] : memref<36864x256xf32, #tpu.memory_space<hbm>> -> memref<64x256xf32, #tpu.memory_space<hbm>>
    %dma_start3A_688 = arith.constant 0 : i32
    %dma_start3A_689 = tpu.memref_slice %arg6[%add3A_685, %dma_start3A_688] : memref<36864x256xf32, #tpu.memory_space<hbm>> -> memref<64x256xf32, #tpu.memory_space<hbm>>
    tpu.enqueue_dma source(%arg17 : memref<64x256xf32, #tpu.memory_space<vmem>>) target(%dma_start3A_689 : memref<64x256xf32, #tpu.memory_space<hbm>>) target_semaphore(%arg29 : memref<!tpu.dma_semaphore, #tpu.memory_space<semaphore_mem>>)
    %dma_wait3A_690 = arith.constant 0 : i32
    %dma_wait3A_691 = tpu.memref_slice %arg6[%add3A_685, %dma_wait3A_690] : memref<36864x256xf32, #tpu.memory_space<hbm>> -> memref<64x256xf32, #tpu.memory_space<hbm>>
    %dma_wait3A_692 = arith.constant 0 : i32
    %dma_wait3A_693 = tpu.memref_slice %arg6[%add3A_685, %dma_wait3A_692] : memref<36864x256xf32, #tpu.memory_space<hbm>> -> memref<64x256xf32, #tpu.memory_space<hbm>>
    tpu.wait_dma2 semaphore(%arg29 : memref<!tpu.dma_semaphore, #tpu.memory_space<semaphore_mem>>) src(%arg17 : memref<64x256xf32, #tpu.memory_space<vmem>>) dst(%dma_wait3A_693 : memref<64x256xf32, #tpu.memory_space<hbm>>)
    %add3A_694 = arith.constant 6 : i32
    %add3A_695 = arith.addi %mul3A_2, %add3A_694 : i32
    %mul3A_696 = arith.constant 128 : i32
    %mul3A_697 = arith.muli %add3A_695, %mul3A_696 : i32
    %get3A_698 = arith.constant 64 : index
    %get3A_699 = tpu.vector_load %arg8[%get3A_698] {strides = array<i32>} : memref<128xi32, #tpu.memory_space<vmem>>, vector<16xi32>,
    %get3A_700 = vector.shape_cast %get3A_699 : vector<16xi32> to vector<16xi32>
    %add3A_701 = vector.broadcast %mul3A_697 : i32 to vector<16xi32>
    %add3A_702 = arith.addi %add3A_701, %get3A_700 : vector<16xi32>
    %swap3A_703 = arith.constant 0 : index
    %swap3A_704 = tpu.vector_load %arg11[%swap3A_703] {strides = array<i32>} : memref<64xi32, #tpu.memory_space<vmem>>, vector<16xi32>,
    %swap3A_705 = vector.shape_cast %swap3A_704 : vector<16xi32> to vector<16xi32>
    %swap3A_706 = vector.shape_cast %add3A_702 : vector<16xi32> to vector<16xi32>
    tpu.vector_store %arg11[%swap3A_703], %swap3A_706 {strides = array<i32>} : memref<64xi32, #tpu.memory_space<vmem>>, vector<16xi32>,
    %get3A_707 = arith.constant 80 : index
    %get3A_708 = tpu.vector_load %arg8[%get3A_707] {strides = array<i32>} : memref<128xi32, #tpu.memory_space<vmem>>, vector<16xi32>,
    %get3A_709 = vector.shape_cast %get3A_708 : vector<16xi32> to vector<16xi32>
    %add3A_710 = vector.broadcast %mul3A_697 : i32 to vector<16xi32>
    %add3A_711 = arith.addi %add3A_710, %get3A_709 : vector<16xi32>
    %swap3A_712 = arith.constant 16 : index
    %swap3A_713 = tpu.vector_load %arg11[%swap3A_712] {strides = array<i32>} : memref<64xi32, #tpu.memory_space<vmem>>, vector<16xi32>,
    %swap3A_714 = vector.shape_cast %swap3A_713 : vector<16xi32> to vector<16xi32>
    %swap3A_715 = vector.shape_cast %add3A_711 : vector<16xi32> to vector<16xi32>
    tpu.vector_store %arg11[%swap3A_712], %swap3A_715 {strides = array<i32>} : memref<64xi32, #tpu.memory_space<vmem>>, vector<16xi32>,
    %get3A_716 = arith.constant 96 : index
    %get3A_717 = tpu.vector_load %arg8[%get3A_716] {strides = array<i32>} : memref<128xi32, #tpu.memory_space<vmem>>, vector<16xi32>,
    %get3A_718 = vector.shape_cast %get3A_717 : vector<16xi32> to vector<16xi32>
    %add3A_719 = vector.broadcast %mul3A_697 : i32 to vector<16xi32>
    %add3A_720 = arith.addi %add3A_719, %get3A_718 : vector<16xi32>
    %swap3A_721 = arith.constant 32 : index
    %swap3A_722 = tpu.vector_load %arg11[%swap3A_721] {strides = array<i32>} : memref<64xi32, #tpu.memory_space<vmem>>, vector<16xi32>,
    %swap3A_723 = vector.shape_cast %swap3A_722 : vector<16xi32> to vector<16xi32>
    %swap3A_724 = vector.shape_cast %add3A_720 : vector<16xi32> to vector<16xi32>
    tpu.vector_store %arg11[%swap3A_721], %swap3A_724 {strides = array<i32>} : memref<64xi32, #tpu.memory_space<vmem>>, vector<16xi32>,
    %get3A_725 = arith.constant 112 : index
    %get3A_726 = tpu.vector_load %arg8[%get3A_725] {strides = array<i32>} : memref<128xi32, #tpu.memory_space<vmem>>, vector<16xi32>,
    %get3A_727 = vector.shape_cast %get3A_726 : vector<16xi32> to vector<16xi32>
    %add3A_728 = vector.broadcast %mul3A_697 : i32 to vector<16xi32>
    %add3A_729 = arith.addi %add3A_728, %get3A_727 : vector<16xi32>
    %swap3A_730 = arith.constant 48 : index
    %swap3A_731 = tpu.vector_load %arg11[%swap3A_730] {strides = array<i32>} : memref<64xi32, #tpu.memory_space<vmem>>, vector<16xi32>,
    %swap3A_732 = vector.shape_cast %swap3A_731 : vector<16xi32> to vector<16xi32>
    %swap3A_733 = vector.shape_cast %add3A_729 : vector<16xi32> to vector<16xi32>
    tpu.vector_store %arg11[%swap3A_730], %swap3A_733 {strides = array<i32>} : memref<64xi32, #tpu.memory_space<vmem>>, vector<16xi32>,
    %dma_start3A_734 = arith.constant 0 : i32
    %dma_start3A_735 = arith.constant 0 : i32
    %dma_start3A_736 = tpu.memref_slice %arg2[%dma_start3A_734, %dma_start3A_735] : memref<36864x256xf32, #tpu.memory_space<hbm>> -> memref<36864x256xf32, #tpu.memory_space<hbm>>
    tpu.enqueue_indirect_dma source(%dma_start3A_736 : memref<36864x256xf32, #tpu.memory_space<hbm>>) target(%arg17 : memref<64x256xf32, #tpu.memory_space<vmem>>) offsets(%arg11 : memref<64xi32, #tpu.memory_space<vmem>>) semaphore(%arg23 : memref<!tpu.dma_semaphore, #tpu.memory_space<semaphore_mem>>)
    %dma_wait3A_737 = arith.constant 0 : i32
    %dma_wait3A_738 = arith.constant 0 : i32
    %dma_wait3A_739 = tpu.memref_slice %arg2[%dma_wait3A_737, %dma_wait3A_738] : memref<36864x256xf32, #tpu.memory_space<hbm>> -> memref<36864x256xf32, #tpu.memory_space<hbm>>
    tpu.wait_indirect_dma semaphore(%arg24 : memref<!tpu.dma_semaphore, #tpu.memory_space<semaphore_mem>>) src(%dma_wait3A_739 : memref<36864x256xf32, #tpu.memory_space<hbm>>) dst(%arg18 : memref<64x256xf32, #tpu.memory_space<vmem>>)
    %add3A_740 = arith.constant 4 : i32
    %add3A_741 = arith.addi %mul3A_2, %add3A_740 : i32
    %mul3A_742 = arith.constant 128 : i32
    %mul3A_743 = arith.muli %add3A_741, %mul3A_742 : i32
    %add3A_744 = arith.constant 0 : i32
    %add3A_745 = arith.addi %mul3A_743, %add3A_744 : i32
    %dma_start3A_746 = arith.constant 0 : i32
    %dma_start3A_747 = tpu.memref_slice %arg6[%add3A_745, %dma_start3A_746] : memref<36864x256xf32, #tpu.memory_space<hbm>> -> memref<64x256xf32, #tpu.memory_space<hbm>>
    %dma_start3A_748 = arith.constant 0 : i32
    %dma_start3A_749 = tpu.memref_slice %arg6[%add3A_745, %dma_start3A_748] : memref<36864x256xf32, #tpu.memory_space<hbm>> -> memref<64x256xf32, #tpu.memory_space<hbm>>
    tpu.enqueue_dma source(%arg18 : memref<64x256xf32, #tpu.memory_space<vmem>>) target(%dma_start3A_749 : memref<64x256xf32, #tpu.memory_space<hbm>>) target_semaphore(%arg30 : memref<!tpu.dma_semaphore, #tpu.memory_space<semaphore_mem>>)
    %dma_wait3A_750 = arith.constant 0 : i32
    %dma_wait3A_751 = tpu.memref_slice %arg6[%add3A_745, %dma_wait3A_750] : memref<36864x256xf32, #tpu.memory_space<hbm>> -> memref<64x256xf32, #tpu.memory_space<hbm>>
    %dma_wait3A_752 = arith.constant 0 : i32
    %dma_wait3A_753 = tpu.memref_slice %arg6[%add3A_745, %dma_wait3A_752] : memref<36864x256xf32, #tpu.memory_space<hbm>> -> memref<64x256xf32, #tpu.memory_space<hbm>>
    tpu.wait_dma2 semaphore(%arg30 : memref<!tpu.dma_semaphore, #tpu.memory_space<semaphore_mem>>) src(%arg18 : memref<64x256xf32, #tpu.memory_space<vmem>>) dst(%dma_wait3A_753 : memref<64x256xf32, #tpu.memory_space<hbm>>)
    %add3A_754 = arith.constant 7 : i32
    %add3A_755 = arith.addi %mul3A_2, %add3A_754 : i32
    %mul3A_756 = arith.constant 128 : i32
    %mul3A_757 = arith.muli %add3A_755, %mul3A_756 : i32
    %get3A_758 = arith.constant 0 : index
    %get3A_759 = tpu.vector_load %arg8[%get3A_758] {strides = array<i32>} : memref<128xi32, #tpu.memory_space<vmem>>, vector<16xi32>,
    %get3A_760 = vector.shape_cast %get3A_759 : vector<16xi32> to vector<16xi32>
    %add3A_761 = vector.broadcast %mul3A_757 : i32 to vector<16xi32>
    %add3A_762 = arith.addi %add3A_761, %get3A_760 : vector<16xi32>
    %swap3A_763 = arith.constant 0 : index
    %swap3A_764 = tpu.vector_load %arg12[%swap3A_763] {strides = array<i32>} : memref<64xi32, #tpu.memory_space<vmem>>, vector<16xi32>,
    %swap3A_765 = vector.shape_cast %swap3A_764 : vector<16xi32> to vector<16xi32>
    %swap3A_766 = vector.shape_cast %add3A_762 : vector<16xi32> to vector<16xi32>
    tpu.vector_store %arg12[%swap3A_763], %swap3A_766 {strides = array<i32>} : memref<64xi32, #tpu.memory_space<vmem>>, vector<16xi32>,
    %get3A_767 = arith.constant 16 : index
    %get3A_768 = tpu.vector_load %arg8[%get3A_767] {strides = array<i32>} : memref<128xi32, #tpu.memory_space<vmem>>, vector<16xi32>,
    %get3A_769 = vector.shape_cast %get3A_768 : vector<16xi32> to vector<16xi32>
    %add3A_770 = vector.broadcast %mul3A_757 : i32 to vector<16xi32>
    %add3A_771 = arith.addi %add3A_770, %get3A_769 : vector<16xi32>
    %swap3A_772 = arith.constant 16 : index
    %swap3A_773 = tpu.vector_load %arg12[%swap3A_772] {strides = array<i32>} : memref<64xi32, #tpu.memory_space<vmem>>, vector<16xi32>,
    %swap3A_774 = vector.shape_cast %swap3A_773 : vector<16xi32> to vector<16xi32>
    %swap3A_775 = vector.shape_cast %add3A_771 : vector<16xi32> to vector<16xi32>
    tpu.vector_store %arg12[%swap3A_772], %swap3A_775 {strides = array<i32>} : memref<64xi32, #tpu.memory_space<vmem>>, vector<16xi32>,
    %get3A_776 = arith.constant 32 : index
    %get3A_777 = tpu.vector_load %arg8[%get3A_776] {strides = array<i32>} : memref<128xi32, #tpu.memory_space<vmem>>, vector<16xi32>,
    %get3A_778 = vector.shape_cast %get3A_777 : vector<16xi32> to vector<16xi32>
    %add3A_779 = vector.broadcast %mul3A_757 : i32 to vector<16xi32>
    %add3A_780 = arith.addi %add3A_779, %get3A_778 : vector<16xi32>
    %swap3A_781 = arith.constant 32 : index
    %swap3A_782 = tpu.vector_load %arg12[%swap3A_781] {strides = array<i32>} : memref<64xi32, #tpu.memory_space<vmem>>, vector<16xi32>,
    %swap3A_783 = vector.shape_cast %swap3A_782 : vector<16xi32> to vector<16xi32>
    %swap3A_784 = vector.shape_cast %add3A_780 : vector<16xi32> to vector<16xi32>
    tpu.vector_store %arg12[%swap3A_781], %swap3A_784 {strides = array<i32>} : memref<64xi32, #tpu.memory_space<vmem>>, vector<16xi32>,
    %get3A_785 = arith.constant 48 : index
    %get3A_786 = tpu.vector_load %arg8[%get3A_785] {strides = array<i32>} : memref<128xi32, #tpu.memory_space<vmem>>, vector<16xi32>,
    %get3A_787 = vector.shape_cast %get3A_786 : vector<16xi32> to vector<16xi32>
    %add3A_788 = vector.broadcast %mul3A_757 : i32 to vector<16xi32>
    %add3A_789 = arith.addi %add3A_788, %get3A_787 : vector<16xi32>
    %swap3A_790 = arith.constant 48 : index
    %swap3A_791 = tpu.vector_load %arg12[%swap3A_790] {strides = array<i32>} : memref<64xi32, #tpu.memory_space<vmem>>, vector<16xi32>,
    %swap3A_792 = vector.shape_cast %swap3A_791 : vector<16xi32> to vector<16xi32>
    %swap3A_793 = vector.shape_cast %add3A_789 : vector<16xi32> to vector<16xi32>
    tpu.vector_store %arg12[%swap3A_790], %swap3A_793 {strides = array<i32>} : memref<64xi32, #tpu.memory_space<vmem>>, vector<16xi32>,
    %dma_start3A_794 = arith.constant 0 : i32
    %dma_start3A_795 = arith.constant 0 : i32
    %dma_start3A_796 = tpu.memref_slice %arg2[%dma_start3A_794, %dma_start3A_795] : memref<36864x256xf32, #tpu.memory_space<hbm>> -> memref<36864x256xf32, #tpu.memory_space<hbm>>
    tpu.enqueue_indirect_dma source(%dma_start3A_796 : memref<36864x256xf32, #tpu.memory_space<hbm>>) target(%arg18 : memref<64x256xf32, #tpu.memory_space<vmem>>) offsets(%arg12 : memref<64xi32, #tpu.memory_space<vmem>>) semaphore(%arg24 : memref<!tpu.dma_semaphore, #tpu.memory_space<semaphore_mem>>)
    %dma_wait3A_797 = arith.constant 0 : i32
    %dma_wait3A_798 = arith.constant 0 : i32
    %dma_wait3A_799 = tpu.memref_slice %arg2[%dma_wait3A_797, %dma_wait3A_798] : memref<36864x256xf32, #tpu.memory_space<hbm>> -> memref<36864x256xf32, #tpu.memory_space<hbm>>
    tpu.wait_indirect_dma semaphore(%arg25 : memref<!tpu.dma_semaphore, #tpu.memory_space<semaphore_mem>>) src(%dma_wait3A_799 : memref<36864x256xf32, #tpu.memory_space<hbm>>) dst(%arg19 : memref<64x256xf32, #tpu.memory_space<vmem>>)
    %add3A_800 = arith.constant 4 : i32
    %add3A_801 = arith.addi %mul3A_2, %add3A_800 : i32
    %mul3A_802 = arith.constant 128 : i32
    %mul3A_803 = arith.muli %add3A_801, %mul3A_802 : i32
    %add3A_804 = arith.constant 64 : i32
    %add3A_805 = arith.addi %mul3A_803, %add3A_804 : i32
    %dma_start3A_806 = arith.constant 0 : i32
    %dma_start3A_807 = tpu.memref_slice %arg6[%add3A_805, %dma_start3A_806] : memref<36864x256xf32, #tpu.memory_space<hbm>> -> memref<64x256xf32, #tpu.memory_space<hbm>>
    %dma_start3A_808 = arith.constant 0 : i32
    %dma_start3A_809 = tpu.memref_slice %arg6[%add3A_805, %dma_start3A_808] : memref<36864x256xf32, #tpu.memory_space<hbm>> -> memref<64x256xf32, #tpu.memory_space<hbm>>
    tpu.enqueue_dma source(%arg19 : memref<64x256xf32, #tpu.memory_space<vmem>>) target(%dma_start3A_809 : memref<64x256xf32, #tpu.memory_space<hbm>>) target_semaphore(%arg31 : memref<!tpu.dma_semaphore, #tpu.memory_space<semaphore_mem>>)
    %dma_wait3A_810 = arith.constant 0 : i32
    %dma_wait3A_811 = tpu.memref_slice %arg6[%add3A_805, %dma_wait3A_810] : memref<36864x256xf32, #tpu.memory_space<hbm>> -> memref<64x256xf32, #tpu.memory_space<hbm>>
    %dma_wait3A_812 = arith.constant 0 : i32
    %dma_wait3A_813 = tpu.memref_slice %arg6[%add3A_805, %dma_wait3A_812] : memref<36864x256xf32, #tpu.memory_space<hbm>> -> memref<64x256xf32, #tpu.memory_space<hbm>>
    tpu.wait_dma2 semaphore(%arg31 : memref<!tpu.dma_semaphore, #tpu.memory_space<semaphore_mem>>) src(%arg19 : memref<64x256xf32, #tpu.memory_space<vmem>>) dst(%dma_wait3A_813 : memref<64x256xf32, #tpu.memory_space<hbm>>)
    %add3A_814 = arith.constant 7 : i32
    %add3A_815 = arith.addi %mul3A_2, %add3A_814 : i32
    %mul3A_816 = arith.constant 128 : i32
    %mul3A_817 = arith.muli %add3A_815, %mul3A_816 : i32
    %get3A_818 = arith.constant 64 : index
    %get3A_819 = tpu.vector_load %arg8[%get3A_818] {strides = array<i32>} : memref<128xi32, #tpu.memory_space<vmem>>, vector<16xi32>,
    %get3A_820 = vector.shape_cast %get3A_819 : vector<16xi32> to vector<16xi32>
    %add3A_821 = vector.broadcast %mul3A_817 : i32 to vector<16xi32>
    %add3A_822 = arith.addi %add3A_821, %get3A_820 : vector<16xi32>
    %swap3A_823 = arith.constant 0 : index
    %swap3A_824 = tpu.vector_load %arg13[%swap3A_823] {strides = array<i32>} : memref<64xi32, #tpu.memory_space<vmem>>, vector<16xi32>,
    %swap3A_825 = vector.shape_cast %swap3A_824 : vector<16xi32> to vector<16xi32>
    %swap3A_826 = vector.shape_cast %add3A_822 : vector<16xi32> to vector<16xi32>
    tpu.vector_store %arg13[%swap3A_823], %swap3A_826 {strides = array<i32>} : memref<64xi32, #tpu.memory_space<vmem>>, vector<16xi32>,
    %get3A_827 = arith.constant 80 : index
    %get3A_828 = tpu.vector_load %arg8[%get3A_827] {strides = array<i32>} : memref<128xi32, #tpu.memory_space<vmem>>, vector<16xi32>,
    %get3A_829 = vector.shape_cast %get3A_828 : vector<16xi32> to vector<16xi32>
    %add3A_830 = vector.broadcast %mul3A_817 : i32 to vector<16xi32>
    %add3A_831 = arith.addi %add3A_830, %get3A_829 : vector<16xi32>
    %swap3A_832 = arith.constant 16 : index
    %swap3A_833 = tpu.vector_load %arg13[%swap3A_832] {strides = array<i32>} : memref<64xi32, #tpu.memory_space<vmem>>, vector<16xi32>,
    %swap3A_834 = vector.shape_cast %swap3A_833 : vector<16xi32> to vector<16xi32>
    %swap3A_835 = vector.shape_cast %add3A_831 : vector<16xi32> to vector<16xi32>
    tpu.vector_store %arg13[%swap3A_832], %swap3A_835 {strides = array<i32>} : memref<64xi32, #tpu.memory_space<vmem>>, vector<16xi32>,
    %get3A_836 = arith.constant 96 : index
    %get3A_837 = tpu.vector_load %arg8[%get3A_836] {strides = array<i32>} : memref<128xi32, #tpu.memory_space<vmem>>, vector<16xi32>,
    %get3A_838 = vector.shape_cast %get3A_837 : vector<16xi32> to vector<16xi32>
    %add3A_839 = vector.broadcast %mul3A_817 : i32 to vector<16xi32>
    %add3A_840 = arith.addi %add3A_839, %get3A_838 : vector<16xi32>
    %swap3A_841 = arith.constant 32 : index
    %swap3A_842 = tpu.vector_load %arg13[%swap3A_841] {strides = array<i32>} : memref<64xi32, #tpu.memory_space<vmem>>, vector<16xi32>,
    %swap3A_843 = vector.shape_cast %swap3A_842 : vector<16xi32> to vector<16xi32>
    %swap3A_844 = vector.shape_cast %add3A_840 : vector<16xi32> to vector<16xi32>
    tpu.vector_store %arg13[%swap3A_841], %swap3A_844 {strides = array<i32>} : memref<64xi32, #tpu.memory_space<vmem>>, vector<16xi32>,
    %get3A_845 = arith.constant 112 : index
    %get3A_846 = tpu.vector_load %arg8[%get3A_845] {strides = array<i32>} : memref<128xi32, #tpu.memory_space<vmem>>, vector<16xi32>,
    %get3A_847 = vector.shape_cast %get3A_846 : vector<16xi32> to vector<16xi32>
    %add3A_848 = vector.broadcast %mul3A_817 : i32 to vector<16xi32>
    %add3A_849 = arith.addi %add3A_848, %get3A_847 : vector<16xi32>
    %swap3A_850 = arith.constant 48 : index
    %swap3A_851 = tpu.vector_load %arg13[%swap3A_850] {strides = array<i32>} : memref<64xi32, #tpu.memory_space<vmem>>, vector<16xi32>,
    %swap3A_852 = vector.shape_cast %swap3A_851 : vector<16xi32> to vector<16xi32>
    %swap3A_853 = vector.shape_cast %add3A_849 : vector<16xi32> to vector<16xi32>
    tpu.vector_store %arg13[%swap3A_850], %swap3A_853 {strides = array<i32>} : memref<64xi32, #tpu.memory_space<vmem>>, vector<16xi32>,
    %dma_start3A_854 = arith.constant 0 : i32
    %dma_start3A_855 = arith.constant 0 : i32
    %dma_start3A_856 = tpu.memref_slice %arg2[%dma_start3A_854, %dma_start3A_855] : memref<36864x256xf32, #tpu.memory_space<hbm>> -> memref<36864x256xf32, #tpu.memory_space<hbm>>
    tpu.enqueue_indirect_dma source(%dma_start3A_856 : memref<36864x256xf32, #tpu.memory_space<hbm>>) target(%arg19 : memref<64x256xf32, #tpu.memory_space<vmem>>) offsets(%arg13 : memref<64xi32, #tpu.memory_space<vmem>>) semaphore(%arg25 : memref<!tpu.dma_semaphore, #tpu.memory_space<semaphore_mem>>)
    %dma_wait3A_857 = arith.constant 0 : i32
    %dma_wait3A_858 = arith.constant 0 : i32
    %dma_wait3A_859 = tpu.memref_slice %arg2[%dma_wait3A_857, %dma_wait3A_858] : memref<36864x256xf32, #tpu.memory_space<hbm>> -> memref<36864x256xf32, #tpu.memory_space<hbm>>
    tpu.wait_indirect_dma semaphore(%arg26 : memref<!tpu.dma_semaphore, #tpu.memory_space<semaphore_mem>>) src(%dma_wait3A_859 : memref<36864x256xf32, #tpu.memory_space<hbm>>) dst(%arg20 : memref<64x256xf32, #tpu.memory_space<vmem>>)
    %add3A_860 = arith.constant 5 : i32
    %add3A_861 = arith.addi %mul3A_2, %add3A_860 : i32
    %mul3A_862 = arith.constant 128 : i32
    %mul3A_863 = arith.muli %add3A_861, %mul3A_862 : i32
    %add3A_864 = arith.constant 0 : i32
    %add3A_865 = arith.addi %mul3A_863, %add3A_864 : i32
    %dma_start3A_866 = arith.constant 0 : i32
    %dma_start3A_867 = tpu.memref_slice %arg6[%add3A_865, %dma_start3A_866] : memref<36864x256xf32, #tpu.memory_space<hbm>> -> memref<64x256xf32, #tpu.memory_space<hbm>>
    %dma_start3A_868 = arith.constant 0 : i32
    %dma_start3A_869 = tpu.memref_slice %arg6[%add3A_865, %dma_start3A_868] : memref<36864x256xf32, #tpu.memory_space<hbm>> -> memref<64x256xf32, #tpu.memory_space<hbm>>
    tpu.enqueue_dma source(%arg20 : memref<64x256xf32, #tpu.memory_space<vmem>>) target(%dma_start3A_869 : memref<64x256xf32, #tpu.memory_space<hbm>>) target_semaphore(%arg32 : memref<!tpu.dma_semaphore, #tpu.memory_space<semaphore_mem>>)
    %dma_wait3A_870 = arith.constant 0 : i32
    %dma_wait3A_871 = tpu.memref_slice %arg6[%add3A_865, %dma_wait3A_870] : memref<36864x256xf32, #tpu.memory_space<hbm>> -> memref<64x256xf32, #tpu.memory_space<hbm>>
    %dma_wait3A_872 = arith.constant 0 : i32
    %dma_wait3A_873 = tpu.memref_slice %arg6[%add3A_865, %dma_wait3A_872] : memref<36864x256xf32, #tpu.memory_space<hbm>> -> memref<64x256xf32, #tpu.memory_space<hbm>>
    tpu.wait_dma2 semaphore(%arg32 : memref<!tpu.dma_semaphore, #tpu.memory_space<semaphore_mem>>) src(%arg20 : memref<64x256xf32, #tpu.memory_space<vmem>>) dst(%dma_wait3A_873 : memref<64x256xf32, #tpu.memory_space<hbm>>)
    %add3A_874 = arith.constant 8 : i32
    %add3A_875 = arith.addi %mul3A_2, %add3A_874 : i32
    %mul3A_876 = arith.constant 128 : i32
    %mul3A_877 = arith.muli %add3A_875, %mul3A_876 : i32
    %get3A_878 = arith.constant 0 : index
    %get3A_879 = tpu.vector_load %arg8[%get3A_878] {strides = array<i32>} : memref<128xi32, #tpu.memory_space<vmem>>, vector<16xi32>,
    %get3A_880 = vector.shape_cast %get3A_879 : vector<16xi32> to vector<16xi32>
    %add3A_881 = vector.broadcast %mul3A_877 : i32 to vector<16xi32>
    %add3A_882 = arith.addi %add3A_881, %get3A_880 : vector<16xi32>
    %swap3A_883 = arith.constant 0 : index
    %swap3A_884 = tpu.vector_load %arg14[%swap3A_883] {strides = array<i32>} : memref<64xi32, #tpu.memory_space<vmem>>, vector<16xi32>,
    %swap3A_885 = vector.shape_cast %swap3A_884 : vector<16xi32> to vector<16xi32>
    %swap3A_886 = vector.shape_cast %add3A_882 : vector<16xi32> to vector<16xi32>
    tpu.vector_store %arg14[%swap3A_883], %swap3A_886 {strides = array<i32>} : memref<64xi32, #tpu.memory_space<vmem>>, vector<16xi32>,
    %get3A_887 = arith.constant 16 : index
    %get3A_888 = tpu.vector_load %arg8[%get3A_887] {strides = array<i32>} : memref<128xi32, #tpu.memory_space<vmem>>, vector<16xi32>,
    %get3A_889 = vector.shape_cast %get3A_888 : vector<16xi32> to vector<16xi32>
    %add3A_890 = vector.broadcast %mul3A_877 : i32 to vector<16xi32>
    %add3A_891 = arith.addi %add3A_890, %get3A_889 : vector<16xi32>
    %swap3A_892 = arith.constant 16 : index
    %swap3A_893 = tpu.vector_load %arg14[%swap3A_892] {strides = array<i32>} : memref<64xi32, #tpu.memory_space<vmem>>, vector<16xi32>,
    %swap3A_894 = vector.shape_cast %swap3A_893 : vector<16xi32> to vector<16xi32>
    %swap3A_895 = vector.shape_cast %add3A_891 : vector<16xi32> to vector<16xi32>
    tpu.vector_store %arg14[%swap3A_892], %swap3A_895 {strides = array<i32>} : memref<64xi32, #tpu.memory_space<vmem>>, vector<16xi32>,
    %get3A_896 = arith.constant 32 : index
    %get3A_897 = tpu.vector_load %arg8[%get3A_896] {strides = array<i32>} : memref<128xi32, #tpu.memory_space<vmem>>, vector<16xi32>,
    %get3A_898 = vector.shape_cast %get3A_897 : vector<16xi32> to vector<16xi32>
    %add3A_899 = vector.broadcast %mul3A_877 : i32 to vector<16xi32>
    %add3A_900 = arith.addi %add3A_899, %get3A_898 : vector<16xi32>
    %swap3A_901 = arith.constant 32 : index
    %swap3A_902 = tpu.vector_load %arg14[%swap3A_901] {strides = array<i32>} : memref<64xi32, #tpu.memory_space<vmem>>, vector<16xi32>,
    %swap3A_903 = vector.shape_cast %swap3A_902 : vector<16xi32> to vector<16xi32>
    %swap3A_904 = vector.shape_cast %add3A_900 : vector<16xi32> to vector<16xi32>
    tpu.vector_store %arg14[%swap3A_901], %swap3A_904 {strides = array<i32>} : memref<64xi32, #tpu.memory_space<vmem>>, vector<16xi32>,
    %get3A_905 = arith.constant 48 : index
    %get3A_906 = tpu.vector_load %arg8[%get3A_905] {strides = array<i32>} : memref<128xi32, #tpu.memory_space<vmem>>, vector<16xi32>,
    %get3A_907 = vector.shape_cast %get3A_906 : vector<16xi32> to vector<16xi32>
    %add3A_908 = vector.broadcast %mul3A_877 : i32 to vector<16xi32>
    %add3A_909 = arith.addi %add3A_908, %get3A_907 : vector<16xi32>
    %swap3A_910 = arith.constant 48 : index
    %swap3A_911 = tpu.vector_load %arg14[%swap3A_910] {strides = array<i32>} : memref<64xi32, #tpu.memory_space<vmem>>, vector<16xi32>,
    %swap3A_912 = vector.shape_cast %swap3A_911 : vector<16xi32> to vector<16xi32>
    %swap3A_913 = vector.shape_cast %add3A_909 : vector<16xi32> to vector<16xi32>
    tpu.vector_store %arg14[%swap3A_910], %swap3A_913 {strides = array<i32>} : memref<64xi32, #tpu.memory_space<vmem>>, vector<16xi32>,
    %dma_start3A_914 = arith.constant 0 : i32
    %dma_start3A_915 = arith.constant 0 : i32
    %dma_start3A_916 = tpu.memref_slice %arg2[%dma_start3A_914, %dma_start3A_915] : memref<36864x256xf32, #tpu.memory_space<hbm>> -> memref<36864x256xf32, #tpu.memory_space<hbm>>
    tpu.enqueue_indirect_dma source(%dma_start3A_916 : memref<36864x256xf32, #tpu.memory_space<hbm>>) target(%arg20 : memref<64x256xf32, #tpu.memory_space<vmem>>) offsets(%arg14 : memref<64xi32, #tpu.memory_space<vmem>>) semaphore(%arg26 : memref<!tpu.dma_semaphore, #tpu.memory_space<semaphore_mem>>)
    %dma_wait3A_917 = arith.constant 0 : i32
    %dma_wait3A_918 = arith.constant 0 : i32
    %dma_wait3A_919 = tpu.memref_slice %arg2[%dma_wait3A_917, %dma_wait3A_918] : memref<36864x256xf32, #tpu.memory_space<hbm>> -> memref<36864x256xf32, #tpu.memory_space<hbm>>
    tpu.wait_indirect_dma semaphore(%arg27 : memref<!tpu.dma_semaphore, #tpu.memory_space<semaphore_mem>>) src(%dma_wait3A_919 : memref<36864x256xf32, #tpu.memory_space<hbm>>) dst(%arg21 : memref<64x256xf32, #tpu.memory_space<vmem>>)
    %add3A_920 = arith.constant 5 : i32
    %add3A_921 = arith.addi %mul3A_2, %add3A_920 : i32
    %mul3A_922 = arith.constant 128 : i32
    %mul3A_923 = arith.muli %add3A_921, %mul3A_922 : i32
    %add3A_924 = arith.constant 64 : i32
    %add3A_925 = arith.addi %mul3A_923, %add3A_924 : i32
    %dma_start3A_926 = arith.constant 0 : i32
    %dma_start3A_927 = tpu.memref_slice %arg6[%add3A_925, %dma_start3A_926] : memref<36864x256xf32, #tpu.memory_space<hbm>> -> memref<64x256xf32, #tpu.memory_space<hbm>>
    %dma_start3A_928 = arith.constant 0 : i32
    %dma_start3A_929 = tpu.memref_slice %arg6[%add3A_925, %dma_start3A_928] : memref<36864x256xf32, #tpu.memory_space<hbm>> -> memref<64x256xf32, #tpu.memory_space<hbm>>
    tpu.enqueue_dma source(%arg21 : memref<64x256xf32, #tpu.memory_space<vmem>>) target(%dma_start3A_929 : memref<64x256xf32, #tpu.memory_space<hbm>>) target_semaphore(%arg33 : memref<!tpu.dma_semaphore, #tpu.memory_space<semaphore_mem>>)
    %dma_wait3A_930 = arith.constant 0 : i32
    %dma_wait3A_931 = tpu.memref_slice %arg6[%add3A_925, %dma_wait3A_930] : memref<36864x256xf32, #tpu.memory_space<hbm>> -> memref<64x256xf32, #tpu.memory_space<hbm>>
    %dma_wait3A_932 = arith.constant 0 : i32
    %dma_wait3A_933 = tpu.memref_slice %arg6[%add3A_925, %dma_wait3A_932] : memref<36864x256xf32, #tpu.memory_space<hbm>> -> memref<64x256xf32, #tpu.memory_space<hbm>>
    tpu.wait_dma2 semaphore(%arg33 : memref<!tpu.dma_semaphore, #tpu.memory_space<semaphore_mem>>) src(%arg21 : memref<64x256xf32, #tpu.memory_space<vmem>>) dst(%dma_wait3A_933 : memref<64x256xf32, #tpu.memory_space<hbm>>)
    %add3A_934 = arith.constant 8 : i32
    %add3A_935 = arith.addi %mul3A_2, %add3A_934 : i32
    %mul3A_936 = arith.constant 128 : i32
    %mul3A_937 = arith.muli %add3A_935, %mul3A_936 : i32
    %get3A_938 = arith.constant 64 : index
    %get3A_939 = tpu.vector_load %arg8[%get3A_938] {strides = array<i32>} : memref<128xi32, #tpu.memory_space<vmem>>, vector<16xi32>,
    %get3A_940 = vector.shape_cast %get3A_939 : vector<16xi32> to vector<16xi32>
    %add3A_941 = vector.broadcast %mul3A_937 : i32 to vector<16xi32>
    %add3A_942 = arith.addi %add3A_941, %get3A_940 : vector<16xi32>
    %swap3A_943 = arith.constant 0 : index
    %swap3A_944 = tpu.vector_load %arg15[%swap3A_943] {strides = array<i32>} : memref<64xi32, #tpu.memory_space<vmem>>, vector<16xi32>,
    %swap3A_945 = vector.shape_cast %swap3A_944 : vector<16xi32> to vector<16xi32>
    %swap3A_946 = vector.shape_cast %add3A_942 : vector<16xi32> to vector<16xi32>
    tpu.vector_store %arg15[%swap3A_943], %swap3A_946 {strides = array<i32>} : memref<64xi32, #tpu.memory_space<vmem>>, vector<16xi32>,
    %get3A_947 = arith.constant 80 : index
    %get3A_948 = tpu.vector_load %arg8[%get3A_947] {strides = array<i32>} : memref<128xi32, #tpu.memory_space<vmem>>, vector<16xi32>,
    %get3A_949 = vector.shape_cast %get3A_948 : vector<16xi32> to vector<16xi32>
    %add3A_950 = vector.broadcast %mul3A_937 : i32 to vector<16xi32>
    %add3A_951 = arith.addi %add3A_950, %get3A_949 : vector<16xi32>
    %swap3A_952 = arith.constant 16 : index
    %swap3A_953 = tpu.vector_load %arg15[%swap3A_952] {strides = array<i32>} : memref<64xi32, #tpu.memory_space<vmem>>, vector<16xi32>,
    %swap3A_954 = vector.shape_cast %swap3A_953 : vector<16xi32> to vector<16xi32>
    %swap3A_955 = vector.shape_cast %add3A_951 : vector<16xi32> to vector<16xi32>
    tpu.vector_store %arg15[%swap3A_952], %swap3A_955 {strides = array<i32>} : memref<64xi32, #tpu.memory_space<vmem>>, vector<16xi32>,
    %get3A_956 = arith.constant 96 : index
    %get3A_957 = tpu.vector_load %arg8[%get3A_956] {strides = array<i32>} : memref<128xi32, #tpu.memory_space<vmem>>, vector<16xi32>,
    %get3A_958 = vector.shape_cast %get3A_957 : vector<16xi32> to vector<16xi32>
    %add3A_959 = vector.broadcast %mul3A_937 : i32 to vector<16xi32>
    %add3A_960 = arith.addi %add3A_959, %get3A_958 : vector<16xi32>
    %swap3A_961 = arith.constant 32 : index
    %swap3A_962 = tpu.vector_load %arg15[%swap3A_961] {strides = array<i32>} : memref<64xi32, #tpu.memory_space<vmem>>, vector<16xi32>,
    %swap3A_963 = vector.shape_cast %swap3A_962 : vector<16xi32> to vector<16xi32>
    %swap3A_964 = vector.shape_cast %add3A_960 : vector<16xi32> to vector<16xi32>
    tpu.vector_store %arg15[%swap3A_961], %swap3A_964 {strides = array<i32>} : memref<64xi32, #tpu.memory_space<vmem>>, vector<16xi32>,
    %get3A_965 = arith.constant 112 : index
    %get3A_966 = tpu.vector_load %arg8[%get3A_965] {strides = array<i32>} : memref<128xi32, #tpu.memory_space<vmem>>, vector<16xi32>,
    %get3A_967 = vector.shape_cast %get3A_966 : vector<16xi32> to vector<16xi32>
    %add3A_968 = vector.broadcast %mul3A_937 : i32 to vector<16xi32>
    %add3A_969 = arith.addi %add3A_968, %get3A_967 : vector<16xi32>
    %swap3A_970 = arith.constant 48 : index
    %swap3A_971 = tpu.vector_load %arg15[%swap3A_970] {strides = array<i32>} : memref<64xi32, #tpu.memory_space<vmem>>, vector<16xi32>,
    %swap3A_972 = vector.shape_cast %swap3A_971 : vector<16xi32> to vector<16xi32>
    %swap3A_973 = vector.shape_cast %add3A_969 : vector<16xi32> to vector<16xi32>
    tpu.vector_store %arg15[%swap3A_970], %swap3A_973 {strides = array<i32>} : memref<64xi32, #tpu.memory_space<vmem>>, vector<16xi32>,
    %dma_start3A_974 = arith.constant 0 : i32
    %dma_start3A_975 = arith.constant 0 : i32
    %dma_start3A_976 = tpu.memref_slice %arg2[%dma_start3A_974, %dma_start3A_975] : memref<36864x256xf32, #tpu.memory_space<hbm>> -> memref<36864x256xf32, #tpu.memory_space<hbm>>
    tpu.enqueue_indirect_dma source(%dma_start3A_976 : memref<36864x256xf32, #tpu.memory_space<hbm>>) target(%arg21 : memref<64x256xf32, #tpu.memory_space<vmem>>) offsets(%arg15 : memref<64xi32, #tpu.memory_space<vmem>>) semaphore(%arg27 : memref<!tpu.dma_semaphore, #tpu.memory_space<semaphore_mem>>)
    %dma_wait3A_977 = arith.constant 0 : i32
    %dma_wait3A_978 = arith.constant 0 : i32
    %dma_wait3A_979 = tpu.memref_slice %arg2[%dma_wait3A_977, %dma_wait3A_978] : memref<36864x256xf32, #tpu.memory_space<hbm>> -> memref<36864x256xf32, #tpu.memory_space<hbm>>
    tpu.wait_indirect_dma semaphore(%arg22 : memref<!tpu.dma_semaphore, #tpu.memory_space<semaphore_mem>>) src(%dma_wait3A_979 : memref<36864x256xf32, #tpu.memory_space<hbm>>) dst(%arg16 : memref<64x256xf32, #tpu.memory_space<vmem>>)
    %add3A_980 = arith.constant 6 : i32
    %add3A_981 = arith.addi %mul3A_2, %add3A_980 : i32
    %mul3A_982 = arith.constant 128 : i32
    %mul3A_983 = arith.muli %add3A_981, %mul3A_982 : i32
    %add3A_984 = arith.constant 0 : i32
    %add3A_985 = arith.addi %mul3A_983, %add3A_984 : i32
    %dma_start3A_986 = arith.constant 0 : i32
    %dma_start3A_987 = tpu.memref_slice %arg6[%add3A_985, %dma_start3A_986] : memref<36864x256xf32, #tpu.memory_space<hbm>> -> memref<64x256xf32, #tpu.memory_space<hbm>>
    %dma_start3A_988 = arith.constant 0 : i32
    %dma_start3A_989 = tpu.memref_slice %arg6[%add3A_985, %dma_start3A_988] : memref<36864x256xf32, #tpu.memory_space<hbm>> -> memref<64x256xf32, #tpu.memory_space<hbm>>
    tpu.enqueue_dma source(%arg16 : memref<64x256xf32, #tpu.memory_space<vmem>>) target(%dma_start3A_989 : memref<64x256xf32, #tpu.memory_space<hbm>>) target_semaphore(%arg28 : memref<!tpu.dma_semaphore, #tpu.memory_space<semaphore_mem>>)
    %dma_wait3A_990 = arith.constant 0 : i32
    %dma_wait3A_991 = tpu.memref_slice %arg6[%add3A_985, %dma_wait3A_990] : memref<36864x256xf32, #tpu.memory_space<hbm>> -> memref<64x256xf32, #tpu.memory_space<hbm>>
    %dma_wait3A_992 = arith.constant 0 : i32
    %dma_wait3A_993 = tpu.memref_slice %arg6[%add3A_985, %dma_wait3A_992] : memref<36864x256xf32, #tpu.memory_space<hbm>> -> memref<64x256xf32, #tpu.memory_space<hbm>>
    tpu.wait_dma2 semaphore(%arg28 : memref<!tpu.dma_semaphore, #tpu.memory_space<semaphore_mem>>) src(%arg16 : memref<64x256xf32, #tpu.memory_space<vmem>>) dst(%dma_wait3A_993 : memref<64x256xf32, #tpu.memory_space<hbm>>)
    %add3A_994 = arith.constant 0 : i32
    %add3A_995 = arith.addi %mul3A_2, %add3A_994 : i32
    %mul3A_996 = arith.constant 128 : i32
    %mul3A_997 = arith.muli %add3A_995, %mul3A_996 : i32
    %get3A_998 = arith.constant 0 : index
    %get3A_999 = tpu.vector_load %arg9[%get3A_998] {strides = array<i32>} : memref<128xi32, #tpu.memory_space<vmem>>, vector<16xi32>,
    %get3A_1000 = vector.shape_cast %get3A_999 : vector<16xi32> to vector<16xi32>
    %add3A_1001 = vector.broadcast %mul3A_997 : i32 to vector<16xi32>
    %add3A_1002 = arith.addi %add3A_1001, %get3A_1000 : vector<16xi32>
    %swap3A_1003 = arith.constant 0 : index
    %swap3A_1004 = tpu.vector_load %arg10[%swap3A_1003] {strides = array<i32>} : memref<64xi32, #tpu.memory_space<vmem>>, vector<16xi32>,
    %swap3A_1005 = vector.shape_cast %swap3A_1004 : vector<16xi32> to vector<16xi32>
    %swap3A_1006 = vector.shape_cast %add3A_1002 : vector<16xi32> to vector<16xi32>
    tpu.vector_store %arg10[%swap3A_1003], %swap3A_1006 {strides = array<i32>} : memref<64xi32, #tpu.memory_space<vmem>>, vector<16xi32>,
    %get3A_1007 = arith.constant 16 : index
    %get3A_1008 = tpu.vector_load %arg9[%get3A_1007] {strides = array<i32>} : memref<128xi32, #tpu.memory_space<vmem>>, vector<16xi32>,
    %get3A_1009 = vector.shape_cast %get3A_1008 : vector<16xi32> to vector<16xi32>
    %add3A_1010 = vector.broadcast %mul3A_997 : i32 to vector<16xi32>
    %add3A_1011 = arith.addi %add3A_1010, %get3A_1009 : vector<16xi32>
    %swap3A_1012 = arith.constant 16 : index
    %swap3A_1013 = tpu.vector_load %arg10[%swap3A_1012] {strides = array<i32>} : memref<64xi32, #tpu.memory_space<vmem>>, vector<16xi32>,
    %swap3A_1014 = vector.shape_cast %swap3A_1013 : vector<16xi32> to vector<16xi32>
    %swap3A_1015 = vector.shape_cast %add3A_1011 : vector<16xi32> to vector<16xi32>
    tpu.vector_store %arg10[%swap3A_1012], %swap3A_1015 {strides = array<i32>} : memref<64xi32, #tpu.memory_space<vmem>>, vector<16xi32>,
    %get3A_1016 = arith.constant 32 : index
    %get3A_1017 = tpu.vector_load %arg9[%get3A_1016] {strides = array<i32>} : memref<128xi32, #tpu.memory_space<vmem>>, vector<16xi32>,
    %get3A_1018 = vector.shape_cast %get3A_1017 : vector<16xi32> to vector<16xi32>
    %add3A_1019 = vector.broadcast %mul3A_997 : i32 to vector<16xi32>
    %add3A_1020 = arith.addi %add3A_1019, %get3A_1018 : vector<16xi32>
    %swap3A_1021 = arith.constant 32 : index
    %swap3A_1022 = tpu.vector_load %arg10[%swap3A_1021] {strides = array<i32>} : memref<64xi32, #tpu.memory_space<vmem>>, vector<16xi32>,
    %swap3A_1023 = vector.shape_cast %swap3A_1022 : vector<16xi32> to vector<16xi32>
    %swap3A_1024 = vector.shape_cast %add3A_1020 : vector<16xi32> to vector<16xi32>
    tpu.vector_store %arg10[%swap3A_1021], %swap3A_1024 {strides = array<i32>} : memref<64xi32, #tpu.memory_space<vmem>>, vector<16xi32>,
    %get3A_1025 = arith.constant 48 : index
    %get3A_1026 = tpu.vector_load %arg9[%get3A_1025] {strides = array<i32>} : memref<128xi32, #tpu.memory_space<vmem>>, vector<16xi32>,
    %get3A_1027 = vector.shape_cast %get3A_1026 : vector<16xi32> to vector<16xi32>
    %add3A_1028 = vector.broadcast %mul3A_997 : i32 to vector<16xi32>
    %add3A_1029 = arith.addi %add3A_1028, %get3A_1027 : vector<16xi32>
    %swap3A_1030 = arith.constant 48 : index
    %swap3A_1031 = tpu.vector_load %arg10[%swap3A_1030] {strides = array<i32>} : memref<64xi32, #tpu.memory_space<vmem>>, vector<16xi32>,
    %swap3A_1032 = vector.shape_cast %swap3A_1031 : vector<16xi32> to vector<16xi32>
    %swap3A_1033 = vector.shape_cast %add3A_1029 : vector<16xi32> to vector<16xi32>
    tpu.vector_store %arg10[%swap3A_1030], %swap3A_1033 {strides = array<i32>} : memref<64xi32, #tpu.memory_space<vmem>>, vector<16xi32>,
    %dma_start3A_1034 = arith.constant 0 : i32
    %dma_start3A_1035 = arith.constant 0 : i32
    %dma_start3A_1036 = tpu.memref_slice %arg3[%dma_start3A_1034, %dma_start3A_1035] : memref<36864x256xf32, #tpu.memory_space<hbm>> -> memref<36864x256xf32, #tpu.memory_space<hbm>>
    tpu.enqueue_indirect_dma source(%dma_start3A_1036 : memref<36864x256xf32, #tpu.memory_space<hbm>>) target(%arg16 : memref<64x256xf32, #tpu.memory_space<vmem>>) offsets(%arg10 : memref<64xi32, #tpu.memory_space<vmem>>) semaphore(%arg22 : memref<!tpu.dma_semaphore, #tpu.memory_space<semaphore_mem>>)
    %dma_wait3A_1037 = arith.constant 0 : i32
    %dma_wait3A_1038 = arith.constant 0 : i32
    %dma_wait3A_1039 = tpu.memref_slice %arg2[%dma_wait3A_1037, %dma_wait3A_1038] : memref<36864x256xf32, #tpu.memory_space<hbm>> -> memref<36864x256xf32, #tpu.memory_space<hbm>>
    tpu.wait_indirect_dma semaphore(%arg23 : memref<!tpu.dma_semaphore, #tpu.memory_space<semaphore_mem>>) src(%dma_wait3A_1039 : memref<36864x256xf32, #tpu.memory_space<hbm>>) dst(%arg17 : memref<64x256xf32, #tpu.memory_space<vmem>>)
    %add3A_1040 = arith.constant 6 : i32
    %add3A_1041 = arith.addi %mul3A_2, %add3A_1040 : i32
    %mul3A_1042 = arith.constant 128 : i32
    %mul3A_1043 = arith.muli %add3A_1041, %mul3A_1042 : i32
    %add3A_1044 = arith.constant 64 : i32
    %add3A_1045 = arith.addi %mul3A_1043, %add3A_1044 : i32
    %dma_start3A_1046 = arith.constant 0 : i32
    %dma_start3A_1047 = tpu.memref_slice %arg6[%add3A_1045, %dma_start3A_1046] : memref<36864x256xf32, #tpu.memory_space<hbm>> -> memref<64x256xf32, #tpu.memory_space<hbm>>
    %dma_start3A_1048 = arith.constant 0 : i32
    %dma_start3A_1049 = tpu.memref_slice %arg6[%add3A_1045, %dma_start3A_1048] : memref<36864x256xf32, #tpu.memory_space<hbm>> -> memref<64x256xf32, #tpu.memory_space<hbm>>
    tpu.enqueue_dma source(%arg17 : memref<64x256xf32, #tpu.memory_space<vmem>>) target(%dma_start3A_1049 : memref<64x256xf32, #tpu.memory_space<hbm>>) target_semaphore(%arg29 : memref<!tpu.dma_semaphore, #tpu.memory_space<semaphore_mem>>)
    %dma_wait3A_1050 = arith.constant 0 : i32
    %dma_wait3A_1051 = tpu.memref_slice %arg6[%add3A_1045, %dma_wait3A_1050] : memref<36864x256xf32, #tpu.memory_space<hbm>> -> memref<64x256xf32, #tpu.memory_space<hbm>>
    %dma_wait3A_1052 = arith.constant 0 : i32
    %dma_wait3A_1053 = tpu.memref_slice %arg6[%add3A_1045, %dma_wait3A_1052] : memref<36864x256xf32, #tpu.memory_space<hbm>> -> memref<64x256xf32, #tpu.memory_space<hbm>>
    tpu.wait_dma2 semaphore(%arg29 : memref<!tpu.dma_semaphore, #tpu.memory_space<semaphore_mem>>) src(%arg17 : memref<64x256xf32, #tpu.memory_space<vmem>>) dst(%dma_wait3A_1053 : memref<64x256xf32, #tpu.memory_space<hbm>>)
    %add3A_1054 = arith.constant 0 : i32
    %add3A_1055 = arith.addi %mul3A_2, %add3A_1054 : i32
    %mul3A_1056 = arith.constant 128 : i32
    %mul3A_1057 = arith.muli %add3A_1055, %mul3A_1056 : i32
    %get3A_1058 = arith.constant 64 : index
    %get3A_1059 = tpu.vector_load %arg9[%get3A_1058] {strides = array<i32>} : memref<128xi32, #tpu.memory_space<vmem>>, vector<16xi32>,
    %get3A_1060 = vector.shape_cast %get3A_1059 : vector<16xi32> to vector<16xi32>
    %add3A_1061 = vector.broadcast %mul3A_1057 : i32 to vector<16xi32>
    %add3A_1062 = arith.addi %add3A_1061, %get3A_1060 : vector<16xi32>
    %swap3A_1063 = arith.constant 0 : index
    %swap3A_1064 = tpu.vector_load %arg11[%swap3A_1063] {strides = array<i32>} : memref<64xi32, #tpu.memory_space<vmem>>, vector<16xi32>,
    %swap3A_1065 = vector.shape_cast %swap3A_1064 : vector<16xi32> to vector<16xi32>
    %swap3A_1066 = vector.shape_cast %add3A_1062 : vector<16xi32> to vector<16xi32>
    tpu.vector_store %arg11[%swap3A_1063], %swap3A_1066 {strides = array<i32>} : memref<64xi32, #tpu.memory_space<vmem>>, vector<16xi32>,
    %get3A_1067 = arith.constant 80 : index
    %get3A_1068 = tpu.vector_load %arg9[%get3A_1067] {strides = array<i32>} : memref<128xi32, #tpu.memory_space<vmem>>, vector<16xi32>,
    %get3A_1069 = vector.shape_cast %get3A_1068 : vector<16xi32> to vector<16xi32>
    %add3A_1070 = vector.broadcast %mul3A_1057 : i32 to vector<16xi32>
    %add3A_1071 = arith.addi %add3A_1070, %get3A_1069 : vector<16xi32>
    %swap3A_1072 = arith.constant 16 : index
    %swap3A_1073 = tpu.vector_load %arg11[%swap3A_1072] {strides = array<i32>} : memref<64xi32, #tpu.memory_space<vmem>>, vector<16xi32>,
    %swap3A_1074 = vector.shape_cast %swap3A_1073 : vector<16xi32> to vector<16xi32>
    %swap3A_1075 = vector.shape_cast %add3A_1071 : vector<16xi32> to vector<16xi32>
    tpu.vector_store %arg11[%swap3A_1072], %swap3A_1075 {strides = array<i32>} : memref<64xi32, #tpu.memory_space<vmem>>, vector<16xi32>,
    %get3A_1076 = arith.constant 96 : index
    %get3A_1077 = tpu.vector_load %arg9[%get3A_1076] {strides = array<i32>} : memref<128xi32, #tpu.memory_space<vmem>>, vector<16xi32>,
    %get3A_1078 = vector.shape_cast %get3A_1077 : vector<16xi32> to vector<16xi32>
    %add3A_1079 = vector.broadcast %mul3A_1057 : i32 to vector<16xi32>
    %add3A_1080 = arith.addi %add3A_1079, %get3A_1078 : vector<16xi32>
    %swap3A_1081 = arith.constant 32 : index
    %swap3A_1082 = tpu.vector_load %arg11[%swap3A_1081] {strides = array<i32>} : memref<64xi32, #tpu.memory_space<vmem>>, vector<16xi32>,
    %swap3A_1083 = vector.shape_cast %swap3A_1082 : vector<16xi32> to vector<16xi32>
    %swap3A_1084 = vector.shape_cast %add3A_1080 : vector<16xi32> to vector<16xi32>
    tpu.vector_store %arg11[%swap3A_1081], %swap3A_1084 {strides = array<i32>} : memref<64xi32, #tpu.memory_space<vmem>>, vector<16xi32>,
    %get3A_1085 = arith.constant 112 : index
    %get3A_1086 = tpu.vector_load %arg9[%get3A_1085] {strides = array<i32>} : memref<128xi32, #tpu.memory_space<vmem>>, vector<16xi32>,
    %get3A_1087 = vector.shape_cast %get3A_1086 : vector<16xi32> to vector<16xi32>
    %add3A_1088 = vector.broadcast %mul3A_1057 : i32 to vector<16xi32>
    %add3A_1089 = arith.addi %add3A_1088, %get3A_1087 : vector<16xi32>
    %swap3A_1090 = arith.constant 48 : index
    %swap3A_1091 = tpu.vector_load %arg11[%swap3A_1090] {strides = array<i32>} : memref<64xi32, #tpu.memory_space<vmem>>, vector<16xi32>,
    %swap3A_1092 = vector.shape_cast %swap3A_1091 : vector<16xi32> to vector<16xi32>
    %swap3A_1093 = vector.shape_cast %add3A_1089 : vector<16xi32> to vector<16xi32>
    tpu.vector_store %arg11[%swap3A_1090], %swap3A_1093 {strides = array<i32>} : memref<64xi32, #tpu.memory_space<vmem>>, vector<16xi32>,
    %dma_start3A_1094 = arith.constant 0 : i32
    %dma_start3A_1095 = arith.constant 0 : i32
    %dma_start3A_1096 = tpu.memref_slice %arg3[%dma_start3A_1094, %dma_start3A_1095] : memref<36864x256xf32, #tpu.memory_space<hbm>> -> memref<36864x256xf32, #tpu.memory_space<hbm>>
    tpu.enqueue_indirect_dma source(%dma_start3A_1096 : memref<36864x256xf32, #tpu.memory_space<hbm>>) target(%arg17 : memref<64x256xf32, #tpu.memory_space<vmem>>) offsets(%arg11 : memref<64xi32, #tpu.memory_space<vmem>>) semaphore(%arg23 : memref<!tpu.dma_semaphore, #tpu.memory_space<semaphore_mem>>)
    %dma_wait3A_1097 = arith.constant 0 : i32
    %dma_wait3A_1098 = arith.constant 0 : i32
    %dma_wait3A_1099 = tpu.memref_slice %arg2[%dma_wait3A_1097, %dma_wait3A_1098] : memref<36864x256xf32, #tpu.memory_space<hbm>> -> memref<36864x256xf32, #tpu.memory_space<hbm>>
    tpu.wait_indirect_dma semaphore(%arg24 : memref<!tpu.dma_semaphore, #tpu.memory_space<semaphore_mem>>) src(%dma_wait3A_1099 : memref<36864x256xf32, #tpu.memory_space<hbm>>) dst(%arg18 : memref<64x256xf32, #tpu.memory_space<vmem>>)
    %add3A_1100 = arith.constant 7 : i32
    %add3A_1101 = arith.addi %mul3A_2, %add3A_1100 : i32
    %mul3A_1102 = arith.constant 128 : i32
    %mul3A_1103 = arith.muli %add3A_1101, %mul3A_1102 : i32
    %add3A_1104 = arith.constant 0 : i32
    %add3A_1105 = arith.addi %mul3A_1103, %add3A_1104 : i32
    %dma_start3A_1106 = arith.constant 0 : i32
    %dma_start3A_1107 = tpu.memref_slice %arg6[%add3A_1105, %dma_start3A_1106] : memref<36864x256xf32, #tpu.memory_space<hbm>> -> memref<64x256xf32, #tpu.memory_space<hbm>>
    %dma_start3A_1108 = arith.constant 0 : i32
    %dma_start3A_1109 = tpu.memref_slice %arg6[%add3A_1105, %dma_start3A_1108] : memref<36864x256xf32, #tpu.memory_space<hbm>> -> memref<64x256xf32, #tpu.memory_space<hbm>>
    tpu.enqueue_dma source(%arg18 : memref<64x256xf32, #tpu.memory_space<vmem>>) target(%dma_start3A_1109 : memref<64x256xf32, #tpu.memory_space<hbm>>) target_semaphore(%arg30 : memref<!tpu.dma_semaphore, #tpu.memory_space<semaphore_mem>>)
    %dma_wait3A_1110 = arith.constant 0 : i32
    %dma_wait3A_1111 = tpu.memref_slice %arg6[%add3A_1105, %dma_wait3A_1110] : memref<36864x256xf32, #tpu.memory_space<hbm>> -> memref<64x256xf32, #tpu.memory_space<hbm>>
    %dma_wait3A_1112 = arith.constant 0 : i32
    %dma_wait3A_1113 = tpu.memref_slice %arg6[%add3A_1105, %dma_wait3A_1112] : memref<36864x256xf32, #tpu.memory_space<hbm>> -> memref<64x256xf32, #tpu.memory_space<hbm>>
    tpu.wait_dma2 semaphore(%arg30 : memref<!tpu.dma_semaphore, #tpu.memory_space<semaphore_mem>>) src(%arg18 : memref<64x256xf32, #tpu.memory_space<vmem>>) dst(%dma_wait3A_1113 : memref<64x256xf32, #tpu.memory_space<hbm>>)
    %add3A_1114 = arith.constant 1 : i32
    %add3A_1115 = arith.addi %mul3A_2, %add3A_1114 : i32
    %mul3A_1116 = arith.constant 128 : i32
    %mul3A_1117 = arith.muli %add3A_1115, %mul3A_1116 : i32
    %get3A_1118 = arith.constant 0 : index
    %get3A_1119 = tpu.vector_load %arg9[%get3A_1118] {strides = array<i32>} : memref<128xi32, #tpu.memory_space<vmem>>, vector<16xi32>,
    %get3A_1120 = vector.shape_cast %get3A_1119 : vector<16xi32> to vector<16xi32>
    %add3A_1121 = vector.broadcast %mul3A_1117 : i32 to vector<16xi32>
    %add3A_1122 = arith.addi %add3A_1121, %get3A_1120 : vector<16xi32>
    %swap3A_1123 = arith.constant 0 : index
    %swap3A_1124 = tpu.vector_load %arg12[%swap3A_1123] {strides = array<i32>} : memref<64xi32, #tpu.memory_space<vmem>>, vector<16xi32>,
    %swap3A_1125 = vector.shape_cast %swap3A_1124 : vector<16xi32> to vector<16xi32>
    %swap3A_1126 = vector.shape_cast %add3A_1122 : vector<16xi32> to vector<16xi32>
    tpu.vector_store %arg12[%swap3A_1123], %swap3A_1126 {strides = array<i32>} : memref<64xi32, #tpu.memory_space<vmem>>, vector<16xi32>,
    %get3A_1127 = arith.constant 16 : index
    %get3A_1128 = tpu.vector_load %arg9[%get3A_1127] {strides = array<i32>} : memref<128xi32, #tpu.memory_space<vmem>>, vector<16xi32>,
    %get3A_1129 = vector.shape_cast %get3A_1128 : vector<16xi32> to vector<16xi32>
    %add3A_1130 = vector.broadcast %mul3A_1117 : i32 to vector<16xi32>
    %add3A_1131 = arith.addi %add3A_1130, %get3A_1129 : vector<16xi32>
    %swap3A_1132 = arith.constant 16 : index
    %swap3A_1133 = tpu.vector_load %arg12[%swap3A_1132] {strides = array<i32>} : memref<64xi32, #tpu.memory_space<vmem>>, vector<16xi32>,
    %swap3A_1134 = vector.shape_cast %swap3A_1133 : vector<16xi32> to vector<16xi32>
    %swap3A_1135 = vector.shape_cast %add3A_1131 : vector<16xi32> to vector<16xi32>
    tpu.vector_store %arg12[%swap3A_1132], %swap3A_1135 {strides = array<i32>} : memref<64xi32, #tpu.memory_space<vmem>>, vector<16xi32>,
    %get3A_1136 = arith.constant 32 : index
    %get3A_1137 = tpu.vector_load %arg9[%get3A_1136] {strides = array<i32>} : memref<128xi32, #tpu.memory_space<vmem>>, vector<16xi32>,
    %get3A_1138 = vector.shape_cast %get3A_1137 : vector<16xi32> to vector<16xi32>
    %add3A_1139 = vector.broadcast %mul3A_1117 : i32 to vector<16xi32>
    %add3A_1140 = arith.addi %add3A_1139, %get3A_1138 : vector<16xi32>
    %swap3A_1141 = arith.constant 32 : index
    %swap3A_1142 = tpu.vector_load %arg12[%swap3A_1141] {strides = array<i32>} : memref<64xi32, #tpu.memory_space<vmem>>, vector<16xi32>,
    %swap3A_1143 = vector.shape_cast %swap3A_1142 : vector<16xi32> to vector<16xi32>
    %swap3A_1144 = vector.shape_cast %add3A_1140 : vector<16xi32> to vector<16xi32>
    tpu.vector_store %arg12[%swap3A_1141], %swap3A_1144 {strides = array<i32>} : memref<64xi32, #tpu.memory_space<vmem>>, vector<16xi32>,
    %get3A_1145 = arith.constant 48 : index
    %get3A_1146 = tpu.vector_load %arg9[%get3A_1145] {strides = array<i32>} : memref<128xi32, #tpu.memory_space<vmem>>, vector<16xi32>,
    %get3A_1147 = vector.shape_cast %get3A_1146 : vector<16xi32> to vector<16xi32>
    %add3A_1148 = vector.broadcast %mul3A_1117 : i32 to vector<16xi32>
    %add3A_1149 = arith.addi %add3A_1148, %get3A_1147 : vector<16xi32>
    %swap3A_1150 = arith.constant 48 : index
    %swap3A_1151 = tpu.vector_load %arg12[%swap3A_1150] {strides = array<i32>} : memref<64xi32, #tpu.memory_space<vmem>>, vector<16xi32>,
    %swap3A_1152 = vector.shape_cast %swap3A_1151 : vector<16xi32> to vector<16xi32>
    %swap3A_1153 = vector.shape_cast %add3A_1149 : vector<16xi32> to vector<16xi32>
    tpu.vector_store %arg12[%swap3A_1150], %swap3A_1153 {strides = array<i32>} : memref<64xi32, #tpu.memory_space<vmem>>, vector<16xi32>,
    %dma_start3A_1154 = arith.constant 0 : i32
    %dma_start3A_1155 = arith.constant 0 : i32
    %dma_start3A_1156 = tpu.memref_slice %arg3[%dma_start3A_1154, %dma_start3A_1155] : memref<36864x256xf32, #tpu.memory_space<hbm>> -> memref<36864x256xf32, #tpu.memory_space<hbm>>
    tpu.enqueue_indirect_dma source(%dma_start3A_1156 : memref<36864x256xf32, #tpu.memory_space<hbm>>) target(%arg18 : memref<64x256xf32, #tpu.memory_space<vmem>>) offsets(%arg12 : memref<64xi32, #tpu.memory_space<vmem>>) semaphore(%arg24 : memref<!tpu.dma_semaphore, #tpu.memory_space<semaphore_mem>>)
    %dma_wait3A_1157 = arith.constant 0 : i32
    %dma_wait3A_1158 = arith.constant 0 : i32
    %dma_wait3A_1159 = tpu.memref_slice %arg2[%dma_wait3A_1157, %dma_wait3A_1158] : memref<36864x256xf32, #tpu.memory_space<hbm>> -> memref<36864x256xf32, #tpu.memory_space<hbm>>
    tpu.wait_indirect_dma semaphore(%arg25 : memref<!tpu.dma_semaphore, #tpu.memory_space<semaphore_mem>>) src(%dma_wait3A_1159 : memref<36864x256xf32, #tpu.memory_space<hbm>>) dst(%arg19 : memref<64x256xf32, #tpu.memory_space<vmem>>)
    %add3A_1160 = arith.constant 7 : i32
    %add3A_1161 = arith.addi %mul3A_2, %add3A_1160 : i32
    %mul3A_1162 = arith.constant 128 : i32
    %mul3A_1163 = arith.muli %add3A_1161, %mul3A_1162 : i32
    %add3A_1164 = arith.constant 64 : i32
    %add3A_1165 = arith.addi %mul3A_1163, %add3A_1164 : i32
    %dma_start3A_1166 = arith.constant 0 : i32
    %dma_start3A_1167 = tpu.memref_slice %arg6[%add3A_1165, %dma_start3A_1166] : memref<36864x256xf32, #tpu.memory_space<hbm>> -> memref<64x256xf32, #tpu.memory_space<hbm>>
    %dma_start3A_1168 = arith.constant 0 : i32
    %dma_start3A_1169 = tpu.memref_slice %arg6[%add3A_1165, %dma_start3A_1168] : memref<36864x256xf32, #tpu.memory_space<hbm>> -> memref<64x256xf32, #tpu.memory_space<hbm>>
    tpu.enqueue_dma source(%arg19 : memref<64x256xf32, #tpu.memory_space<vmem>>) target(%dma_start3A_1169 : memref<64x256xf32, #tpu.memory_space<hbm>>) target_semaphore(%arg31 : memref<!tpu.dma_semaphore, #tpu.memory_space<semaphore_mem>>)
    %dma_wait3A_1170 = arith.constant 0 : i32
    %dma_wait3A_1171 = tpu.memref_slice %arg6[%add3A_1165, %dma_wait3A_1170] : memref<36864x256xf32, #tpu.memory_space<hbm>> -> memref<64x256xf32, #tpu.memory_space<hbm>>
    %dma_wait3A_1172 = arith.constant 0 : i32
    %dma_wait3A_1173 = tpu.memref_slice %arg6[%add3A_1165, %dma_wait3A_1172] : memref<36864x256xf32, #tpu.memory_space<hbm>> -> memref<64x256xf32, #tpu.memory_space<hbm>>
    tpu.wait_dma2 semaphore(%arg31 : memref<!tpu.dma_semaphore, #tpu.memory_space<semaphore_mem>>) src(%arg19 : memref<64x256xf32, #tpu.memory_space<vmem>>) dst(%dma_wait3A_1173 : memref<64x256xf32, #tpu.memory_space<hbm>>)
    %add3A_1174 = arith.constant 1 : i32
    %add3A_1175 = arith.addi %mul3A_2, %add3A_1174 : i32
    %mul3A_1176 = arith.constant 128 : i32
    %mul3A_1177 = arith.muli %add3A_1175, %mul3A_1176 : i32
    %get3A_1178 = arith.constant 64 : index
    %get3A_1179 = tpu.vector_load %arg9[%get3A_1178] {strides = array<i32>} : memref<128xi32, #tpu.memory_space<vmem>>, vector<16xi32>,
    %get3A_1180 = vector.shape_cast %get3A_1179 : vector<16xi32> to vector<16xi32>
    %add3A_1181 = vector.broadcast %mul3A_1177 : i32 to vector<16xi32>
    %add3A_1182 = arith.addi %add3A_1181, %get3A_1180 : vector<16xi32>
    %swap3A_1183 = arith.constant 0 : index
    %swap3A_1184 = tpu.vector_load %arg13[%swap3A_1183] {strides = array<i32>} : memref<64xi32, #tpu.memory_space<vmem>>, vector<16xi32>,
    %swap3A_1185 = vector.shape_cast %swap3A_1184 : vector<16xi32> to vector<16xi32>
    %swap3A_1186 = vector.shape_cast %add3A_1182 : vector<16xi32> to vector<16xi32>
    tpu.vector_store %arg13[%swap3A_1183], %swap3A_1186 {strides = array<i32>} : memref<64xi32, #tpu.memory_space<vmem>>, vector<16xi32>,
    %get3A_1187 = arith.constant 80 : index
    %get3A_1188 = tpu.vector_load %arg9[%get3A_1187] {strides = array<i32>} : memref<128xi32, #tpu.memory_space<vmem>>, vector<16xi32>,
    %get3A_1189 = vector.shape_cast %get3A_1188 : vector<16xi32> to vector<16xi32>
    %add3A_1190 = vector.broadcast %mul3A_1177 : i32 to vector<16xi32>
    %add3A_1191 = arith.addi %add3A_1190, %get3A_1189 : vector<16xi32>
    %swap3A_1192 = arith.constant 16 : index
    %swap3A_1193 = tpu.vector_load %arg13[%swap3A_1192] {strides = array<i32>} : memref<64xi32, #tpu.memory_space<vmem>>, vector<16xi32>,
    %swap3A_1194 = vector.shape_cast %swap3A_1193 : vector<16xi32> to vector<16xi32>
    %swap3A_1195 = vector.shape_cast %add3A_1191 : vector<16xi32> to vector<16xi32>
    tpu.vector_store %arg13[%swap3A_1192], %swap3A_1195 {strides = array<i32>} : memref<64xi32, #tpu.memory_space<vmem>>, vector<16xi32>,
    %get3A_1196 = arith.constant 96 : index
    %get3A_1197 = tpu.vector_load %arg9[%get3A_1196] {strides = array<i32>} : memref<128xi32, #tpu.memory_space<vmem>>, vector<16xi32>,
    %get3A_1198 = vector.shape_cast %get3A_1197 : vector<16xi32> to vector<16xi32>
    %add3A_1199 = vector.broadcast %mul3A_1177 : i32 to vector<16xi32>
    %add3A_1200 = arith.addi %add3A_1199, %get3A_1198 : vector<16xi32>
    %swap3A_1201 = arith.constant 32 : index
    %swap3A_1202 = tpu.vector_load %arg13[%swap3A_1201] {strides = array<i32>} : memref<64xi32, #tpu.memory_space<vmem>>, vector<16xi32>,
    %swap3A_1203 = vector.shape_cast %swap3A_1202 : vector<16xi32> to vector<16xi32>
    %swap3A_1204 = vector.shape_cast %add3A_1200 : vector<16xi32> to vector<16xi32>
    tpu.vector_store %arg13[%swap3A_1201], %swap3A_1204 {strides = array<i32>} : memref<64xi32, #tpu.memory_space<vmem>>, vector<16xi32>,
    %get3A_1205 = arith.constant 112 : index
    %get3A_1206 = tpu.vector_load %arg9[%get3A_1205] {strides = array<i32>} : memref<128xi32, #tpu.memory_space<vmem>>, vector<16xi32>,
    %get3A_1207 = vector.shape_cast %get3A_1206 : vector<16xi32> to vector<16xi32>
    %add3A_1208 = vector.broadcast %mul3A_1177 : i32 to vector<16xi32>
    %add3A_1209 = arith.addi %add3A_1208, %get3A_1207 : vector<16xi32>
    %swap3A_1210 = arith.constant 48 : index
    %swap3A_1211 = tpu.vector_load %arg13[%swap3A_1210] {strides = array<i32>} : memref<64xi32, #tpu.memory_space<vmem>>, vector<16xi32>,
    %swap3A_1212 = vector.shape_cast %swap3A_1211 : vector<16xi32> to vector<16xi32>
    %swap3A_1213 = vector.shape_cast %add3A_1209 : vector<16xi32> to vector<16xi32>
    tpu.vector_store %arg13[%swap3A_1210], %swap3A_1213 {strides = array<i32>} : memref<64xi32, #tpu.memory_space<vmem>>, vector<16xi32>,
    %dma_start3A_1214 = arith.constant 0 : i32
    %dma_start3A_1215 = arith.constant 0 : i32
    %dma_start3A_1216 = tpu.memref_slice %arg3[%dma_start3A_1214, %dma_start3A_1215] : memref<36864x256xf32, #tpu.memory_space<hbm>> -> memref<36864x256xf32, #tpu.memory_space<hbm>>
    tpu.enqueue_indirect_dma source(%dma_start3A_1216 : memref<36864x256xf32, #tpu.memory_space<hbm>>) target(%arg19 : memref<64x256xf32, #tpu.memory_space<vmem>>) offsets(%arg13 : memref<64xi32, #tpu.memory_space<vmem>>) semaphore(%arg25 : memref<!tpu.dma_semaphore, #tpu.memory_space<semaphore_mem>>)
    %dma_wait3A_1217 = arith.constant 0 : i32
    %dma_wait3A_1218 = arith.constant 0 : i32
    %dma_wait3A_1219 = tpu.memref_slice %arg2[%dma_wait3A_1217, %dma_wait3A_1218] : memref<36864x256xf32, #tpu.memory_space<hbm>> -> memref<36864x256xf32, #tpu.memory_space<hbm>>
    tpu.wait_indirect_dma semaphore(%arg26 : memref<!tpu.dma_semaphore, #tpu.memory_space<semaphore_mem>>) src(%dma_wait3A_1219 : memref<36864x256xf32, #tpu.memory_space<hbm>>) dst(%arg20 : memref<64x256xf32, #tpu.memory_space<vmem>>)
    %add3A_1220 = arith.constant 8 : i32
    %add3A_1221 = arith.addi %mul3A_2, %add3A_1220 : i32
    %mul3A_1222 = arith.constant 128 : i32
    %mul3A_1223 = arith.muli %add3A_1221, %mul3A_1222 : i32
    %add3A_1224 = arith.constant 0 : i32
    %add3A_1225 = arith.addi %mul3A_1223, %add3A_1224 : i32
    %dma_start3A_1226 = arith.constant 0 : i32
    %dma_start3A_1227 = tpu.memref_slice %arg6[%add3A_1225, %dma_start3A_1226] : memref<36864x256xf32, #tpu.memory_space<hbm>> -> memref<64x256xf32, #tpu.memory_space<hbm>>
    %dma_start3A_1228 = arith.constant 0 : i32
    %dma_start3A_1229 = tpu.memref_slice %arg6[%add3A_1225, %dma_start3A_1228] : memref<36864x256xf32, #tpu.memory_space<hbm>> -> memref<64x256xf32, #tpu.memory_space<hbm>>
    tpu.enqueue_dma source(%arg20 : memref<64x256xf32, #tpu.memory_space<vmem>>) target(%dma_start3A_1229 : memref<64x256xf32, #tpu.memory_space<hbm>>) target_semaphore(%arg32 : memref<!tpu.dma_semaphore, #tpu.memory_space<semaphore_mem>>)
    %dma_wait3A_1230 = arith.constant 0 : i32
    %dma_wait3A_1231 = tpu.memref_slice %arg6[%add3A_1225, %dma_wait3A_1230] : memref<36864x256xf32, #tpu.memory_space<hbm>> -> memref<64x256xf32, #tpu.memory_space<hbm>>
    %dma_wait3A_1232 = arith.constant 0 : i32
    %dma_wait3A_1233 = tpu.memref_slice %arg6[%add3A_1225, %dma_wait3A_1232] : memref<36864x256xf32, #tpu.memory_space<hbm>> -> memref<64x256xf32, #tpu.memory_space<hbm>>
    tpu.wait_dma2 semaphore(%arg32 : memref<!tpu.dma_semaphore, #tpu.memory_space<semaphore_mem>>) src(%arg20 : memref<64x256xf32, #tpu.memory_space<vmem>>) dst(%dma_wait3A_1233 : memref<64x256xf32, #tpu.memory_space<hbm>>)
    %add3A_1234 = arith.constant 2 : i32
    %add3A_1235 = arith.addi %mul3A_2, %add3A_1234 : i32
    %mul3A_1236 = arith.constant 128 : i32
    %mul3A_1237 = arith.muli %add3A_1235, %mul3A_1236 : i32
    %get3A_1238 = arith.constant 0 : index
    %get3A_1239 = tpu.vector_load %arg9[%get3A_1238] {strides = array<i32>} : memref<128xi32, #tpu.memory_space<vmem>>, vector<16xi32>,
    %get3A_1240 = vector.shape_cast %get3A_1239 : vector<16xi32> to vector<16xi32>
    %add3A_1241 = vector.broadcast %mul3A_1237 : i32 to vector<16xi32>
    %add3A_1242 = arith.addi %add3A_1241, %get3A_1240 : vector<16xi32>
    %swap3A_1243 = arith.constant 0 : index
    %swap3A_1244 = tpu.vector_load %arg14[%swap3A_1243] {strides = array<i32>} : memref<64xi32, #tpu.memory_space<vmem>>, vector<16xi32>,
    %swap3A_1245 = vector.shape_cast %swap3A_1244 : vector<16xi32> to vector<16xi32>
    %swap3A_1246 = vector.shape_cast %add3A_1242 : vector<16xi32> to vector<16xi32>
    tpu.vector_store %arg14[%swap3A_1243], %swap3A_1246 {strides = array<i32>} : memref<64xi32, #tpu.memory_space<vmem>>, vector<16xi32>,
    %get3A_1247 = arith.constant 16 : index
    %get3A_1248 = tpu.vector_load %arg9[%get3A_1247] {strides = array<i32>} : memref<128xi32, #tpu.memory_space<vmem>>, vector<16xi32>,
    %get3A_1249 = vector.shape_cast %get3A_1248 : vector<16xi32> to vector<16xi32>
    %add3A_1250 = vector.broadcast %mul3A_1237 : i32 to vector<16xi32>
    %add3A_1251 = arith.addi %add3A_1250, %get3A_1249 : vector<16xi32>
    %swap3A_1252 = arith.constant 16 : index
    %swap3A_1253 = tpu.vector_load %arg14[%swap3A_1252] {strides = array<i32>} : memref<64xi32, #tpu.memory_space<vmem>>, vector<16xi32>,
    %swap3A_1254 = vector.shape_cast %swap3A_1253 : vector<16xi32> to vector<16xi32>
    %swap3A_1255 = vector.shape_cast %add3A_1251 : vector<16xi32> to vector<16xi32>
    tpu.vector_store %arg14[%swap3A_1252], %swap3A_1255 {strides = array<i32>} : memref<64xi32, #tpu.memory_space<vmem>>, vector<16xi32>,
    %get3A_1256 = arith.constant 32 : index
    %get3A_1257 = tpu.vector_load %arg9[%get3A_1256] {strides = array<i32>} : memref<128xi32, #tpu.memory_space<vmem>>, vector<16xi32>,
    %get3A_1258 = vector.shape_cast %get3A_1257 : vector<16xi32> to vector<16xi32>
    %add3A_1259 = vector.broadcast %mul3A_1237 : i32 to vector<16xi32>
    %add3A_1260 = arith.addi %add3A_1259, %get3A_1258 : vector<16xi32>
    %swap3A_1261 = arith.constant 32 : index
    %swap3A_1262 = tpu.vector_load %arg14[%swap3A_1261] {strides = array<i32>} : memref<64xi32, #tpu.memory_space<vmem>>, vector<16xi32>,
    %swap3A_1263 = vector.shape_cast %swap3A_1262 : vector<16xi32> to vector<16xi32>
    %swap3A_1264 = vector.shape_cast %add3A_1260 : vector<16xi32> to vector<16xi32>
    tpu.vector_store %arg14[%swap3A_1261], %swap3A_1264 {strides = array<i32>} : memref<64xi32, #tpu.memory_space<vmem>>, vector<16xi32>,
    %get3A_1265 = arith.constant 48 : index
    %get3A_1266 = tpu.vector_load %arg9[%get3A_1265] {strides = array<i32>} : memref<128xi32, #tpu.memory_space<vmem>>, vector<16xi32>,
    %get3A_1267 = vector.shape_cast %get3A_1266 : vector<16xi32> to vector<16xi32>
    %add3A_1268 = vector.broadcast %mul3A_1237 : i32 to vector<16xi32>
    %add3A_1269 = arith.addi %add3A_1268, %get3A_1267 : vector<16xi32>
    %swap3A_1270 = arith.constant 48 : index
    %swap3A_1271 = tpu.vector_load %arg14[%swap3A_1270] {strides = array<i32>} : memref<64xi32, #tpu.memory_space<vmem>>, vector<16xi32>,
    %swap3A_1272 = vector.shape_cast %swap3A_1271 : vector<16xi32> to vector<16xi32>
    %swap3A_1273 = vector.shape_cast %add3A_1269 : vector<16xi32> to vector<16xi32>
    tpu.vector_store %arg14[%swap3A_1270], %swap3A_1273 {strides = array<i32>} : memref<64xi32, #tpu.memory_space<vmem>>, vector<16xi32>,
    %dma_start3A_1274 = arith.constant 0 : i32
    %dma_start3A_1275 = arith.constant 0 : i32
    %dma_start3A_1276 = tpu.memref_slice %arg3[%dma_start3A_1274, %dma_start3A_1275] : memref<36864x256xf32, #tpu.memory_space<hbm>> -> memref<36864x256xf32, #tpu.memory_space<hbm>>
    tpu.enqueue_indirect_dma source(%dma_start3A_1276 : memref<36864x256xf32, #tpu.memory_space<hbm>>) target(%arg20 : memref<64x256xf32, #tpu.memory_space<vmem>>) offsets(%arg14 : memref<64xi32, #tpu.memory_space<vmem>>) semaphore(%arg26 : memref<!tpu.dma_semaphore, #tpu.memory_space<semaphore_mem>>)
    %dma_wait3A_1277 = arith.constant 0 : i32
    %dma_wait3A_1278 = arith.constant 0 : i32
    %dma_wait3A_1279 = tpu.memref_slice %arg2[%dma_wait3A_1277, %dma_wait3A_1278] : memref<36864x256xf32, #tpu.memory_space<hbm>> -> memref<36864x256xf32, #tpu.memory_space<hbm>>
    tpu.wait_indirect_dma semaphore(%arg27 : memref<!tpu.dma_semaphore, #tpu.memory_space<semaphore_mem>>) src(%dma_wait3A_1279 : memref<36864x256xf32, #tpu.memory_space<hbm>>) dst(%arg21 : memref<64x256xf32, #tpu.memory_space<vmem>>)
    %add3A_1280 = arith.constant 8 : i32
    %add3A_1281 = arith.addi %mul3A_2, %add3A_1280 : i32
    %mul3A_1282 = arith.constant 128 : i32
    %mul3A_1283 = arith.muli %add3A_1281, %mul3A_1282 : i32
    %add3A_1284 = arith.constant 64 : i32
    %add3A_1285 = arith.addi %mul3A_1283, %add3A_1284 : i32
    %dma_start3A_1286 = arith.constant 0 : i32
    %dma_start3A_1287 = tpu.memref_slice %arg6[%add3A_1285, %dma_start3A_1286] : memref<36864x256xf32, #tpu.memory_space<hbm>> -> memref<64x256xf32, #tpu.memory_space<hbm>>
    %dma_start3A_1288 = arith.constant 0 : i32
    %dma_start3A_1289 = tpu.memref_slice %arg6[%add3A_1285, %dma_start3A_1288] : memref<36864x256xf32, #tpu.memory_space<hbm>> -> memref<64x256xf32, #tpu.memory_space<hbm>>
    tpu.enqueue_dma source(%arg21 : memref<64x256xf32, #tpu.memory_space<vmem>>) target(%dma_start3A_1289 : memref<64x256xf32, #tpu.memory_space<hbm>>) target_semaphore(%arg33 : memref<!tpu.dma_semaphore, #tpu.memory_space<semaphore_mem>>)
    %dma_wait3A_1290 = arith.constant 0 : i32
    %dma_wait3A_1291 = tpu.memref_slice %arg6[%add3A_1285, %dma_wait3A_1290] : memref<36864x256xf32, #tpu.memory_space<hbm>> -> memref<64x256xf32, #tpu.memory_space<hbm>>
    %dma_wait3A_1292 = arith.constant 0 : i32
    %dma_wait3A_1293 = tpu.memref_slice %arg6[%add3A_1285, %dma_wait3A_1292] : memref<36864x256xf32, #tpu.memory_space<hbm>> -> memref<64x256xf32, #tpu.memory_space<hbm>>
    tpu.wait_dma2 semaphore(%arg33 : memref<!tpu.dma_semaphore, #tpu.memory_space<semaphore_mem>>) src(%arg21 : memref<64x256xf32, #tpu.memory_space<vmem>>) dst(%dma_wait3A_1293 : memref<64x256xf32, #tpu.memory_space<hbm>>)
    %add3A_1294 = arith.constant 2 : i32
    %add3A_1295 = arith.addi %mul3A_2, %add3A_1294 : i32
    %mul3A_1296 = arith.constant 128 : i32
    %mul3A_1297 = arith.muli %add3A_1295, %mul3A_1296 : i32
    %get3A_1298 = arith.constant 64 : index
    %get3A_1299 = tpu.vector_load %arg9[%get3A_1298] {strides = array<i32>} : memref<128xi32, #tpu.memory_space<vmem>>, vector<16xi32>,
    %get3A_1300 = vector.shape_cast %get3A_1299 : vector<16xi32> to vector<16xi32>
    %add3A_1301 = vector.broadcast %mul3A_1297 : i32 to vector<16xi32>
    %add3A_1302 = arith.addi %add3A_1301, %get3A_1300 : vector<16xi32>
    %swap3A_1303 = arith.constant 0 : index
    %swap3A_1304 = tpu.vector_load %arg15[%swap3A_1303] {strides = array<i32>} : memref<64xi32, #tpu.memory_space<vmem>>, vector<16xi32>,
    %swap3A_1305 = vector.shape_cast %swap3A_1304 : vector<16xi32> to vector<16xi32>
    %swap3A_1306 = vector.shape_cast %add3A_1302 : vector<16xi32> to vector<16xi32>
    tpu.vector_store %arg15[%swap3A_1303], %swap3A_1306 {strides = array<i32>} : memref<64xi32, #tpu.memory_space<vmem>>, vector<16xi32>,
    %get3A_1307 = arith.constant 80 : index
    %get3A_1308 = tpu.vector_load %arg9[%get3A_1307] {strides = array<i32>} : memref<128xi32, #tpu.memory_space<vmem>>, vector<16xi32>,
    %get3A_1309 = vector.shape_cast %get3A_1308 : vector<16xi32> to vector<16xi32>
    %add3A_1310 = vector.broadcast %mul3A_1297 : i32 to vector<16xi32>
    %add3A_1311 = arith.addi %add3A_1310, %get3A_1309 : vector<16xi32>
    %swap3A_1312 = arith.constant 16 : index
    %swap3A_1313 = tpu.vector_load %arg15[%swap3A_1312] {strides = array<i32>} : memref<64xi32, #tpu.memory_space<vmem>>, vector<16xi32>,
    %swap3A_1314 = vector.shape_cast %swap3A_1313 : vector<16xi32> to vector<16xi32>
    %swap3A_1315 = vector.shape_cast %add3A_1311 : vector<16xi32> to vector<16xi32>
    tpu.vector_store %arg15[%swap3A_1312], %swap3A_1315 {strides = array<i32>} : memref<64xi32, #tpu.memory_space<vmem>>, vector<16xi32>,
    %get3A_1316 = arith.constant 96 : index
    %get3A_1317 = tpu.vector_load %arg9[%get3A_1316] {strides = array<i32>} : memref<128xi32, #tpu.memory_space<vmem>>, vector<16xi32>,
    %get3A_1318 = vector.shape_cast %get3A_1317 : vector<16xi32> to vector<16xi32>
    %add3A_1319 = vector.broadcast %mul3A_1297 : i32 to vector<16xi32>
    %add3A_1320 = arith.addi %add3A_1319, %get3A_1318 : vector<16xi32>
    %swap3A_1321 = arith.constant 32 : index
    %swap3A_1322 = tpu.vector_load %arg15[%swap3A_1321] {strides = array<i32>} : memref<64xi32, #tpu.memory_space<vmem>>, vector<16xi32>,
    %swap3A_1323 = vector.shape_cast %swap3A_1322 : vector<16xi32> to vector<16xi32>
    %swap3A_1324 = vector.shape_cast %add3A_1320 : vector<16xi32> to vector<16xi32>
    tpu.vector_store %arg15[%swap3A_1321], %swap3A_1324 {strides = array<i32>} : memref<64xi32, #tpu.memory_space<vmem>>, vector<16xi32>,
    %get3A_1325 = arith.constant 112 : index
    %get3A_1326 = tpu.vector_load %arg9[%get3A_1325] {strides = array<i32>} : memref<128xi32, #tpu.memory_space<vmem>>, vector<16xi32>,
    %get3A_1327 = vector.shape_cast %get3A_1326 : vector<16xi32> to vector<16xi32>
    %add3A_1328 = vector.broadcast %mul3A_1297 : i32 to vector<16xi32>
    %add3A_1329 = arith.addi %add3A_1328, %get3A_1327 : vector<16xi32>
    %swap3A_1330 = arith.constant 48 : index
    %swap3A_1331 = tpu.vector_load %arg15[%swap3A_1330] {strides = array<i32>} : memref<64xi32, #tpu.memory_space<vmem>>, vector<16xi32>,
    %swap3A_1332 = vector.shape_cast %swap3A_1331 : vector<16xi32> to vector<16xi32>
    %swap3A_1333 = vector.shape_cast %add3A_1329 : vector<16xi32> to vector<16xi32>
    tpu.vector_store %arg15[%swap3A_1330], %swap3A_1333 {strides = array<i32>} : memref<64xi32, #tpu.memory_space<vmem>>, vector<16xi32>,
    %dma_start3A_1334 = arith.constant 0 : i32
    %dma_start3A_1335 = arith.constant 0 : i32
    %dma_start3A_1336 = tpu.memref_slice %arg3[%dma_start3A_1334, %dma_start3A_1335] : memref<36864x256xf32, #tpu.memory_space<hbm>> -> memref<36864x256xf32, #tpu.memory_space<hbm>>
    tpu.enqueue_indirect_dma source(%dma_start3A_1336 : memref<36864x256xf32, #tpu.memory_space<hbm>>) target(%arg21 : memref<64x256xf32, #tpu.memory_space<vmem>>) offsets(%arg15 : memref<64xi32, #tpu.memory_space<vmem>>) semaphore(%arg27 : memref<!tpu.dma_semaphore, #tpu.memory_space<semaphore_mem>>)
    %dma_wait3A_1337 = arith.constant 0 : i32
    %dma_wait3A_1338 = arith.constant 0 : i32
    %dma_wait3A_1339 = tpu.memref_slice %arg3[%dma_wait3A_1337, %dma_wait3A_1338] : memref<36864x256xf32, #tpu.memory_space<hbm>> -> memref<36864x256xf32, #tpu.memory_space<hbm>>
    tpu.wait_indirect_dma semaphore(%arg22 : memref<!tpu.dma_semaphore, #tpu.memory_space<semaphore_mem>>) src(%dma_wait3A_1339 : memref<36864x256xf32, #tpu.memory_space<hbm>>) dst(%arg16 : memref<64x256xf32, #tpu.memory_space<vmem>>)
    %add3A_1340 = arith.constant 0 : i32
    %add3A_1341 = arith.addi %mul3A_2, %add3A_1340 : i32
    %mul3A_1342 = arith.constant 128 : i32
    %mul3A_1343 = arith.muli %add3A_1341, %mul3A_1342 : i32
    %add3A_1344 = arith.constant 0 : i32
    %add3A_1345 = arith.addi %mul3A_1343, %add3A_1344 : i32
    %dma_start3A_1346 = arith.constant 0 : i32
    %dma_start3A_1347 = tpu.memref_slice %arg7[%add3A_1345, %dma_start3A_1346] : memref<36864x256xf32, #tpu.memory_space<hbm>> -> memref<64x256xf32, #tpu.memory_space<hbm>>
    %dma_start3A_1348 = arith.constant 0 : i32
    %dma_start3A_1349 = tpu.memref_slice %arg7[%add3A_1345, %dma_start3A_1348] : memref<36864x256xf32, #tpu.memory_space<hbm>> -> memref<64x256xf32, #tpu.memory_space<hbm>>
    tpu.enqueue_dma source(%arg16 : memref<64x256xf32, #tpu.memory_space<vmem>>) target(%dma_start3A_1349 : memref<64x256xf32, #tpu.memory_space<hbm>>) target_semaphore(%arg28 : memref<!tpu.dma_semaphore, #tpu.memory_space<semaphore_mem>>)
    %dma_wait3A_1350 = arith.constant 0 : i32
    %dma_wait3A_1351 = tpu.memref_slice %arg7[%add3A_1345, %dma_wait3A_1350] : memref<36864x256xf32, #tpu.memory_space<hbm>> -> memref<64x256xf32, #tpu.memory_space<hbm>>
    %dma_wait3A_1352 = arith.constant 0 : i32
    %dma_wait3A_1353 = tpu.memref_slice %arg7[%add3A_1345, %dma_wait3A_1352] : memref<36864x256xf32, #tpu.memory_space<hbm>> -> memref<64x256xf32, #tpu.memory_space<hbm>>
    tpu.wait_dma2 semaphore(%arg28 : memref<!tpu.dma_semaphore, #tpu.memory_space<semaphore_mem>>) src(%arg16 : memref<64x256xf32, #tpu.memory_space<vmem>>) dst(%dma_wait3A_1353 : memref<64x256xf32, #tpu.memory_space<hbm>>)
    %add3A_1354 = arith.constant 3 : i32
    %add3A_1355 = arith.addi %mul3A_2, %add3A_1354 : i32
    %mul3A_1356 = arith.constant 128 : i32
    %mul3A_1357 = arith.muli %add3A_1355, %mul3A_1356 : i32
    %get3A_1358 = arith.constant 0 : index
    %get3A_1359 = tpu.vector_load %arg9[%get3A_1358] {strides = array<i32>} : memref<128xi32, #tpu.memory_space<vmem>>, vector<16xi32>,
    %get3A_1360 = vector.shape_cast %get3A_1359 : vector<16xi32> to vector<16xi32>
    %add3A_1361 = vector.broadcast %mul3A_1357 : i32 to vector<16xi32>
    %add3A_1362 = arith.addi %add3A_1361, %get3A_1360 : vector<16xi32>
    %swap3A_1363 = arith.constant 0 : index
    %swap3A_1364 = tpu.vector_load %arg10[%swap3A_1363] {strides = array<i32>} : memref<64xi32, #tpu.memory_space<vmem>>, vector<16xi32>,
    %swap3A_1365 = vector.shape_cast %swap3A_1364 : vector<16xi32> to vector<16xi32>
    %swap3A_1366 = vector.shape_cast %add3A_1362 : vector<16xi32> to vector<16xi32>
    tpu.vector_store %arg10[%swap3A_1363], %swap3A_1366 {strides = array<i32>} : memref<64xi32, #tpu.memory_space<vmem>>, vector<16xi32>,
    %get3A_1367 = arith.constant 16 : index
    %get3A_1368 = tpu.vector_load %arg9[%get3A_1367] {strides = array<i32>} : memref<128xi32, #tpu.memory_space<vmem>>, vector<16xi32>,
    %get3A_1369 = vector.shape_cast %get3A_1368 : vector<16xi32> to vector<16xi32>
    %add3A_1370 = vector.broadcast %mul3A_1357 : i32 to vector<16xi32>
    %add3A_1371 = arith.addi %add3A_1370, %get3A_1369 : vector<16xi32>
    %swap3A_1372 = arith.constant 16 : index
    %swap3A_1373 = tpu.vector_load %arg10[%swap3A_1372] {strides = array<i32>} : memref<64xi32, #tpu.memory_space<vmem>>, vector<16xi32>,
    %swap3A_1374 = vector.shape_cast %swap3A_1373 : vector<16xi32> to vector<16xi32>
    %swap3A_1375 = vector.shape_cast %add3A_1371 : vector<16xi32> to vector<16xi32>
    tpu.vector_store %arg10[%swap3A_1372], %swap3A_1375 {strides = array<i32>} : memref<64xi32, #tpu.memory_space<vmem>>, vector<16xi32>,
    %get3A_1376 = arith.constant 32 : index
    %get3A_1377 = tpu.vector_load %arg9[%get3A_1376] {strides = array<i32>} : memref<128xi32, #tpu.memory_space<vmem>>, vector<16xi32>,
    %get3A_1378 = vector.shape_cast %get3A_1377 : vector<16xi32> to vector<16xi32>
    %add3A_1379 = vector.broadcast %mul3A_1357 : i32 to vector<16xi32>
    %add3A_1380 = arith.addi %add3A_1379, %get3A_1378 : vector<16xi32>
    %swap3A_1381 = arith.constant 32 : index
    %swap3A_1382 = tpu.vector_load %arg10[%swap3A_1381] {strides = array<i32>} : memref<64xi32, #tpu.memory_space<vmem>>, vector<16xi32>,
    %swap3A_1383 = vector.shape_cast %swap3A_1382 : vector<16xi32> to vector<16xi32>
    %swap3A_1384 = vector.shape_cast %add3A_1380 : vector<16xi32> to vector<16xi32>
    tpu.vector_store %arg10[%swap3A_1381], %swap3A_1384 {strides = array<i32>} : memref<64xi32, #tpu.memory_space<vmem>>, vector<16xi32>,
    %get3A_1385 = arith.constant 48 : index
    %get3A_1386 = tpu.vector_load %arg9[%get3A_1385] {strides = array<i32>} : memref<128xi32, #tpu.memory_space<vmem>>, vector<16xi32>,
    %get3A_1387 = vector.shape_cast %get3A_1386 : vector<16xi32> to vector<16xi32>
    %add3A_1388 = vector.broadcast %mul3A_1357 : i32 to vector<16xi32>
    %add3A_1389 = arith.addi %add3A_1388, %get3A_1387 : vector<16xi32>
    %swap3A_1390 = arith.constant 48 : index
    %swap3A_1391 = tpu.vector_load %arg10[%swap3A_1390] {strides = array<i32>} : memref<64xi32, #tpu.memory_space<vmem>>, vector<16xi32>,
    %swap3A_1392 = vector.shape_cast %swap3A_1391 : vector<16xi32> to vector<16xi32>
    %swap3A_1393 = vector.shape_cast %add3A_1389 : vector<16xi32> to vector<16xi32>
    tpu.vector_store %arg10[%swap3A_1390], %swap3A_1393 {strides = array<i32>} : memref<64xi32, #tpu.memory_space<vmem>>, vector<16xi32>,
    %dma_start3A_1394 = arith.constant 0 : i32
    %dma_start3A_1395 = arith.constant 0 : i32
    %dma_start3A_1396 = tpu.memref_slice %arg3[%dma_start3A_1394, %dma_start3A_1395] : memref<36864x256xf32, #tpu.memory_space<hbm>> -> memref<36864x256xf32, #tpu.memory_space<hbm>>
    tpu.enqueue_indirect_dma source(%dma_start3A_1396 : memref<36864x256xf32, #tpu.memory_space<hbm>>) target(%arg16 : memref<64x256xf32, #tpu.memory_space<vmem>>) offsets(%arg10 : memref<64xi32, #tpu.memory_space<vmem>>) semaphore(%arg22 : memref<!tpu.dma_semaphore, #tpu.memory_space<semaphore_mem>>)
    %dma_wait3A_1397 = arith.constant 0 : i32
    %dma_wait3A_1398 = arith.constant 0 : i32
    %dma_wait3A_1399 = tpu.memref_slice %arg3[%dma_wait3A_1397, %dma_wait3A_1398] : memref<36864x256xf32, #tpu.memory_space<hbm>> -> memref<36864x256xf32, #tpu.memory_space<hbm>>
    tpu.wait_indirect_dma semaphore(%arg23 : memref<!tpu.dma_semaphore, #tpu.memory_space<semaphore_mem>>) src(%dma_wait3A_1399 : memref<36864x256xf32, #tpu.memory_space<hbm>>) dst(%arg17 : memref<64x256xf32, #tpu.memory_space<vmem>>)
    %add3A_1400 = arith.constant 0 : i32
    %add3A_1401 = arith.addi %mul3A_2, %add3A_1400 : i32
    %mul3A_1402 = arith.constant 128 : i32
    %mul3A_1403 = arith.muli %add3A_1401, %mul3A_1402 : i32
    %add3A_1404 = arith.constant 64 : i32
    %add3A_1405 = arith.addi %mul3A_1403, %add3A_1404 : i32
    %dma_start3A_1406 = arith.constant 0 : i32
    %dma_start3A_1407 = tpu.memref_slice %arg7[%add3A_1405, %dma_start3A_1406] : memref<36864x256xf32, #tpu.memory_space<hbm>> -> memref<64x256xf32, #tpu.memory_space<hbm>>
    %dma_start3A_1408 = arith.constant 0 : i32
    %dma_start3A_1409 = tpu.memref_slice %arg7[%add3A_1405, %dma_start3A_1408] : memref<36864x256xf32, #tpu.memory_space<hbm>> -> memref<64x256xf32, #tpu.memory_space<hbm>>
    tpu.enqueue_dma source(%arg17 : memref<64x256xf32, #tpu.memory_space<vmem>>) target(%dma_start3A_1409 : memref<64x256xf32, #tpu.memory_space<hbm>>) target_semaphore(%arg29 : memref<!tpu.dma_semaphore, #tpu.memory_space<semaphore_mem>>)
    %dma_wait3A_1410 = arith.constant 0 : i32
    %dma_wait3A_1411 = tpu.memref_slice %arg7[%add3A_1405, %dma_wait3A_1410] : memref<36864x256xf32, #tpu.memory_space<hbm>> -> memref<64x256xf32, #tpu.memory_space<hbm>>
    %dma_wait3A_1412 = arith.constant 0 : i32
    %dma_wait3A_1413 = tpu.memref_slice %arg7[%add3A_1405, %dma_wait3A_1412] : memref<36864x256xf32, #tpu.memory_space<hbm>> -> memref<64x256xf32, #tpu.memory_space<hbm>>
    tpu.wait_dma2 semaphore(%arg29 : memref<!tpu.dma_semaphore, #tpu.memory_space<semaphore_mem>>) src(%arg17 : memref<64x256xf32, #tpu.memory_space<vmem>>) dst(%dma_wait3A_1413 : memref<64x256xf32, #tpu.memory_space<hbm>>)
    %add3A_1414 = arith.constant 3 : i32
    %add3A_1415 = arith.addi %mul3A_2, %add3A_1414 : i32
    %mul3A_1416 = arith.constant 128 : i32
    %mul3A_1417 = arith.muli %add3A_1415, %mul3A_1416 : i32
    %get3A_1418 = arith.constant 64 : index
    %get3A_1419 = tpu.vector_load %arg9[%get3A_1418] {strides = array<i32>} : memref<128xi32, #tpu.memory_space<vmem>>, vector<16xi32>,
    %get3A_1420 = vector.shape_cast %get3A_1419 : vector<16xi32> to vector<16xi32>
    %add3A_1421 = vector.broadcast %mul3A_1417 : i32 to vector<16xi32>
    %add3A_1422 = arith.addi %add3A_1421, %get3A_1420 : vector<16xi32>
    %swap3A_1423 = arith.constant 0 : index
    %swap3A_1424 = tpu.vector_load %arg11[%swap3A_1423] {strides = array<i32>} : memref<64xi32, #tpu.memory_space<vmem>>, vector<16xi32>,
    %swap3A_1425 = vector.shape_cast %swap3A_1424 : vector<16xi32> to vector<16xi32>
    %swap3A_1426 = vector.shape_cast %add3A_1422 : vector<16xi32> to vector<16xi32>
    tpu.vector_store %arg11[%swap3A_1423], %swap3A_1426 {strides = array<i32>} : memref<64xi32, #tpu.memory_space<vmem>>, vector<16xi32>,
    %get3A_1427 = arith.constant 80 : index
    %get3A_1428 = tpu.vector_load %arg9[%get3A_1427] {strides = array<i32>} : memref<128xi32, #tpu.memory_space<vmem>>, vector<16xi32>,
    %get3A_1429 = vector.shape_cast %get3A_1428 : vector<16xi32> to vector<16xi32>
    %add3A_1430 = vector.broadcast %mul3A_1417 : i32 to vector<16xi32>
    %add3A_1431 = arith.addi %add3A_1430, %get3A_1429 : vector<16xi32>
    %swap3A_1432 = arith.constant 16 : index
    %swap3A_1433 = tpu.vector_load %arg11[%swap3A_1432] {strides = array<i32>} : memref<64xi32, #tpu.memory_space<vmem>>, vector<16xi32>,
    %swap3A_1434 = vector.shape_cast %swap3A_1433 : vector<16xi32> to vector<16xi32>
    %swap3A_1435 = vector.shape_cast %add3A_1431 : vector<16xi32> to vector<16xi32>
    tpu.vector_store %arg11[%swap3A_1432], %swap3A_1435 {strides = array<i32>} : memref<64xi32, #tpu.memory_space<vmem>>, vector<16xi32>,
    %get3A_1436 = arith.constant 96 : index
    %get3A_1437 = tpu.vector_load %arg9[%get3A_1436] {strides = array<i32>} : memref<128xi32, #tpu.memory_space<vmem>>, vector<16xi32>,
    %get3A_1438 = vector.shape_cast %get3A_1437 : vector<16xi32> to vector<16xi32>
    %add3A_1439 = vector.broadcast %mul3A_1417 : i32 to vector<16xi32>
    %add3A_1440 = arith.addi %add3A_1439, %get3A_1438 : vector<16xi32>
    %swap3A_1441 = arith.constant 32 : index
    %swap3A_1442 = tpu.vector_load %arg11[%swap3A_1441] {strides = array<i32>} : memref<64xi32, #tpu.memory_space<vmem>>, vector<16xi32>,
    %swap3A_1443 = vector.shape_cast %swap3A_1442 : vector<16xi32> to vector<16xi32>
    %swap3A_1444 = vector.shape_cast %add3A_1440 : vector<16xi32> to vector<16xi32>
    tpu.vector_store %arg11[%swap3A_1441], %swap3A_1444 {strides = array<i32>} : memref<64xi32, #tpu.memory_space<vmem>>, vector<16xi32>,
    %get3A_1445 = arith.constant 112 : index
    %get3A_1446 = tpu.vector_load %arg9[%get3A_1445] {strides = array<i32>} : memref<128xi32, #tpu.memory_space<vmem>>, vector<16xi32>,
    %get3A_1447 = vector.shape_cast %get3A_1446 : vector<16xi32> to vector<16xi32>
    %add3A_1448 = vector.broadcast %mul3A_1417 : i32 to vector<16xi32>
    %add3A_1449 = arith.addi %add3A_1448, %get3A_1447 : vector<16xi32>
    %swap3A_1450 = arith.constant 48 : index
    %swap3A_1451 = tpu.vector_load %arg11[%swap3A_1450] {strides = array<i32>} : memref<64xi32, #tpu.memory_space<vmem>>, vector<16xi32>,
    %swap3A_1452 = vector.shape_cast %swap3A_1451 : vector<16xi32> to vector<16xi32>
    %swap3A_1453 = vector.shape_cast %add3A_1449 : vector<16xi32> to vector<16xi32>
    tpu.vector_store %arg11[%swap3A_1450], %swap3A_1453 {strides = array<i32>} : memref<64xi32, #tpu.memory_space<vmem>>, vector<16xi32>,
    %dma_start3A_1454 = arith.constant 0 : i32
    %dma_start3A_1455 = arith.constant 0 : i32
    %dma_start3A_1456 = tpu.memref_slice %arg3[%dma_start3A_1454, %dma_start3A_1455] : memref<36864x256xf32, #tpu.memory_space<hbm>> -> memref<36864x256xf32, #tpu.memory_space<hbm>>
    tpu.enqueue_indirect_dma source(%dma_start3A_1456 : memref<36864x256xf32, #tpu.memory_space<hbm>>) target(%arg17 : memref<64x256xf32, #tpu.memory_space<vmem>>) offsets(%arg11 : memref<64xi32, #tpu.memory_space<vmem>>) semaphore(%arg23 : memref<!tpu.dma_semaphore, #tpu.memory_space<semaphore_mem>>)
    %dma_wait3A_1457 = arith.constant 0 : i32
    %dma_wait3A_1458 = arith.constant 0 : i32
    %dma_wait3A_1459 = tpu.memref_slice %arg3[%dma_wait3A_1457, %dma_wait3A_1458] : memref<36864x256xf32, #tpu.memory_space<hbm>> -> memref<36864x256xf32, #tpu.memory_space<hbm>>
    tpu.wait_indirect_dma semaphore(%arg24 : memref<!tpu.dma_semaphore, #tpu.memory_space<semaphore_mem>>) src(%dma_wait3A_1459 : memref<36864x256xf32, #tpu.memory_space<hbm>>) dst(%arg18 : memref<64x256xf32, #tpu.memory_space<vmem>>)
    %add3A_1460 = arith.constant 1 : i32
    %add3A_1461 = arith.addi %mul3A_2, %add3A_1460 : i32
    %mul3A_1462 = arith.constant 128 : i32
    %mul3A_1463 = arith.muli %add3A_1461, %mul3A_1462 : i32
    %add3A_1464 = arith.constant 0 : i32
    %add3A_1465 = arith.addi %mul3A_1463, %add3A_1464 : i32
    %dma_start3A_1466 = arith.constant 0 : i32
    %dma_start3A_1467 = tpu.memref_slice %arg7[%add3A_1465, %dma_start3A_1466] : memref<36864x256xf32, #tpu.memory_space<hbm>> -> memref<64x256xf32, #tpu.memory_space<hbm>>
    %dma_start3A_1468 = arith.constant 0 : i32
    %dma_start3A_1469 = tpu.memref_slice %arg7[%add3A_1465, %dma_start3A_1468] : memref<36864x256xf32, #tpu.memory_space<hbm>> -> memref<64x256xf32, #tpu.memory_space<hbm>>
    tpu.enqueue_dma source(%arg18 : memref<64x256xf32, #tpu.memory_space<vmem>>) target(%dma_start3A_1469 : memref<64x256xf32, #tpu.memory_space<hbm>>) target_semaphore(%arg30 : memref<!tpu.dma_semaphore, #tpu.memory_space<semaphore_mem>>)
    %dma_wait3A_1470 = arith.constant 0 : i32
    %dma_wait3A_1471 = tpu.memref_slice %arg7[%add3A_1465, %dma_wait3A_1470] : memref<36864x256xf32, #tpu.memory_space<hbm>> -> memref<64x256xf32, #tpu.memory_space<hbm>>
    %dma_wait3A_1472 = arith.constant 0 : i32
    %dma_wait3A_1473 = tpu.memref_slice %arg7[%add3A_1465, %dma_wait3A_1472] : memref<36864x256xf32, #tpu.memory_space<hbm>> -> memref<64x256xf32, #tpu.memory_space<hbm>>
    tpu.wait_dma2 semaphore(%arg30 : memref<!tpu.dma_semaphore, #tpu.memory_space<semaphore_mem>>) src(%arg18 : memref<64x256xf32, #tpu.memory_space<vmem>>) dst(%dma_wait3A_1473 : memref<64x256xf32, #tpu.memory_space<hbm>>)
    %add3A_1474 = arith.constant 4 : i32
    %add3A_1475 = arith.addi %mul3A_2, %add3A_1474 : i32
    %mul3A_1476 = arith.constant 128 : i32
    %mul3A_1477 = arith.muli %add3A_1475, %mul3A_1476 : i32
    %get3A_1478 = arith.constant 0 : index
    %get3A_1479 = tpu.vector_load %arg9[%get3A_1478] {strides = array<i32>} : memref<128xi32, #tpu.memory_space<vmem>>, vector<16xi32>,
    %get3A_1480 = vector.shape_cast %get3A_1479 : vector<16xi32> to vector<16xi32>
    %add3A_1481 = vector.broadcast %mul3A_1477 : i32 to vector<16xi32>
    %add3A_1482 = arith.addi %add3A_1481, %get3A_1480 : vector<16xi32>
    %swap3A_1483 = arith.constant 0 : index
    %swap3A_1484 = tpu.vector_load %arg12[%swap3A_1483] {strides = array<i32>} : memref<64xi32, #tpu.memory_space<vmem>>, vector<16xi32>,
    %swap3A_1485 = vector.shape_cast %swap3A_1484 : vector<16xi32> to vector<16xi32>
    %swap3A_1486 = vector.shape_cast %add3A_1482 : vector<16xi32> to vector<16xi32>
    tpu.vector_store %arg12[%swap3A_1483], %swap3A_1486 {strides = array<i32>} : memref<64xi32, #tpu.memory_space<vmem>>, vector<16xi32>,
    %get3A_1487 = arith.constant 16 : index
    %get3A_1488 = tpu.vector_load %arg9[%get3A_1487] {strides = array<i32>} : memref<128xi32, #tpu.memory_space<vmem>>, vector<16xi32>,
    %get3A_1489 = vector.shape_cast %get3A_1488 : vector<16xi32> to vector<16xi32>
    %add3A_1490 = vector.broadcast %mul3A_1477 : i32 to vector<16xi32>
    %add3A_1491 = arith.addi %add3A_1490, %get3A_1489 : vector<16xi32>
    %swap3A_1492 = arith.constant 16 : index
    %swap3A_1493 = tpu.vector_load %arg12[%swap3A_1492] {strides = array<i32>} : memref<64xi32, #tpu.memory_space<vmem>>, vector<16xi32>,
    %swap3A_1494 = vector.shape_cast %swap3A_1493 : vector<16xi32> to vector<16xi32>
    %swap3A_1495 = vector.shape_cast %add3A_1491 : vector<16xi32> to vector<16xi32>
    tpu.vector_store %arg12[%swap3A_1492], %swap3A_1495 {strides = array<i32>} : memref<64xi32, #tpu.memory_space<vmem>>, vector<16xi32>,
    %get3A_1496 = arith.constant 32 : index
    %get3A_1497 = tpu.vector_load %arg9[%get3A_1496] {strides = array<i32>} : memref<128xi32, #tpu.memory_space<vmem>>, vector<16xi32>,
    %get3A_1498 = vector.shape_cast %get3A_1497 : vector<16xi32> to vector<16xi32>
    %add3A_1499 = vector.broadcast %mul3A_1477 : i32 to vector<16xi32>
    %add3A_1500 = arith.addi %add3A_1499, %get3A_1498 : vector<16xi32>
    %swap3A_1501 = arith.constant 32 : index
    %swap3A_1502 = tpu.vector_load %arg12[%swap3A_1501] {strides = array<i32>} : memref<64xi32, #tpu.memory_space<vmem>>, vector<16xi32>,
    %swap3A_1503 = vector.shape_cast %swap3A_1502 : vector<16xi32> to vector<16xi32>
    %swap3A_1504 = vector.shape_cast %add3A_1500 : vector<16xi32> to vector<16xi32>
    tpu.vector_store %arg12[%swap3A_1501], %swap3A_1504 {strides = array<i32>} : memref<64xi32, #tpu.memory_space<vmem>>, vector<16xi32>,
    %get3A_1505 = arith.constant 48 : index
    %get3A_1506 = tpu.vector_load %arg9[%get3A_1505] {strides = array<i32>} : memref<128xi32, #tpu.memory_space<vmem>>, vector<16xi32>,
    %get3A_1507 = vector.shape_cast %get3A_1506 : vector<16xi32> to vector<16xi32>
    %add3A_1508 = vector.broadcast %mul3A_1477 : i32 to vector<16xi32>
    %add3A_1509 = arith.addi %add3A_1508, %get3A_1507 : vector<16xi32>
    %swap3A_1510 = arith.constant 48 : index
    %swap3A_1511 = tpu.vector_load %arg12[%swap3A_1510] {strides = array<i32>} : memref<64xi32, #tpu.memory_space<vmem>>, vector<16xi32>,
    %swap3A_1512 = vector.shape_cast %swap3A_1511 : vector<16xi32> to vector<16xi32>
    %swap3A_1513 = vector.shape_cast %add3A_1509 : vector<16xi32> to vector<16xi32>
    tpu.vector_store %arg12[%swap3A_1510], %swap3A_1513 {strides = array<i32>} : memref<64xi32, #tpu.memory_space<vmem>>, vector<16xi32>,
    %dma_start3A_1514 = arith.constant 0 : i32
    %dma_start3A_1515 = arith.constant 0 : i32
    %dma_start3A_1516 = tpu.memref_slice %arg3[%dma_start3A_1514, %dma_start3A_1515] : memref<36864x256xf32, #tpu.memory_space<hbm>> -> memref<36864x256xf32, #tpu.memory_space<hbm>>
    tpu.enqueue_indirect_dma source(%dma_start3A_1516 : memref<36864x256xf32, #tpu.memory_space<hbm>>) target(%arg18 : memref<64x256xf32, #tpu.memory_space<vmem>>) offsets(%arg12 : memref<64xi32, #tpu.memory_space<vmem>>) semaphore(%arg24 : memref<!tpu.dma_semaphore, #tpu.memory_space<semaphore_mem>>)
    %dma_wait3A_1517 = arith.constant 0 : i32
    %dma_wait3A_1518 = arith.constant 0 : i32
    %dma_wait3A_1519 = tpu.memref_slice %arg3[%dma_wait3A_1517, %dma_wait3A_1518] : memref<36864x256xf32, #tpu.memory_space<hbm>> -> memref<36864x256xf32, #tpu.memory_space<hbm>>
    tpu.wait_indirect_dma semaphore(%arg25 : memref<!tpu.dma_semaphore, #tpu.memory_space<semaphore_mem>>) src(%dma_wait3A_1519 : memref<36864x256xf32, #tpu.memory_space<hbm>>) dst(%arg19 : memref<64x256xf32, #tpu.memory_space<vmem>>)
    %add3A_1520 = arith.constant 1 : i32
    %add3A_1521 = arith.addi %mul3A_2, %add3A_1520 : i32
    %mul3A_1522 = arith.constant 128 : i32
    %mul3A_1523 = arith.muli %add3A_1521, %mul3A_1522 : i32
    %add3A_1524 = arith.constant 64 : i32
    %add3A_1525 = arith.addi %mul3A_1523, %add3A_1524 : i32
    %dma_start3A_1526 = arith.constant 0 : i32
    %dma_start3A_1527 = tpu.memref_slice %arg7[%add3A_1525, %dma_start3A_1526] : memref<36864x256xf32, #tpu.memory_space<hbm>> -> memref<64x256xf32, #tpu.memory_space<hbm>>
    %dma_start3A_1528 = arith.constant 0 : i32
    %dma_start3A_1529 = tpu.memref_slice %arg7[%add3A_1525, %dma_start3A_1528] : memref<36864x256xf32, #tpu.memory_space<hbm>> -> memref<64x256xf32, #tpu.memory_space<hbm>>
    tpu.enqueue_dma source(%arg19 : memref<64x256xf32, #tpu.memory_space<vmem>>) target(%dma_start3A_1529 : memref<64x256xf32, #tpu.memory_space<hbm>>) target_semaphore(%arg31 : memref<!tpu.dma_semaphore, #tpu.memory_space<semaphore_mem>>)
    %dma_wait3A_1530 = arith.constant 0 : i32
    %dma_wait3A_1531 = tpu.memref_slice %arg7[%add3A_1525, %dma_wait3A_1530] : memref<36864x256xf32, #tpu.memory_space<hbm>> -> memref<64x256xf32, #tpu.memory_space<hbm>>
    %dma_wait3A_1532 = arith.constant 0 : i32
    %dma_wait3A_1533 = tpu.memref_slice %arg7[%add3A_1525, %dma_wait3A_1532] : memref<36864x256xf32, #tpu.memory_space<hbm>> -> memref<64x256xf32, #tpu.memory_space<hbm>>
    tpu.wait_dma2 semaphore(%arg31 : memref<!tpu.dma_semaphore, #tpu.memory_space<semaphore_mem>>) src(%arg19 : memref<64x256xf32, #tpu.memory_space<vmem>>) dst(%dma_wait3A_1533 : memref<64x256xf32, #tpu.memory_space<hbm>>)
    %add3A_1534 = arith.constant 4 : i32
    %add3A_1535 = arith.addi %mul3A_2, %add3A_1534 : i32
    %mul3A_1536 = arith.constant 128 : i32
    %mul3A_1537 = arith.muli %add3A_1535, %mul3A_1536 : i32
    %get3A_1538 = arith.constant 64 : index
    %get3A_1539 = tpu.vector_load %arg9[%get3A_1538] {strides = array<i32>} : memref<128xi32, #tpu.memory_space<vmem>>, vector<16xi32>,
    %get3A_1540 = vector.shape_cast %get3A_1539 : vector<16xi32> to vector<16xi32>
    %add3A_1541 = vector.broadcast %mul3A_1537 : i32 to vector<16xi32>
    %add3A_1542 = arith.addi %add3A_1541, %get3A_1540 : vector<16xi32>
    %swap3A_1543 = arith.constant 0 : index
    %swap3A_1544 = tpu.vector_load %arg13[%swap3A_1543] {strides = array<i32>} : memref<64xi32, #tpu.memory_space<vmem>>, vector<16xi32>,
    %swap3A_1545 = vector.shape_cast %swap3A_1544 : vector<16xi32> to vector<16xi32>
    %swap3A_1546 = vector.shape_cast %add3A_1542 : vector<16xi32> to vector<16xi32>
    tpu.vector_store %arg13[%swap3A_1543], %swap3A_1546 {strides = array<i32>} : memref<64xi32, #tpu.memory_space<vmem>>, vector<16xi32>,
    %get3A_1547 = arith.constant 80 : index
    %get3A_1548 = tpu.vector_load %arg9[%get3A_1547] {strides = array<i32>} : memref<128xi32, #tpu.memory_space<vmem>>, vector<16xi32>,
    %get3A_1549 = vector.shape_cast %get3A_1548 : vector<16xi32> to vector<16xi32>
    %add3A_1550 = vector.broadcast %mul3A_1537 : i32 to vector<16xi32>
    %add3A_1551 = arith.addi %add3A_1550, %get3A_1549 : vector<16xi32>
    %swap3A_1552 = arith.constant 16 : index
    %swap3A_1553 = tpu.vector_load %arg13[%swap3A_1552] {strides = array<i32>} : memref<64xi32, #tpu.memory_space<vmem>>, vector<16xi32>,
    %swap3A_1554 = vector.shape_cast %swap3A_1553 : vector<16xi32> to vector<16xi32>
    %swap3A_1555 = vector.shape_cast %add3A_1551 : vector<16xi32> to vector<16xi32>
    tpu.vector_store %arg13[%swap3A_1552], %swap3A_1555 {strides = array<i32>} : memref<64xi32, #tpu.memory_space<vmem>>, vector<16xi32>,
    %get3A_1556 = arith.constant 96 : index
    %get3A_1557 = tpu.vector_load %arg9[%get3A_1556] {strides = array<i32>} : memref<128xi32, #tpu.memory_space<vmem>>, vector<16xi32>,
    %get3A_1558 = vector.shape_cast %get3A_1557 : vector<16xi32> to vector<16xi32>
    %add3A_1559 = vector.broadcast %mul3A_1537 : i32 to vector<16xi32>
    %add3A_1560 = arith.addi %add3A_1559, %get3A_1558 : vector<16xi32>
    %swap3A_1561 = arith.constant 32 : index
    %swap3A_1562 = tpu.vector_load %arg13[%swap3A_1561] {strides = array<i32>} : memref<64xi32, #tpu.memory_space<vmem>>, vector<16xi32>,
    %swap3A_1563 = vector.shape_cast %swap3A_1562 : vector<16xi32> to vector<16xi32>
    %swap3A_1564 = vector.shape_cast %add3A_1560 : vector<16xi32> to vector<16xi32>
    tpu.vector_store %arg13[%swap3A_1561], %swap3A_1564 {strides = array<i32>} : memref<64xi32, #tpu.memory_space<vmem>>, vector<16xi32>,
    %get3A_1565 = arith.constant 112 : index
    %get3A_1566 = tpu.vector_load %arg9[%get3A_1565] {strides = array<i32>} : memref<128xi32, #tpu.memory_space<vmem>>, vector<16xi32>,
    %get3A_1567 = vector.shape_cast %get3A_1566 : vector<16xi32> to vector<16xi32>
    %add3A_1568 = vector.broadcast %mul3A_1537 : i32 to vector<16xi32>
    %add3A_1569 = arith.addi %add3A_1568, %get3A_1567 : vector<16xi32>
    %swap3A_1570 = arith.constant 48 : index
    %swap3A_1571 = tpu.vector_load %arg13[%swap3A_1570] {strides = array<i32>} : memref<64xi32, #tpu.memory_space<vmem>>, vector<16xi32>,
    %swap3A_1572 = vector.shape_cast %swap3A_1571 : vector<16xi32> to vector<16xi32>
    %swap3A_1573 = vector.shape_cast %add3A_1569 : vector<16xi32> to vector<16xi32>
    tpu.vector_store %arg13[%swap3A_1570], %swap3A_1573 {strides = array<i32>} : memref<64xi32, #tpu.memory_space<vmem>>, vector<16xi32>,
    %dma_start3A_1574 = arith.constant 0 : i32
    %dma_start3A_1575 = arith.constant 0 : i32
    %dma_start3A_1576 = tpu.memref_slice %arg3[%dma_start3A_1574, %dma_start3A_1575] : memref<36864x256xf32, #tpu.memory_space<hbm>> -> memref<36864x256xf32, #tpu.memory_space<hbm>>
    tpu.enqueue_indirect_dma source(%dma_start3A_1576 : memref<36864x256xf32, #tpu.memory_space<hbm>>) target(%arg19 : memref<64x256xf32, #tpu.memory_space<vmem>>) offsets(%arg13 : memref<64xi32, #tpu.memory_space<vmem>>) semaphore(%arg25 : memref<!tpu.dma_semaphore, #tpu.memory_space<semaphore_mem>>)
    %dma_wait3A_1577 = arith.constant 0 : i32
    %dma_wait3A_1578 = arith.constant 0 : i32
    %dma_wait3A_1579 = tpu.memref_slice %arg3[%dma_wait3A_1577, %dma_wait3A_1578] : memref<36864x256xf32, #tpu.memory_space<hbm>> -> memref<36864x256xf32, #tpu.memory_space<hbm>>
    tpu.wait_indirect_dma semaphore(%arg26 : memref<!tpu.dma_semaphore, #tpu.memory_space<semaphore_mem>>) src(%dma_wait3A_1579 : memref<36864x256xf32, #tpu.memory_space<hbm>>) dst(%arg20 : memref<64x256xf32, #tpu.memory_space<vmem>>)
    %add3A_1580 = arith.constant 2 : i32
    %add3A_1581 = arith.addi %mul3A_2, %add3A_1580 : i32
    %mul3A_1582 = arith.constant 128 : i32
    %mul3A_1583 = arith.muli %add3A_1581, %mul3A_1582 : i32
    %add3A_1584 = arith.constant 0 : i32
    %add3A_1585 = arith.addi %mul3A_1583, %add3A_1584 : i32
    %dma_start3A_1586 = arith.constant 0 : i32
    %dma_start3A_1587 = tpu.memref_slice %arg7[%add3A_1585, %dma_start3A_1586] : memref<36864x256xf32, #tpu.memory_space<hbm>> -> memref<64x256xf32, #tpu.memory_space<hbm>>
    %dma_start3A_1588 = arith.constant 0 : i32
    %dma_start3A_1589 = tpu.memref_slice %arg7[%add3A_1585, %dma_start3A_1588] : memref<36864x256xf32, #tpu.memory_space<hbm>> -> memref<64x256xf32, #tpu.memory_space<hbm>>
    tpu.enqueue_dma source(%arg20 : memref<64x256xf32, #tpu.memory_space<vmem>>) target(%dma_start3A_1589 : memref<64x256xf32, #tpu.memory_space<hbm>>) target_semaphore(%arg32 : memref<!tpu.dma_semaphore, #tpu.memory_space<semaphore_mem>>)
    %dma_wait3A_1590 = arith.constant 0 : i32
    %dma_wait3A_1591 = tpu.memref_slice %arg7[%add3A_1585, %dma_wait3A_1590] : memref<36864x256xf32, #tpu.memory_space<hbm>> -> memref<64x256xf32, #tpu.memory_space<hbm>>
    %dma_wait3A_1592 = arith.constant 0 : i32
    %dma_wait3A_1593 = tpu.memref_slice %arg7[%add3A_1585, %dma_wait3A_1592] : memref<36864x256xf32, #tpu.memory_space<hbm>> -> memref<64x256xf32, #tpu.memory_space<hbm>>
    tpu.wait_dma2 semaphore(%arg32 : memref<!tpu.dma_semaphore, #tpu.memory_space<semaphore_mem>>) src(%arg20 : memref<64x256xf32, #tpu.memory_space<vmem>>) dst(%dma_wait3A_1593 : memref<64x256xf32, #tpu.memory_space<hbm>>)
    %add3A_1594 = arith.constant 5 : i32
    %add3A_1595 = arith.addi %mul3A_2, %add3A_1594 : i32
    %mul3A_1596 = arith.constant 128 : i32
    %mul3A_1597 = arith.muli %add3A_1595, %mul3A_1596 : i32
    %get3A_1598 = arith.constant 0 : index
    %get3A_1599 = tpu.vector_load %arg9[%get3A_1598] {strides = array<i32>} : memref<128xi32, #tpu.memory_space<vmem>>, vector<16xi32>,
    %get3A_1600 = vector.shape_cast %get3A_1599 : vector<16xi32> to vector<16xi32>
    %add3A_1601 = vector.broadcast %mul3A_1597 : i32 to vector<16xi32>
    %add3A_1602 = arith.addi %add3A_1601, %get3A_1600 : vector<16xi32>
    %swap3A_1603 = arith.constant 0 : index
    %swap3A_1604 = tpu.vector_load %arg14[%swap3A_1603] {strides = array<i32>} : memref<64xi32, #tpu.memory_space<vmem>>, vector<16xi32>,
    %swap3A_1605 = vector.shape_cast %swap3A_1604 : vector<16xi32> to vector<16xi32>
    %swap3A_1606 = vector.shape_cast %add3A_1602 : vector<16xi32> to vector<16xi32>
    tpu.vector_store %arg14[%swap3A_1603], %swap3A_1606 {strides = array<i32>} : memref<64xi32, #tpu.memory_space<vmem>>, vector<16xi32>,
    %get3A_1607 = arith.constant 16 : index
    %get3A_1608 = tpu.vector_load %arg9[%get3A_1607] {strides = array<i32>} : memref<128xi32, #tpu.memory_space<vmem>>, vector<16xi32>,
    %get3A_1609 = vector.shape_cast %get3A_1608 : vector<16xi32> to vector<16xi32>
    %add3A_1610 = vector.broadcast %mul3A_1597 : i32 to vector<16xi32>
    %add3A_1611 = arith.addi %add3A_1610, %get3A_1609 : vector<16xi32>
    %swap3A_1612 = arith.constant 16 : index
    %swap3A_1613 = tpu.vector_load %arg14[%swap3A_1612] {strides = array<i32>} : memref<64xi32, #tpu.memory_space<vmem>>, vector<16xi32>,
    %swap3A_1614 = vector.shape_cast %swap3A_1613 : vector<16xi32> to vector<16xi32>
    %swap3A_1615 = vector.shape_cast %add3A_1611 : vector<16xi32> to vector<16xi32>
    tpu.vector_store %arg14[%swap3A_1612], %swap3A_1615 {strides = array<i32>} : memref<64xi32, #tpu.memory_space<vmem>>, vector<16xi32>,
    %get3A_1616 = arith.constant 32 : index
    %get3A_1617 = tpu.vector_load %arg9[%get3A_1616] {strides = array<i32>} : memref<128xi32, #tpu.memory_space<vmem>>, vector<16xi32>,
    %get3A_1618 = vector.shape_cast %get3A_1617 : vector<16xi32> to vector<16xi32>
    %add3A_1619 = vector.broadcast %mul3A_1597 : i32 to vector<16xi32>
    %add3A_1620 = arith.addi %add3A_1619, %get3A_1618 : vector<16xi32>
    %swap3A_1621 = arith.constant 32 : index
    %swap3A_1622 = tpu.vector_load %arg14[%swap3A_1621] {strides = array<i32>} : memref<64xi32, #tpu.memory_space<vmem>>, vector<16xi32>,
    %swap3A_1623 = vector.shape_cast %swap3A_1622 : vector<16xi32> to vector<16xi32>
    %swap3A_1624 = vector.shape_cast %add3A_1620 : vector<16xi32> to vector<16xi32>
    tpu.vector_store %arg14[%swap3A_1621], %swap3A_1624 {strides = array<i32>} : memref<64xi32, #tpu.memory_space<vmem>>, vector<16xi32>,
    %get3A_1625 = arith.constant 48 : index
    %get3A_1626 = tpu.vector_load %arg9[%get3A_1625] {strides = array<i32>} : memref<128xi32, #tpu.memory_space<vmem>>, vector<16xi32>,
    %get3A_1627 = vector.shape_cast %get3A_1626 : vector<16xi32> to vector<16xi32>
    %add3A_1628 = vector.broadcast %mul3A_1597 : i32 to vector<16xi32>
    %add3A_1629 = arith.addi %add3A_1628, %get3A_1627 : vector<16xi32>
    %swap3A_1630 = arith.constant 48 : index
    %swap3A_1631 = tpu.vector_load %arg14[%swap3A_1630] {strides = array<i32>} : memref<64xi32, #tpu.memory_space<vmem>>, vector<16xi32>,
    %swap3A_1632 = vector.shape_cast %swap3A_1631 : vector<16xi32> to vector<16xi32>
    %swap3A_1633 = vector.shape_cast %add3A_1629 : vector<16xi32> to vector<16xi32>
    tpu.vector_store %arg14[%swap3A_1630], %swap3A_1633 {strides = array<i32>} : memref<64xi32, #tpu.memory_space<vmem>>, vector<16xi32>,
    %dma_start3A_1634 = arith.constant 0 : i32
    %dma_start3A_1635 = arith.constant 0 : i32
    %dma_start3A_1636 = tpu.memref_slice %arg3[%dma_start3A_1634, %dma_start3A_1635] : memref<36864x256xf32, #tpu.memory_space<hbm>> -> memref<36864x256xf32, #tpu.memory_space<hbm>>
    tpu.enqueue_indirect_dma source(%dma_start3A_1636 : memref<36864x256xf32, #tpu.memory_space<hbm>>) target(%arg20 : memref<64x256xf32, #tpu.memory_space<vmem>>) offsets(%arg14 : memref<64xi32, #tpu.memory_space<vmem>>) semaphore(%arg26 : memref<!tpu.dma_semaphore, #tpu.memory_space<semaphore_mem>>)
    %dma_wait3A_1637 = arith.constant 0 : i32
    %dma_wait3A_1638 = arith.constant 0 : i32
    %dma_wait3A_1639 = tpu.memref_slice %arg3[%dma_wait3A_1637, %dma_wait3A_1638] : memref<36864x256xf32, #tpu.memory_space<hbm>> -> memref<36864x256xf32, #tpu.memory_space<hbm>>
    tpu.wait_indirect_dma semaphore(%arg27 : memref<!tpu.dma_semaphore, #tpu.memory_space<semaphore_mem>>) src(%dma_wait3A_1639 : memref<36864x256xf32, #tpu.memory_space<hbm>>) dst(%arg21 : memref<64x256xf32, #tpu.memory_space<vmem>>)
    %add3A_1640 = arith.constant 2 : i32
    %add3A_1641 = arith.addi %mul3A_2, %add3A_1640 : i32
    %mul3A_1642 = arith.constant 128 : i32
    %mul3A_1643 = arith.muli %add3A_1641, %mul3A_1642 : i32
    %add3A_1644 = arith.constant 64 : i32
    %add3A_1645 = arith.addi %mul3A_1643, %add3A_1644 : i32
    %dma_start3A_1646 = arith.constant 0 : i32
    %dma_start3A_1647 = tpu.memref_slice %arg7[%add3A_1645, %dma_start3A_1646] : memref<36864x256xf32, #tpu.memory_space<hbm>> -> memref<64x256xf32, #tpu.memory_space<hbm>>
    %dma_start3A_1648 = arith.constant 0 : i32
    %dma_start3A_1649 = tpu.memref_slice %arg7[%add3A_1645, %dma_start3A_1648] : memref<36864x256xf32, #tpu.memory_space<hbm>> -> memref<64x256xf32, #tpu.memory_space<hbm>>
    tpu.enqueue_dma source(%arg21 : memref<64x256xf32, #tpu.memory_space<vmem>>) target(%dma_start3A_1649 : memref<64x256xf32, #tpu.memory_space<hbm>>) target_semaphore(%arg33 : memref<!tpu.dma_semaphore, #tpu.memory_space<semaphore_mem>>)
    %dma_wait3A_1650 = arith.constant 0 : i32
    %dma_wait3A_1651 = tpu.memref_slice %arg7[%add3A_1645, %dma_wait3A_1650] : memref<36864x256xf32, #tpu.memory_space<hbm>> -> memref<64x256xf32, #tpu.memory_space<hbm>>
    %dma_wait3A_1652 = arith.constant 0 : i32
    %dma_wait3A_1653 = tpu.memref_slice %arg7[%add3A_1645, %dma_wait3A_1652] : memref<36864x256xf32, #tpu.memory_space<hbm>> -> memref<64x256xf32, #tpu.memory_space<hbm>>
    tpu.wait_dma2 semaphore(%arg33 : memref<!tpu.dma_semaphore, #tpu.memory_space<semaphore_mem>>) src(%arg21 : memref<64x256xf32, #tpu.memory_space<vmem>>) dst(%dma_wait3A_1653 : memref<64x256xf32, #tpu.memory_space<hbm>>)
    %add3A_1654 = arith.constant 5 : i32
    %add3A_1655 = arith.addi %mul3A_2, %add3A_1654 : i32
    %mul3A_1656 = arith.constant 128 : i32
    %mul3A_1657 = arith.muli %add3A_1655, %mul3A_1656 : i32
    %get3A_1658 = arith.constant 64 : index
    %get3A_1659 = tpu.vector_load %arg9[%get3A_1658] {strides = array<i32>} : memref<128xi32, #tpu.memory_space<vmem>>, vector<16xi32>,
    %get3A_1660 = vector.shape_cast %get3A_1659 : vector<16xi32> to vector<16xi32>
    %add3A_1661 = vector.broadcast %mul3A_1657 : i32 to vector<16xi32>
    %add3A_1662 = arith.addi %add3A_1661, %get3A_1660 : vector<16xi32>
    %swap3A_1663 = arith.constant 0 : index
    %swap3A_1664 = tpu.vector_load %arg15[%swap3A_1663] {strides = array<i32>} : memref<64xi32, #tpu.memory_space<vmem>>, vector<16xi32>,
    %swap3A_1665 = vector.shape_cast %swap3A_1664 : vector<16xi32> to vector<16xi32>
    %swap3A_1666 = vector.shape_cast %add3A_1662 : vector<16xi32> to vector<16xi32>
    tpu.vector_store %arg15[%swap3A_1663], %swap3A_1666 {strides = array<i32>} : memref<64xi32, #tpu.memory_space<vmem>>, vector<16xi32>,
    %get3A_1667 = arith.constant 80 : index
    %get3A_1668 = tpu.vector_load %arg9[%get3A_1667] {strides = array<i32>} : memref<128xi32, #tpu.memory_space<vmem>>, vector<16xi32>,
    %get3A_1669 = vector.shape_cast %get3A_1668 : vector<16xi32> to vector<16xi32>
    %add3A_1670 = vector.broadcast %mul3A_1657 : i32 to vector<16xi32>
    %add3A_1671 = arith.addi %add3A_1670, %get3A_1669 : vector<16xi32>
    %swap3A_1672 = arith.constant 16 : index
    %swap3A_1673 = tpu.vector_load %arg15[%swap3A_1672] {strides = array<i32>} : memref<64xi32, #tpu.memory_space<vmem>>, vector<16xi32>,
    %swap3A_1674 = vector.shape_cast %swap3A_1673 : vector<16xi32> to vector<16xi32>
    %swap3A_1675 = vector.shape_cast %add3A_1671 : vector<16xi32> to vector<16xi32>
    tpu.vector_store %arg15[%swap3A_1672], %swap3A_1675 {strides = array<i32>} : memref<64xi32, #tpu.memory_space<vmem>>, vector<16xi32>,
    %get3A_1676 = arith.constant 96 : index
    %get3A_1677 = tpu.vector_load %arg9[%get3A_1676] {strides = array<i32>} : memref<128xi32, #tpu.memory_space<vmem>>, vector<16xi32>,
    %get3A_1678 = vector.shape_cast %get3A_1677 : vector<16xi32> to vector<16xi32>
    %add3A_1679 = vector.broadcast %mul3A_1657 : i32 to vector<16xi32>
    %add3A_1680 = arith.addi %add3A_1679, %get3A_1678 : vector<16xi32>
    %swap3A_1681 = arith.constant 32 : index
    %swap3A_1682 = tpu.vector_load %arg15[%swap3A_1681] {strides = array<i32>} : memref<64xi32, #tpu.memory_space<vmem>>, vector<16xi32>,
    %swap3A_1683 = vector.shape_cast %swap3A_1682 : vector<16xi32> to vector<16xi32>
    %swap3A_1684 = vector.shape_cast %add3A_1680 : vector<16xi32> to vector<16xi32>
    tpu.vector_store %arg15[%swap3A_1681], %swap3A_1684 {strides = array<i32>} : memref<64xi32, #tpu.memory_space<vmem>>, vector<16xi32>,
    %get3A_1685 = arith.constant 112 : index
    %get3A_1686 = tpu.vector_load %arg9[%get3A_1685] {strides = array<i32>} : memref<128xi32, #tpu.memory_space<vmem>>, vector<16xi32>,
    %get3A_1687 = vector.shape_cast %get3A_1686 : vector<16xi32> to vector<16xi32>
    %add3A_1688 = vector.broadcast %mul3A_1657 : i32 to vector<16xi32>
    %add3A_1689 = arith.addi %add3A_1688, %get3A_1687 : vector<16xi32>
    %swap3A_1690 = arith.constant 48 : index
    %swap3A_1691 = tpu.vector_load %arg15[%swap3A_1690] {strides = array<i32>} : memref<64xi32, #tpu.memory_space<vmem>>, vector<16xi32>,
    %swap3A_1692 = vector.shape_cast %swap3A_1691 : vector<16xi32> to vector<16xi32>
    %swap3A_1693 = vector.shape_cast %add3A_1689 : vector<16xi32> to vector<16xi32>
    tpu.vector_store %arg15[%swap3A_1690], %swap3A_1693 {strides = array<i32>} : memref<64xi32, #tpu.memory_space<vmem>>, vector<16xi32>,
    %dma_start3A_1694 = arith.constant 0 : i32
    %dma_start3A_1695 = arith.constant 0 : i32
    %dma_start3A_1696 = tpu.memref_slice %arg3[%dma_start3A_1694, %dma_start3A_1695] : memref<36864x256xf32, #tpu.memory_space<hbm>> -> memref<36864x256xf32, #tpu.memory_space<hbm>>
    tpu.enqueue_indirect_dma source(%dma_start3A_1696 : memref<36864x256xf32, #tpu.memory_space<hbm>>) target(%arg21 : memref<64x256xf32, #tpu.memory_space<vmem>>) offsets(%arg15 : memref<64xi32, #tpu.memory_space<vmem>>) semaphore(%arg27 : memref<!tpu.dma_semaphore, #tpu.memory_space<semaphore_mem>>)
    %dma_wait3A_1697 = arith.constant 0 : i32
    %dma_wait3A_1698 = arith.constant 0 : i32
    %dma_wait3A_1699 = tpu.memref_slice %arg3[%dma_wait3A_1697, %dma_wait3A_1698] : memref<36864x256xf32, #tpu.memory_space<hbm>> -> memref<36864x256xf32, #tpu.memory_space<hbm>>
    tpu.wait_indirect_dma semaphore(%arg22 : memref<!tpu.dma_semaphore, #tpu.memory_space<semaphore_mem>>) src(%dma_wait3A_1699 : memref<36864x256xf32, #tpu.memory_space<hbm>>) dst(%arg16 : memref<64x256xf32, #tpu.memory_space<vmem>>)
    %add3A_1700 = arith.constant 3 : i32
    %add3A_1701 = arith.addi %mul3A_2, %add3A_1700 : i32
    %mul3A_1702 = arith.constant 128 : i32
    %mul3A_1703 = arith.muli %add3A_1701, %mul3A_1702 : i32
    %add3A_1704 = arith.constant 0 : i32
    %add3A_1705 = arith.addi %mul3A_1703, %add3A_1704 : i32
    %dma_start3A_1706 = arith.constant 0 : i32
    %dma_start3A_1707 = tpu.memref_slice %arg7[%add3A_1705, %dma_start3A_1706] : memref<36864x256xf32, #tpu.memory_space<hbm>> -> memref<64x256xf32, #tpu.memory_space<hbm>>
    %dma_start3A_1708 = arith.constant 0 : i32
    %dma_start3A_1709 = tpu.memref_slice %arg7[%add3A_1705, %dma_start3A_1708] : memref<36864x256xf32, #tpu.memory_space<hbm>> -> memref<64x256xf32, #tpu.memory_space<hbm>>
    tpu.enqueue_dma source(%arg16 : memref<64x256xf32, #tpu.memory_space<vmem>>) target(%dma_start3A_1709 : memref<64x256xf32, #tpu.memory_space<hbm>>) target_semaphore(%arg28 : memref<!tpu.dma_semaphore, #tpu.memory_space<semaphore_mem>>)
    %dma_wait3A_1710 = arith.constant 0 : i32
    %dma_wait3A_1711 = tpu.memref_slice %arg7[%add3A_1705, %dma_wait3A_1710] : memref<36864x256xf32, #tpu.memory_space<hbm>> -> memref<64x256xf32, #tpu.memory_space<hbm>>
    %dma_wait3A_1712 = arith.constant 0 : i32
    %dma_wait3A_1713 = tpu.memref_slice %arg7[%add3A_1705, %dma_wait3A_1712] : memref<36864x256xf32, #tpu.memory_space<hbm>> -> memref<64x256xf32, #tpu.memory_space<hbm>>
    tpu.wait_dma2 semaphore(%arg28 : memref<!tpu.dma_semaphore, #tpu.memory_space<semaphore_mem>>) src(%arg16 : memref<64x256xf32, #tpu.memory_space<vmem>>) dst(%dma_wait3A_1713 : memref<64x256xf32, #tpu.memory_space<hbm>>)
    %add3A_1714 = arith.constant 6 : i32
    %add3A_1715 = arith.addi %mul3A_2, %add3A_1714 : i32
    %mul3A_1716 = arith.constant 128 : i32
    %mul3A_1717 = arith.muli %add3A_1715, %mul3A_1716 : i32
    %get3A_1718 = arith.constant 0 : index
    %get3A_1719 = tpu.vector_load %arg9[%get3A_1718] {strides = array<i32>} : memref<128xi32, #tpu.memory_space<vmem>>, vector<16xi32>,
    %get3A_1720 = vector.shape_cast %get3A_1719 : vector<16xi32> to vector<16xi32>
    %add3A_1721 = vector.broadcast %mul3A_1717 : i32 to vector<16xi32>
    %add3A_1722 = arith.addi %add3A_1721, %get3A_1720 : vector<16xi32>
    %swap3A_1723 = arith.constant 0 : index
    %swap3A_1724 = tpu.vector_load %arg10[%swap3A_1723] {strides = array<i32>} : memref<64xi32, #tpu.memory_space<vmem>>, vector<16xi32>,
    %swap3A_1725 = vector.shape_cast %swap3A_1724 : vector<16xi32> to vector<16xi32>
    %swap3A_1726 = vector.shape_cast %add3A_1722 : vector<16xi32> to vector<16xi32>
    tpu.vector_store %arg10[%swap3A_1723], %swap3A_1726 {strides = array<i32>} : memref<64xi32, #tpu.memory_space<vmem>>, vector<16xi32>,
    %get3A_1727 = arith.constant 16 : index
    %get3A_1728 = tpu.vector_load %arg9[%get3A_1727] {strides = array<i32>} : memref<128xi32, #tpu.memory_space<vmem>>, vector<16xi32>,
    %get3A_1729 = vector.shape_cast %get3A_1728 : vector<16xi32> to vector<16xi32>
    %add3A_1730 = vector.broadcast %mul3A_1717 : i32 to vector<16xi32>
    %add3A_1731 = arith.addi %add3A_1730, %get3A_1729 : vector<16xi32>
    %swap3A_1732 = arith.constant 16 : index
    %swap3A_1733 = tpu.vector_load %arg10[%swap3A_1732] {strides = array<i32>} : memref<64xi32, #tpu.memory_space<vmem>>, vector<16xi32>,
    %swap3A_1734 = vector.shape_cast %swap3A_1733 : vector<16xi32> to vector<16xi32>
    %swap3A_1735 = vector.shape_cast %add3A_1731 : vector<16xi32> to vector<16xi32>
    tpu.vector_store %arg10[%swap3A_1732], %swap3A_1735 {strides = array<i32>} : memref<64xi32, #tpu.memory_space<vmem>>, vector<16xi32>,
    %get3A_1736 = arith.constant 32 : index
    %get3A_1737 = tpu.vector_load %arg9[%get3A_1736] {strides = array<i32>} : memref<128xi32, #tpu.memory_space<vmem>>, vector<16xi32>,
    %get3A_1738 = vector.shape_cast %get3A_1737 : vector<16xi32> to vector<16xi32>
    %add3A_1739 = vector.broadcast %mul3A_1717 : i32 to vector<16xi32>
    %add3A_1740 = arith.addi %add3A_1739, %get3A_1738 : vector<16xi32>
    %swap3A_1741 = arith.constant 32 : index
    %swap3A_1742 = tpu.vector_load %arg10[%swap3A_1741] {strides = array<i32>} : memref<64xi32, #tpu.memory_space<vmem>>, vector<16xi32>,
    %swap3A_1743 = vector.shape_cast %swap3A_1742 : vector<16xi32> to vector<16xi32>
    %swap3A_1744 = vector.shape_cast %add3A_1740 : vector<16xi32> to vector<16xi32>
    tpu.vector_store %arg10[%swap3A_1741], %swap3A_1744 {strides = array<i32>} : memref<64xi32, #tpu.memory_space<vmem>>, vector<16xi32>,
    %get3A_1745 = arith.constant 48 : index
    %get3A_1746 = tpu.vector_load %arg9[%get3A_1745] {strides = array<i32>} : memref<128xi32, #tpu.memory_space<vmem>>, vector<16xi32>,
    %get3A_1747 = vector.shape_cast %get3A_1746 : vector<16xi32> to vector<16xi32>
    %add3A_1748 = vector.broadcast %mul3A_1717 : i32 to vector<16xi32>
    %add3A_1749 = arith.addi %add3A_1748, %get3A_1747 : vector<16xi32>
    %swap3A_1750 = arith.constant 48 : index
    %swap3A_1751 = tpu.vector_load %arg10[%swap3A_1750] {strides = array<i32>} : memref<64xi32, #tpu.memory_space<vmem>>, vector<16xi32>,
    %swap3A_1752 = vector.shape_cast %swap3A_1751 : vector<16xi32> to vector<16xi32>
    %swap3A_1753 = vector.shape_cast %add3A_1749 : vector<16xi32> to vector<16xi32>
    tpu.vector_store %arg10[%swap3A_1750], %swap3A_1753 {strides = array<i32>} : memref<64xi32, #tpu.memory_space<vmem>>, vector<16xi32>,
    %dma_start3A_1754 = arith.constant 0 : i32
    %dma_start3A_1755 = arith.constant 0 : i32
    %dma_start3A_1756 = tpu.memref_slice %arg3[%dma_start3A_1754, %dma_start3A_1755] : memref<36864x256xf32, #tpu.memory_space<hbm>> -> memref<36864x256xf32, #tpu.memory_space<hbm>>
    tpu.enqueue_indirect_dma source(%dma_start3A_1756 : memref<36864x256xf32, #tpu.memory_space<hbm>>) target(%arg16 : memref<64x256xf32, #tpu.memory_space<vmem>>) offsets(%arg10 : memref<64xi32, #tpu.memory_space<vmem>>) semaphore(%arg22 : memref<!tpu.dma_semaphore, #tpu.memory_space<semaphore_mem>>)
    %dma_wait3A_1757 = arith.constant 0 : i32
    %dma_wait3A_1758 = arith.constant 0 : i32
    %dma_wait3A_1759 = tpu.memref_slice %arg3[%dma_wait3A_1757, %dma_wait3A_1758] : memref<36864x256xf32, #tpu.memory_space<hbm>> -> memref<36864x256xf32, #tpu.memory_space<hbm>>
    tpu.wait_indirect_dma semaphore(%arg23 : memref<!tpu.dma_semaphore, #tpu.memory_space<semaphore_mem>>) src(%dma_wait3A_1759 : memref<36864x256xf32, #tpu.memory_space<hbm>>) dst(%arg17 : memref<64x256xf32, #tpu.memory_space<vmem>>)
    %add3A_1760 = arith.constant 3 : i32
    %add3A_1761 = arith.addi %mul3A_2, %add3A_1760 : i32
    %mul3A_1762 = arith.constant 128 : i32
    %mul3A_1763 = arith.muli %add3A_1761, %mul3A_1762 : i32
    %add3A_1764 = arith.constant 64 : i32
    %add3A_1765 = arith.addi %mul3A_1763, %add3A_1764 : i32
    %dma_start3A_1766 = arith.constant 0 : i32
    %dma_start3A_1767 = tpu.memref_slice %arg7[%add3A_1765, %dma_start3A_1766] : memref<36864x256xf32, #tpu.memory_space<hbm>> -> memref<64x256xf32, #tpu.memory_space<hbm>>
    %dma_start3A_1768 = arith.constant 0 : i32
    %dma_start3A_1769 = tpu.memref_slice %arg7[%add3A_1765, %dma_start3A_1768] : memref<36864x256xf32, #tpu.memory_space<hbm>> -> memref<64x256xf32, #tpu.memory_space<hbm>>
    tpu.enqueue_dma source(%arg17 : memref<64x256xf32, #tpu.memory_space<vmem>>) target(%dma_start3A_1769 : memref<64x256xf32, #tpu.memory_space<hbm>>) target_semaphore(%arg29 : memref<!tpu.dma_semaphore, #tpu.memory_space<semaphore_mem>>)
    %dma_wait3A_1770 = arith.constant 0 : i32
    %dma_wait3A_1771 = tpu.memref_slice %arg7[%add3A_1765, %dma_wait3A_1770] : memref<36864x256xf32, #tpu.memory_space<hbm>> -> memref<64x256xf32, #tpu.memory_space<hbm>>
    %dma_wait3A_1772 = arith.constant 0 : i32
    %dma_wait3A_1773 = tpu.memref_slice %arg7[%add3A_1765, %dma_wait3A_1772] : memref<36864x256xf32, #tpu.memory_space<hbm>> -> memref<64x256xf32, #tpu.memory_space<hbm>>
    tpu.wait_dma2 semaphore(%arg29 : memref<!tpu.dma_semaphore, #tpu.memory_space<semaphore_mem>>) src(%arg17 : memref<64x256xf32, #tpu.memory_space<vmem>>) dst(%dma_wait3A_1773 : memref<64x256xf32, #tpu.memory_space<hbm>>)
    %add3A_1774 = arith.constant 6 : i32
    %add3A_1775 = arith.addi %mul3A_2, %add3A_1774 : i32
    %mul3A_1776 = arith.constant 128 : i32
    %mul3A_1777 = arith.muli %add3A_1775, %mul3A_1776 : i32
    %get3A_1778 = arith.constant 64 : index
    %get3A_1779 = tpu.vector_load %arg9[%get3A_1778] {strides = array<i32>} : memref<128xi32, #tpu.memory_space<vmem>>, vector<16xi32>,
    %get3A_1780 = vector.shape_cast %get3A_1779 : vector<16xi32> to vector<16xi32>
    %add3A_1781 = vector.broadcast %mul3A_1777 : i32 to vector<16xi32>
    %add3A_1782 = arith.addi %add3A_1781, %get3A_1780 : vector<16xi32>
    %swap3A_1783 = arith.constant 0 : index
    %swap3A_1784 = tpu.vector_load %arg11[%swap3A_1783] {strides = array<i32>} : memref<64xi32, #tpu.memory_space<vmem>>, vector<16xi32>,
    %swap3A_1785 = vector.shape_cast %swap3A_1784 : vector<16xi32> to vector<16xi32>
    %swap3A_1786 = vector.shape_cast %add3A_1782 : vector<16xi32> to vector<16xi32>
    tpu.vector_store %arg11[%swap3A_1783], %swap3A_1786 {strides = array<i32>} : memref<64xi32, #tpu.memory_space<vmem>>, vector<16xi32>,
    %get3A_1787 = arith.constant 80 : index
    %get3A_1788 = tpu.vector_load %arg9[%get3A_1787] {strides = array<i32>} : memref<128xi32, #tpu.memory_space<vmem>>, vector<16xi32>,
    %get3A_1789 = vector.shape_cast %get3A_1788 : vector<16xi32> to vector<16xi32>
    %add3A_1790 = vector.broadcast %mul3A_1777 : i32 to vector<16xi32>
    %add3A_1791 = arith.addi %add3A_1790, %get3A_1789 : vector<16xi32>
    %swap3A_1792 = arith.constant 16 : index
    %swap3A_1793 = tpu.vector_load %arg11[%swap3A_1792] {strides = array<i32>} : memref<64xi32, #tpu.memory_space<vmem>>, vector<16xi32>,
    %swap3A_1794 = vector.shape_cast %swap3A_1793 : vector<16xi32> to vector<16xi32>
    %swap3A_1795 = vector.shape_cast %add3A_1791 : vector<16xi32> to vector<16xi32>
    tpu.vector_store %arg11[%swap3A_1792], %swap3A_1795 {strides = array<i32>} : memref<64xi32, #tpu.memory_space<vmem>>, vector<16xi32>,
    %get3A_1796 = arith.constant 96 : index
    %get3A_1797 = tpu.vector_load %arg9[%get3A_1796] {strides = array<i32>} : memref<128xi32, #tpu.memory_space<vmem>>, vector<16xi32>,
    %get3A_1798 = vector.shape_cast %get3A_1797 : vector<16xi32> to vector<16xi32>
    %add3A_1799 = vector.broadcast %mul3A_1777 : i32 to vector<16xi32>
    %add3A_1800 = arith.addi %add3A_1799, %get3A_1798 : vector<16xi32>
    %swap3A_1801 = arith.constant 32 : index
    %swap3A_1802 = tpu.vector_load %arg11[%swap3A_1801] {strides = array<i32>} : memref<64xi32, #tpu.memory_space<vmem>>, vector<16xi32>,
    %swap3A_1803 = vector.shape_cast %swap3A_1802 : vector<16xi32> to vector<16xi32>
    %swap3A_1804 = vector.shape_cast %add3A_1800 : vector<16xi32> to vector<16xi32>
    tpu.vector_store %arg11[%swap3A_1801], %swap3A_1804 {strides = array<i32>} : memref<64xi32, #tpu.memory_space<vmem>>, vector<16xi32>,
    %get3A_1805 = arith.constant 112 : index
    %get3A_1806 = tpu.vector_load %arg9[%get3A_1805] {strides = array<i32>} : memref<128xi32, #tpu.memory_space<vmem>>, vector<16xi32>,
    %get3A_1807 = vector.shape_cast %get3A_1806 : vector<16xi32> to vector<16xi32>
    %add3A_1808 = vector.broadcast %mul3A_1777 : i32 to vector<16xi32>
    %add3A_1809 = arith.addi %add3A_1808, %get3A_1807 : vector<16xi32>
    %swap3A_1810 = arith.constant 48 : index
    %swap3A_1811 = tpu.vector_load %arg11[%swap3A_1810] {strides = array<i32>} : memref<64xi32, #tpu.memory_space<vmem>>, vector<16xi32>,
    %swap3A_1812 = vector.shape_cast %swap3A_1811 : vector<16xi32> to vector<16xi32>
    %swap3A_1813 = vector.shape_cast %add3A_1809 : vector<16xi32> to vector<16xi32>
    tpu.vector_store %arg11[%swap3A_1810], %swap3A_1813 {strides = array<i32>} : memref<64xi32, #tpu.memory_space<vmem>>, vector<16xi32>,
    %dma_start3A_1814 = arith.constant 0 : i32
    %dma_start3A_1815 = arith.constant 0 : i32
    %dma_start3A_1816 = tpu.memref_slice %arg3[%dma_start3A_1814, %dma_start3A_1815] : memref<36864x256xf32, #tpu.memory_space<hbm>> -> memref<36864x256xf32, #tpu.memory_space<hbm>>
    tpu.enqueue_indirect_dma source(%dma_start3A_1816 : memref<36864x256xf32, #tpu.memory_space<hbm>>) target(%arg17 : memref<64x256xf32, #tpu.memory_space<vmem>>) offsets(%arg11 : memref<64xi32, #tpu.memory_space<vmem>>) semaphore(%arg23 : memref<!tpu.dma_semaphore, #tpu.memory_space<semaphore_mem>>)
    %dma_wait3A_1817 = arith.constant 0 : i32
    %dma_wait3A_1818 = arith.constant 0 : i32
    %dma_wait3A_1819 = tpu.memref_slice %arg3[%dma_wait3A_1817, %dma_wait3A_1818] : memref<36864x256xf32, #tpu.memory_space<hbm>> -> memref<36864x256xf32, #tpu.memory_space<hbm>>
    tpu.wait_indirect_dma semaphore(%arg24 : memref<!tpu.dma_semaphore, #tpu.memory_space<semaphore_mem>>) src(%dma_wait3A_1819 : memref<36864x256xf32, #tpu.memory_space<hbm>>) dst(%arg18 : memref<64x256xf32, #tpu.memory_space<vmem>>)
    %add3A_1820 = arith.constant 4 : i32
    %add3A_1821 = arith.addi %mul3A_2, %add3A_1820 : i32
    %mul3A_1822 = arith.constant 128 : i32
    %mul3A_1823 = arith.muli %add3A_1821, %mul3A_1822 : i32
    %add3A_1824 = arith.constant 0 : i32
    %add3A_1825 = arith.addi %mul3A_1823, %add3A_1824 : i32
    %dma_start3A_1826 = arith.constant 0 : i32
    %dma_start3A_1827 = tpu.memref_slice %arg7[%add3A_1825, %dma_start3A_1826] : memref<36864x256xf32, #tpu.memory_space<hbm>> -> memref<64x256xf32, #tpu.memory_space<hbm>>
    %dma_start3A_1828 = arith.constant 0 : i32
    %dma_start3A_1829 = tpu.memref_slice %arg7[%add3A_1825, %dma_start3A_1828] : memref<36864x256xf32, #tpu.memory_space<hbm>> -> memref<64x256xf32, #tpu.memory_space<hbm>>
    tpu.enqueue_dma source(%arg18 : memref<64x256xf32, #tpu.memory_space<vmem>>) target(%dma_start3A_1829 : memref<64x256xf32, #tpu.memory_space<hbm>>) target_semaphore(%arg30 : memref<!tpu.dma_semaphore, #tpu.memory_space<semaphore_mem>>)
    %dma_wait3A_1830 = arith.constant 0 : i32
    %dma_wait3A_1831 = tpu.memref_slice %arg7[%add3A_1825, %dma_wait3A_1830] : memref<36864x256xf32, #tpu.memory_space<hbm>> -> memref<64x256xf32, #tpu.memory_space<hbm>>
    %dma_wait3A_1832 = arith.constant 0 : i32
    %dma_wait3A_1833 = tpu.memref_slice %arg7[%add3A_1825, %dma_wait3A_1832] : memref<36864x256xf32, #tpu.memory_space<hbm>> -> memref<64x256xf32, #tpu.memory_space<hbm>>
    tpu.wait_dma2 semaphore(%arg30 : memref<!tpu.dma_semaphore, #tpu.memory_space<semaphore_mem>>) src(%arg18 : memref<64x256xf32, #tpu.memory_space<vmem>>) dst(%dma_wait3A_1833 : memref<64x256xf32, #tpu.memory_space<hbm>>)
    %add3A_1834 = arith.constant 7 : i32
    %add3A_1835 = arith.addi %mul3A_2, %add3A_1834 : i32
    %mul3A_1836 = arith.constant 128 : i32
    %mul3A_1837 = arith.muli %add3A_1835, %mul3A_1836 : i32
    %get3A_1838 = arith.constant 0 : index
    %get3A_1839 = tpu.vector_load %arg9[%get3A_1838] {strides = array<i32>} : memref<128xi32, #tpu.memory_space<vmem>>, vector<16xi32>,
    %get3A_1840 = vector.shape_cast %get3A_1839 : vector<16xi32> to vector<16xi32>
    %add3A_1841 = vector.broadcast %mul3A_1837 : i32 to vector<16xi32>
    %add3A_1842 = arith.addi %add3A_1841, %get3A_1840 : vector<16xi32>
    %swap3A_1843 = arith.constant 0 : index
    %swap3A_1844 = tpu.vector_load %arg12[%swap3A_1843] {strides = array<i32>} : memref<64xi32, #tpu.memory_space<vmem>>, vector<16xi32>,
    %swap3A_1845 = vector.shape_cast %swap3A_1844 : vector<16xi32> to vector<16xi32>
    %swap3A_1846 = vector.shape_cast %add3A_1842 : vector<16xi32> to vector<16xi32>
    tpu.vector_store %arg12[%swap3A_1843], %swap3A_1846 {strides = array<i32>} : memref<64xi32, #tpu.memory_space<vmem>>, vector<16xi32>,
    %get3A_1847 = arith.constant 16 : index
    %get3A_1848 = tpu.vector_load %arg9[%get3A_1847] {strides = array<i32>} : memref<128xi32, #tpu.memory_space<vmem>>, vector<16xi32>,
    %get3A_1849 = vector.shape_cast %get3A_1848 : vector<16xi32> to vector<16xi32>
    %add3A_1850 = vector.broadcast %mul3A_1837 : i32 to vector<16xi32>
    %add3A_1851 = arith.addi %add3A_1850, %get3A_1849 : vector<16xi32>
    %swap3A_1852 = arith.constant 16 : index
    %swap3A_1853 = tpu.vector_load %arg12[%swap3A_1852] {strides = array<i32>} : memref<64xi32, #tpu.memory_space<vmem>>, vector<16xi32>,
    %swap3A_1854 = vector.shape_cast %swap3A_1853 : vector<16xi32> to vector<16xi32>
    %swap3A_1855 = vector.shape_cast %add3A_1851 : vector<16xi32> to vector<16xi32>
    tpu.vector_store %arg12[%swap3A_1852], %swap3A_1855 {strides = array<i32>} : memref<64xi32, #tpu.memory_space<vmem>>, vector<16xi32>,
    %get3A_1856 = arith.constant 32 : index
    %get3A_1857 = tpu.vector_load %arg9[%get3A_1856] {strides = array<i32>} : memref<128xi32, #tpu.memory_space<vmem>>, vector<16xi32>,
    %get3A_1858 = vector.shape_cast %get3A_1857 : vector<16xi32> to vector<16xi32>
    %add3A_1859 = vector.broadcast %mul3A_1837 : i32 to vector<16xi32>
    %add3A_1860 = arith.addi %add3A_1859, %get3A_1858 : vector<16xi32>
    %swap3A_1861 = arith.constant 32 : index
    %swap3A_1862 = tpu.vector_load %arg12[%swap3A_1861] {strides = array<i32>} : memref<64xi32, #tpu.memory_space<vmem>>, vector<16xi32>,
    %swap3A_1863 = vector.shape_cast %swap3A_1862 : vector<16xi32> to vector<16xi32>
    %swap3A_1864 = vector.shape_cast %add3A_1860 : vector<16xi32> to vector<16xi32>
    tpu.vector_store %arg12[%swap3A_1861], %swap3A_1864 {strides = array<i32>} : memref<64xi32, #tpu.memory_space<vmem>>, vector<16xi32>,
    %get3A_1865 = arith.constant 48 : index
    %get3A_1866 = tpu.vector_load %arg9[%get3A_1865] {strides = array<i32>} : memref<128xi32, #tpu.memory_space<vmem>>, vector<16xi32>,
    %get3A_1867 = vector.shape_cast %get3A_1866 : vector<16xi32> to vector<16xi32>
    %add3A_1868 = vector.broadcast %mul3A_1837 : i32 to vector<16xi32>
    %add3A_1869 = arith.addi %add3A_1868, %get3A_1867 : vector<16xi32>
    %swap3A_1870 = arith.constant 48 : index
    %swap3A_1871 = tpu.vector_load %arg12[%swap3A_1870] {strides = array<i32>} : memref<64xi32, #tpu.memory_space<vmem>>, vector<16xi32>,
    %swap3A_1872 = vector.shape_cast %swap3A_1871 : vector<16xi32> to vector<16xi32>
    %swap3A_1873 = vector.shape_cast %add3A_1869 : vector<16xi32> to vector<16xi32>
    tpu.vector_store %arg12[%swap3A_1870], %swap3A_1873 {strides = array<i32>} : memref<64xi32, #tpu.memory_space<vmem>>, vector<16xi32>,
    %dma_start3A_1874 = arith.constant 0 : i32
    %dma_start3A_1875 = arith.constant 0 : i32
    %dma_start3A_1876 = tpu.memref_slice %arg3[%dma_start3A_1874, %dma_start3A_1875] : memref<36864x256xf32, #tpu.memory_space<hbm>> -> memref<36864x256xf32, #tpu.memory_space<hbm>>
    tpu.enqueue_indirect_dma source(%dma_start3A_1876 : memref<36864x256xf32, #tpu.memory_space<hbm>>) target(%arg18 : memref<64x256xf32, #tpu.memory_space<vmem>>) offsets(%arg12 : memref<64xi32, #tpu.memory_space<vmem>>) semaphore(%arg24 : memref<!tpu.dma_semaphore, #tpu.memory_space<semaphore_mem>>)
    %dma_wait3A_1877 = arith.constant 0 : i32
    %dma_wait3A_1878 = arith.constant 0 : i32
    %dma_wait3A_1879 = tpu.memref_slice %arg3[%dma_wait3A_1877, %dma_wait3A_1878] : memref<36864x256xf32, #tpu.memory_space<hbm>> -> memref<36864x256xf32, #tpu.memory_space<hbm>>
    tpu.wait_indirect_dma semaphore(%arg25 : memref<!tpu.dma_semaphore, #tpu.memory_space<semaphore_mem>>) src(%dma_wait3A_1879 : memref<36864x256xf32, #tpu.memory_space<hbm>>) dst(%arg19 : memref<64x256xf32, #tpu.memory_space<vmem>>)
    %add3A_1880 = arith.constant 4 : i32
    %add3A_1881 = arith.addi %mul3A_2, %add3A_1880 : i32
    %mul3A_1882 = arith.constant 128 : i32
    %mul3A_1883 = arith.muli %add3A_1881, %mul3A_1882 : i32
    %add3A_1884 = arith.constant 64 : i32
    %add3A_1885 = arith.addi %mul3A_1883, %add3A_1884 : i32
    %dma_start3A_1886 = arith.constant 0 : i32
    %dma_start3A_1887 = tpu.memref_slice %arg7[%add3A_1885, %dma_start3A_1886] : memref<36864x256xf32, #tpu.memory_space<hbm>> -> memref<64x256xf32, #tpu.memory_space<hbm>>
    %dma_start3A_1888 = arith.constant 0 : i32
    %dma_start3A_1889 = tpu.memref_slice %arg7[%add3A_1885, %dma_start3A_1888] : memref<36864x256xf32, #tpu.memory_space<hbm>> -> memref<64x256xf32, #tpu.memory_space<hbm>>
    tpu.enqueue_dma source(%arg19 : memref<64x256xf32, #tpu.memory_space<vmem>>) target(%dma_start3A_1889 : memref<64x256xf32, #tpu.memory_space<hbm>>) target_semaphore(%arg31 : memref<!tpu.dma_semaphore, #tpu.memory_space<semaphore_mem>>)
    %dma_wait3A_1890 = arith.constant 0 : i32
    %dma_wait3A_1891 = tpu.memref_slice %arg7[%add3A_1885, %dma_wait3A_1890] : memref<36864x256xf32, #tpu.memory_space<hbm>> -> memref<64x256xf32, #tpu.memory_space<hbm>>
    %dma_wait3A_1892 = arith.constant 0 : i32
    %dma_wait3A_1893 = tpu.memref_slice %arg7[%add3A_1885, %dma_wait3A_1892] : memref<36864x256xf32, #tpu.memory_space<hbm>> -> memref<64x256xf32, #tpu.memory_space<hbm>>
    tpu.wait_dma2 semaphore(%arg31 : memref<!tpu.dma_semaphore, #tpu.memory_space<semaphore_mem>>) src(%arg19 : memref<64x256xf32, #tpu.memory_space<vmem>>) dst(%dma_wait3A_1893 : memref<64x256xf32, #tpu.memory_space<hbm>>)
    %add3A_1894 = arith.constant 7 : i32
    %add3A_1895 = arith.addi %mul3A_2, %add3A_1894 : i32
    %mul3A_1896 = arith.constant 128 : i32
    %mul3A_1897 = arith.muli %add3A_1895, %mul3A_1896 : i32
    %get3A_1898 = arith.constant 64 : index
    %get3A_1899 = tpu.vector_load %arg9[%get3A_1898] {strides = array<i32>} : memref<128xi32, #tpu.memory_space<vmem>>, vector<16xi32>,
    %get3A_1900 = vector.shape_cast %get3A_1899 : vector<16xi32> to vector<16xi32>
    %add3A_1901 = vector.broadcast %mul3A_1897 : i32 to vector<16xi32>
    %add3A_1902 = arith.addi %add3A_1901, %get3A_1900 : vector<16xi32>
    %swap3A_1903 = arith.constant 0 : index
    %swap3A_1904 = tpu.vector_load %arg13[%swap3A_1903] {strides = array<i32>} : memref<64xi32, #tpu.memory_space<vmem>>, vector<16xi32>,
    %swap3A_1905 = vector.shape_cast %swap3A_1904 : vector<16xi32> to vector<16xi32>
    %swap3A_1906 = vector.shape_cast %add3A_1902 : vector<16xi32> to vector<16xi32>
    tpu.vector_store %arg13[%swap3A_1903], %swap3A_1906 {strides = array<i32>} : memref<64xi32, #tpu.memory_space<vmem>>, vector<16xi32>,
    %get3A_1907 = arith.constant 80 : index
    %get3A_1908 = tpu.vector_load %arg9[%get3A_1907] {strides = array<i32>} : memref<128xi32, #tpu.memory_space<vmem>>, vector<16xi32>,
    %get3A_1909 = vector.shape_cast %get3A_1908 : vector<16xi32> to vector<16xi32>
    %add3A_1910 = vector.broadcast %mul3A_1897 : i32 to vector<16xi32>
    %add3A_1911 = arith.addi %add3A_1910, %get3A_1909 : vector<16xi32>
    %swap3A_1912 = arith.constant 16 : index
    %swap3A_1913 = tpu.vector_load %arg13[%swap3A_1912] {strides = array<i32>} : memref<64xi32, #tpu.memory_space<vmem>>, vector<16xi32>,
    %swap3A_1914 = vector.shape_cast %swap3A_1913 : vector<16xi32> to vector<16xi32>
    %swap3A_1915 = vector.shape_cast %add3A_1911 : vector<16xi32> to vector<16xi32>
    tpu.vector_store %arg13[%swap3A_1912], %swap3A_1915 {strides = array<i32>} : memref<64xi32, #tpu.memory_space<vmem>>, vector<16xi32>,
    %get3A_1916 = arith.constant 96 : index
    %get3A_1917 = tpu.vector_load %arg9[%get3A_1916] {strides = array<i32>} : memref<128xi32, #tpu.memory_space<vmem>>, vector<16xi32>,
    %get3A_1918 = vector.shape_cast %get3A_1917 : vector<16xi32> to vector<16xi32>
    %add3A_1919 = vector.broadcast %mul3A_1897 : i32 to vector<16xi32>
    %add3A_1920 = arith.addi %add3A_1919, %get3A_1918 : vector<16xi32>
    %swap3A_1921 = arith.constant 32 : index
    %swap3A_1922 = tpu.vector_load %arg13[%swap3A_1921] {strides = array<i32>} : memref<64xi32, #tpu.memory_space<vmem>>, vector<16xi32>,
    %swap3A_1923 = vector.shape_cast %swap3A_1922 : vector<16xi32> to vector<16xi32>
    %swap3A_1924 = vector.shape_cast %add3A_1920 : vector<16xi32> to vector<16xi32>
    tpu.vector_store %arg13[%swap3A_1921], %swap3A_1924 {strides = array<i32>} : memref<64xi32, #tpu.memory_space<vmem>>, vector<16xi32>,
    %get3A_1925 = arith.constant 112 : index
    %get3A_1926 = tpu.vector_load %arg9[%get3A_1925] {strides = array<i32>} : memref<128xi32, #tpu.memory_space<vmem>>, vector<16xi32>,
    %get3A_1927 = vector.shape_cast %get3A_1926 : vector<16xi32> to vector<16xi32>
    %add3A_1928 = vector.broadcast %mul3A_1897 : i32 to vector<16xi32>
    %add3A_1929 = arith.addi %add3A_1928, %get3A_1927 : vector<16xi32>
    %swap3A_1930 = arith.constant 48 : index
    %swap3A_1931 = tpu.vector_load %arg13[%swap3A_1930] {strides = array<i32>} : memref<64xi32, #tpu.memory_space<vmem>>, vector<16xi32>,
    %swap3A_1932 = vector.shape_cast %swap3A_1931 : vector<16xi32> to vector<16xi32>
    %swap3A_1933 = vector.shape_cast %add3A_1929 : vector<16xi32> to vector<16xi32>
    tpu.vector_store %arg13[%swap3A_1930], %swap3A_1933 {strides = array<i32>} : memref<64xi32, #tpu.memory_space<vmem>>, vector<16xi32>,
    %dma_start3A_1934 = arith.constant 0 : i32
    %dma_start3A_1935 = arith.constant 0 : i32
    %dma_start3A_1936 = tpu.memref_slice %arg3[%dma_start3A_1934, %dma_start3A_1935] : memref<36864x256xf32, #tpu.memory_space<hbm>> -> memref<36864x256xf32, #tpu.memory_space<hbm>>
    tpu.enqueue_indirect_dma source(%dma_start3A_1936 : memref<36864x256xf32, #tpu.memory_space<hbm>>) target(%arg19 : memref<64x256xf32, #tpu.memory_space<vmem>>) offsets(%arg13 : memref<64xi32, #tpu.memory_space<vmem>>) semaphore(%arg25 : memref<!tpu.dma_semaphore, #tpu.memory_space<semaphore_mem>>)
    %dma_wait3A_1937 = arith.constant 0 : i32
    %dma_wait3A_1938 = arith.constant 0 : i32
    %dma_wait3A_1939 = tpu.memref_slice %arg3[%dma_wait3A_1937, %dma_wait3A_1938] : memref<36864x256xf32, #tpu.memory_space<hbm>> -> memref<36864x256xf32, #tpu.memory_space<hbm>>
    tpu.wait_indirect_dma semaphore(%arg26 : memref<!tpu.dma_semaphore, #tpu.memory_space<semaphore_mem>>) src(%dma_wait3A_1939 : memref<36864x256xf32, #tpu.memory_space<hbm>>) dst(%arg20 : memref<64x256xf32, #tpu.memory_space<vmem>>)
    %add3A_1940 = arith.constant 5 : i32
    %add3A_1941 = arith.addi %mul3A_2, %add3A_1940 : i32
    %mul3A_1942 = arith.constant 128 : i32
    %mul3A_1943 = arith.muli %add3A_1941, %mul3A_1942 : i32
    %add3A_1944 = arith.constant 0 : i32
    %add3A_1945 = arith.addi %mul3A_1943, %add3A_1944 : i32
    %dma_start3A_1946 = arith.constant 0 : i32
    %dma_start3A_1947 = tpu.memref_slice %arg7[%add3A_1945, %dma_start3A_1946] : memref<36864x256xf32, #tpu.memory_space<hbm>> -> memref<64x256xf32, #tpu.memory_space<hbm>>
    %dma_start3A_1948 = arith.constant 0 : i32
    %dma_start3A_1949 = tpu.memref_slice %arg7[%add3A_1945, %dma_start3A_1948] : memref<36864x256xf32, #tpu.memory_space<hbm>> -> memref<64x256xf32, #tpu.memory_space<hbm>>
    tpu.enqueue_dma source(%arg20 : memref<64x256xf32, #tpu.memory_space<vmem>>) target(%dma_start3A_1949 : memref<64x256xf32, #tpu.memory_space<hbm>>) target_semaphore(%arg32 : memref<!tpu.dma_semaphore, #tpu.memory_space<semaphore_mem>>)
    %dma_wait3A_1950 = arith.constant 0 : i32
    %dma_wait3A_1951 = tpu.memref_slice %arg7[%add3A_1945, %dma_wait3A_1950] : memref<36864x256xf32, #tpu.memory_space<hbm>> -> memref<64x256xf32, #tpu.memory_space<hbm>>
    %dma_wait3A_1952 = arith.constant 0 : i32
    %dma_wait3A_1953 = tpu.memref_slice %arg7[%add3A_1945, %dma_wait3A_1952] : memref<36864x256xf32, #tpu.memory_space<hbm>> -> memref<64x256xf32, #tpu.memory_space<hbm>>
    tpu.wait_dma2 semaphore(%arg32 : memref<!tpu.dma_semaphore, #tpu.memory_space<semaphore_mem>>) src(%arg20 : memref<64x256xf32, #tpu.memory_space<vmem>>) dst(%dma_wait3A_1953 : memref<64x256xf32, #tpu.memory_space<hbm>>)
    %add3A_1954 = arith.constant 8 : i32
    %add3A_1955 = arith.addi %mul3A_2, %add3A_1954 : i32
    %mul3A_1956 = arith.constant 128 : i32
    %mul3A_1957 = arith.muli %add3A_1955, %mul3A_1956 : i32
    %get3A_1958 = arith.constant 0 : index
    %get3A_1959 = tpu.vector_load %arg9[%get3A_1958] {strides = array<i32>} : memref<128xi32, #tpu.memory_space<vmem>>, vector<16xi32>,
    %get3A_1960 = vector.shape_cast %get3A_1959 : vector<16xi32> to vector<16xi32>
    %add3A_1961 = vector.broadcast %mul3A_1957 : i32 to vector<16xi32>
    %add3A_1962 = arith.addi %add3A_1961, %get3A_1960 : vector<16xi32>
    %swap3A_1963 = arith.constant 0 : index
    %swap3A_1964 = tpu.vector_load %arg14[%swap3A_1963] {strides = array<i32>} : memref<64xi32, #tpu.memory_space<vmem>>, vector<16xi32>,
    %swap3A_1965 = vector.shape_cast %swap3A_1964 : vector<16xi32> to vector<16xi32>
    %swap3A_1966 = vector.shape_cast %add3A_1962 : vector<16xi32> to vector<16xi32>
    tpu.vector_store %arg14[%swap3A_1963], %swap3A_1966 {strides = array<i32>} : memref<64xi32, #tpu.memory_space<vmem>>, vector<16xi32>,
    %get3A_1967 = arith.constant 16 : index
    %get3A_1968 = tpu.vector_load %arg9[%get3A_1967] {strides = array<i32>} : memref<128xi32, #tpu.memory_space<vmem>>, vector<16xi32>,
    %get3A_1969 = vector.shape_cast %get3A_1968 : vector<16xi32> to vector<16xi32>
    %add3A_1970 = vector.broadcast %mul3A_1957 : i32 to vector<16xi32>
    %add3A_1971 = arith.addi %add3A_1970, %get3A_1969 : vector<16xi32>
    %swap3A_1972 = arith.constant 16 : index
    %swap3A_1973 = tpu.vector_load %arg14[%swap3A_1972] {strides = array<i32>} : memref<64xi32, #tpu.memory_space<vmem>>, vector<16xi32>,
    %swap3A_1974 = vector.shape_cast %swap3A_1973 : vector<16xi32> to vector<16xi32>
    %swap3A_1975 = vector.shape_cast %add3A_1971 : vector<16xi32> to vector<16xi32>
    tpu.vector_store %arg14[%swap3A_1972], %swap3A_1975 {strides = array<i32>} : memref<64xi32, #tpu.memory_space<vmem>>, vector<16xi32>,
    %get3A_1976 = arith.constant 32 : index
    %get3A_1977 = tpu.vector_load %arg9[%get3A_1976] {strides = array<i32>} : memref<128xi32, #tpu.memory_space<vmem>>, vector<16xi32>,
    %get3A_1978 = vector.shape_cast %get3A_1977 : vector<16xi32> to vector<16xi32>
    %add3A_1979 = vector.broadcast %mul3A_1957 : i32 to vector<16xi32>
    %add3A_1980 = arith.addi %add3A_1979, %get3A_1978 : vector<16xi32>
    %swap3A_1981 = arith.constant 32 : index
    %swap3A_1982 = tpu.vector_load %arg14[%swap3A_1981] {strides = array<i32>} : memref<64xi32, #tpu.memory_space<vmem>>, vector<16xi32>,
    %swap3A_1983 = vector.shape_cast %swap3A_1982 : vector<16xi32> to vector<16xi32>
    %swap3A_1984 = vector.shape_cast %add3A_1980 : vector<16xi32> to vector<16xi32>
    tpu.vector_store %arg14[%swap3A_1981], %swap3A_1984 {strides = array<i32>} : memref<64xi32, #tpu.memory_space<vmem>>, vector<16xi32>,
    %get3A_1985 = arith.constant 48 : index
    %get3A_1986 = tpu.vector_load %arg9[%get3A_1985] {strides = array<i32>} : memref<128xi32, #tpu.memory_space<vmem>>, vector<16xi32>,
    %get3A_1987 = vector.shape_cast %get3A_1986 : vector<16xi32> to vector<16xi32>
    %add3A_1988 = vector.broadcast %mul3A_1957 : i32 to vector<16xi32>
    %add3A_1989 = arith.addi %add3A_1988, %get3A_1987 : vector<16xi32>
    %swap3A_1990 = arith.constant 48 : index
    %swap3A_1991 = tpu.vector_load %arg14[%swap3A_1990] {strides = array<i32>} : memref<64xi32, #tpu.memory_space<vmem>>, vector<16xi32>,
    %swap3A_1992 = vector.shape_cast %swap3A_1991 : vector<16xi32> to vector<16xi32>
    %swap3A_1993 = vector.shape_cast %add3A_1989 : vector<16xi32> to vector<16xi32>
    tpu.vector_store %arg14[%swap3A_1990], %swap3A_1993 {strides = array<i32>} : memref<64xi32, #tpu.memory_space<vmem>>, vector<16xi32>,
    %dma_start3A_1994 = arith.constant 0 : i32
    %dma_start3A_1995 = arith.constant 0 : i32
    %dma_start3A_1996 = tpu.memref_slice %arg3[%dma_start3A_1994, %dma_start3A_1995] : memref<36864x256xf32, #tpu.memory_space<hbm>> -> memref<36864x256xf32, #tpu.memory_space<hbm>>
    tpu.enqueue_indirect_dma source(%dma_start3A_1996 : memref<36864x256xf32, #tpu.memory_space<hbm>>) target(%arg20 : memref<64x256xf32, #tpu.memory_space<vmem>>) offsets(%arg14 : memref<64xi32, #tpu.memory_space<vmem>>) semaphore(%arg26 : memref<!tpu.dma_semaphore, #tpu.memory_space<semaphore_mem>>)
    %dma_wait3A_1997 = arith.constant 0 : i32
    %dma_wait3A_1998 = arith.constant 0 : i32
    %dma_wait3A_1999 = tpu.memref_slice %arg3[%dma_wait3A_1997, %dma_wait3A_1998] : memref<36864x256xf32, #tpu.memory_space<hbm>> -> memref<36864x256xf32, #tpu.memory_space<hbm>>
    tpu.wait_indirect_dma semaphore(%arg27 : memref<!tpu.dma_semaphore, #tpu.memory_space<semaphore_mem>>) src(%dma_wait3A_1999 : memref<36864x256xf32, #tpu.memory_space<hbm>>) dst(%arg21 : memref<64x256xf32, #tpu.memory_space<vmem>>)
    %add3A_2000 = arith.constant 5 : i32
    %add3A_2001 = arith.addi %mul3A_2, %add3A_2000 : i32
    %mul3A_2002 = arith.constant 128 : i32
    %mul3A_2003 = arith.muli %add3A_2001, %mul3A_2002 : i32
    %add3A_2004 = arith.constant 64 : i32
    %add3A_2005 = arith.addi %mul3A_2003, %add3A_2004 : i32
    %dma_start3A_2006 = arith.constant 0 : i32
    %dma_start3A_2007 = tpu.memref_slice %arg7[%add3A_2005, %dma_start3A_2006] : memref<36864x256xf32, #tpu.memory_space<hbm>> -> memref<64x256xf32, #tpu.memory_space<hbm>>
    %dma_start3A_2008 = arith.constant 0 : i32
    %dma_start3A_2009 = tpu.memref_slice %arg7[%add3A_2005, %dma_start3A_2008] : memref<36864x256xf32, #tpu.memory_space<hbm>> -> memref<64x256xf32, #tpu.memory_space<hbm>>
    tpu.enqueue_dma source(%arg21 : memref<64x256xf32, #tpu.memory_space<vmem>>) target(%dma_start3A_2009 : memref<64x256xf32, #tpu.memory_space<hbm>>) target_semaphore(%arg33 : memref<!tpu.dma_semaphore, #tpu.memory_space<semaphore_mem>>)
    %dma_wait3A_2010 = arith.constant 0 : i32
    %dma_wait3A_2011 = tpu.memref_slice %arg7[%add3A_2005, %dma_wait3A_2010] : memref<36864x256xf32, #tpu.memory_space<hbm>> -> memref<64x256xf32, #tpu.memory_space<hbm>>
    %dma_wait3A_2012 = arith.constant 0 : i32
    %dma_wait3A_2013 = tpu.memref_slice %arg7[%add3A_2005, %dma_wait3A_2012] : memref<36864x256xf32, #tpu.memory_space<hbm>> -> memref<64x256xf32, #tpu.memory_space<hbm>>
    tpu.wait_dma2 semaphore(%arg33 : memref<!tpu.dma_semaphore, #tpu.memory_space<semaphore_mem>>) src(%arg21 : memref<64x256xf32, #tpu.memory_space<vmem>>) dst(%dma_wait3A_2013 : memref<64x256xf32, #tpu.memory_space<hbm>>)
    %add3A_2014 = arith.constant 8 : i32
    %add3A_2015 = arith.addi %mul3A_2, %add3A_2014 : i32
    %mul3A_2016 = arith.constant 128 : i32
    %mul3A_2017 = arith.muli %add3A_2015, %mul3A_2016 : i32
    %get3A_2018 = arith.constant 64 : index
    %get3A_2019 = tpu.vector_load %arg9[%get3A_2018] {strides = array<i32>} : memref<128xi32, #tpu.memory_space<vmem>>, vector<16xi32>,
    %get3A_2020 = vector.shape_cast %get3A_2019 : vector<16xi32> to vector<16xi32>
    %add3A_2021 = vector.broadcast %mul3A_2017 : i32 to vector<16xi32>
    %add3A_2022 = arith.addi %add3A_2021, %get3A_2020 : vector<16xi32>
    %swap3A_2023 = arith.constant 0 : index
    %swap3A_2024 = tpu.vector_load %arg15[%swap3A_2023] {strides = array<i32>} : memref<64xi32, #tpu.memory_space<vmem>>, vector<16xi32>,
    %swap3A_2025 = vector.shape_cast %swap3A_2024 : vector<16xi32> to vector<16xi32>
    %swap3A_2026 = vector.shape_cast %add3A_2022 : vector<16xi32> to vector<16xi32>
    tpu.vector_store %arg15[%swap3A_2023], %swap3A_2026 {strides = array<i32>} : memref<64xi32, #tpu.memory_space<vmem>>, vector<16xi32>,
    %get3A_2027 = arith.constant 80 : index
    %get3A_2028 = tpu.vector_load %arg9[%get3A_2027] {strides = array<i32>} : memref<128xi32, #tpu.memory_space<vmem>>, vector<16xi32>,
    %get3A_2029 = vector.shape_cast %get3A_2028 : vector<16xi32> to vector<16xi32>
    %add3A_2030 = vector.broadcast %mul3A_2017 : i32 to vector<16xi32>
    %add3A_2031 = arith.addi %add3A_2030, %get3A_2029 : vector<16xi32>
    %swap3A_2032 = arith.constant 16 : index
    %swap3A_2033 = tpu.vector_load %arg15[%swap3A_2032] {strides = array<i32>} : memref<64xi32, #tpu.memory_space<vmem>>, vector<16xi32>,
    %swap3A_2034 = vector.shape_cast %swap3A_2033 : vector<16xi32> to vector<16xi32>
    %swap3A_2035 = vector.shape_cast %add3A_2031 : vector<16xi32> to vector<16xi32>
    tpu.vector_store %arg15[%swap3A_2032], %swap3A_2035 {strides = array<i32>} : memref<64xi32, #tpu.memory_space<vmem>>, vector<16xi32>,
    %get3A_2036 = arith.constant 96 : index
    %get3A_2037 = tpu.vector_load %arg9[%get3A_2036] {strides = array<i32>} : memref<128xi32, #tpu.memory_space<vmem>>, vector<16xi32>,
    %get3A_2038 = vector.shape_cast %get3A_2037 : vector<16xi32> to vector<16xi32>
    %add3A_2039 = vector.broadcast %mul3A_2017 : i32 to vector<16xi32>
    %add3A_2040 = arith.addi %add3A_2039, %get3A_2038 : vector<16xi32>
    %swap3A_2041 = arith.constant 32 : index
    %swap3A_2042 = tpu.vector_load %arg15[%swap3A_2041] {strides = array<i32>} : memref<64xi32, #tpu.memory_space<vmem>>, vector<16xi32>,
    %swap3A_2043 = vector.shape_cast %swap3A_2042 : vector<16xi32> to vector<16xi32>
    %swap3A_2044 = vector.shape_cast %add3A_2040 : vector<16xi32> to vector<16xi32>
    tpu.vector_store %arg15[%swap3A_2041], %swap3A_2044 {strides = array<i32>} : memref<64xi32, #tpu.memory_space<vmem>>, vector<16xi32>,
    %get3A_2045 = arith.constant 112 : index
    %get3A_2046 = tpu.vector_load %arg9[%get3A_2045] {strides = array<i32>} : memref<128xi32, #tpu.memory_space<vmem>>, vector<16xi32>,
    %get3A_2047 = vector.shape_cast %get3A_2046 : vector<16xi32> to vector<16xi32>
    %add3A_2048 = vector.broadcast %mul3A_2017 : i32 to vector<16xi32>
    %add3A_2049 = arith.addi %add3A_2048, %get3A_2047 : vector<16xi32>
    %swap3A_2050 = arith.constant 48 : index
    %swap3A_2051 = tpu.vector_load %arg15[%swap3A_2050] {strides = array<i32>} : memref<64xi32, #tpu.memory_space<vmem>>, vector<16xi32>,
    %swap3A_2052 = vector.shape_cast %swap3A_2051 : vector<16xi32> to vector<16xi32>
    %swap3A_2053 = vector.shape_cast %add3A_2049 : vector<16xi32> to vector<16xi32>
    tpu.vector_store %arg15[%swap3A_2050], %swap3A_2053 {strides = array<i32>} : memref<64xi32, #tpu.memory_space<vmem>>, vector<16xi32>,
    %dma_start3A_2054 = arith.constant 0 : i32
    %dma_start3A_2055 = arith.constant 0 : i32
    %dma_start3A_2056 = tpu.memref_slice %arg3[%dma_start3A_2054, %dma_start3A_2055] : memref<36864x256xf32, #tpu.memory_space<hbm>> -> memref<36864x256xf32, #tpu.memory_space<hbm>>
    tpu.enqueue_indirect_dma source(%dma_start3A_2056 : memref<36864x256xf32, #tpu.memory_space<hbm>>) target(%arg21 : memref<64x256xf32, #tpu.memory_space<vmem>>) offsets(%arg15 : memref<64xi32, #tpu.memory_space<vmem>>) semaphore(%arg27 : memref<!tpu.dma_semaphore, #tpu.memory_space<semaphore_mem>>)
    %dma_wait3A_2057 = arith.constant 0 : i32
    %dma_wait3A_2058 = arith.constant 0 : i32
    %dma_wait3A_2059 = tpu.memref_slice %arg3[%dma_wait3A_2057, %dma_wait3A_2058] : memref<36864x256xf32, #tpu.memory_space<hbm>> -> memref<36864x256xf32, #tpu.memory_space<hbm>>
    tpu.wait_indirect_dma semaphore(%arg22 : memref<!tpu.dma_semaphore, #tpu.memory_space<semaphore_mem>>) src(%dma_wait3A_2059 : memref<36864x256xf32, #tpu.memory_space<hbm>>) dst(%arg16 : memref<64x256xf32, #tpu.memory_space<vmem>>)
    %add3A_2060 = arith.constant 6 : i32
    %add3A_2061 = arith.addi %mul3A_2, %add3A_2060 : i32
    %mul3A_2062 = arith.constant 128 : i32
    %mul3A_2063 = arith.muli %add3A_2061, %mul3A_2062 : i32
    %add3A_2064 = arith.constant 0 : i32
    %add3A_2065 = arith.addi %mul3A_2063, %add3A_2064 : i32
    %dma_start3A_2066 = arith.constant 0 : i32
    %dma_start3A_2067 = tpu.memref_slice %arg7[%add3A_2065, %dma_start3A_2066] : memref<36864x256xf32, #tpu.memory_space<hbm>> -> memref<64x256xf32, #tpu.memory_space<hbm>>
    %dma_start3A_2068 = arith.constant 0 : i32
    %dma_start3A_2069 = tpu.memref_slice %arg7[%add3A_2065, %dma_start3A_2068] : memref<36864x256xf32, #tpu.memory_space<hbm>> -> memref<64x256xf32, #tpu.memory_space<hbm>>
    tpu.enqueue_dma source(%arg16 : memref<64x256xf32, #tpu.memory_space<vmem>>) target(%dma_start3A_2069 : memref<64x256xf32, #tpu.memory_space<hbm>>) target_semaphore(%arg28 : memref<!tpu.dma_semaphore, #tpu.memory_space<semaphore_mem>>)
    %dma_wait3A_2070 = arith.constant 0 : i32
    %dma_wait3A_2071 = arith.constant 0 : i32
    %dma_wait3A_2072 = tpu.memref_slice %arg3[%dma_wait3A_2070, %dma_wait3A_2071] : memref<36864x256xf32, #tpu.memory_space<hbm>> -> memref<36864x256xf32, #tpu.memory_space<hbm>>
    tpu.wait_indirect_dma semaphore(%arg23 : memref<!tpu.dma_semaphore, #tpu.memory_space<semaphore_mem>>) src(%dma_wait3A_2072 : memref<36864x256xf32, #tpu.memory_space<hbm>>) dst(%arg17 : memref<64x256xf32, #tpu.memory_space<vmem>>)
    %add3A_2073 = arith.constant 6 : i32
    %add3A_2074 = arith.addi %mul3A_2, %add3A_2073 : i32
    %mul3A_2075 = arith.constant 128 : i32
    %mul3A_2076 = arith.muli %add3A_2074, %mul3A_2075 : i32
    %add3A_2077 = arith.constant 64 : i32
    %add3A_2078 = arith.addi %mul3A_2076, %add3A_2077 : i32
    %dma_start3A_2079 = arith.constant 0 : i32
    %dma_start3A_2080 = tpu.memref_slice %arg7[%add3A_2078, %dma_start3A_2079] : memref<36864x256xf32, #tpu.memory_space<hbm>> -> memref<64x256xf32, #tpu.memory_space<hbm>>
    %dma_start3A_2081 = arith.constant 0 : i32
    %dma_start3A_2082 = tpu.memref_slice %arg7[%add3A_2078, %dma_start3A_2081] : memref<36864x256xf32, #tpu.memory_space<hbm>> -> memref<64x256xf32, #tpu.memory_space<hbm>>
    tpu.enqueue_dma source(%arg17 : memref<64x256xf32, #tpu.memory_space<vmem>>) target(%dma_start3A_2082 : memref<64x256xf32, #tpu.memory_space<hbm>>) target_semaphore(%arg29 : memref<!tpu.dma_semaphore, #tpu.memory_space<semaphore_mem>>)
    %dma_wait3A_2083 = arith.constant 0 : i32
    %dma_wait3A_2084 = arith.constant 0 : i32
    %dma_wait3A_2085 = tpu.memref_slice %arg3[%dma_wait3A_2083, %dma_wait3A_2084] : memref<36864x256xf32, #tpu.memory_space<hbm>> -> memref<36864x256xf32, #tpu.memory_space<hbm>>
    tpu.wait_indirect_dma semaphore(%arg24 : memref<!tpu.dma_semaphore, #tpu.memory_space<semaphore_mem>>) src(%dma_wait3A_2085 : memref<36864x256xf32, #tpu.memory_space<hbm>>) dst(%arg18 : memref<64x256xf32, #tpu.memory_space<vmem>>)
    %add3A_2086 = arith.constant 7 : i32
    %add3A_2087 = arith.addi %mul3A_2, %add3A_2086 : i32
    %mul3A_2088 = arith.constant 128 : i32
    %mul3A_2089 = arith.muli %add3A_2087, %mul3A_2088 : i32
    %add3A_2090 = arith.constant 0 : i32
    %add3A_2091 = arith.addi %mul3A_2089, %add3A_2090 : i32
    %dma_start3A_2092 = arith.constant 0 : i32
    %dma_start3A_2093 = tpu.memref_slice %arg7[%add3A_2091, %dma_start3A_2092] : memref<36864x256xf32, #tpu.memory_space<hbm>> -> memref<64x256xf32, #tpu.memory_space<hbm>>
    %dma_start3A_2094 = arith.constant 0 : i32
    %dma_start3A_2095 = tpu.memref_slice %arg7[%add3A_2091, %dma_start3A_2094] : memref<36864x256xf32, #tpu.memory_space<hbm>> -> memref<64x256xf32, #tpu.memory_space<hbm>>
    tpu.enqueue_dma source(%arg18 : memref<64x256xf32, #tpu.memory_space<vmem>>) target(%dma_start3A_2095 : memref<64x256xf32, #tpu.memory_space<hbm>>) target_semaphore(%arg30 : memref<!tpu.dma_semaphore, #tpu.memory_space<semaphore_mem>>)
    %dma_wait3A_2096 = arith.constant 0 : i32
    %dma_wait3A_2097 = arith.constant 0 : i32
    %dma_wait3A_2098 = tpu.memref_slice %arg3[%dma_wait3A_2096, %dma_wait3A_2097] : memref<36864x256xf32, #tpu.memory_space<hbm>> -> memref<36864x256xf32, #tpu.memory_space<hbm>>
    tpu.wait_indirect_dma semaphore(%arg25 : memref<!tpu.dma_semaphore, #tpu.memory_space<semaphore_mem>>) src(%dma_wait3A_2098 : memref<36864x256xf32, #tpu.memory_space<hbm>>) dst(%arg19 : memref<64x256xf32, #tpu.memory_space<vmem>>)
    %add3A_2099 = arith.constant 7 : i32
    %add3A_2100 = arith.addi %mul3A_2, %add3A_2099 : i32
    %mul3A_2101 = arith.constant 128 : i32
    %mul3A_2102 = arith.muli %add3A_2100, %mul3A_2101 : i32
    %add3A_2103 = arith.constant 64 : i32
    %add3A_2104 = arith.addi %mul3A_2102, %add3A_2103 : i32
    %dma_start3A_2105 = arith.constant 0 : i32
    %dma_start3A_2106 = tpu.memref_slice %arg7[%add3A_2104, %dma_start3A_2105] : memref<36864x256xf32, #tpu.memory_space<hbm>> -> memref<64x256xf32, #tpu.memory_space<hbm>>
    %dma_start3A_2107 = arith.constant 0 : i32
    %dma_start3A_2108 = tpu.memref_slice %arg7[%add3A_2104, %dma_start3A_2107] : memref<36864x256xf32, #tpu.memory_space<hbm>> -> memref<64x256xf32, #tpu.memory_space<hbm>>
    tpu.enqueue_dma source(%arg19 : memref<64x256xf32, #tpu.memory_space<vmem>>) target(%dma_start3A_2108 : memref<64x256xf32, #tpu.memory_space<hbm>>) target_semaphore(%arg31 : memref<!tpu.dma_semaphore, #tpu.memory_space<semaphore_mem>>)
    %dma_wait3A_2109 = arith.constant 0 : i32
    %dma_wait3A_2110 = arith.constant 0 : i32
    %dma_wait3A_2111 = tpu.memref_slice %arg3[%dma_wait3A_2109, %dma_wait3A_2110] : memref<36864x256xf32, #tpu.memory_space<hbm>> -> memref<36864x256xf32, #tpu.memory_space<hbm>>
    tpu.wait_indirect_dma semaphore(%arg26 : memref<!tpu.dma_semaphore, #tpu.memory_space<semaphore_mem>>) src(%dma_wait3A_2111 : memref<36864x256xf32, #tpu.memory_space<hbm>>) dst(%arg20 : memref<64x256xf32, #tpu.memory_space<vmem>>)
    %add3A_2112 = arith.constant 8 : i32
    %add3A_2113 = arith.addi %mul3A_2, %add3A_2112 : i32
    %mul3A_2114 = arith.constant 128 : i32
    %mul3A_2115 = arith.muli %add3A_2113, %mul3A_2114 : i32
    %add3A_2116 = arith.constant 0 : i32
    %add3A_2117 = arith.addi %mul3A_2115, %add3A_2116 : i32
    %dma_start3A_2118 = arith.constant 0 : i32
    %dma_start3A_2119 = tpu.memref_slice %arg7[%add3A_2117, %dma_start3A_2118] : memref<36864x256xf32, #tpu.memory_space<hbm>> -> memref<64x256xf32, #tpu.memory_space<hbm>>
    %dma_start3A_2120 = arith.constant 0 : i32
    %dma_start3A_2121 = tpu.memref_slice %arg7[%add3A_2117, %dma_start3A_2120] : memref<36864x256xf32, #tpu.memory_space<hbm>> -> memref<64x256xf32, #tpu.memory_space<hbm>>
    tpu.enqueue_dma source(%arg20 : memref<64x256xf32, #tpu.memory_space<vmem>>) target(%dma_start3A_2121 : memref<64x256xf32, #tpu.memory_space<hbm>>) target_semaphore(%arg32 : memref<!tpu.dma_semaphore, #tpu.memory_space<semaphore_mem>>)
    %dma_wait3A_2122 = arith.constant 0 : i32
    %dma_wait3A_2123 = arith.constant 0 : i32
    %dma_wait3A_2124 = tpu.memref_slice %arg3[%dma_wait3A_2122, %dma_wait3A_2123] : memref<36864x256xf32, #tpu.memory_space<hbm>> -> memref<36864x256xf32, #tpu.memory_space<hbm>>
    tpu.wait_indirect_dma semaphore(%arg27 : memref<!tpu.dma_semaphore, #tpu.memory_space<semaphore_mem>>) src(%dma_wait3A_2124 : memref<36864x256xf32, #tpu.memory_space<hbm>>) dst(%arg21 : memref<64x256xf32, #tpu.memory_space<vmem>>)
    %add3A_2125 = arith.constant 8 : i32
    %add3A_2126 = arith.addi %mul3A_2, %add3A_2125 : i32
    %mul3A_2127 = arith.constant 128 : i32
    %mul3A_2128 = arith.muli %add3A_2126, %mul3A_2127 : i32
    %add3A_2129 = arith.constant 64 : i32
    %add3A_2130 = arith.addi %mul3A_2128, %add3A_2129 : i32
    %dma_start3A_2131 = arith.constant 0 : i32
    %dma_start3A_2132 = tpu.memref_slice %arg7[%add3A_2130, %dma_start3A_2131] : memref<36864x256xf32, #tpu.memory_space<hbm>> -> memref<64x256xf32, #tpu.memory_space<hbm>>
    %dma_start3A_2133 = arith.constant 0 : i32
    %dma_start3A_2134 = tpu.memref_slice %arg7[%add3A_2130, %dma_start3A_2133] : memref<36864x256xf32, #tpu.memory_space<hbm>> -> memref<64x256xf32, #tpu.memory_space<hbm>>
    tpu.enqueue_dma source(%arg21 : memref<64x256xf32, #tpu.memory_space<vmem>>) target(%dma_start3A_2134 : memref<64x256xf32, #tpu.memory_space<hbm>>) target_semaphore(%arg33 : memref<!tpu.dma_semaphore, #tpu.memory_space<semaphore_mem>>)
    %dma_wait3A_2135 = arith.constant 0 : i32
    %dma_wait3A_2136 = tpu.memref_slice %arg7[%add3A_2065, %dma_wait3A_2135] : memref<36864x256xf32, #tpu.memory_space<hbm>> -> memref<64x256xf32, #tpu.memory_space<hbm>>
    %dma_wait3A_2137 = arith.constant 0 : i32
    %dma_wait3A_2138 = tpu.memref_slice %arg7[%add3A_2065, %dma_wait3A_2137] : memref<36864x256xf32, #tpu.memory_space<hbm>> -> memref<64x256xf32, #tpu.memory_space<hbm>>
    tpu.wait_dma2 semaphore(%arg28 : memref<!tpu.dma_semaphore, #tpu.memory_space<semaphore_mem>>) src(%arg16 : memref<64x256xf32, #tpu.memory_space<vmem>>) dst(%dma_wait3A_2138 : memref<64x256xf32, #tpu.memory_space<hbm>>)
    %dma_wait3A_2139 = arith.constant 0 : i32
    %dma_wait3A_2140 = tpu.memref_slice %arg7[%add3A_2078, %dma_wait3A_2139] : memref<36864x256xf32, #tpu.memory_space<hbm>> -> memref<64x256xf32, #tpu.memory_space<hbm>>
    %dma_wait3A_2141 = arith.constant 0 : i32
    %dma_wait3A_2142 = tpu.memref_slice %arg7[%add3A_2078, %dma_wait3A_2141] : memref<36864x256xf32, #tpu.memory_space<hbm>> -> memref<64x256xf32, #tpu.memory_space<hbm>>
    tpu.wait_dma2 semaphore(%arg29 : memref<!tpu.dma_semaphore, #tpu.memory_space<semaphore_mem>>) src(%arg17 : memref<64x256xf32, #tpu.memory_space<vmem>>) dst(%dma_wait3A_2142 : memref<64x256xf32, #tpu.memory_space<hbm>>)
    %dma_wait3A_2143 = arith.constant 0 : i32
    %dma_wait3A_2144 = tpu.memref_slice %arg7[%add3A_2091, %dma_wait3A_2143] : memref<36864x256xf32, #tpu.memory_space<hbm>> -> memref<64x256xf32, #tpu.memory_space<hbm>>
    %dma_wait3A_2145 = arith.constant 0 : i32
    %dma_wait3A_2146 = tpu.memref_slice %arg7[%add3A_2091, %dma_wait3A_2145] : memref<36864x256xf32, #tpu.memory_space<hbm>> -> memref<64x256xf32, #tpu.memory_space<hbm>>
    tpu.wait_dma2 semaphore(%arg30 : memref<!tpu.dma_semaphore, #tpu.memory_space<semaphore_mem>>) src(%arg18 : memref<64x256xf32, #tpu.memory_space<vmem>>) dst(%dma_wait3A_2146 : memref<64x256xf32, #tpu.memory_space<hbm>>)
    %dma_wait3A_2147 = arith.constant 0 : i32
    %dma_wait3A_2148 = tpu.memref_slice %arg7[%add3A_2104, %dma_wait3A_2147] : memref<36864x256xf32, #tpu.memory_space<hbm>> -> memref<64x256xf32, #tpu.memory_space<hbm>>
    %dma_wait3A_2149 = arith.constant 0 : i32
    %dma_wait3A_2150 = tpu.memref_slice %arg7[%add3A_2104, %dma_wait3A_2149] : memref<36864x256xf32, #tpu.memory_space<hbm>> -> memref<64x256xf32, #tpu.memory_space<hbm>>
    tpu.wait_dma2 semaphore(%arg31 : memref<!tpu.dma_semaphore, #tpu.memory_space<semaphore_mem>>) src(%arg19 : memref<64x256xf32, #tpu.memory_space<vmem>>) dst(%dma_wait3A_2150 : memref<64x256xf32, #tpu.memory_space<hbm>>)
    %dma_wait3A_2151 = arith.constant 0 : i32
    %dma_wait3A_2152 = tpu.memref_slice %arg7[%add3A_2117, %dma_wait3A_2151] : memref<36864x256xf32, #tpu.memory_space<hbm>> -> memref<64x256xf32, #tpu.memory_space<hbm>>
    %dma_wait3A_2153 = arith.constant 0 : i32
    %dma_wait3A_2154 = tpu.memref_slice %arg7[%add3A_2117, %dma_wait3A_2153] : memref<36864x256xf32, #tpu.memory_space<hbm>> -> memref<64x256xf32, #tpu.memory_space<hbm>>
    tpu.wait_dma2 semaphore(%arg32 : memref<!tpu.dma_semaphore, #tpu.memory_space<semaphore_mem>>) src(%arg20 : memref<64x256xf32, #tpu.memory_space<vmem>>) dst(%dma_wait3A_2154 : memref<64x256xf32, #tpu.memory_space<hbm>>)
    %dma_wait3A_2155 = arith.constant 0 : i32
    %dma_wait3A_2156 = tpu.memref_slice %arg7[%add3A_2130, %dma_wait3A_2155] : memref<36864x256xf32, #tpu.memory_space<hbm>> -> memref<64x256xf32, #tpu.memory_space<hbm>>
    %dma_wait3A_2157 = arith.constant 0 : i32
    %dma_wait3A_2158 = tpu.memref_slice %arg7[%add3A_2130, %dma_wait3A_2157] : memref<36864x256xf32, #tpu.memory_space<hbm>> -> memref<64x256xf32, #tpu.memory_space<hbm>>
    tpu.wait_dma2 semaphore(%arg33 : memref<!tpu.dma_semaphore, #tpu.memory_space<semaphore_mem>>) src(%arg21 : memref<64x256xf32, #tpu.memory_space<vmem>>) dst(%dma_wait3A_2158 : memref<64x256xf32, #tpu.memory_space<hbm>>)
    return
  }
}

</mosaic_0001>

<sc_bundles>
// kernel: kernel.3.cloned.1.call-start
scs
__scs_entry_jumppad:
0x0: {  	(pc) =	sbr.rel $0x88, $3  }
0x1: {  	(tag) =	ssettag $0x0;
	lr =	simm.s32 $0x1  }
0x2: {  	[smem:$0x3F9E] =	sst lr;
	_ =	strace $0xD0000000  }
0x3: {  	_ = 	snop  }
0x4: {  	_ = 	snop  }
0x5: {  	_ = 	snop  }
0x6: {  	_ = 	snop  }
0x7: {  	_ = 	snop  }
__scs_overlays_trampoline_lowered:
0x8: {  	[smem:$0x3FAD] =	sst s0  }
0x9: {  	[smem:$0x3FAE] =	sst s1  }
0xa: {  	[smem:$0x3FAF] =	sst s2  }
0xb: {  	[smem:$0x3FB0] =	sst s3  }
0xc: {  	[smem:$0x3FB1] =	sst s4  }
0xd: {  	[smem:$0x3FB2] =	sst s5  }
0xe: {  	[smem:$0x3FB3] =	sst s6  }
0xf: {  	[smem:$0x3FB4] =	sst s7  }
0x10: {  	[smem:$0x3FB5] =	sst s8  }
0x11: {  	[smem:$0x3FB6] =	sst s9;
	s0 =	simm.s32 @!p0 $0x0  }
0x12: {  	s1 =	sld [smem:$0x3F9C];
	s0 =	simm.s32 @p0 $0x1  }
0x13: {  	[smem:$0x3FB7] =	sst s0;
	s0 =	simm.s32 @!p1 $0x0  }
0x14: {  	s2 =	sld [smem:$0x3F9B];
	s0 =	simm.s32 @p1 $0x1  }
0x15: {  	[smem:$0x3FB8] =	sst s0;
	s0 =	simm.s32 @!p2 $0x0  }
0x16: {  	s3 =	sld [smem:$0x3FDB];
	s0 =	simm.s32 @p2 $0x1  }
0x17: {  	s4 =	simm.s32 $0x1BF5;
	[smem:$0x3FBA] =	sst s0  }
0x18: {  	s0 =	sld [smem:$0x3F9D];
	_ =	swait.ge [sflag:s4], $0x0  }
0x19: {  	s7 =	sld [smem:$0x3F9E]  }
0x1a: {  	s8 =	sadd.s32 $0xFFFFE003, lr  }
0x1b: {  	s9 =	sadd.s32 $0xFFFFFEF7, lr;
	s5 =	simm.s32 $0xFFFFFFFF;
	p2 =	slt.u32 s8, $0xFFFFF086  }
0x1c: {  	p1 =	slt.u32 s9, $0xF7A;
	s5 =	simm.s32 @!p2 $0x0  }
0x1d: {  	s5 =	simm.s32 @p1 $0x1;
	p0 =	seq.s32 s7, s2  }
0x1e: {  	s7 =	smul.u32 @!p0 $0xF7A, s2;
	p2 =	seq.s32 @!p0 s5, $0x0  }
0x1f: {  	s9 =	smul.u32 $0xF7A, s1;
	s8 =	simm.s32 @!p0 $0x1BF5;
	p2 =	por !p2, p0  }
0x20: {  	[sflag:s8] =	ssyncset.s32 @!p0 $0xFFFFF086;
	s6 =	sadd.s32 @!p0 s3, s7;
	s7 =	simm.s32 @!p0 $0x108  }
0x21: {  	s3 =	sadd.s32 s3, s9;
	s6 =	sadd.s32 @!p0 $0x88, s6;
	s7 =	simm.s32 @p2 $0x1082  }
0x22: {  	[simem:s7], [sflag:s8] =	dma.local @!p0 [hbm:s6], $0xF7A  }
0x23: {  	s9 =	sor.u32 $0xD0000000, s2;
	s6 =	simm.s32 $0x108;
	_ =	swait.ge @!p0 [sflag:s8], $0x0  }
0x24: {  	s3 =	sadd.s32 $0x88, s3;
	s6 =	simm.s32 @!p1 $0x1082;
	[sflag:s4] =	ssyncset.s32 $0xFFFFF086  }
0x25: {  	[simem:s6], [sflag:s4] =	dma.local [hbm:s3], $0xF7A  }
0x26: {  	[smem:$0x3F9E] =	sst s1;
	(tag) =	ssettag s2;
	_ =	strace s9  }
0x27: {  	s1 =	sld [smem:$0x3FAE]  }
0x28: {  	s2 =	sld [smem:$0x3FAF]  }
0x29: {  	s4 =	sld [smem:$0x3FB1]  }
0x2a: {  	p0 =	seq.s32 s5, $0x0;
	s5 =	sld [smem:$0x3FB2]  }
0x2b: {  	s6 =	sld [smem:$0x3FB3]  }
0x2c: {  	s7 =	sld [smem:$0x3FB4]  }
0x2d: {  	s3 =	simm.s32 $0x108;
	s8 =	sld [smem:$0x3FB5]  }
0x2e: {  	s3 =	simm.s32 @!p0 $0x1082;
	s9 =	sld [smem:$0x3FB6]  }
0x2f: {  	lr =	sadd.s32 s0, s3;
	s0 =	sld [smem:$0x3FAD]  }
0x30: {  	s3 =	sld [smem:$0x3FB0]  }
0x31: {  	[smem:$0x3FB9] =	sst s10  }
0x32: {  	s10 =	sld [smem:$0x3FB7];
	_ =	sdelay $0x3  }
0x33: {  	p0 =	seq.s32 s10, $0x1;
	s10 =	sld [smem:$0x3FB9];
	_ =	sdelay $0x3  }
0x34: {  	[smem:$0x3FB9] =	sst s10  }
0x35: {  	s10 =	sld [smem:$0x3FB8];
	_ =	sdelay $0x3  }
0x36: {  	p1 =	seq.s32 s10, $0x1;
	s10 =	sld [smem:$0x3FB9];
	_ =	sdelay $0x3  }
0x37: {  	[smem:$0x3FB9] =	sst s10  }
0x38: {  	s10 =	sld [smem:$0x3FBA]  }
0x39: {  	_ = 	snop;
	(pc) =	sbr.ind lr, $3  }
0x3a: {  	_ = 	snop  }
0x3b: {  	_ = 	snop  }
0x3c: {  	p2 =	seq.s32 s10, $0x1;
	s10 =	sld [smem:$0x3FB9]  }
0x3d: {  	_ =	shalt  }
0x3e: {  	_ =	shalt  }
0x3f: {  	_ =	shalt  }
0x40: {  	_ =	shalt  }
0x41: {  	_ =	shalt  }
0x42: {  	_ =	shalt  }
0x43: {  	_ =	shalt  }
0x44: {  	_ =	shalt  }
0x45: {  	_ =	shalt  }
0x46: {  	_ =	shalt  }
0x47: {  	_ =	shalt  }
0x48: {  	_ =	shalt  }
0x49: {  	_ =	shalt  }
0x4a: {  	_ =	shalt  }
0x4b: {  	_ =	shalt  }
0x4c: {  	_ =	shalt  }
0x4d: {  	_ =	shalt  }
0x4e: {  	_ =	shalt  }
0x4f: {  	_ =	shalt  }
0x50: {  	_ =	shalt  }
0x51: {  	_ =	shalt  }
0x52: {  	_ =	shalt  }
0x53: {  	_ =	shalt  }
0x54: {  	_ =	shalt  }
0x55: {  	_ =	shalt  }
0x56: {  	_ =	shalt  }
0x57: {  	_ =	shalt  }
0x58: {  	_ =	shalt  }
0x59: {  	_ =	shalt  }
0x5a: {  	_ =	shalt  }
0x5b: {  	_ =	shalt  }
0x5c: {  	_ =	shalt  }
0x5d: {  	_ =	shalt  }
0x5e: {  	_ =	shalt  }
0x5f: {  	_ =	shalt  }
0x60: {  	_ =	shalt  }
0x61: {  	_ =	shalt  }
0x62: {  	_ =	shalt  }
0x63: {  	_ =	shalt  }
0x64: {  	_ =	shalt  }
0x65: {  	_ =	shalt  }
0x66: {  	_ =	shalt  }
0x67: {  	_ =	shalt  }
0x68: {  	_ =	shalt  }
0x69: {  	_ =	shalt  }
0x6a: {  	_ =	shalt  }
0x6b: {  	_ =	shalt  }
0x6c: {  	_ =	shalt  }
0x6d: {  	_ =	shalt  }
0x6e: {  	_ =	shalt  }
0x6f: {  	_ =	shalt  }
0x70: {  	_ =	shalt  }
0x71: {  	_ =	shalt  }
0x72: {  	_ =	shalt  }
0x73: {  	_ =	shalt  }
0x74: {  	_ =	shalt  }
0x75: {  	_ =	shalt  }
0x76: {  	_ =	shalt  }
0x77: {  	_ =	shalt  }
0x78: {  	_ =	shalt  }
0x79: {  	_ =	shalt  }
0x7a: {  	_ =	shalt  }
0x7b: {  	_ =	shalt  }
0x7c: {  	_ =	shalt  }
0x7d: {  	_ =	shalt  }
0x7e: {  	_ =	shalt  }
0x7f: {  	_ =	shalt  }
0x80: {  	_ =	shalt  }
0x81: {  	_ =	shalt  }
0x82: {  	_ =	shalt  }
0x83: {  	_ =	shalt  }
0x84: {  	_ =	shalt  }
0x85: {  	_ =	shalt  }
0x86: {  	_ =	shalt  }
0x87: {  	_ =	shalt  }
.Lfunc_end0:
.L_simem_size_0:
called_computation_lowered:
.L_overlay_start_0:
0x88: {  	s2 =	sld [smem:$0x3FD9]  }
0x89: {  	s3 =	sld [smem:$0x3FFE];
	_ =	sdelay $0x1  }
0x8a: {  	s1 =	srdreg.scid  }
0x8b: {  	s0 =	sand.u32 $0x1, s1  }
0x8c: {  	s14 =	sshll.u32 s0, $0xA;
	s2 =	sadd.s32 s3, s2  }
0x8d: {  	s2 =	sadd.s32 s2, s14  }
0x8e: {  	[smem:$0x3FC5] =	sst s2  }
0x8f: {  	_ = 	snop  }
0x90: {  	s2 =	sld [smem:$0x3FD0];
	_ =	sdelay $0x1  }
0x91: {  	s15 =	sld [smem:$0x3FC9]  }
0x92: {  	s5 =	simm.s32 $0xA;
	s6 =	simm.s32 $0x10;
	s4 =	sld [smem:$0x3FC8]  }
0x93: {  	[smem:s6], [sflag:s5] =	dma.local [hbm:s2], $0x1  }
0x94: {  	_ =	swait.eq [sflag:s5], $0x1  }
0x95: {  	s16 =	sld [smem:$0x10];
	[sflag:s5] =	ssyncset.done $0x0  }
0x96: {  	s17 =	sld [smem:$0x11];
	[sflag:s5] =	ssyncadd.s32 $0xFFFFFFFF  }
0x97: {  	s18 =	sld [smem:$0x12];
	(tm) =	ssettm $0x1  }
0x98: {  	s7 =	sld [smem:$0x3FFB];
	_ =	sdelay $0x3  }
0x99: {  	_ =	strace s7  }
0x9a: {  	s7 =	sld [smem:$0x3FFC];
	_ =	sdelay $0x3  }
0x9b: {  	_ =	strace s7  }
0x9c: {  	s7 =	sld [smem:$0x3FFD];
	_ =	sdelay $0x3  }
0x9d: {  	_ =	strace s7  }
0x9e: {  	_ =	strace $0x8FFFFFFF  }
0x9f: {  	s19 =	sld [smem:$0x3FDB];
	_ =	sdelay $0x1  }
0xa0: {  	s8 =	simm.s32 $_scs_section_size  }
0xa1: {  	s9 =	simm.s32 $_size__tile_overlayer_lowered;
	s10 =	simm.s32 $_tile_overlayer_lowered  }
0xa2: {  	s22 =	simm.s32 $0x1BFF;
	s21 =	sshll.u32 s10, $0x1;
	s7 =	sadd.s32 s8, s19  }
0xa3: {  	s11 =	simm.s32 $0x0;
	s20 =	sshll.u32 s9, $0x1;
	s9 =	sadd.s32 s21, s7  }
0xa4: {  	[timem:s11], [sflag:s22] =	dma.local [hbm:s9], s20  }
0xa5: {  	_ =	swait.ge [sflag:s22], s20  }
0xa6: {  	s8 =	ssub.s32 $0x0, s20;
	[sflag:s22] =	ssyncset.done $0x0  }
0xa7: {  	[sflag:s22] =	ssyncadd.s32 s8;
	_ =	sdelay $0x1  }
0xa8: {  	s23 =	simm.s32 $0x1B8B  }
0xa9: {  	_ =	swait.ge [sflag:s23], $0x1  }
0xaa: {  	[sflag:s23] =	ssyncset.done $0x0  }
0xab: {  	s25 =	simm.s32 $0x1B8E;
	s24 =	sld [smem:$0x3FFE];
	[sflag:s23] =	ssyncadd.s32 $0xFFFFFFFF  }
0xac: {  	s26 =	simm.s32 $execute0_lowered;
	[smem:$0x3FD2] =	sst s25  }
0xad: {  	s9 =	sshll.u32 s26, $0x1;
	_ =	strace $0x80000046;
	[dreg:$0x1] =	wrdreg $0xFFFFFFFF  }
0xae: {  	s28 =	simm.s32 $_size_execute0_lowered;
	s7 =	sadd.s32 s7, s9;
	[dreg:$0x0] =	wrdreg $0x0  }
0xaf: {  	s9 =	sshll.u32 s28, $0x1;
	[dreg:$0x2] =	wrdreg s7  }
0xb0: {  	[dreg:$0x3] =	wrdreg s9  }
0xb1: {  	[dreg:$0x4] =	wrdreg $0xC0  }
0xb2: {  	_ =	task [dreg:s11], $0x5FFFF  }
0xb3: {  	[dreg:$0x1] =	wrdreg $0xFFFFFFFF  }
0xb4: {  	[dreg:$0x0] =	wrdreg $0x60  }
0xb5: {  	[dreg:$0x2] =	wrdreg s15  }
0xb6: {  	[dreg:$0x3] =	wrdreg s4  }
0xb7: {  	[dreg:$0x4] =	wrdreg s18  }
0xb8: {  	[dreg:$0x5] =	wrdreg s24  }
0xb9: {  	[dreg:$0x6] =	wrdreg s16  }
0xba: {  	[dreg:$0x7] =	wrdreg s17  }
0xbb: {  	[dreg:$0x8] =	wrdreg $0x9  }
0xbc: {  	_ =	task.clear_ibuf [dreg:s11], $0x9FFFF;
	_ =	strace $0x90000046  }
0xbd: {  	s29 =	simm.s32 $0x9;
	_ =	strace $0x80000048  }
0xbe: {  	_ =	swait.ge [sflag:s29], $0x1  }
0xbf: {  	[sflag:s29] =	ssyncadd.s32 $0xFFFFFFFF  }
0xc0: {  	_ =	strace $0x90000048  }
0xc1: {  	_ =	sfence  }
0xc2: {  	s30 =	sld [smem:$0x0];
	_ =	sdelay $0x2  }
0xc3: {  	s31 =	sshll.u32 s1, $0xD;
	s1 =	sshrl.u32 s1, $0x2  }
0xc4: {  	s3 =	sand.u32 $0x4000, s31;
	s1 =	sadd.s32 s1, s30  }
0xc5: {  	s0 =	sor.u32 s3, s0;
	s1 =	sshll.u32 s1, $0x11  }
0xc6: {  	s0 =	sor.u32 s1, s0  }
0xc7: {  	s0 =	sadd.s32 $0x8F2B, s0  }
0xc8: {  	[sflag:s0] =	ssyncadd.remote.s32 $0x1  }
0xc9: {  	_ =	sfence.sel $0xFFFF  }
0xca: {  	[dreg:$0x0] =	wrdreg $0xFFFFFFFF;
	(pc) =	sbr.abs _section_cstart, $3  }
0xcb: {  	[dreg:$0x1] =	wrdreg $0xFFFFFFFF  }
0xcc: {  	_ =	task.clear_ibuf [dreg:s11], $0x2FFFF;
	_ =	strace $0x9FFFFFFF  }
0xcd: {  	(tm) =	ssettm $0x7FFFFFFF  }
tec
execute0_lowered:
.L_overlay_start_1:
0x0: {  	(tag) =	ssettag $0x1  }
0x1: {  	s0 =	rddreg [dreg:$0x0]  }
0x2: {  	s1 =	rddreg [dreg:$0x1]  }
0x3: {  	s2 =	rddreg [dreg:$0x2]  }
0x4: {  	s6 =	rddreg [dreg:$0x3]  }
0x5: {  	s19 =	srdreg.scid;
	s4 =	stileid.u32  }
0x6: {  	s7 =	rddreg [dreg:$0x4];
	s16 =	sand.u32 $0x1, s19;
	s20 =	sshll.u32 s4, $0x1  }
0x7: {  	[dreg:$0x7] =	wrdreg s2;
	s4 =	simm.s32 $0x0;
	s9 =	sor.u32 s16, s20  }
0x8: {  	[smem:$0x7FF] =	sst s4;
	s8 =	smul.u32 $0x480, s9  }
0x9: {  	s3 =	rddreg [dreg:$0x5];
	s6 =	sadd.s32 $0xA00, s6;
	_ =	strace $0x80000047  }
0xa: {  	s13 =	smul.u32 $0x9000, s9;
	[dreg:$0x8] =	wrdreg s6;
	s21 =	sadd.s32 $0x80, s8  }
0xb: {  	s5 =	sadd.s32 $0x100, s8;
	[smem:$0x7FB] =	sst s21  }
0xc: {  	s10 =	sadd.s32 s7, s13;
	[smem:$0x7FC] =	sst s5  }
0xd: {  	s9 =	smul.u32 $0x48000, s9;
	s24 =	sadd.s32 $0x180, s8;
	[dreg:$0x9] =	wrdreg s10  }
0xe: {  	s15 =	sor.u32 $0x800, s13;
	s13 =	sadd.s32 s3, s13;
	[smem:$0x7FD] =	sst s24  }
0xf: {  	s18 =	sshrl.u32 s9, $0x3;
	s22 =	sadd.s32 s7, s15;
	[dreg:$0x1b] =	wrdreg s13  }
0x10: {  	s17 =	sshll.u32 s21, $0x5;
	s15 =	sadd.s32 s3, s15;
	[dreg:$0xa] =	wrdreg s22  }
0x11: {  	s19 =	sadd.s32 $0x1800, s18;
	s23 =	sadd.s32 s7, s17;
	[dreg:$0x1c] =	wrdreg s15  }
0x12: {  	s20 =	sshll.u32 s5, $0x5;
	s11 =	sadd.s32 s7, s19;
	[dreg:$0xb] =	wrdreg s23  }
0x13: {  	s21 =	sadd.s32 $0x2800, s18;
	s25 =	sadd.s32 s7, s20;
	[dreg:$0xc] =	wrdreg s11  }
0x14: {  	s26 =	sadd.s32 s7, s21;
	[dreg:$0xd] =	wrdreg s25  }
0x15: {  	s19 =	sadd.s32 s3, s19;
	[dreg:$0xe] =	wrdreg s26  }
0x16: {  	s10 =	sadd.s32 $0x200, s8;
	s20 =	sadd.s32 s3, s20;
	[dreg:$0x1e] =	wrdreg s19  }
0x17: {  	s22 =	sshll.u32 s24, $0x5;
	s21 =	sadd.s32 s3, s21;
	[dreg:$0x1f] =	wrdreg s20  }
0x18: {  	s24 =	sshll.u32 s10, $0x5;
	s28 =	sadd.s32 s7, s22;
	[smem:$0x7ED] =	sst s21  }
0x19: {  	s12 =	sadd.s32 s7, s24;
	[dreg:$0xf] =	wrdreg s28  }
0x1a: {  	s22 =	sadd.s32 s3, s22;
	[dreg:$0x11] =	wrdreg s12  }
0x1b: {  	s23 =	sadd.s32 $0x3800, s18;
	s15 =	sadd.s32 s3, s24;
	[smem:$0x7EE] =	sst s22  }
0x1c: {  	s25 =	sadd.s32 $0x4800, s18;
	s29 =	sadd.s32 s7, s23;
	[smem:$0x7F0] =	sst s15  }
0x1d: {  	s11 =	sadd.s32 $0x280, s8;
	s30 =	sadd.s32 s7, s25;
	[dreg:$0x10] =	wrdreg s29  }
0x1e: {  	s26 =	sshll.u32 s11, $0x5;
	s13 =	sadd.s32 s3, s23;
	[dreg:$0x12] =	wrdreg s30  }
0x1f: {  	s28 =	sadd.s32 $0x5800, s18;
	s14 =	sadd.s32 s7, s26;
	[smem:$0x7EF] =	sst s13  }
0x20: {  	s31 =	sadd.s32 s7, s28;
	[dreg:$0x13] =	wrdreg s14  }
0x21: {  	s9 =	sadd.s32 $0x380, s8;
	s19 =	sadd.s32 s3, s28;
	[dreg:$0x14] =	wrdreg s31  }
0x22: {  	s12 =	sadd.s32 $0x300, s8;
	s28 =	simm.s32 $0x80;
	[smem:$0x7F3] =	sst s19  }
0x23: {  	s29 =	sshll.u32 s12, $0x5;
	s30 =	sadd.s32 $0x6800, s18;
	[smem:$0x7FA] =	sst s28  }
0x24: {  	s2 =	sadd.s32 s7, s29;
	s20 =	sadd.s32 s3, s29;
	s29 =	sld [smem:$0x7FB]  }
0x25: {  	s5 =	sadd.s32 s7, s30;
	s21 =	sadd.s32 s3, s30;
	s30 =	sld [smem:$0x7FC]  }
0x26: {  	v4 =	vmov s10;
	s10 =	simm.s32 $0x3;
	s23 =	ssub.s32 $0x2, s16;
	[dreg:$0x15] =	wrdreg s2  }
0x27: {  	v5 =	vmov s11;
	s11 =	simm.s32 $0x9;
	s16 =	simm.s32 $0x5;
	[dreg:$0x16] =	wrdreg s5  }
0x28: {  	v6 =	vmov s12;
	s12 =	simm.s32 $0x4;
	s31 =	sshll.u32 s9, $0x5;
	[smem:$0x7F4] =	sst s20  }
0x29: {  	v0 =	vmov s8;
	s14 =	sadd.s32 $0x400, s8;
	s8 =	simm.s32 $0x2;
	[smem:$0x7F5] =	sst s21  }
0x2a: {  	s6 =	sadd.s32 s7, s31;
	s22 =	sadd.s32 s3, s31;
	s31 =	sld [smem:$0x7FD]  }
0x2b: {  	v7 =	vmov s9;
	s9 =	simm.s32 $0x8;
	s5 =	sadd.s32 $0x7800, s18;
	[dreg:$0x17] =	wrdreg s6  }
0x2c: {  	s19 =	simm.s32 $0xC;
	s2 =	sadd.s32 s7, s5;
	[smem:$0x7F6] =	sst s22  }
0x2d: {  	s6 =	sshll.u32 s14, $0x5;
	s5 =	sadd.s32 s3, s5;
	[dreg:$0x18] =	wrdreg s2  }
0x2e: {  	s2 =	sadd.s32 $0x8800, s18;
	s18 =	sadd.s32 s7, s6;
	[smem:$0x7F7] =	sst s5  }
0x2f: {  	v8 =	vmov s14;
	s14 =	simm.s32 $0xA;
	s24 =	sadd.s32 s3, s6;
	[dreg:$0x19] =	wrdreg s18  }
0x30: {  	s6 =	simm.s32 $0x7;
	s7 =	sadd.s32 s7, s2;
	[smem:$0x7F8] =	sst s24  }
0x31: {  	s18 =	sadd.s32 s3, s17;
	s17 =	sadd.s32 s3, s25;
	[dreg:$0x1a] =	wrdreg s7  }
0x32: {  	v11 =	vlaneseq.u32;
	s25 =	sshrl.u32 s23, $0x1;
	s2 =	sadd.s32 s3, s2;
	[dreg:$0x1d] =	wrdreg s18  }
0x33: {  	vm0 =	vmmov $0xffff;
	v10 =	vshrl.u32 v11, $0x3;
	[smem:$0x7F1] =	sst s17;
	s18 =	sadd.s32 s3, s26;
	s26 =	ssub.s32 s23, s25  }
0x34: {  	v9 =	vand.u32 $0x7, v11;
	v11 =	vor.u32 $0x8, v11;
	v10 =	vmul.u32 $0x8, v10;
	[smem:$0x7F9] =	sst s2;
	s23 =	simm.s32 $0x1;
	s17 =	simm.s32 $0xB  }
0x35: {  	v1 =	vmov s29;
	v2 =	vmov s30;
	v3 =	vmov s31;
	[smem:$0x7F2] =	sst s18;
	s3 =	smax.u32 s26, $0x1;
	s18 =	simm.s32 $0x6  }
.LBB2_1:
0x36: {  	[smem:$0x7EC] =	sst s3  }
0x37: {  	s20 =	rddreg [dreg:$0x7];
	s24 =	simm.s32 $0xD  }
0x38: {  	[tilespmem:s4], [sflag:$0xD] =	stream.linear.gather [hbm4b:s20+s4], $0x80, $0x38;
	[tilespmem:$0x18400] =	vst v63  }
0x39: {  	_ =	swait.ge [sflag:s24], $0x80  }
0x3a: {  	s21 =	sld [smem:$0x7FA]  }
0x3b: {  	[sflag:s24] =	ssyncset.done $0x0  }
0x3c: {  	s31 =	rddreg [dreg:$0x8];
	[sflag:s24] =	ssyncadd.s32 $0xFFFFFF80  }
0x3d: {  	[tilespmem:s21], [sflag:$0xD] =	stream.linear.gather [hbm4b:s31+s4], $0x80, $0x38;
	[tilespmem:$0x18400] =	vst v63  }
0x3e: {  	_ =	swait.ge [sflag:s24], $0x80  }
0x3f: {  	[sflag:s24] =	ssyncset.done $0x0  }
0x40: {  	[sflag:s24] =	ssyncadd.s32 $0xFFFFFF80  }
0x41: {  	v12 =	vld [tilespmem:$0x0];
	_ =	sdelay $0x4  }
0x42: {  	v13 =	vadd.s32 v0, v12  }
0x43: {  	v14 =	vshll.u32 v13, $0x1  }
0x44: {  	v15 =	vld [tilespmem:$0x10];
	v12 =	vand.u32 $0x7, v12;
	v14 =	vand.u32 $0xFFFFFFF0, v14  }
0x45: {  	v16 =	vld [tilespmem:$0x20];
	v12 =	vor.u32 v12, v14  }
0x46: {  	v20 =	vld [tilespmem:$0x30];
	v17 =	vperm.xlane v12, v9;
	_ =	sdelay $0x1  }
0x47: {  	v12 =	vperm.xlane v12, v11;
	v17 =	vadd.s32 v10, v17  }
0x48: {  	v21 =	vadd.s32 v0, v15;
	[tilespmem:$0x100] =	vst v13  }
0x49: {  	v22 =	vadd.s32 v0, v16;
	[tilespmem:$0x110] =	vst v21;
	v12 =	vadd.s32 v10, v12  }
0x4a: {  	v23 =	vadd.s32 v0, v20;
	[tilespmem:$0x120] =	vst v22  }
0x4b: {  	s2 =	simm.s32 $0x400;
	[tilespmem:$0x130] =	vst v23  }
0x4c: {  	[tilespmem:s2], [sflag:$0x1] =	stream.indirect_vreg.gather [hbm4b:s0+s4], $0x80, v17, vm0, $0xb8;
	[tilespmem:$0x18400] =	vst v63  }
0x4d: {  	s5 =	simm.s32 $0xC00  }
0x4e: {  	[tilespmem:s5], [sflag:$0x1] =	stream.indirect_vreg.gather [hbm4b:s0+s4], $0x80, v12, vm0, $0xb8;
	[tilespmem:$0x18400] =	vst v63  }
0x4f: {  	v12 =	vld [tilespmem:$0x110];
	_ =	sdelay $0x4  }
0x50: {  	v24 =	vshll.u32 v12, $0x1  }
0x51: {  	v12 =	vand.u32 $0x7, v12;
	v13 =	vand.u32 $0xFFFFFFF0, v24  }
0x52: {  	v12 =	vor.u32 v12, v13  }
0x53: {  	v13 =	vperm.xlane v12, v9;
	_ =	sdelay $0x1  }
0x54: {  	v12 =	vperm.xlane v12, v11;
	v13 =	vadd.s32 v10, v13;
	_ =	sdelay $0x1  }
0x55: {  	v12 =	vadd.s32 v10, v12;
	_ =	sdelay $0x1  }
0x56: {  	s7 =	simm.s32 $0x1400  }
0x57: {  	[tilespmem:s7], [sflag:$0x1] =	stream.indirect_vreg.gather [hbm4b:s0+s4], $0x80, v13, vm0, $0xb8;
	[tilespmem:$0x18400] =	vst v63  }
0x58: {  	s13 =	simm.s32 $0x1C00  }
0x59: {  	[tilespmem:s13], [sflag:$0x1] =	stream.indirect_vreg.gather [hbm4b:s0+s4], $0x80, v12, vm0, $0xb8;
	[tilespmem:$0x18400] =	vst v63  }
0x5a: {  	v12 =	vld [tilespmem:$0x120];
	_ =	sdelay $0x4  }
0x5b: {  	v25 =	vshll.u32 v12, $0x1  }
0x5c: {  	v12 =	vand.u32 $0x7, v12;
	v13 =	vand.u32 $0xFFFFFFF0, v25  }
0x5d: {  	v12 =	vor.u32 v12, v13  }
0x5e: {  	v13 =	vperm.xlane v12, v9;
	_ =	sdelay $0x1  }
0x5f: {  	v12 =	vperm.xlane v12, v11;
	v13 =	vadd.s32 v10, v13;
	_ =	sdelay $0x1  }
0x60: {  	v12 =	vadd.s32 v10, v12;
	_ =	sdelay $0x1  }
0x61: {  	s20 =	simm.s32 $0x2400  }
0x62: {  	[tilespmem:s20], [sflag:$0x1] =	stream.indirect_vreg.gather [hbm4b:s0+s4], $0x80, v13, vm0, $0xb8;
	[tilespmem:$0x18400] =	vst v63  }
0x63: {  	s21 =	simm.s32 $0x2C00  }
0x64: {  	[tilespmem:s21], [sflag:$0x1] =	stream.indirect_vreg.gather [hbm4b:s0+s4], $0x80, v12, vm0, $0xb8;
	[tilespmem:$0x18400] =	vst v63  }
0x65: {  	v12 =	vld [tilespmem:$0x130];
	_ =	sdelay $0x4  }
0x66: {  	v26 =	vshll.u32 v12, $0x1  }
0x67: {  	v12 =	vand.u32 $0x7, v12;
	v13 =	vand.u32 $0xFFFFFFF0, v26  }
0x68: {  	v12 =	vor.u32 v12, v13  }
0x69: {  	v13 =	vperm.xlane v12, v9;
	_ =	sdelay $0x1  }
0x6a: {  	v12 =	vperm.xlane v12, v11;
	v13 =	vadd.s32 v10, v13;
	_ =	sdelay $0x1  }
0x6b: {  	v12 =	vadd.s32 v10, v12;
	_ =	sdelay $0x1  }
0x6c: {  	s22 =	simm.s32 $0x3400  }
0x6d: {  	[tilespmem:s22], [sflag:$0x1] =	stream.indirect_vreg.gather [hbm4b:s0+s4], $0x80, v13, vm0, $0xb8;
	[tilespmem:$0x18400] =	vst v63  }
0x6e: {  	s24 =	simm.s32 $0x3C00  }
0x6f: {  	[tilespmem:s24], [sflag:$0x1] =	stream.indirect_vreg.gather [hbm4b:s0+s4], $0x80, v12, vm0, $0xb8;
	[tilespmem:$0x18400] =	vst v63  }
0x70: {  	v12 =	vld [tilespmem:$0x40];
	_ =	sdelay $0x4  }
0x71: {  	v27 =	vadd.s32 v0, v12  }
0x72: {  	v28 =	vshll.u32 v27, $0x1  }
0x73: {  	v29 =	vld [tilespmem:$0x50];
	v12 =	vand.u32 $0x7, v12;
	v14 =	vand.u32 $0xFFFFFFF0, v28  }
0x74: {  	v30 =	vld [tilespmem:$0x60];
	v12 =	vor.u32 v12, v14  }
0x75: {  	v31 =	vld [tilespmem:$0x70];
	v32 =	vperm.xlane v12, v9;
	_ =	sdelay $0x1  }
0x76: {  	v12 =	vperm.xlane v12, v11;
	v17 =	vadd.s32 v10, v32  }
0x77: {  	v33 =	vadd.s32 v0, v29;
	[tilespmem:$0x180] =	vst v27  }
0x78: {  	v34 =	vadd.s32 v0, v30;
	[tilespmem:$0x190] =	vst v33;
	v12 =	vadd.s32 v10, v12  }
0x79: {  	v35 =	vadd.s32 v0, v31;
	[tilespmem:$0x1A0] =	vst v34  }
0x7a: {  	s25 =	simm.s32 $0x4400;
	[tilespmem:$0x1B0] =	vst v35  }
0x7b: {  	[tilespmem:s25], [sflag:$0x2] =	stream.indirect_vreg.gather [hbm4b:s0+s4], $0x80, v17, vm0, $0xb8;
	[tilespmem:$0x18400] =	vst v63  }
0x7c: {  	s26 =	simm.s32 $0x4C00  }
0x7d: {  	[tilespmem:s26], [sflag:$0x2] =	stream.indirect_vreg.gather [hbm4b:s0+s4], $0x80, v12, vm0, $0xb8;
	[tilespmem:$0x18400] =	vst v63  }
0x7e: {  	v12 =	vld [tilespmem:$0x190];
	_ =	sdelay $0x4  }
0x7f: {  	v36 =	vshll.u32 v12, $0x1  }
0x80: {  	v12 =	vand.u32 $0x7, v12;
	v13 =	vand.u32 $0xFFFFFFF0, v36  }
0x81: {  	v12 =	vor.u32 v12, v13  }
0x82: {  	v13 =	vperm.xlane v12, v9;
	_ =	sdelay $0x1  }
0x83: {  	v12 =	vperm.xlane v12, v11;
	v13 =	vadd.s32 v10, v13;
	_ =	sdelay $0x1  }
0x84: {  	v12 =	vadd.s32 v10, v12;
	_ =	sdelay $0x1  }
0x85: {  	s28 =	simm.s32 $0x5400  }
0x86: {  	[tilespmem:s28], [sflag:$0x2] =	stream.indirect_vreg.gather [hbm4b:s0+s4], $0x80, v13, vm0, $0xb8;
	[tilespmem:$0x18400] =	vst v63  }
0x87: {  	s29 =	simm.s32 $0x5C00  }
0x88: {  	[tilespmem:s29], [sflag:$0x2] =	stream.indirect_vreg.gather [hbm4b:s0+s4], $0x80, v12, vm0, $0xb8;
	[tilespmem:$0x18400] =	vst v63  }
0x89: {  	v12 =	vld [tilespmem:$0x1A0];
	_ =	sdelay $0x4  }
0x8a: {  	v37 =	vshll.u32 v12, $0x1  }
0x8b: {  	v12 =	vand.u32 $0x7, v12;
	v13 =	vand.u32 $0xFFFFFFF0, v37  }
0x8c: {  	v12 =	vor.u32 v12, v13  }
0x8d: {  	v13 =	vperm.xlane v12, v9;
	_ =	sdelay $0x1  }
0x8e: {  	v12 =	vperm.xlane v12, v11;
	v13 =	vadd.s32 v10, v13;
	_ =	sdelay $0x1  }
0x8f: {  	v12 =	vadd.s32 v10, v12;
	_ =	sdelay $0x1  }
0x90: {  	s31 =	simm.s32 $0x6400  }
0x91: {  	[tilespmem:s31], [sflag:$0x2] =	stream.indirect_vreg.gather [hbm4b:s0+s4], $0x80, v13, vm0, $0xb8;
	[tilespmem:$0x18400] =	vst v63  }
0x92: {  	s2 =	simm.s32 $0x6C00  }
0x93: {  	[tilespmem:s2], [sflag:$0x2] =	stream.indirect_vreg.gather [hbm4b:s0+s4], $0x80, v12, vm0, $0xb8;
	[tilespmem:$0x18400] =	vst v63  }
0x94: {  	v12 =	vld [tilespmem:$0x1B0];
	_ =	sdelay $0x4  }
0x95: {  	v38 =	vshll.u32 v12, $0x1  }
0x96: {  	v12 =	vand.u32 $0x7, v12;
	v13 =	vand.u32 $0xFFFFFFF0, v38  }
0x97: {  	v12 =	vor.u32 v12, v13  }
0x98: {  	v13 =	vperm.xlane v12, v9;
	_ =	sdelay $0x1  }
0x99: {  	v12 =	vperm.xlane v12, v11;
	v13 =	vadd.s32 v10, v13;
	_ =	sdelay $0x1  }
0x9a: {  	v12 =	vadd.s32 v10, v12;
	_ =	sdelay $0x1  }
0x9b: {  	s5 =	simm.s32 $0x7400  }
0x9c: {  	[tilespmem:s5], [sflag:$0x2] =	stream.indirect_vreg.gather [hbm4b:s0+s4], $0x80, v13, vm0, $0xb8;
	[tilespmem:$0x18400] =	vst v63  }
0x9d: {  	s7 =	simm.s32 $0x7C00  }
0x9e: {  	[tilespmem:s7], [sflag:$0x2] =	stream.indirect_vreg.gather [hbm4b:s0+s4], $0x80, v12, vm0, $0xb8;
	[tilespmem:$0x18400] =	vst v63  }
0x9f: {  	v12 =	vld [tilespmem:$0x0];
	_ =	sdelay $0x4  }
0xa0: {  	v39 =	vadd.s32 v1, v12  }
0xa1: {  	v40 =	vshll.u32 v39, $0x1  }
0xa2: {  	v41 =	vld [tilespmem:$0x10];
	v12 =	vand.u32 $0x7, v12;
	v14 =	vand.u32 $0xFFFFFFF0, v40  }
0xa3: {  	v42 =	vld [tilespmem:$0x20];
	v12 =	vor.u32 v12, v14  }
0xa4: {  	v43 =	vld [tilespmem:$0x30];
	v44 =	vperm.xlane v12, v9;
	_ =	sdelay $0x1  }
0xa5: {  	v12 =	vperm.xlane v12, v11;
	v17 =	vadd.s32 v10, v44  }
0xa6: {  	v45 =	vadd.s32 v1, v41;
	[tilespmem:$0x200] =	vst v39  }
0xa7: {  	v46 =	vadd.s32 v1, v42;
	[tilespmem:$0x210] =	vst v45;
	v12 =	vadd.s32 v10, v12  }
0xa8: {  	v47 =	vadd.s32 v1, v43;
	[tilespmem:$0x220] =	vst v46  }
0xa9: {  	s13 =	simm.s32 $0x8400;
	[tilespmem:$0x230] =	vst v47  }
0xaa: {  	[tilespmem:s13], [sflag:$0x3] =	stream.indirect_vreg.gather [hbm4b:s0+s4], $0x80, v17, vm0, $0xb8;
	[tilespmem:$0x18400] =	vst v63  }
0xab: {  	s5 =	simm.s32 $0x8C00  }
0xac: {  	[tilespmem:s5], [sflag:$0x3] =	stream.indirect_vreg.gather [hbm4b:s0+s4], $0x80, v12, vm0, $0xb8;
	[tilespmem:$0x18400] =	vst v63  }
0xad: {  	v12 =	vld [tilespmem:$0x210];
	_ =	sdelay $0x4  }
0xae: {  	v48 =	vshll.u32 v12, $0x1  }
0xaf: {  	v12 =	vand.u32 $0x7, v12;
	v13 =	vand.u32 $0xFFFFFFF0, v48  }
0xb0: {  	v12 =	vor.u32 v12, v13  }
0xb1: {  	v13 =	vperm.xlane v12, v9;
	_ =	sdelay $0x1  }
0xb2: {  	v12 =	vperm.xlane v12, v11;
	v13 =	vadd.s32 v10, v13;
	_ =	sdelay $0x1  }
0xb3: {  	v12 =	vadd.s32 v10, v12;
	_ =	sdelay $0x1  }
0xb4: {  	s20 =	simm.s32 $0x9400  }
0xb5: {  	[tilespmem:s20], [sflag:$0x3] =	stream.indirect_vreg.gather [hbm4b:s0+s4], $0x80, v13, vm0, $0xb8;
	[tilespmem:$0x18400] =	vst v63  }
0xb6: {  	s21 =	simm.s32 $0x9C00  }
0xb7: {  	[tilespmem:s21], [sflag:$0x3] =	stream.indirect_vreg.gather [hbm4b:s0+s4], $0x80, v12, vm0, $0xb8;
	[tilespmem:$0x18400] =	vst v63  }
0xb8: {  	v12 =	vld [tilespmem:$0x220];
	_ =	sdelay $0x4  }
0xb9: {  	v49 =	vshll.u32 v12, $0x1  }
0xba: {  	v12 =	vand.u32 $0x7, v12;
	v13 =	vand.u32 $0xFFFFFFF0, v49  }
0xbb: {  	v12 =	vor.u32 v12, v13  }
0xbc: {  	v13 =	vperm.xlane v12, v9;
	_ =	sdelay $0x1  }
0xbd: {  	v12 =	vperm.xlane v12, v11;
	v13 =	vadd.s32 v10, v13;
	_ =	sdelay $0x1  }
0xbe: {  	v12 =	vadd.s32 v10, v12;
	_ =	sdelay $0x1  }
0xbf: {  	s22 =	simm.s32 $0xA400  }
0xc0: {  	[tilespmem:s22], [sflag:$0x3] =	stream.indirect_vreg.gather [hbm4b:s0+s4], $0x80, v13, vm0, $0xb8;
	[tilespmem:$0x18400] =	vst v63  }
0xc1: {  	s31 =	simm.s32 $0xAC00  }
0xc2: {  	[tilespmem:s31], [sflag:$0x3] =	stream.indirect_vreg.gather [hbm4b:s0+s4], $0x80, v12, vm0, $0xb8;
	[tilespmem:$0x18400] =	vst v63  }
0xc3: {  	v12 =	vld [tilespmem:$0x230];
	_ =	sdelay $0x4  }
0xc4: {  	v50 =	vshll.u32 v12, $0x1  }
0xc5: {  	v12 =	vand.u32 $0x7, v12;
	v13 =	vand.u32 $0xFFFFFFF0, v50  }
0xc6: {  	v12 =	vor.u32 v12, v13  }
0xc7: {  	v13 =	vperm.xlane v12, v9;
	_ =	sdelay $0x1  }
0xc8: {  	v12 =	vperm.xlane v12, v11;
	v13 =	vadd.s32 v10, v13;
	_ =	sdelay $0x1  }
0xc9: {  	v12 =	vadd.s32 v10, v12;
	_ =	sdelay $0x1  }
0xca: {  	s2 =	simm.s32 $0xB400  }
0xcb: {  	[tilespmem:s2], [sflag:$0x3] =	stream.indirect_vreg.gather [hbm4b:s0+s4], $0x80, v13, vm0, $0xb8;
	[tilespmem:$0x18400] =	vst v63  }
0xcc: {  	s3 =	simm.s32 $0xBC00  }
0xcd: {  	[tilespmem:s3], [sflag:$0x3] =	stream.indirect_vreg.gather [hbm4b:s0+s4], $0x80, v12, vm0, $0xb8;
	[tilespmem:$0x18400] =	vst v63  }
0xce: {  	v12 =	vld [tilespmem:$0x40];
	_ =	sdelay $0x4  }
0xcf: {  	v51 =	vadd.s32 v1, v12  }
0xd0: {  	v52 =	vshll.u32 v51, $0x1  }
0xd1: {  	v53 =	vld [tilespmem:$0x50];
	v12 =	vand.u32 $0x7, v12;
	v14 =	vand.u32 $0xFFFFFFF0, v52  }
0xd2: {  	v54 =	vld [tilespmem:$0x60];
	v12 =	vor.u32 v12, v14  }
0xd3: {  	v55 =	vld [tilespmem:$0x70];
	v56 =	vperm.xlane v12, v9;
	_ =	sdelay $0x1  }
0xd4: {  	v12 =	vperm.xlane v12, v11;
	v17 =	vadd.s32 v10, v56  }
0xd5: {  	v57 =	vadd.s32 v1, v53;
	[tilespmem:$0x280] =	vst v51  }
0xd6: {  	v58 =	vadd.s32 v1, v54;
	[tilespmem:$0x290] =	vst v57;
	v12 =	vadd.s32 v10, v12  }
0xd7: {  	v59 =	vadd.s32 v1, v55;
	[tilespmem:$0x2A0] =	vst v58  }
0xd8: {  	s2 =	simm.s32 $0xC400;
	[tilespmem:$0x2B0] =	vst v59  }
0xd9: {  	[tilespmem:s2], [sflag:$0x4] =	stream.indirect_vreg.gather [hbm4b:s0+s4], $0x80, v17, vm0, $0xb8;
	[tilespmem:$0x18400] =	vst v63  }
0xda: {  	s5 =	simm.s32 $0xCC00  }
0xdb: {  	[tilespmem:s5], [sflag:$0x4] =	stream.indirect_vreg.gather [hbm4b:s0+s4], $0x80, v12, vm0, $0xb8;
	[tilespmem:$0x18400] =	vst v63  }
0xdc: {  	v12 =	vld [tilespmem:$0x290];
	_ =	sdelay $0x4  }
0xdd: {  	v60 =	vshll.u32 v12, $0x1  }
0xde: {  	v12 =	vand.u32 $0x7, v12;
	v13 =	vand.u32 $0xFFFFFFF0, v60  }
0xdf: {  	v12 =	vor.u32 v12, v13  }
0xe0: {  	v13 =	vperm.xlane v12, v9;
	_ =	sdelay $0x1  }
0xe1: {  	v12 =	vperm.xlane v12, v11;
	v13 =	vadd.s32 v10, v13;
	_ =	sdelay $0x1  }
0xe2: {  	v12 =	vadd.s32 v10, v12;
	_ =	sdelay $0x1  }
0xe3: {  	s13 =	simm.s32 $0xD400  }
0xe4: {  	[tilespmem:s13], [sflag:$0x4] =	stream.indirect_vreg.gather [hbm4b:s0+s4], $0x80, v13, vm0, $0xb8;
	[tilespmem:$0x18400] =	vst v63  }
0xe5: {  	s21 =	simm.s32 $0xDC00  }
0xe6: {  	[tilespmem:s21], [sflag:$0x4] =	stream.indirect_vreg.gather [hbm4b:s0+s4], $0x80, v12, vm0, $0xb8;
	[tilespmem:$0x18400] =	vst v63  }
0xe7: {  	v12 =	vld [tilespmem:$0x2A0];
	_ =	sdelay $0x4  }
0xe8: {  	v61 =	vshll.u32 v12, $0x1  }
0xe9: {  	v12 =	vand.u32 $0x7, v12;
	v13 =	vand.u32 $0xFFFFFFF0, v61  }
0xea: {  	v12 =	vor.u32 v12, v13  }
0xeb: {  	v13 =	vperm.xlane v12, v9;
	_ =	sdelay $0x1  }
0xec: {  	v12 =	vperm.xlane v12, v11;
	v13 =	vadd.s32 v10, v13;
	_ =	sdelay $0x1  }
0xed: {  	v12 =	vadd.s32 v10, v12;
	_ =	sdelay $0x1  }
0xee: {  	s22 =	simm.s32 $0xE400  }
0xef: {  	[tilespmem:s22], [sflag:$0x4] =	stream.indirect_vreg.gather [hbm4b:s0+s4], $0x80, v13, vm0, $0xb8;
	[tilespmem:$0x18400] =	vst v63  }
0xf0: {  	s2 =	simm.s32 $0xEC00  }
0xf1: {  	[tilespmem:s2], [sflag:$0x4] =	stream.indirect_vreg.gather [hbm4b:s0+s4], $0x80, v12, vm0, $0xb8;
	[tilespmem:$0x18400] =	vst v63  }
0xf2: {  	v12 =	vld [tilespmem:$0x2B0];
	_ =	sdelay $0x4  }
0xf3: {  	v62 =	vshll.u32 v12, $0x1  }
0xf4: {  	v12 =	vand.u32 $0x7, v12;
	v13 =	vand.u32 $0xFFFFFFF0, v62  }
0xf5: {  	v12 =	vor.u32 v12, v13  }
0xf6: {  	v13 =	vperm.xlane v12, v9;
	_ =	sdelay $0x1  }
0xf7: {  	v12 =	vperm.xlane v12, v11;
	v13 =	vadd.s32 v10, v13;
	_ =	sdelay $0x1  }
0xf8: {  	v12 =	vadd.s32 v10, v12;
	_ =	sdelay $0x1  }
0xf9: {  	s3 =	simm.s32 $0xF400  }
0xfa: {  	[tilespmem:s3], [sflag:$0x4] =	stream.indirect_vreg.gather [hbm4b:s0+s4], $0x80, v13, vm0, $0xb8;
	[tilespmem:$0x18400] =	vst v63  }
0xfb: {  	s13 =	simm.s32 $0xFC00  }
0xfc: {  	[tilespmem:s13], [sflag:$0x4] =	stream.indirect_vreg.gather [hbm4b:s0+s4], $0x80, v12, vm0, $0xb8;
	[tilespmem:$0x18400] =	vst v63  }
0xfd: {  	v12 =	vld [tilespmem:$0x0];
	_ =	sdelay $0x4  }
0xfe: {  	v63 =	vadd.s32 v2, v12  }
0xff: {  	v19 =	vshll.u32 v63, $0x1  }
0x100: {  	v20 =	vld [tilespmem:$0x10];
	v12 =	vand.u32 $0x7, v12;
	v14 =	vand.u32 $0xFFFFFFF0, v19  }
0x101: {  	v21 =	vld [tilespmem:$0x20];
	v12 =	vor.u32 v12, v14  }
0x102: {  	v22 =	vld [tilespmem:$0x30];
	v23 =	vperm.xlane v12, v9;
	_ =	sdelay $0x1  }
0x103: {  	v12 =	vperm.xlane v12, v11;
	v17 =	vadd.s32 v10, v23  }
0x104: {  	v24 =	vadd.s32 v2, v20;
	[tilespmem:$0x300] =	vst v63  }
0x105: {  	v25 =	vadd.s32 v2, v21;
	[tilespmem:$0x310] =	vst v24;
	v12 =	vadd.s32 v10, v12  }
0x106: {  	v26 =	vadd.s32 v2, v22;
	[tilespmem:$0x320] =	vst v25  }
0x107: {  	s21 =	simm.s32 $0x10400;
	[tilespmem:$0x330] =	vst v26  }
0x108: {  	[tilespmem:s21], [sflag:$0x5] =	stream.indirect_vreg.gather [hbm4b:s0+s4], $0x80, v17, vm0, $0xb8;
	[tilespmem:$0x18400] =	vst v63  }
0x109: {  	s22 =	simm.s32 $0x10C00  }
0x10a: {  	[tilespmem:s22], [sflag:$0x5] =	stream.indirect_vreg.gather [hbm4b:s0+s4], $0x80, v12, vm0, $0xb8;
	[tilespmem:$0x18400] =	vst v63  }
0x10b: {  	v12 =	vld [tilespmem:$0x310];
	_ =	sdelay $0x4  }
0x10c: {  	v27 =	vshll.u32 v12, $0x1  }
0x10d: {  	v12 =	vand.u32 $0x7, v12;
	v13 =	vand.u32 $0xFFFFFFF0, v27  }
0x10e: {  	v12 =	vor.u32 v12, v13  }
0x10f: {  	v13 =	vperm.xlane v12, v9;
	_ =	sdelay $0x1  }
0x110: {  	v12 =	vperm.xlane v12, v11;
	v13 =	vadd.s32 v10, v13;
	_ =	sdelay $0x1  }
0x111: {  	v12 =	vadd.s32 v10, v12;
	_ =	sdelay $0x1  }
0x112: {  	s2 =	simm.s32 $0x11400  }
0x113: {  	[tilespmem:s2], [sflag:$0x5] =	stream.indirect_vreg.gather [hbm4b:s0+s4], $0x80, v13, vm0, $0xb8;
	[tilespmem:$0x18400] =	vst v63  }
0x114: {  	s3 =	simm.s32 $0x11C00  }
0x115: {  	[tilespmem:s3], [sflag:$0x5] =	stream.indirect_vreg.gather [hbm4b:s0+s4], $0x80, v12, vm0, $0xb8;
	[tilespmem:$0x18400] =	vst v63  }
0x116: {  	v12 =	vld [tilespmem:$0x320];
	_ =	sdelay $0x4  }
0x117: {  	v28 =	vshll.u32 v12, $0x1  }
0x118: {  	v12 =	vand.u32 $0x7, v12;
	v13 =	vand.u32 $0xFFFFFFF0, v28  }
0x119: {  	v12 =	vor.u32 v12, v13  }
0x11a: {  	v13 =	vperm.xlane v12, v9;
	_ =	sdelay $0x1  }
0x11b: {  	v12 =	vperm.xlane v12, v11;
	v13 =	vadd.s32 v10, v13;
	_ =	sdelay $0x1  }
0x11c: {  	v12 =	vadd.s32 v10, v12;
	_ =	sdelay $0x1  }
0x11d: {  	s21 =	simm.s32 $0x12400  }
0x11e: {  	[tilespmem:s21], [sflag:$0x5] =	stream.indirect_vreg.gather [hbm4b:s0+s4], $0x80, v13, vm0, $0xb8;
	[tilespmem:$0x18400] =	vst v63  }
0x11f: {  	s22 =	simm.s32 $0x12C00  }
0x120: {  	[tilespmem:s22], [sflag:$0x5] =	stream.indirect_vreg.gather [hbm4b:s0+s4], $0x80, v12, vm0, $0xb8;
	[tilespmem:$0x18400] =	vst v63  }
0x121: {  	v12 =	vld [tilespmem:$0x330];
	_ =	sdelay $0x4  }
0x122: {  	v29 =	vshll.u32 v12, $0x1  }
0x123: {  	v12 =	vand.u32 $0x7, v12;
	v13 =	vand.u32 $0xFFFFFFF0, v29  }
0x124: {  	v12 =	vor.u32 v12, v13  }
0x125: {  	v13 =	vperm.xlane v12, v9;
	_ =	sdelay $0x1  }
0x126: {  	v12 =	vperm.xlane v12, v11;
	v13 =	vadd.s32 v10, v13;
	_ =	sdelay $0x1  }
0x127: {  	v12 =	vadd.s32 v10, v12;
	_ =	sdelay $0x1  }
0x128: {  	s2 =	simm.s32 $0x13400  }
0x129: {  	[tilespmem:s2], [sflag:$0x5] =	stream.indirect_vreg.gather [hbm4b:s0+s4], $0x80, v13, vm0, $0xb8;
	[tilespmem:$0x18400] =	vst v63  }
0x12a: {  	s3 =	simm.s32 $0x13C00  }
0x12b: {  	[tilespmem:s3], [sflag:$0x5] =	stream.indirect_vreg.gather [hbm4b:s0+s4], $0x80, v12, vm0, $0xb8;
	[tilespmem:$0x18400] =	vst v63  }
0x12c: {  	v12 =	vld [tilespmem:$0x40];
	_ =	sdelay $0x4  }
0x12d: {  	v30 =	vadd.s32 v2, v12  }
0x12e: {  	v31 =	vshll.u32 v30, $0x1  }
0x12f: {  	v32 =	vld [tilespmem:$0x50];
	v12 =	vand.u32 $0x7, v12;
	v14 =	vand.u32 $0xFFFFFFF0, v31  }
0x130: {  	v33 =	vld [tilespmem:$0x60];
	v12 =	vor.u32 v12, v14  }
0x131: {  	v34 =	vld [tilespmem:$0x70];
	v35 =	vperm.xlane v12, v9;
	_ =	sdelay $0x1  }
0x132: {  	v12 =	vperm.xlane v12, v11;
	v17 =	vadd.s32 v10, v35  }
0x133: {  	v36 =	vadd.s32 v2, v32;
	[tilespmem:$0x380] =	vst v30  }
0x134: {  	v37 =	vadd.s32 v2, v33;
	[tilespmem:$0x390] =	vst v36;
	v12 =	vadd.s32 v10, v12  }
0x135: {  	v38 =	vadd.s32 v2, v34;
	[tilespmem:$0x3A0] =	vst v37  }
0x136: {  	s20 =	simm.s32 $0x14400;
	[tilespmem:$0x3B0] =	vst v38  }
0x137: {  	[tilespmem:s20], [sflag:$0x6] =	stream.indirect_vreg.gather [hbm4b:s0+s4], $0x80, v17, vm0, $0xb8;
	[tilespmem:$0x18400] =	vst v63  }
0x138: {  	s21 =	simm.s32 $0x14C00  }
0x139: {  	[tilespmem:s21], [sflag:$0x6] =	stream.indirect_vreg.gather [hbm4b:s0+s4], $0x80, v12, vm0, $0xb8;
	[tilespmem:$0x18400] =	vst v63  }
0x13a: {  	v12 =	vld [tilespmem:$0x390];
	_ =	sdelay $0x4  }
0x13b: {  	v39 =	vshll.u32 v12, $0x1  }
0x13c: {  	v12 =	vand.u32 $0x7, v12;
	v13 =	vand.u32 $0xFFFFFFF0, v39  }
0x13d: {  	v12 =	vor.u32 v12, v13  }
0x13e: {  	v13 =	vperm.xlane v12, v9;
	_ =	sdelay $0x1  }
0x13f: {  	v12 =	vperm.xlane v12, v11;
	v13 =	vadd.s32 v10, v13;
	_ =	sdelay $0x1  }
0x140: {  	v12 =	vadd.s32 v10, v12;
	_ =	sdelay $0x1  }
0x141: {  	s22 =	simm.s32 $0x15400  }
0x142: {  	[tilespmem:s22], [sflag:$0x6] =	stream.indirect_vreg.gather [hbm4b:s0+s4], $0x80, v13, vm0, $0xb8;
	[tilespmem:$0x18400] =	vst v63  }
0x143: {  	s2 =	simm.s32 $0x15C00  }
0x144: {  	[tilespmem:s2], [sflag:$0x6] =	stream.indirect_vreg.gather [hbm4b:s0+s4], $0x80, v12, vm0, $0xb8;
	[tilespmem:$0x18400] =	vst v63  }
0x145: {  	v12 =	vld [tilespmem:$0x3A0];
	_ =	sdelay $0x4  }
0x146: {  	v40 =	vshll.u32 v12, $0x1  }
0x147: {  	v12 =	vand.u32 $0x7, v12;
	v13 =	vand.u32 $0xFFFFFFF0, v40  }
0x148: {  	v12 =	vor.u32 v12, v13  }
0x149: {  	v13 =	vperm.xlane v12, v9;
	_ =	sdelay $0x1  }
0x14a: {  	v12 =	vperm.xlane v12, v11;
	v13 =	vadd.s32 v10, v13;
	_ =	sdelay $0x1  }
0x14b: {  	v12 =	vadd.s32 v10, v12;
	_ =	sdelay $0x1  }
0x14c: {  	s3 =	simm.s32 $0x16400  }
0x14d: {  	[tilespmem:s3], [sflag:$0x6] =	stream.indirect_vreg.gather [hbm4b:s0+s4], $0x80, v13, vm0, $0xb8;
	[tilespmem:$0x18400] =	vst v63  }
0x14e: {  	s21 =	simm.s32 $0x16C00  }
0x14f: {  	[tilespmem:s21], [sflag:$0x6] =	stream.indirect_vreg.gather [hbm4b:s0+s4], $0x80, v12, vm0, $0xb8;
	[tilespmem:$0x18400] =	vst v63  }
0x150: {  	v12 =	vld [tilespmem:$0x3B0];
	_ =	sdelay $0x4  }
0x151: {  	v41 =	vshll.u32 v12, $0x1  }
0x152: {  	v12 =	vand.u32 $0x7, v12;
	v13 =	vand.u32 $0xFFFFFFF0, v41  }
0x153: {  	v12 =	vor.u32 v12, v13  }
0x154: {  	v13 =	vperm.xlane v12, v9;
	_ =	sdelay $0x1  }
0x155: {  	v12 =	vperm.xlane v12, v11;
	v13 =	vadd.s32 v10, v13;
	_ =	sdelay $0x1  }
0x156: {  	v12 =	vadd.s32 v10, v12;
	_ =	sdelay $0x1  }
0x157: {  	s22 =	simm.s32 $0x17400  }
0x158: {  	[tilespmem:s22], [sflag:$0x6] =	stream.indirect_vreg.gather [hbm4b:s0+s4], $0x80, v13, vm0, $0xb8;
	[tilespmem:$0x18400] =	vst v63  }
0x159: {  	s2 =	simm.s32 $0x17C00  }
0x15a: {  	[tilespmem:s2], [sflag:$0x6] =	stream.indirect_vreg.gather [hbm4b:s0+s4], $0x80, v12, vm0, $0xb8;
	[tilespmem:$0x18400] =	vst v63  }
0x15b: {  	_ =	swait.ge [sflag:s23], $0x4000  }
0x15c: {  	[sflag:s23] =	ssyncset.done $0x0  }
0x15d: {  	s21 =	simm.s32 $0x400;
	s3 =	rddreg [dreg:$0x9];
	[sflag:s23] =	ssyncadd.s32 $0xFFFFC000  }
0x15e: {  	[hbm4b:s3+s4] =	stream.linear.scatter [tilespmem:s21], [sflag:$0x7], $0x4000, $0x38;
	[tilespmem:$0x18400] =	vst v63  }
0x15f: {  	_ =	swait.ge [sflag:s6], $0x4000  }
0x160: {  	[sflag:s6] =	ssyncset.done $0x0  }
0x161: {  	[sflag:s6] =	ssyncadd.s32 $0xFFFFC000  }
0x162: {  	v42 =	vld [tilespmem:$0x0];
	_ =	sdelay $0x4  }
0x163: {  	v43 =	vadd.s32 v3, v42  }
0x164: {  	v44 =	vshll.u32 v43, $0x1  }
0x165: {  	v45 =	vld [tilespmem:$0x10];
	v12 =	vand.u32 $0x7, v42;
	v14 =	vand.u32 $0xFFFFFFF0, v44  }
0x166: {  	v46 =	vld [tilespmem:$0x20];
	v12 =	vor.u32 v12, v14  }
0x167: {  	v47 =	vld [tilespmem:$0x30];
	v48 =	vperm.xlane v12, v9;
	_ =	sdelay $0x1  }
0x168: {  	v12 =	vperm.xlane v12, v11;
	v17 =	vadd.s32 v10, v48  }
0x169: {  	v49 =	vadd.s32 v3, v45;
	[tilespmem:$0x100] =	vst v43  }
0x16a: {  	v50 =	vadd.s32 v3, v46;
	[tilespmem:$0x110] =	vst v49;
	v12 =	vadd.s32 v10, v12  }
0x16b: {  	v51 =	vadd.s32 v3, v47;
	[tilespmem:$0x120] =	vst v50  }
0x16c: {  	[tilespmem:$0x130] =	vst v51  }
0x16d: {  	[tilespmem:s21], [sflag:$0x1] =	stream.indirect_vreg.gather [hbm4b:s0+s4], $0x80, v17, vm0, $0xb8;
	[tilespmem:$0x18400] =	vst v63  }
0x16e: {  	s15 =	simm.s32 $0xC00  }
0x16f: {  	[tilespmem:s15], [sflag:$0x1] =	stream.indirect_vreg.gather [hbm4b:s0+s4], $0x80, v12, vm0, $0xb8;
	[tilespmem:$0x18400] =	vst v63  }
0x170: {  	v12 =	vld [tilespmem:$0x110];
	_ =	sdelay $0x4  }
0x171: {  	v52 =	vshll.u32 v12, $0x1  }
0x172: {  	v12 =	vand.u32 $0x7, v12;
	v13 =	vand.u32 $0xFFFFFFF0, v52  }
0x173: {  	v12 =	vor.u32 v12, v13  }
0x174: {  	v13 =	vperm.xlane v12, v9;
	_ =	sdelay $0x1  }
0x175: {  	v12 =	vperm.xlane v12, v11;
	v13 =	vadd.s32 v10, v13;
	_ =	sdelay $0x1  }
0x176: {  	v12 =	vadd.s32 v10, v12;
	_ =	sdelay $0x1  }
0x177: {  	s30 =	simm.s32 $0x1400  }
0x178: {  	[tilespmem:s30], [sflag:$0x1] =	stream.indirect_vreg.gather [hbm4b:s0+s4], $0x80, v13, vm0, $0xb8;
	[tilespmem:$0x18400] =	vst v63  }
0x179: {  	s15 =	simm.s32 $0x1C00  }
0x17a: {  	[tilespmem:s15], [sflag:$0x1] =	stream.indirect_vreg.gather [hbm4b:s0+s4], $0x80, v12, vm0, $0xb8;
	[tilespmem:$0x18400] =	vst v63  }
0x17b: {  	v12 =	vld [tilespmem:$0x120];
	_ =	sdelay $0x4  }
0x17c: {  	v53 =	vshll.u32 v12, $0x1  }
0x17d: {  	v12 =	vand.u32 $0x7, v12;
	v13 =	vand.u32 $0xFFFFFFF0, v53  }
0x17e: {  	v12 =	vor.u32 v12, v13  }
0x17f: {  	v13 =	vperm.xlane v12, v9;
	_ =	sdelay $0x1  }
0x180: {  	v12 =	vperm.xlane v12, v11;
	v13 =	vadd.s32 v10, v13;
	_ =	sdelay $0x1  }
0x181: {  	v12 =	vadd.s32 v10, v12;
	_ =	sdelay $0x1  }
0x182: {  	s22 =	simm.s32 $0x2400  }
0x183: {  	[tilespmem:s22], [sflag:$0x1] =	stream.indirect_vreg.gather [hbm4b:s0+s4], $0x80, v13, vm0, $0xb8;
	[tilespmem:$0x18400] =	vst v63  }
0x184: {  	s30 =	simm.s32 $0x2C00  }
0x185: {  	[tilespmem:s30], [sflag:$0x1] =	stream.indirect_vreg.gather [hbm4b:s0+s4], $0x80, v12, vm0, $0xb8;
	[tilespmem:$0x18400] =	vst v63  }
0x186: {  	v12 =	vld [tilespmem:$0x130];
	_ =	sdelay $0x4  }
0x187: {  	v54 =	vshll.u32 v12, $0x1  }
0x188: {  	v12 =	vand.u32 $0x7, v12;
	v13 =	vand.u32 $0xFFFFFFF0, v54  }
0x189: {  	v12 =	vor.u32 v12, v13  }
0x18a: {  	v13 =	vperm.xlane v12, v9;
	_ =	sdelay $0x1  }
0x18b: {  	v12 =	vperm.xlane v12, v11;
	v13 =	vadd.s32 v10, v13;
	_ =	sdelay $0x1  }
0x18c: {  	v12 =	vadd.s32 v10, v12;
	_ =	sdelay $0x1  }
0x18d: {  	s22 =	simm.s32 $0x3400  }
0x18e: {  	[tilespmem:s22], [sflag:$0x1] =	stream.indirect_vreg.gather [hbm4b:s0+s4], $0x80, v13, vm0, $0xb8;
	[tilespmem:$0x18400] =	vst v63  }
0x18f: {  	s21 =	simm.s32 $0x3C00  }
0x190: {  	[tilespmem:s21], [sflag:$0x1] =	stream.indirect_vreg.gather [hbm4b:s0+s4], $0x80, v12, vm0, $0xb8;
	[tilespmem:$0x18400] =	vst v63  }
0x191: {  	_ =	swait.ge [sflag:s8], $0x4000  }
0x192: {  	[sflag:s8] =	ssyncset.done $0x0  }
0x193: {  	s30 =	simm.s32 $0x4400;
	s3 =	rddreg [dreg:$0xa];
	[sflag:s8] =	ssyncadd.s32 $0xFFFFC000  }
0x194: {  	[hbm4b:s3+s4] =	stream.linear.scatter [tilespmem:s30], [sflag:$0x8], $0x4000, $0x38;
	[tilespmem:$0x18400] =	vst v63  }
0x195: {  	_ =	swait.ge [sflag:s9], $0x4000  }
0x196: {  	[sflag:s9] =	ssyncset.done $0x0  }
0x197: {  	[sflag:s9] =	ssyncadd.s32 $0xFFFFC000  }
0x198: {  	v55 =	vld [tilespmem:$0x40];
	_ =	sdelay $0x4  }
0x199: {  	v56 =	vadd.s32 v3, v55  }
0x19a: {  	v57 =	vshll.u32 v56, $0x1  }
0x19b: {  	v58 =	vld [tilespmem:$0x50];
	v12 =	vand.u32 $0x7, v55;
	v14 =	vand.u32 $0xFFFFFFF0, v57  }
0x19c: {  	v59 =	vld [tilespmem:$0x60];
	v12 =	vor.u32 v12, v14  }
0x19d: {  	v60 =	vld [tilespmem:$0x70];
	v61 =	vperm.xlane v12, v9;
	_ =	sdelay $0x1  }
0x19e: {  	v12 =	vperm.xlane v12, v11;
	v17 =	vadd.s32 v10, v61  }
0x19f: {  	v62 =	vadd.s32 v3, v58;
	[tilespmem:$0x180] =	vst v56  }
0x1a0: {  	v63 =	vadd.s32 v3, v59;
	[tilespmem:$0x190] =	vst v62;
	v12 =	vadd.s32 v10, v12  }
0x1a1: {  	v16 =	vadd.s32 v3, v60;
	[tilespmem:$0x1A0] =	vst v63  }
0x1a2: {  	[tilespmem:$0x1B0] =	vst v16  }
0x1a3: {  	[tilespmem:s30], [sflag:$0x2] =	stream.indirect_vreg.gather [hbm4b:s0+s4], $0x80, v17, vm0, $0xb8;
	[tilespmem:$0x18400] =	vst v63  }
0x1a4: {  	s25 =	simm.s32 $0x4C00  }
0x1a5: {  	[tilespmem:s25], [sflag:$0x2] =	stream.indirect_vreg.gather [hbm4b:s0+s4], $0x80, v12, vm0, $0xb8;
	[tilespmem:$0x18400] =	vst v63  }
0x1a6: {  	v12 =	vld [tilespmem:$0x190];
	_ =	sdelay $0x4  }
0x1a7: {  	v18 =	vshll.u32 v12, $0x1  }
0x1a8: {  	v12 =	vand.u32 $0x7, v12;
	v13 =	vand.u32 $0xFFFFFFF0, v18  }
0x1a9: {  	v12 =	vor.u32 v12, v13  }
0x1aa: {  	v13 =	vperm.xlane v12, v9;
	_ =	sdelay $0x1  }
0x1ab: {  	v12 =	vperm.xlane v12, v11;
	v13 =	vadd.s32 v10, v13;
	_ =	sdelay $0x1  }
0x1ac: {  	v12 =	vadd.s32 v10, v12;
	_ =	sdelay $0x1  }
0x1ad: {  	s25 =	simm.s32 $0x5400  }
0x1ae: {  	[tilespmem:s25], [sflag:$0x2] =	stream.indirect_vreg.gather [hbm4b:s0+s4], $0x80, v13, vm0, $0xb8;
	[tilespmem:$0x18400] =	vst v63  }
0x1af: {  	s26 =	simm.s32 $0x5C00  }
0x1b0: {  	[tilespmem:s26], [sflag:$0x2] =	stream.indirect_vreg.gather [hbm4b:s0+s4], $0x80, v12, vm0, $0xb8;
	[tilespmem:$0x18400] =	vst v63  }
0x1b1: {  	v12 =	vld [tilespmem:$0x1A0];
	_ =	sdelay $0x4  }
0x1b2: {  	v19 =	vshll.u32 v12, $0x1  }
0x1b3: {  	v12 =	vand.u32 $0x7, v12;
	v13 =	vand.u32 $0xFFFFFFF0, v19  }
0x1b4: {  	v12 =	vor.u32 v12, v13  }
0x1b5: {  	v13 =	vperm.xlane v12, v9;
	_ =	sdelay $0x1  }
0x1b6: {  	v12 =	vperm.xlane v12, v11;
	v13 =	vadd.s32 v10, v13;
	_ =	sdelay $0x1  }
0x1b7: {  	v12 =	vadd.s32 v10, v12;
	_ =	sdelay $0x1  }
0x1b8: {  	s26 =	simm.s32 $0x6400  }
0x1b9: {  	[tilespmem:s26], [sflag:$0x2] =	stream.indirect_vreg.gather [hbm4b:s0+s4], $0x80, v13, vm0, $0xb8;
	[tilespmem:$0x18400] =	vst v63  }
0x1ba: {  	s29 =	simm.s32 $0x6C00  }
0x1bb: {  	[tilespmem:s29], [sflag:$0x2] =	stream.indirect_vreg.gather [hbm4b:s0+s4], $0x80, v12, vm0, $0xb8;
	[tilespmem:$0x18400] =	vst v63  }
0x1bc: {  	v12 =	vld [tilespmem:$0x1B0];
	_ =	sdelay $0x4  }
0x1bd: {  	v20 =	vshll.u32 v12, $0x1  }
0x1be: {  	v12 =	vand.u32 $0x7, v12;
	v13 =	vand.u32 $0xFFFFFFF0, v20  }
0x1bf: {  	v12 =	vor.u32 v12, v13  }
0x1c0: {  	v13 =	vperm.xlane v12, v9;
	_ =	sdelay $0x1  }
0x1c1: {  	v12 =	vperm.xlane v12, v11;
	v13 =	vadd.s32 v10, v13;
	_ =	sdelay $0x1  }
0x1c2: {  	v12 =	vadd.s32 v10, v12;
	_ =	sdelay $0x1  }
0x1c3: {  	s29 =	simm.s32 $0x7400  }
0x1c4: {  	[tilespmem:s29], [sflag:$0x2] =	stream.indirect_vreg.gather [hbm4b:s0+s4], $0x80, v13, vm0, $0xb8;
	[tilespmem:$0x18400] =	vst v63  }
0x1c5: {  	s30 =	simm.s32 $0x7C00  }
0x1c6: {  	[tilespmem:s30], [sflag:$0x2] =	stream.indirect_vreg.gather [hbm4b:s0+s4], $0x80, v12, vm0, $0xb8;
	[tilespmem:$0x18400] =	vst v63  }
0x1c7: {  	_ =	swait.ge [sflag:s10], $0x4000  }
0x1c8: {  	[sflag:s10] =	ssyncset.done $0x0  }
0x1c9: {  	s2 =	simm.s32 $0x8400;
	s20 =	rddreg [dreg:$0xb];
	[sflag:s10] =	ssyncadd.s32 $0xFFFFC000  }
0x1ca: {  	[hbm4b:s20+s4] =	stream.linear.scatter [tilespmem:s2], [sflag:$0x9], $0x4000, $0x38;
	[tilespmem:$0x18400] =	vst v63  }
0x1cb: {  	_ =	swait.ge [sflag:s11], $0x4000  }
0x1cc: {  	[sflag:s11] =	ssyncset.done $0x0  }
0x1cd: {  	[sflag:s11] =	ssyncadd.s32 $0xFFFFC000  }
0x1ce: {  	v21 =	vld [tilespmem:$0x0];
	_ =	sdelay $0x4  }
0x1cf: {  	v22 =	vadd.s32 v4, v21  }
0x1d0: {  	v23 =	vshll.u32 v22, $0x1  }
0x1d1: {  	v24 =	vld [tilespmem:$0x10];
	v12 =	vand.u32 $0x7, v21;
	v14 =	vand.u32 $0xFFFFFFF0, v23  }
0x1d2: {  	v25 =	vld [tilespmem:$0x20];
	v12 =	vor.u32 v12, v14  }
0x1d3: {  	v26 =	vld [tilespmem:$0x30];
	v27 =	vperm.xlane v12, v9;
	_ =	sdelay $0x1  }
0x1d4: {  	v12 =	vperm.xlane v12, v11;
	v17 =	vadd.s32 v10, v27  }
0x1d5: {  	v28 =	vadd.s32 v4, v24;
	[tilespmem:$0x200] =	vst v22  }
0x1d6: {  	v29 =	vadd.s32 v4, v25;
	[tilespmem:$0x210] =	vst v28;
	v12 =	vadd.s32 v10, v12  }
0x1d7: {  	v30 =	vadd.s32 v4, v26;
	[tilespmem:$0x220] =	vst v29  }
0x1d8: {  	[tilespmem:$0x230] =	vst v30  }
0x1d9: {  	[tilespmem:s2], [sflag:$0x3] =	stream.indirect_vreg.gather [hbm4b:s0+s4], $0x80, v17, vm0, $0xb8;
	[tilespmem:$0x18400] =	vst v63  }
0x1da: {  	s24 =	simm.s32 $0x8C00  }
0x1db: {  	[tilespmem:s24], [sflag:$0x3] =	stream.indirect_vreg.gather [hbm4b:s0+s4], $0x80, v12, vm0, $0xb8;
	[tilespmem:$0x18400] =	vst v63  }
0x1dc: {  	v12 =	vld [tilespmem:$0x210];
	_ =	sdelay $0x4  }
0x1dd: {  	v31 =	vshll.u32 v12, $0x1  }
0x1de: {  	v12 =	vand.u32 $0x7, v12;
	v13 =	vand.u32 $0xFFFFFFF0, v31  }
0x1df: {  	v12 =	vor.u32 v12, v13  }
0x1e0: {  	v13 =	vperm.xlane v12, v9;
	_ =	sdelay $0x1  }
0x1e1: {  	v12 =	vperm.xlane v12, v11;
	v13 =	vadd.s32 v10, v13;
	_ =	sdelay $0x1  }
0x1e2: {  	v12 =	vadd.s32 v10, v12;
	_ =	sdelay $0x1  }
0x1e3: {  	s24 =	simm.s32 $0x9400  }
0x1e4: {  	[tilespmem:s24], [sflag:$0x3] =	stream.indirect_vreg.gather [hbm4b:s0+s4], $0x80, v13, vm0, $0xb8;
	[tilespmem:$0x18400] =	vst v63  }
0x1e5: {  	s28 =	simm.s32 $0x9C00  }
0x1e6: {  	[tilespmem:s28], [sflag:$0x3] =	stream.indirect_vreg.gather [hbm4b:s0+s4], $0x80, v12, vm0, $0xb8;
	[tilespmem:$0x18400] =	vst v63  }
0x1e7: {  	v12 =	vld [tilespmem:$0x220];
	_ =	sdelay $0x4  }
0x1e8: {  	v32 =	vshll.u32 v12, $0x1  }
0x1e9: {  	v12 =	vand.u32 $0x7, v12;
	v13 =	vand.u32 $0xFFFFFFF0, v32  }
0x1ea: {  	v12 =	vor.u32 v12, v13  }
0x1eb: {  	v13 =	vperm.xlane v12, v9;
	_ =	sdelay $0x1  }
0x1ec: {  	v12 =	vperm.xlane v12, v11;
	v13 =	vadd.s32 v10, v13;
	_ =	sdelay $0x1  }
0x1ed: {  	v12 =	vadd.s32 v10, v12;
	_ =	sdelay $0x1  }
0x1ee: {  	s28 =	simm.s32 $0xA400  }
0x1ef: {  	[tilespmem:s28], [sflag:$0x3] =	stream.indirect_vreg.gather [hbm4b:s0+s4], $0x80, v13, vm0, $0xb8;
	[tilespmem:$0x18400] =	vst v63  }
0x1f0: {  	s31 =	simm.s32 $0xAC00  }
0x1f1: {  	[tilespmem:s31], [sflag:$0x3] =	stream.indirect_vreg.gather [hbm4b:s0+s4], $0x80, v12, vm0, $0xb8;
	[tilespmem:$0x18400] =	vst v63  }
0x1f2: {  	v12 =	vld [tilespmem:$0x230];
	_ =	sdelay $0x4  }
0x1f3: {  	v33 =	vshll.u32 v12, $0x1  }
0x1f4: {  	v12 =	vand.u32 $0x7, v12;
	v13 =	vand.u32 $0xFFFFFFF0, v33  }
0x1f5: {  	v12 =	vor.u32 v12, v13  }
0x1f6: {  	v13 =	vperm.xlane v12, v9;
	_ =	sdelay $0x1  }
0x1f7: {  	v12 =	vperm.xlane v12, v11;
	v13 =	vadd.s32 v10, v13;
	_ =	sdelay $0x1  }
0x1f8: {  	v12 =	vadd.s32 v10, v12;
	_ =	sdelay $0x1  }
0x1f9: {  	s31 =	simm.s32 $0xB400  }
0x1fa: {  	[tilespmem:s31], [sflag:$0x3] =	stream.indirect_vreg.gather [hbm4b:s0+s4], $0x80, v13, vm0, $0xb8;
	[tilespmem:$0x18400] =	vst v63  }
0x1fb: {  	s7 =	simm.s32 $0xBC00  }
0x1fc: {  	[tilespmem:s7], [sflag:$0x3] =	stream.indirect_vreg.gather [hbm4b:s0+s4], $0x80, v12, vm0, $0xb8;
	[tilespmem:$0x18400] =	vst v63  }
0x1fd: {  	_ =	swait.ge [sflag:s12], $0x4000  }
0x1fe: {  	[sflag:s12] =	ssyncset.done $0x0  }
0x1ff: {  	s7 =	simm.s32 $0xC400;
	s2 =	rddreg [dreg:$0xc];
	[sflag:s12] =	ssyncadd.s32 $0xFFFFC000  }
0x200: {  	[hbm4b:s2+s4] =	stream.linear.scatter [tilespmem:s7], [sflag:$0xA], $0x4000, $0x38;
	[tilespmem:$0x18400] =	vst v63  }
0x201: {  	_ =	swait.ge [sflag:s14], $0x4000  }
0x202: {  	[sflag:s14] =	ssyncset.done $0x0  }
0x203: {  	[sflag:s14] =	ssyncadd.s32 $0xFFFFC000  }
0x204: {  	v34 =	vld [tilespmem:$0x40];
	_ =	sdelay $0x4  }
0x205: {  	v35 =	vadd.s32 v4, v34  }
0x206: {  	v36 =	vshll.u32 v35, $0x1  }
0x207: {  	v37 =	vld [tilespmem:$0x50];
	v12 =	vand.u32 $0x7, v34;
	v14 =	vand.u32 $0xFFFFFFF0, v36  }
0x208: {  	v38 =	vld [tilespmem:$0x60];
	v12 =	vor.u32 v12, v14  }
0x209: {  	v39 =	vld [tilespmem:$0x70];
	v40 =	vperm.xlane v12, v9;
	_ =	sdelay $0x1  }
0x20a: {  	v12 =	vperm.xlane v12, v11;
	v17 =	vadd.s32 v10, v40  }
0x20b: {  	v41 =	vadd.s32 v4, v37;
	[tilespmem:$0x280] =	vst v35  }
0x20c: {  	v42 =	vadd.s32 v4, v38;
	[tilespmem:$0x290] =	vst v41;
	v12 =	vadd.s32 v10, v12  }
0x20d: {  	v43 =	vadd.s32 v4, v39;
	[tilespmem:$0x2A0] =	vst v42  }
0x20e: {  	[tilespmem:$0x2B0] =	vst v43  }
0x20f: {  	[tilespmem:s7], [sflag:$0x4] =	stream.indirect_vreg.gather [hbm4b:s0+s4], $0x80, v17, vm0, $0xb8;
	[tilespmem:$0x18400] =	vst v63  }
0x210: {  	s20 =	simm.s32 $0xCC00  }
0x211: {  	[tilespmem:s20], [sflag:$0x4] =	stream.indirect_vreg.gather [hbm4b:s0+s4], $0x80, v12, vm0, $0xb8;
	[tilespmem:$0x18400] =	vst v63  }
0x212: {  	v12 =	vld [tilespmem:$0x290];
	_ =	sdelay $0x4  }
0x213: {  	v44 =	vshll.u32 v12, $0x1  }
0x214: {  	v12 =	vand.u32 $0x7, v12;
	v13 =	vand.u32 $0xFFFFFFF0, v44  }
0x215: {  	v12 =	vor.u32 v12, v13  }
0x216: {  	v13 =	vperm.xlane v12, v9;
	_ =	sdelay $0x1  }
0x217: {  	v12 =	vperm.xlane v12, v11;
	v13 =	vadd.s32 v10, v13;
	_ =	sdelay $0x1  }
0x218: {  	v12 =	vadd.s32 v10, v12;
	_ =	sdelay $0x1  }
0x219: {  	s5 =	simm.s32 $0xD400  }
0x21a: {  	[tilespmem:s5], [sflag:$0x4] =	stream.indirect_vreg.gather [hbm4b:s0+s4], $0x80, v13, vm0, $0xb8;
	[tilespmem:$0x18400] =	vst v63  }
0x21b: {  	s20 =	simm.s32 $0xDC00  }
0x21c: {  	[tilespmem:s20], [sflag:$0x4] =	stream.indirect_vreg.gather [hbm4b:s0+s4], $0x80, v12, vm0, $0xb8;
	[tilespmem:$0x18400] =	vst v63  }
0x21d: {  	v12 =	vld [tilespmem:$0x2A0];
	_ =	sdelay $0x4  }
0x21e: {  	v45 =	vshll.u32 v12, $0x1  }
0x21f: {  	v12 =	vand.u32 $0x7, v12;
	v13 =	vand.u32 $0xFFFFFFF0, v45  }
0x220: {  	v12 =	vor.u32 v12, v13  }
0x221: {  	v13 =	vperm.xlane v12, v9;
	_ =	sdelay $0x1  }
0x222: {  	v12 =	vperm.xlane v12, v11;
	v13 =	vadd.s32 v10, v13;
	_ =	sdelay $0x1  }
0x223: {  	v12 =	vadd.s32 v10, v12;
	_ =	sdelay $0x1  }
0x224: {  	s5 =	simm.s32 $0xE400  }
0x225: {  	[tilespmem:s5], [sflag:$0x4] =	stream.indirect_vreg.gather [hbm4b:s0+s4], $0x80, v13, vm0, $0xb8;
	[tilespmem:$0x18400] =	vst v63  }
0x226: {  	s20 =	simm.s32 $0xEC00  }
0x227: {  	[tilespmem:s20], [sflag:$0x4] =	stream.indirect_vreg.gather [hbm4b:s0+s4], $0x80, v12, vm0, $0xb8;
	[tilespmem:$0x18400] =	vst v63  }
0x228: {  	v12 =	vld [tilespmem:$0x2B0];
	_ =	sdelay $0x4  }
0x229: {  	v46 =	vshll.u32 v12, $0x1  }
0x22a: {  	v12 =	vand.u32 $0x7, v12;
	v13 =	vand.u32 $0xFFFFFFF0, v46  }
0x22b: {  	v12 =	vor.u32 v12, v13  }
0x22c: {  	v13 =	vperm.xlane v12, v9;
	_ =	sdelay $0x1  }
0x22d: {  	v12 =	vperm.xlane v12, v11;
	v13 =	vadd.s32 v10, v13;
	_ =	sdelay $0x1  }
0x22e: {  	v12 =	vadd.s32 v10, v12;
	_ =	sdelay $0x1  }
0x22f: {  	s5 =	simm.s32 $0xF400  }
0x230: {  	[tilespmem:s5], [sflag:$0x4] =	stream.indirect_vreg.gather [hbm4b:s0+s4], $0x80, v13, vm0, $0xb8;
	[tilespmem:$0x18400] =	vst v63  }
0x231: {  	s20 =	simm.s32 $0xFC00  }
0x232: {  	[tilespmem:s20], [sflag:$0x4] =	stream.indirect_vreg.gather [hbm4b:s0+s4], $0x80, v12, vm0, $0xb8;
	[tilespmem:$0x18400] =	vst v63  }
0x233: {  	_ =	swait.ge [sflag:s16], $0x4000  }
0x234: {  	[sflag:s16] =	ssyncset.done $0x0  }
0x235: {  	s5 =	simm.s32 $0x10400;
	s2 =	rddreg [dreg:$0xd];
	[sflag:s16] =	ssyncadd.s32 $0xFFFFC000  }
0x236: {  	[hbm4b:s2+s4] =	stream.linear.scatter [tilespmem:s5], [sflag:$0xB], $0x4000, $0x38;
	[tilespmem:$0x18400] =	vst v63  }
0x237: {  	_ =	swait.ge [sflag:s17], $0x4000  }
0x238: {  	[sflag:s17] =	ssyncset.done $0x0  }
0x239: {  	[sflag:s17] =	ssyncadd.s32 $0xFFFFC000  }
0x23a: {  	v47 =	vld [tilespmem:$0x0];
	_ =	sdelay $0x4  }
0x23b: {  	v48 =	vadd.s32 v5, v47  }
0x23c: {  	v49 =	vshll.u32 v48, $0x1  }
0x23d: {  	v50 =	vld [tilespmem:$0x10];
	v12 =	vand.u32 $0x7, v47;
	v14 =	vand.u32 $0xFFFFFFF0, v49  }
0x23e: {  	v51 =	vld [tilespmem:$0x20];
	v12 =	vor.u32 v12, v14  }
0x23f: {  	v52 =	vld [tilespmem:$0x30];
	v53 =	vperm.xlane v12, v9;
	_ =	sdelay $0x1  }
0x240: {  	v12 =	vperm.xlane v12, v11;
	v17 =	vadd.s32 v10, v53  }
0x241: {  	v54 =	vadd.s32 v5, v50;
	[tilespmem:$0x300] =	vst v48  }
0x242: {  	v55 =	vadd.s32 v5, v51;
	[tilespmem:$0x310] =	vst v54;
	v12 =	vadd.s32 v10, v12  }
0x243: {  	v56 =	vadd.s32 v5, v52;
	[tilespmem:$0x320] =	vst v55  }
0x244: {  	[tilespmem:$0x330] =	vst v56  }
0x245: {  	[tilespmem:s5], [sflag:$0x5] =	stream.indirect_vreg.gather [hbm4b:s0+s4], $0x80, v17, vm0, $0xb8;
	[tilespmem:$0x18400] =	vst v63  }
0x246: {  	s20 =	simm.s32 $0x10C00  }
0x247: {  	[tilespmem:s20], [sflag:$0x5] =	stream.indirect_vreg.gather [hbm4b:s0+s4], $0x80, v12, vm0, $0xb8;
	[tilespmem:$0x18400] =	vst v63  }
0x248: {  	v12 =	vld [tilespmem:$0x310];
	_ =	sdelay $0x4  }
0x249: {  	v57 =	vshll.u32 v12, $0x1  }
0x24a: {  	v12 =	vand.u32 $0x7, v12;
	v13 =	vand.u32 $0xFFFFFFF0, v57  }
0x24b: {  	v12 =	vor.u32 v12, v13  }
0x24c: {  	v13 =	vperm.xlane v12, v9;
	_ =	sdelay $0x1  }
0x24d: {  	v12 =	vperm.xlane v12, v11;
	v13 =	vadd.s32 v10, v13;
	_ =	sdelay $0x1  }
0x24e: {  	v12 =	vadd.s32 v10, v12;
	_ =	sdelay $0x1  }
0x24f: {  	s13 =	simm.s32 $0x11400  }
0x250: {  	[tilespmem:s13], [sflag:$0x5] =	stream.indirect_vreg.gather [hbm4b:s0+s4], $0x80, v13, vm0, $0xb8;
	[tilespmem:$0x18400] =	vst v63  }
0x251: {  	s20 =	simm.s32 $0x11C00  }
0x252: {  	[tilespmem:s20], [sflag:$0x5] =	stream.indirect_vreg.gather [hbm4b:s0+s4], $0x80, v12, vm0, $0xb8;
	[tilespmem:$0x18400] =	vst v63  }
0x253: {  	v12 =	vld [tilespmem:$0x320];
	_ =	sdelay $0x4  }
0x254: {  	v58 =	vshll.u32 v12, $0x1  }
0x255: {  	v12 =	vand.u32 $0x7, v12;
	v13 =	vand.u32 $0xFFFFFFF0, v58  }
0x256: {  	v12 =	vor.u32 v12, v13  }
0x257: {  	v13 =	vperm.xlane v12, v9;
	_ =	sdelay $0x1  }
0x258: {  	v12 =	vperm.xlane v12, v11;
	v13 =	vadd.s32 v10, v13;
	_ =	sdelay $0x1  }
0x259: {  	v12 =	vadd.s32 v10, v12;
	_ =	sdelay $0x1  }
0x25a: {  	s13 =	simm.s32 $0x12400  }
0x25b: {  	[tilespmem:s13], [sflag:$0x5] =	stream.indirect_vreg.gather [hbm4b:s0+s4], $0x80, v13, vm0, $0xb8;
	[tilespmem:$0x18400] =	vst v63  }
0x25c: {  	s20 =	simm.s32 $0x12C00  }
0x25d: {  	[tilespmem:s20], [sflag:$0x5] =	stream.indirect_vreg.gather [hbm4b:s0+s4], $0x80, v12, vm0, $0xb8;
	[tilespmem:$0x18400] =	vst v63  }
0x25e: {  	v12 =	vld [tilespmem:$0x330];
	_ =	sdelay $0x4  }
0x25f: {  	v59 =	vshll.u32 v12, $0x1  }
0x260: {  	v12 =	vand.u32 $0x7, v12;
	v13 =	vand.u32 $0xFFFFFFF0, v59  }
0x261: {  	v12 =	vor.u32 v12, v13  }
0x262: {  	v13 =	vperm.xlane v12, v9;
	_ =	sdelay $0x1  }
0x263: {  	v12 =	vperm.xlane v12, v11;
	v13 =	vadd.s32 v10, v13;
	_ =	sdelay $0x1  }
0x264: {  	v12 =	vadd.s32 v10, v12;
	_ =	sdelay $0x1  }
0x265: {  	s13 =	simm.s32 $0x13400  }
0x266: {  	[tilespmem:s13], [sflag:$0x5] =	stream.indirect_vreg.gather [hbm4b:s0+s4], $0x80, v13, vm0, $0xb8;
	[tilespmem:$0x18400] =	vst v63  }
0x267: {  	s20 =	simm.s32 $0x13C00  }
0x268: {  	[tilespmem:s20], [sflag:$0x5] =	stream.indirect_vreg.gather [hbm4b:s0+s4], $0x80, v12, vm0, $0xb8;
	[tilespmem:$0x18400] =	vst v63  }
0x269: {  	_ =	swait.ge [sflag:s18], $0x4000  }
0x26a: {  	[sflag:s18] =	ssyncset.done $0x0  }
0x26b: {  	s13 =	simm.s32 $0x14400;
	s2 =	rddreg [dreg:$0xe];
	[sflag:s18] =	ssyncadd.s32 $0xFFFFC000  }
0x26c: {  	[hbm4b:s2+s4] =	stream.linear.scatter [tilespmem:s13], [sflag:$0xC], $0x4000, $0x38;
	[tilespmem:$0x18400] =	vst v63  }
0x26d: {  	_ =	swait.ge [sflag:s19], $0x4000  }
0x26e: {  	[sflag:s19] =	ssyncset.done $0x0  }
0x26f: {  	[sflag:s19] =	ssyncadd.s32 $0xFFFFC000  }
0x270: {  	v60 =	vld [tilespmem:$0x40];
	_ =	sdelay $0x4  }
0x271: {  	v61 =	vadd.s32 v5, v60  }
0x272: {  	v62 =	vshll.u32 v61, $0x1  }
0x273: {  	v63 =	vld [tilespmem:$0x50];
	v12 =	vand.u32 $0x7, v60;
	v14 =	vand.u32 $0xFFFFFFF0, v62  }
0x274: {  	v20 =	vld [tilespmem:$0x60];
	v12 =	vor.u32 v12, v14  }
0x275: {  	v21 =	vld [tilespmem:$0x70];
	v22 =	vperm.xlane v12, v9;
	_ =	sdelay $0x1  }
0x276: {  	v12 =	vperm.xlane v12, v11;
	v17 =	vadd.s32 v10, v22  }
0x277: {  	v23 =	vadd.s32 v5, v63;
	[tilespmem:$0x380] =	vst v61  }
0x278: {  	v24 =	vadd.s32 v5, v20;
	[tilespmem:$0x390] =	vst v23;
	v12 =	vadd.s32 v10, v12  }
0x279: {  	v25 =	vadd.s32 v5, v21;
	[tilespmem:$0x3A0] =	vst v24  }
0x27a: {  	[tilespmem:$0x3B0] =	vst v25  }
0x27b: {  	[tilespmem:s13], [sflag:$0x6] =	stream.indirect_vreg.gather [hbm4b:s0+s4], $0x80, v17, vm0, $0xb8;
	[tilespmem:$0x18400] =	vst v63  }
0x27c: {  	s20 =	simm.s32 $0x14C00  }
0x27d: {  	[tilespmem:s20], [sflag:$0x6] =	stream.indirect_vreg.gather [hbm4b:s0+s4], $0x80, v12, vm0, $0xb8;
	[tilespmem:$0x18400] =	vst v63  }
0x27e: {  	v12 =	vld [tilespmem:$0x390];
	_ =	sdelay $0x4  }
0x27f: {  	v26 =	vshll.u32 v12, $0x1  }
0x280: {  	v12 =	vand.u32 $0x7, v12;
	v13 =	vand.u32 $0xFFFFFFF0, v26  }
0x281: {  	v12 =	vor.u32 v12, v13  }
0x282: {  	v13 =	vperm.xlane v12, v9;
	_ =	sdelay $0x1  }
0x283: {  	v12 =	vperm.xlane v12, v11;
	v13 =	vadd.s32 v10, v13;
	_ =	sdelay $0x1  }
0x284: {  	v12 =	vadd.s32 v10, v12;
	_ =	sdelay $0x1  }
0x285: {  	s20 =	simm.s32 $0x15400  }
0x286: {  	[tilespmem:s20], [sflag:$0x6] =	stream.indirect_vreg.gather [hbm4b:s0+s4], $0x80, v13, vm0, $0xb8;
	[tilespmem:$0x18400] =	vst v63  }
0x287: {  	s20 =	simm.s32 $0x15C00  }
0x288: {  	[tilespmem:s20], [sflag:$0x6] =	stream.indirect_vreg.gather [hbm4b:s0+s4], $0x80, v12, vm0, $0xb8;
	[tilespmem:$0x18400] =	vst v63  }
0x289: {  	v12 =	vld [tilespmem:$0x3A0];
	_ =	sdelay $0x4  }
0x28a: {  	v27 =	vshll.u32 v12, $0x1  }
0x28b: {  	v12 =	vand.u32 $0x7, v12;
	v13 =	vand.u32 $0xFFFFFFF0, v27  }
0x28c: {  	v12 =	vor.u32 v12, v13  }
0x28d: {  	v13 =	vperm.xlane v12, v9;
	_ =	sdelay $0x1  }
0x28e: {  	v12 =	vperm.xlane v12, v11;
	v13 =	vadd.s32 v10, v13;
	_ =	sdelay $0x1  }
0x28f: {  	v12 =	vadd.s32 v10, v12;
	_ =	sdelay $0x1  }
0x290: {  	s20 =	simm.s32 $0x16400  }
0x291: {  	[tilespmem:s20], [sflag:$0x6] =	stream.indirect_vreg.gather [hbm4b:s0+s4], $0x80, v13, vm0, $0xb8;
	[tilespmem:$0x18400] =	vst v63  }
0x292: {  	s20 =	simm.s32 $0x16C00  }
0x293: {  	[tilespmem:s20], [sflag:$0x6] =	stream.indirect_vreg.gather [hbm4b:s0+s4], $0x80, v12, vm0, $0xb8;
	[tilespmem:$0x18400] =	vst v63  }
0x294: {  	v12 =	vld [tilespmem:$0x3B0];
	_ =	sdelay $0x4  }
0x295: {  	v28 =	vshll.u32 v12, $0x1  }
0x296: {  	v12 =	vand.u32 $0x7, v12;
	v13 =	vand.u32 $0xFFFFFFF0, v28  }
0x297: {  	v12 =	vor.u32 v12, v13  }
0x298: {  	v13 =	vperm.xlane v12, v9;
	_ =	sdelay $0x1  }
0x299: {  	v12 =	vperm.xlane v12, v11;
	v13 =	vadd.s32 v10, v13;
	_ =	sdelay $0x1  }
0x29a: {  	v12 =	vadd.s32 v10, v12;
	_ =	sdelay $0x1  }
0x29b: {  	s20 =	simm.s32 $0x17400  }
0x29c: {  	[tilespmem:s20], [sflag:$0x6] =	stream.indirect_vreg.gather [hbm4b:s0+s4], $0x80, v13, vm0, $0xb8;
	[tilespmem:$0x18400] =	vst v63  }
0x29d: {  	s20 =	simm.s32 $0x17C00  }
0x29e: {  	[tilespmem:s20], [sflag:$0x6] =	stream.indirect_vreg.gather [hbm4b:s0+s4], $0x80, v12, vm0, $0xb8;
	[tilespmem:$0x18400] =	vst v63  }
0x29f: {  	_ =	swait.ge [sflag:s23], $0x4000  }
0x2a0: {  	[sflag:s23] =	ssyncset.done $0x0  }
0x2a1: {  	s2 =	simm.s32 $0x400;
	s20 =	rddreg [dreg:$0xf];
	[sflag:s23] =	ssyncadd.s32 $0xFFFFC000  }
0x2a2: {  	[hbm4b:s20+s4] =	stream.linear.scatter [tilespmem:s2], [sflag:$0x7], $0x4000, $0x38;
	[tilespmem:$0x18400] =	vst v63  }
0x2a3: {  	_ =	swait.ge [sflag:s6], $0x4000  }
0x2a4: {  	[sflag:s6] =	ssyncset.done $0x0  }
0x2a5: {  	[sflag:s6] =	ssyncadd.s32 $0xFFFFC000  }
0x2a6: {  	v29 =	vld [tilespmem:$0x0];
	_ =	sdelay $0x4  }
0x2a7: {  	v30 =	vadd.s32 v6, v29  }
0x2a8: {  	v31 =	vshll.u32 v30, $0x1  }
0x2a9: {  	v32 =	vld [tilespmem:$0x10];
	v12 =	vand.u32 $0x7, v29;
	v14 =	vand.u32 $0xFFFFFFF0, v31  }
0x2aa: {  	v33 =	vld [tilespmem:$0x20];
	v12 =	vor.u32 v12, v14  }
0x2ab: {  	v34 =	vld [tilespmem:$0x30];
	v35 =	vperm.xlane v12, v9;
	_ =	sdelay $0x1  }
0x2ac: {  	v12 =	vperm.xlane v12, v11;
	v17 =	vadd.s32 v10, v35  }
0x2ad: {  	v36 =	vadd.s32 v6, v32;
	[tilespmem:$0x100] =	vst v30  }
0x2ae: {  	v37 =	vadd.s32 v6, v33;
	[tilespmem:$0x110] =	vst v36;
	v12 =	vadd.s32 v10, v12  }
0x2af: {  	v38 =	vadd.s32 v6, v34;
	[tilespmem:$0x120] =	vst v37  }
0x2b0: {  	[tilespmem:$0x130] =	vst v38  }
0x2b1: {  	[tilespmem:s2], [sflag:$0x1] =	stream.indirect_vreg.gather [hbm4b:s0+s4], $0x80, v17, vm0, $0xb8;
	[tilespmem:$0x18400] =	vst v63  }
0x2b2: {  	s20 =	simm.s32 $0xC00  }
0x2b3: {  	[tilespmem:s20], [sflag:$0x1] =	stream.indirect_vreg.gather [hbm4b:s0+s4], $0x80, v12, vm0, $0xb8;
	[tilespmem:$0x18400] =	vst v63  }
0x2b4: {  	v12 =	vld [tilespmem:$0x110];
	_ =	sdelay $0x4  }
0x2b5: {  	v39 =	vshll.u32 v12, $0x1  }
0x2b6: {  	v12 =	vand.u32 $0x7, v12;
	v13 =	vand.u32 $0xFFFFFFF0, v39  }
0x2b7: {  	v12 =	vor.u32 v12, v13  }
0x2b8: {  	v13 =	vperm.xlane v12, v9;
	_ =	sdelay $0x1  }
0x2b9: {  	v12 =	vperm.xlane v12, v11;
	v13 =	vadd.s32 v10, v13;
	_ =	sdelay $0x1  }
0x2ba: {  	v12 =	vadd.s32 v10, v12;
	_ =	sdelay $0x1  }
0x2bb: {  	s20 =	simm.s32 $0x1400  }
0x2bc: {  	[tilespmem:s20], [sflag:$0x1] =	stream.indirect_vreg.gather [hbm4b:s0+s4], $0x80, v13, vm0, $0xb8;
	[tilespmem:$0x18400] =	vst v63  }
0x2bd: {  	_ = 	snop  }
0x2be: {  	[tilespmem:s15], [sflag:$0x1] =	stream.indirect_vreg.gather [hbm4b:s0+s4], $0x80, v12, vm0, $0xb8;
	[tilespmem:$0x18400] =	vst v63  }
0x2bf: {  	v12 =	vld [tilespmem:$0x120];
	_ =	sdelay $0x4  }
0x2c0: {  	v40 =	vshll.u32 v12, $0x1  }
0x2c1: {  	v12 =	vand.u32 $0x7, v12;
	v13 =	vand.u32 $0xFFFFFFF0, v40  }
0x2c2: {  	v12 =	vor.u32 v12, v13  }
0x2c3: {  	v13 =	vperm.xlane v12, v9;
	_ =	sdelay $0x1  }
0x2c4: {  	v12 =	vperm.xlane v12, v11;
	v13 =	vadd.s32 v10, v13;
	_ =	sdelay $0x1  }
0x2c5: {  	v12 =	vadd.s32 v10, v12;
	_ =	sdelay $0x1  }
0x2c6: {  	s15 =	simm.s32 $0x2400  }
0x2c7: {  	[tilespmem:s15], [sflag:$0x1] =	stream.indirect_vreg.gather [hbm4b:s0+s4], $0x80, v13, vm0, $0xb8;
	[tilespmem:$0x18400] =	vst v63  }
0x2c8: {  	s20 =	simm.s32 $0x2C00  }
0x2c9: {  	[tilespmem:s20], [sflag:$0x1] =	stream.indirect_vreg.gather [hbm4b:s0+s4], $0x80, v12, vm0, $0xb8;
	[tilespmem:$0x18400] =	vst v63  }
0x2ca: {  	v12 =	vld [tilespmem:$0x130];
	_ =	sdelay $0x4  }
0x2cb: {  	v41 =	vshll.u32 v12, $0x1  }
0x2cc: {  	v12 =	vand.u32 $0x7, v12;
	v13 =	vand.u32 $0xFFFFFFF0, v41  }
0x2cd: {  	v12 =	vor.u32 v12, v13  }
0x2ce: {  	v13 =	vperm.xlane v12, v9;
	_ =	sdelay $0x1  }
0x2cf: {  	v12 =	vperm.xlane v12, v11;
	v13 =	vadd.s32 v10, v13;
	_ =	sdelay $0x1  }
0x2d0: {  	v12 =	vadd.s32 v10, v12;
	_ =	sdelay $0x2  }
0x2d1: {  	[tilespmem:s22], [sflag:$0x1] =	stream.indirect_vreg.gather [hbm4b:s0+s4], $0x80, v13, vm0, $0xb8;
	[tilespmem:$0x18400] =	vst v63  }
0x2d2: {  	_ = 	snop  }
0x2d3: {  	[tilespmem:s21], [sflag:$0x1] =	stream.indirect_vreg.gather [hbm4b:s0+s4], $0x80, v12, vm0, $0xb8;
	[tilespmem:$0x18400] =	vst v63  }
0x2d4: {  	_ =	swait.ge [sflag:s8], $0x4000  }
0x2d5: {  	[sflag:s8] =	ssyncset.done $0x0  }
0x2d6: {  	s3 =	simm.s32 $0x4400;
	s15 =	rddreg [dreg:$0x10];
	[sflag:s8] =	ssyncadd.s32 $0xFFFFC000  }
0x2d7: {  	[hbm4b:s15+s4] =	stream.linear.scatter [tilespmem:s3], [sflag:$0x8], $0x4000, $0x38;
	[tilespmem:$0x18400] =	vst v63  }
0x2d8: {  	_ =	swait.ge [sflag:s9], $0x4000  }
0x2d9: {  	[sflag:s9] =	ssyncset.done $0x0  }
0x2da: {  	[sflag:s9] =	ssyncadd.s32 $0xFFFFC000  }
0x2db: {  	v42 =	vld [tilespmem:$0x40];
	_ =	sdelay $0x4  }
0x2dc: {  	v43 =	vadd.s32 v6, v42  }
0x2dd: {  	v44 =	vshll.u32 v43, $0x1  }
0x2de: {  	v45 =	vld [tilespmem:$0x50];
	v12 =	vand.u32 $0x7, v42;
	v14 =	vand.u32 $0xFFFFFFF0, v44  }
0x2df: {  	v46 =	vld [tilespmem:$0x60];
	v12 =	vor.u32 v12, v14  }
0x2e0: {  	v47 =	vld [tilespmem:$0x70];
	v48 =	vperm.xlane v12, v9;
	_ =	sdelay $0x1  }
0x2e1: {  	v12 =	vperm.xlane v12, v11;
	v17 =	vadd.s32 v10, v48  }
0x2e2: {  	v49 =	vadd.s32 v6, v45;
	[tilespmem:$0x180] =	vst v43  }
0x2e3: {  	v50 =	vadd.s32 v6, v46;
	[tilespmem:$0x190] =	vst v49;
	v12 =	vadd.s32 v10, v12  }
0x2e4: {  	v51 =	vadd.s32 v6, v47;
	[tilespmem:$0x1A0] =	vst v50  }
0x2e5: {  	[tilespmem:$0x1B0] =	vst v51  }
0x2e6: {  	[tilespmem:s3], [sflag:$0x2] =	stream.indirect_vreg.gather [hbm4b:s0+s4], $0x80, v17, vm0, $0xb8;
	[tilespmem:$0x18400] =	vst v63  }
0x2e7: {  	s20 =	simm.s32 $0x4C00  }
0x2e8: {  	[tilespmem:s20], [sflag:$0x2] =	stream.indirect_vreg.gather [hbm4b:s0+s4], $0x80, v12, vm0, $0xb8;
	[tilespmem:$0x18400] =	vst v63  }
0x2e9: {  	v12 =	vld [tilespmem:$0x190];
	_ =	sdelay $0x4  }
0x2ea: {  	v52 =	vshll.u32 v12, $0x1  }
0x2eb: {  	v12 =	vand.u32 $0x7, v12;
	v13 =	vand.u32 $0xFFFFFFF0, v52  }
0x2ec: {  	v12 =	vor.u32 v12, v13  }
0x2ed: {  	v13 =	vperm.xlane v12, v9;
	_ =	sdelay $0x1  }
0x2ee: {  	v12 =	vperm.xlane v12, v11;
	v13 =	vadd.s32 v10, v13;
	_ =	sdelay $0x1  }
0x2ef: {  	v12 =	vadd.s32 v10, v12;
	_ =	sdelay $0x2  }
0x2f0: {  	[tilespmem:s25], [sflag:$0x2] =	stream.indirect_vreg.gather [hbm4b:s0+s4], $0x80, v13, vm0, $0xb8;
	[tilespmem:$0x18400] =	vst v63  }
0x2f1: {  	s21 =	simm.s32 $0x5C00  }
0x2f2: {  	[tilespmem:s21], [sflag:$0x2] =	stream.indirect_vreg.gather [hbm4b:s0+s4], $0x80, v12, vm0, $0xb8;
	[tilespmem:$0x18400] =	vst v63  }
0x2f3: {  	v12 =	vld [tilespmem:$0x1A0];
	_ =	sdelay $0x4  }
0x2f4: {  	v53 =	vshll.u32 v12, $0x1  }
0x2f5: {  	v12 =	vand.u32 $0x7, v12;
	v13 =	vand.u32 $0xFFFFFFF0, v53  }
0x2f6: {  	v12 =	vor.u32 v12, v13  }
0x2f7: {  	v13 =	vperm.xlane v12, v9;
	_ =	sdelay $0x1  }
0x2f8: {  	v12 =	vperm.xlane v12, v11;
	v13 =	vadd.s32 v10, v13;
	_ =	sdelay $0x1  }
0x2f9: {  	v12 =	vadd.s32 v10, v12;
	_ =	sdelay $0x2  }
0x2fa: {  	[tilespmem:s26], [sflag:$0x2] =	stream.indirect_vreg.gather [hbm4b:s0+s4], $0x80, v13, vm0, $0xb8;
	[tilespmem:$0x18400] =	vst v63  }
0x2fb: {  	s25 =	simm.s32 $0x6C00  }
0x2fc: {  	[tilespmem:s25], [sflag:$0x2] =	stream.indirect_vreg.gather [hbm4b:s0+s4], $0x80, v12, vm0, $0xb8;
	[tilespmem:$0x18400] =	vst v63  }
0x2fd: {  	v12 =	vld [tilespmem:$0x1B0];
	_ =	sdelay $0x4  }
0x2fe: {  	v54 =	vshll.u32 v12, $0x1  }
0x2ff: {  	v12 =	vand.u32 $0x7, v12;
	v13 =	vand.u32 $0xFFFFFFF0, v54  }
0x300: {  	v12 =	vor.u32 v12, v13  }
0x301: {  	v13 =	vperm.xlane v12, v9;
	_ =	sdelay $0x1  }
0x302: {  	v12 =	vperm.xlane v12, v11;
	v13 =	vadd.s32 v10, v13;
	_ =	sdelay $0x1  }
0x303: {  	v12 =	vadd.s32 v10, v12;
	_ =	sdelay $0x2  }
0x304: {  	[tilespmem:s29], [sflag:$0x2] =	stream.indirect_vreg.gather [hbm4b:s0+s4], $0x80, v13, vm0, $0xb8;
	[tilespmem:$0x18400] =	vst v63  }
0x305: {  	_ = 	snop  }
0x306: {  	[tilespmem:s30], [sflag:$0x2] =	stream.indirect_vreg.gather [hbm4b:s0+s4], $0x80, v12, vm0, $0xb8;
	[tilespmem:$0x18400] =	vst v63  }
0x307: {  	_ =	swait.ge [sflag:s10], $0x4000  }
0x308: {  	[sflag:s10] =	ssyncset.done $0x0  }
0x309: {  	s2 =	simm.s32 $0x8400;
	s29 =	rddreg [dreg:$0x11];
	[sflag:s10] =	ssyncadd.s32 $0xFFFFC000  }
0x30a: {  	[hbm4b:s29+s4] =	stream.linear.scatter [tilespmem:s2], [sflag:$0x9], $0x4000, $0x38;
	[tilespmem:$0x18400] =	vst v63  }
0x30b: {  	_ =	swait.ge [sflag:s11], $0x4000  }
0x30c: {  	[sflag:s11] =	ssyncset.done $0x0  }
0x30d: {  	[sflag:s11] =	ssyncadd.s32 $0xFFFFC000  }
0x30e: {  	v55 =	vld [tilespmem:$0x0];
	_ =	sdelay $0x4  }
0x30f: {  	v56 =	vadd.s32 v7, v55  }
0x310: {  	v57 =	vshll.u32 v56, $0x1  }
0x311: {  	v58 =	vld [tilespmem:$0x10];
	v12 =	vand.u32 $0x7, v55;
	v14 =	vand.u32 $0xFFFFFFF0, v57  }
0x312: {  	v59 =	vld [tilespmem:$0x20];
	v12 =	vor.u32 v12, v14  }
0x313: {  	v60 =	vld [tilespmem:$0x30];
	v61 =	vperm.xlane v12, v9;
	_ =	sdelay $0x1  }
0x314: {  	v12 =	vperm.xlane v12, v11;
	v17 =	vadd.s32 v10, v61  }
0x315: {  	v62 =	vadd.s32 v7, v58;
	[tilespmem:$0x200] =	vst v56  }
0x316: {  	v63 =	vadd.s32 v7, v59;
	[tilespmem:$0x210] =	vst v62;
	v12 =	vadd.s32 v10, v12  }
0x317: {  	v16 =	vadd.s32 v7, v60;
	[tilespmem:$0x220] =	vst v63  }
0x318: {  	[tilespmem:$0x230] =	vst v16  }
0x319: {  	[tilespmem:s2], [sflag:$0x3] =	stream.indirect_vreg.gather [hbm4b:s0+s4], $0x80, v17, vm0, $0xb8;
	[tilespmem:$0x18400] =	vst v63  }
0x31a: {  	s3 =	simm.s32 $0x8C00  }
0x31b: {  	[tilespmem:s3], [sflag:$0x3] =	stream.indirect_vreg.gather [hbm4b:s0+s4], $0x80, v12, vm0, $0xb8;
	[tilespmem:$0x18400] =	vst v63  }
0x31c: {  	v12 =	vld [tilespmem:$0x210];
	_ =	sdelay $0x4  }
0x31d: {  	v18 =	vshll.u32 v12, $0x1  }
0x31e: {  	v12 =	vand.u32 $0x7, v12;
	v13 =	vand.u32 $0xFFFFFFF0, v18  }
0x31f: {  	v12 =	vor.u32 v12, v13  }
0x320: {  	v13 =	vperm.xlane v12, v9;
	_ =	sdelay $0x1  }
0x321: {  	v12 =	vperm.xlane v12, v11;
	v13 =	vadd.s32 v10, v13;
	_ =	sdelay $0x1  }
0x322: {  	v12 =	vadd.s32 v10, v12;
	_ =	sdelay $0x2  }
0x323: {  	[tilespmem:s24], [sflag:$0x3] =	stream.indirect_vreg.gather [hbm4b:s0+s4], $0x80, v13, vm0, $0xb8;
	[tilespmem:$0x18400] =	vst v63  }
0x324: {  	s20 =	simm.s32 $0x9C00  }
0x325: {  	[tilespmem:s20], [sflag:$0x3] =	stream.indirect_vreg.gather [hbm4b:s0+s4], $0x80, v12, vm0, $0xb8;
	[tilespmem:$0x18400] =	vst v63  }
0x326: {  	v12 =	vld [tilespmem:$0x220];
	_ =	sdelay $0x4  }
0x327: {  	v19 =	vshll.u32 v12, $0x1  }
0x328: {  	v12 =	vand.u32 $0x7, v12;
	v13 =	vand.u32 $0xFFFFFFF0, v19  }
0x329: {  	v12 =	vor.u32 v12, v13  }
0x32a: {  	v13 =	vperm.xlane v12, v9;
	_ =	sdelay $0x1  }
0x32b: {  	v12 =	vperm.xlane v12, v11;
	v13 =	vadd.s32 v10, v13;
	_ =	sdelay $0x1  }
0x32c: {  	v12 =	vadd.s32 v10, v12;
	_ =	sdelay $0x2  }
0x32d: {  	[tilespmem:s28], [sflag:$0x3] =	stream.indirect_vreg.gather [hbm4b:s0+s4], $0x80, v13, vm0, $0xb8;
	[tilespmem:$0x18400] =	vst v63  }
0x32e: {  	s24 =	simm.s32 $0xAC00  }
0x32f: {  	[tilespmem:s24], [sflag:$0x3] =	stream.indirect_vreg.gather [hbm4b:s0+s4], $0x80, v12, vm0, $0xb8;
	[tilespmem:$0x18400] =	vst v63  }
0x330: {  	v12 =	vld [tilespmem:$0x230];
	_ =	sdelay $0x4  }
0x331: {  	v20 =	vshll.u32 v12, $0x1  }
0x332: {  	v12 =	vand.u32 $0x7, v12;
	v13 =	vand.u32 $0xFFFFFFF0, v20  }
0x333: {  	v12 =	vor.u32 v12, v13  }
0x334: {  	v13 =	vperm.xlane v12, v9;
	_ =	sdelay $0x1  }
0x335: {  	v12 =	vperm.xlane v12, v11;
	v13 =	vadd.s32 v10, v13;
	_ =	sdelay $0x1  }
0x336: {  	v12 =	vadd.s32 v10, v12;
	_ =	sdelay $0x2  }
0x337: {  	[tilespmem:s31], [sflag:$0x3] =	stream.indirect_vreg.gather [hbm4b:s0+s4], $0x80, v13, vm0, $0xb8;
	[tilespmem:$0x18400] =	vst v63  }
0x338: {  	s28 =	simm.s32 $0xBC00  }
0x339: {  	[tilespmem:s28], [sflag:$0x3] =	stream.indirect_vreg.gather [hbm4b:s0+s4], $0x80, v12, vm0, $0xb8;
	[tilespmem:$0x18400] =	vst v63  }
0x33a: {  	_ =	swait.ge [sflag:s12], $0x4000  }
0x33b: {  	[sflag:s12] =	ssyncset.done $0x0  }
0x33c: {  	s7 =	simm.s32 $0xC400;
	s29 =	rddreg [dreg:$0x12];
	[sflag:s12] =	ssyncadd.s32 $0xFFFFC000  }
0x33d: {  	[hbm4b:s29+s4] =	stream.linear.scatter [tilespmem:s7], [sflag:$0xA], $0x4000, $0x38;
	[tilespmem:$0x18400] =	vst v63  }
0x33e: {  	_ =	swait.ge [sflag:s14], $0x4000  }
0x33f: {  	[sflag:s14] =	ssyncset.done $0x0  }
0x340: {  	[sflag:s14] =	ssyncadd.s32 $0xFFFFC000  }
0x341: {  	v21 =	vld [tilespmem:$0x40];
	_ =	sdelay $0x4  }
0x342: {  	v22 =	vadd.s32 v7, v21  }
0x343: {  	v23 =	vshll.u32 v22, $0x1  }
0x344: {  	v24 =	vld [tilespmem:$0x50];
	v12 =	vand.u32 $0x7, v21;
	v14 =	vand.u32 $0xFFFFFFF0, v23  }
0x345: {  	v25 =	vld [tilespmem:$0x60];
	v12 =	vor.u32 v12, v14  }
0x346: {  	v26 =	vld [tilespmem:$0x70];
	v27 =	vperm.xlane v12, v9;
	_ =	sdelay $0x1  }
0x347: {  	v12 =	vperm.xlane v12, v11;
	v17 =	vadd.s32 v10, v27  }
0x348: {  	v28 =	vadd.s32 v7, v24;
	[tilespmem:$0x280] =	vst v22  }
0x349: {  	v29 =	vadd.s32 v7, v25;
	[tilespmem:$0x290] =	vst v28;
	v12 =	vadd.s32 v10, v12  }
0x34a: {  	v30 =	vadd.s32 v7, v26;
	[tilespmem:$0x2A0] =	vst v29  }
0x34b: {  	[tilespmem:$0x2B0] =	vst v30  }
0x34c: {  	[tilespmem:s7], [sflag:$0x4] =	stream.indirect_vreg.gather [hbm4b:s0+s4], $0x80, v17, vm0, $0xb8;
	[tilespmem:$0x18400] =	vst v63  }
0x34d: {  	s31 =	simm.s32 $0xCC00  }
0x34e: {  	[tilespmem:s31], [sflag:$0x4] =	stream.indirect_vreg.gather [hbm4b:s0+s4], $0x80, v12, vm0, $0xb8;
	[tilespmem:$0x18400] =	vst v63  }
0x34f: {  	v12 =	vld [tilespmem:$0x290];
	_ =	sdelay $0x4  }
0x350: {  	v31 =	vshll.u32 v12, $0x1  }
0x351: {  	v12 =	vand.u32 $0x7, v12;
	v13 =	vand.u32 $0xFFFFFFF0, v31  }
0x352: {  	v12 =	vor.u32 v12, v13  }
0x353: {  	v13 =	vperm.xlane v12, v9;
	_ =	sdelay $0x1  }
0x354: {  	v12 =	vperm.xlane v12, v11;
	v13 =	vadd.s32 v10, v13;
	_ =	sdelay $0x1  }
0x355: {  	v12 =	vadd.s32 v10, v12;
	_ =	sdelay $0x1  }
0x356: {  	s7 =	simm.s32 $0xD400  }
0x357: {  	[tilespmem:s7], [sflag:$0x4] =	stream.indirect_vreg.gather [hbm4b:s0+s4], $0x80, v13, vm0, $0xb8;
	[tilespmem:$0x18400] =	vst v63  }
0x358: {  	s20 =	simm.s32 $0xDC00  }
0x359: {  	[tilespmem:s20], [sflag:$0x4] =	stream.indirect_vreg.gather [hbm4b:s0+s4], $0x80, v12, vm0, $0xb8;
	[tilespmem:$0x18400] =	vst v63  }
0x35a: {  	v12 =	vld [tilespmem:$0x2A0];
	_ =	sdelay $0x4  }
0x35b: {  	v32 =	vshll.u32 v12, $0x1  }
0x35c: {  	v12 =	vand.u32 $0x7, v12;
	v13 =	vand.u32 $0xFFFFFFF0, v32  }
0x35d: {  	v12 =	vor.u32 v12, v13  }
0x35e: {  	v13 =	vperm.xlane v12, v9;
	_ =	sdelay $0x1  }
0x35f: {  	v12 =	vperm.xlane v12, v11;
	v13 =	vadd.s32 v10, v13;
	_ =	sdelay $0x1  }
0x360: {  	v12 =	vadd.s32 v10, v12;
	_ =	sdelay $0x1  }
0x361: {  	s28 =	simm.s32 $0xE400  }
0x362: {  	[tilespmem:s28], [sflag:$0x4] =	stream.indirect_vreg.gather [hbm4b:s0+s4], $0x80, v13, vm0, $0xb8;
	[tilespmem:$0x18400] =	vst v63  }
0x363: {  	s29 =	simm.s32 $0xEC00  }
0x364: {  	[tilespmem:s29], [sflag:$0x4] =	stream.indirect_vreg.gather [hbm4b:s0+s4], $0x80, v12, vm0, $0xb8;
	[tilespmem:$0x18400] =	vst v63  }
0x365: {  	v12 =	vld [tilespmem:$0x2B0];
	_ =	sdelay $0x4  }
0x366: {  	v33 =	vshll.u32 v12, $0x1  }
0x367: {  	v12 =	vand.u32 $0x7, v12;
	v13 =	vand.u32 $0xFFFFFFF0, v33  }
0x368: {  	v12 =	vor.u32 v12, v13  }
0x369: {  	v13 =	vperm.xlane v12, v9;
	_ =	sdelay $0x1  }
0x36a: {  	v12 =	vperm.xlane v12, v11;
	v13 =	vadd.s32 v10, v13;
	_ =	sdelay $0x1  }
0x36b: {  	v12 =	vadd.s32 v10, v12;
	_ =	sdelay $0x1  }
0x36c: {  	s31 =	simm.s32 $0xF400  }
0x36d: {  	[tilespmem:s31], [sflag:$0x4] =	stream.indirect_vreg.gather [hbm4b:s0+s4], $0x80, v13, vm0, $0xb8;
	[tilespmem:$0x18400] =	vst v63  }
0x36e: {  	s20 =	simm.s32 $0xFC00  }
0x36f: {  	[tilespmem:s20], [sflag:$0x4] =	stream.indirect_vreg.gather [hbm4b:s0+s4], $0x80, v12, vm0, $0xb8;
	[tilespmem:$0x18400] =	vst v63  }
0x370: {  	_ =	swait.ge [sflag:s16], $0x4000  }
0x371: {  	[sflag:s16] =	ssyncset.done $0x0  }
0x372: {  	s5 =	simm.s32 $0x10400;
	s28 =	rddreg [dreg:$0x13];
	[sflag:s16] =	ssyncadd.s32 $0xFFFFC000  }
0x373: {  	[hbm4b:s28+s4] =	stream.linear.scatter [tilespmem:s5], [sflag:$0xB], $0x4000, $0x38;
	[tilespmem:$0x18400] =	vst v63  }
0x374: {  	_ =	swait.ge [sflag:s17], $0x4000  }
0x375: {  	[sflag:s17] =	ssyncset.done $0x0  }
0x376: {  	[sflag:s17] =	ssyncadd.s32 $0xFFFFC000  }
0x377: {  	v34 =	vld [tilespmem:$0x0];
	_ =	sdelay $0x4  }
0x378: {  	v35 =	vadd.s32 v8, v34  }
0x379: {  	v36 =	vshll.u32 v35, $0x1  }
0x37a: {  	v37 =	vld [tilespmem:$0x10];
	v12 =	vand.u32 $0x7, v34;
	v14 =	vand.u32 $0xFFFFFFF0, v36  }
0x37b: {  	v38 =	vld [tilespmem:$0x20];
	v12 =	vor.u32 v12, v14  }
0x37c: {  	v39 =	vld [tilespmem:$0x30];
	v40 =	vperm.xlane v12, v9;
	_ =	sdelay $0x1  }
0x37d: {  	v12 =	vperm.xlane v12, v11;
	v17 =	vadd.s32 v10, v40  }
0x37e: {  	v41 =	vadd.s32 v8, v37;
	[tilespmem:$0x300] =	vst v35  }
0x37f: {  	v42 =	vadd.s32 v8, v38;
	[tilespmem:$0x310] =	vst v41;
	v12 =	vadd.s32 v10, v12  }
0x380: {  	v43 =	vadd.s32 v8, v39;
	[tilespmem:$0x320] =	vst v42  }
0x381: {  	[tilespmem:$0x330] =	vst v43  }
0x382: {  	[tilespmem:s5], [sflag:$0x5] =	stream.indirect_vreg.gather [hbm4b:s0+s4], $0x80, v17, vm0, $0xb8;
	[tilespmem:$0x18400] =	vst v63  }
0x383: {  	s29 =	simm.s32 $0x10C00  }
0x384: {  	[tilespmem:s29], [sflag:$0x5] =	stream.indirect_vreg.gather [hbm4b:s0+s4], $0x80, v12, vm0, $0xb8;
	[tilespmem:$0x18400] =	vst v63  }
0x385: {  	v12 =	vld [tilespmem:$0x310];
	_ =	sdelay $0x4  }
0x386: {  	v44 =	vshll.u32 v12, $0x1  }
0x387: {  	v12 =	vand.u32 $0x7, v12;
	v13 =	vand.u32 $0xFFFFFFF0, v44  }
0x388: {  	v12 =	vor.u32 v12, v13  }
0x389: {  	v13 =	vperm.xlane v12, v9;
	_ =	sdelay $0x1  }
0x38a: {  	v12 =	vperm.xlane v12, v11;
	v13 =	vadd.s32 v10, v13;
	_ =	sdelay $0x1  }
0x38b: {  	v12 =	vadd.s32 v10, v12;
	_ =	sdelay $0x1  }
0x38c: {  	s31 =	simm.s32 $0x11400  }
0x38d: {  	[tilespmem:s31], [sflag:$0x5] =	stream.indirect_vreg.gather [hbm4b:s0+s4], $0x80, v13, vm0, $0xb8;
	[tilespmem:$0x18400] =	vst v63  }
0x38e: {  	s5 =	simm.s32 $0x11C00  }
0x38f: {  	[tilespmem:s5], [sflag:$0x5] =	stream.indirect_vreg.gather [hbm4b:s0+s4], $0x80, v12, vm0, $0xb8;
	[tilespmem:$0x18400] =	vst v63  }
0x390: {  	v12 =	vld [tilespmem:$0x320];
	_ =	sdelay $0x4  }
0x391: {  	v45 =	vshll.u32 v12, $0x1  }
0x392: {  	v12 =	vand.u32 $0x7, v12;
	v13 =	vand.u32 $0xFFFFFFF0, v45  }
0x393: {  	v12 =	vor.u32 v12, v13  }
0x394: {  	v13 =	vperm.xlane v12, v9;
	_ =	sdelay $0x1  }
0x395: {  	v12 =	vperm.xlane v12, v11;
	v13 =	vadd.s32 v10, v13;
	_ =	sdelay $0x1  }
0x396: {  	v12 =	vadd.s32 v10, v12;
	_ =	sdelay $0x1  }
0x397: {  	s20 =	simm.s32 $0x12400  }
0x398: {  	[tilespmem:s20], [sflag:$0x5] =	stream.indirect_vreg.gather [hbm4b:s0+s4], $0x80, v13, vm0, $0xb8;
	[tilespmem:$0x18400] =	vst v63  }
0x399: {  	s28 =	simm.s32 $0x12C00  }
0x39a: {  	[tilespmem:s28], [sflag:$0x5] =	stream.indirect_vreg.gather [hbm4b:s0+s4], $0x80, v12, vm0, $0xb8;
	[tilespmem:$0x18400] =	vst v63  }
0x39b: {  	v12 =	vld [tilespmem:$0x330];
	_ =	sdelay $0x4  }
0x39c: {  	v46 =	vshll.u32 v12, $0x1  }
0x39d: {  	v12 =	vand.u32 $0x7, v12;
	v13 =	vand.u32 $0xFFFFFFF0, v46  }
0x39e: {  	v12 =	vor.u32 v12, v13  }
0x39f: {  	v13 =	vperm.xlane v12, v9;
	_ =	sdelay $0x1  }
0x3a0: {  	v12 =	vperm.xlane v12, v11;
	v13 =	vadd.s32 v10, v13;
	_ =	sdelay $0x1  }
0x3a1: {  	v12 =	vadd.s32 v10, v12;
	_ =	sdelay $0x1  }
0x3a2: {  	s29 =	simm.s32 $0x13400  }
0x3a3: {  	[tilespmem:s29], [sflag:$0x5] =	stream.indirect_vreg.gather [hbm4b:s0+s4], $0x80, v13, vm0, $0xb8;
	[tilespmem:$0x18400] =	vst v63  }
0x3a4: {  	s31 =	simm.s32 $0x13C00  }
0x3a5: {  	[tilespmem:s31], [sflag:$0x5] =	stream.indirect_vreg.gather [hbm4b:s0+s4], $0x80, v12, vm0, $0xb8;
	[tilespmem:$0x18400] =	vst v63  }
0x3a6: {  	_ =	swait.ge [sflag:s18], $0x4000  }
0x3a7: {  	[sflag:s18] =	ssyncset.done $0x0  }
0x3a8: {  	s13 =	simm.s32 $0x14400;
	s5 =	rddreg [dreg:$0x14];
	[sflag:s18] =	ssyncadd.s32 $0xFFFFC000  }
0x3a9: {  	[hbm4b:s5+s4] =	stream.linear.scatter [tilespmem:s13], [sflag:$0xC], $0x4000, $0x38;
	[tilespmem:$0x18400] =	vst v63  }
0x3aa: {  	_ =	swait.ge [sflag:s19], $0x4000  }
0x3ab: {  	[sflag:s19] =	ssyncset.done $0x0  }
0x3ac: {  	[sflag:s19] =	ssyncadd.s32 $0xFFFFC000  }
0x3ad: {  	v47 =	vld [tilespmem:$0x40]  }
0x3ae: {  	v48 =	vld [tilespmem:$0x50]  }
0x3af: {  	v49 =	vld [tilespmem:$0x60];
	_ =	sdelay $0x2  }
0x3b0: {  	v50 =	vadd.s32 v8, v47  }
0x3b1: {  	v13 =	vadd.s32 v8, v48;
	[tilespmem:$0x380] =	vst v50;
	v15 =	vshll.u32 v50, $0x1  }
0x3b2: {  	v51 =	vadd.s32 v8, v49;
	v12 =	vand.u32 $0x7, v47;
	[tilespmem:$0x390] =	vst v13;
	v52 =	vand.u32 $0xFFFFFFF0, v15  }
0x3b3: {  	[tilespmem:$0x3A0] =	vst v51;
	v12 =	vor.u32 v12, v52  }
0x3b4: {  	v13 =	vld [tilespmem:$0x70];
	v14 =	vperm.xlane v12, v9;
	_ =	sdelay $0x1  }
0x3b5: {  	v12 =	vperm.xlane v12, v11;
	v14 =	vadd.s32 v10, v14;
	_ =	sdelay $0x1  }
0x3b6: {  	v12 =	vadd.s32 v10, v12  }
0x3b7: {  	v13 =	vadd.s32 v8, v13  }
0x3b8: {  	[tilespmem:$0x3B0] =	vst v13  }
0x3b9: {  	[tilespmem:s13], [sflag:$0x6] =	stream.indirect_vreg.gather [hbm4b:s0+s4], $0x80, v14, vm0, $0xb8;
	[tilespmem:$0x18400] =	vst v63  }
0x3ba: {  	s20 =	simm.s32 $0x14C00  }
0x3bb: {  	[tilespmem:s20], [sflag:$0x6] =	stream.indirect_vreg.gather [hbm4b:s0+s4], $0x80, v12, vm0, $0xb8;
	[tilespmem:$0x18400] =	vst v63  }
0x3bc: {  	v12 =	vld [tilespmem:$0x390];
	_ =	sdelay $0x4  }
0x3bd: {  	v53 =	vshll.u32 v12, $0x1  }
0x3be: {  	v12 =	vand.u32 $0x7, v12;
	v13 =	vand.u32 $0xFFFFFFF0, v53  }
0x3bf: {  	v12 =	vor.u32 v12, v13  }
0x3c0: {  	v13 =	vperm.xlane v12, v9;
	_ =	sdelay $0x1  }
0x3c1: {  	v12 =	vperm.xlane v12, v11;
	v13 =	vadd.s32 v10, v13;
	_ =	sdelay $0x1  }
0x3c2: {  	v12 =	vadd.s32 v10, v12;
	_ =	sdelay $0x1  }
0x3c3: {  	s28 =	simm.s32 $0x15400  }
0x3c4: {  	[tilespmem:s28], [sflag:$0x6] =	stream.indirect_vreg.gather [hbm4b:s0+s4], $0x80, v13, vm0, $0xb8;
	[tilespmem:$0x18400] =	vst v63  }
0x3c5: {  	s29 =	simm.s32 $0x15C00  }
0x3c6: {  	[tilespmem:s29], [sflag:$0x6] =	stream.indirect_vreg.gather [hbm4b:s0+s4], $0x80, v12, vm0, $0xb8;
	[tilespmem:$0x18400] =	vst v63  }
0x3c7: {  	v12 =	vld [tilespmem:$0x3A0];
	_ =	sdelay $0x4  }
0x3c8: {  	v54 =	vshll.u32 v12, $0x1  }
0x3c9: {  	v12 =	vand.u32 $0x7, v12;
	v13 =	vand.u32 $0xFFFFFFF0, v54  }
0x3ca: {  	v12 =	vor.u32 v12, v13  }
0x3cb: {  	v13 =	vperm.xlane v12, v9;
	_ =	sdelay $0x1  }
0x3cc: {  	v12 =	vperm.xlane v12, v11;
	v13 =	vadd.s32 v10, v13;
	_ =	sdelay $0x1  }
0x3cd: {  	v12 =	vadd.s32 v10, v12;
	_ =	sdelay $0x1  }
0x3ce: {  	s31 =	simm.s32 $0x16400  }
0x3cf: {  	[tilespmem:s31], [sflag:$0x6] =	stream.indirect_vreg.gather [hbm4b:s0+s4], $0x80, v13, vm0, $0xb8;
	[tilespmem:$0x18400] =	vst v63  }
0x3d0: {  	s5 =	simm.s32 $0x16C00  }
0x3d1: {  	[tilespmem:s5], [sflag:$0x6] =	stream.indirect_vreg.gather [hbm4b:s0+s4], $0x80, v12, vm0, $0xb8;
	[tilespmem:$0x18400] =	vst v63  }
0x3d2: {  	v12 =	vld [tilespmem:$0x3B0];
	_ =	sdelay $0x4  }
0x3d3: {  	v55 =	vshll.u32 v12, $0x1  }
0x3d4: {  	v12 =	vand.u32 $0x7, v12;
	v13 =	vand.u32 $0xFFFFFFF0, v55  }
0x3d5: {  	v12 =	vor.u32 v12, v13  }
0x3d6: {  	v13 =	vperm.xlane v12, v9;
	_ =	sdelay $0x1  }
0x3d7: {  	v12 =	vperm.xlane v12, v11;
	v13 =	vadd.s32 v10, v13;
	_ =	sdelay $0x1  }
0x3d8: {  	v12 =	vadd.s32 v10, v12;
	_ =	sdelay $0x1  }
0x3d9: {  	s13 =	simm.s32 $0x17400  }
0x3da: {  	[tilespmem:s13], [sflag:$0x6] =	stream.indirect_vreg.gather [hbm4b:s0+s4], $0x80, v13, vm0, $0xb8;
	[tilespmem:$0x18400] =	vst v63  }
0x3db: {  	s20 =	simm.s32 $0x17C00  }
0x3dc: {  	[tilespmem:s20], [sflag:$0x6] =	stream.indirect_vreg.gather [hbm4b:s0+s4], $0x80, v12, vm0, $0xb8;
	[tilespmem:$0x18400] =	vst v63  }
0x3dd: {  	_ =	swait.ge [sflag:s23], $0x4000  }
0x3de: {  	[sflag:s23] =	ssyncset.done $0x0  }
0x3df: {  	s13 =	simm.s32 $0x400;
	s5 =	rddreg [dreg:$0x15];
	[sflag:s23] =	ssyncadd.s32 $0xFFFFC000  }
0x3e0: {  	[hbm4b:s5+s4] =	stream.linear.scatter [tilespmem:s13], [sflag:$0x7], $0x4000, $0x38;
	[tilespmem:$0x18400] =	vst v63  }
0x3e1: {  	_ =	swait.ge [sflag:s6], $0x4000  }
0x3e2: {  	[sflag:s6] =	ssyncset.done $0x0  }
0x3e3: {  	[sflag:s6] =	ssyncadd.s32 $0xFFFFC000  }
0x3e4: {  	v56 =	vld [tilespmem:$0x80];
	_ =	sdelay $0x4  }
0x3e5: {  	v57 =	vadd.s32 v0, v56  }
0x3e6: {  	v58 =	vshll.u32 v57, $0x1  }
0x3e7: {  	v59 =	vld [tilespmem:$0x90];
	v12 =	vand.u32 $0x7, v56;
	v14 =	vand.u32 $0xFFFFFFF0, v58  }
0x3e8: {  	v60 =	vld [tilespmem:$0xA0];
	v12 =	vor.u32 v12, v14  }
0x3e9: {  	v61 =	vld [tilespmem:$0xB0];
	v62 =	vperm.xlane v12, v9;
	_ =	sdelay $0x1  }
0x3ea: {  	v12 =	vperm.xlane v12, v11;
	v17 =	vadd.s32 v10, v62  }
0x3eb: {  	v63 =	vadd.s32 v0, v59;
	[tilespmem:$0x100] =	vst v57  }
0x3ec: {  	v18 =	vadd.s32 v0, v60;
	[tilespmem:$0x110] =	vst v63;
	v12 =	vadd.s32 v10, v12  }
0x3ed: {  	v19 =	vadd.s32 v0, v61;
	[tilespmem:$0x120] =	vst v18  }
0x3ee: {  	[tilespmem:$0x130] =	vst v19  }
0x3ef: {  	[tilespmem:s13], [sflag:$0x1] =	stream.indirect_vreg.gather [hbm4b:s1+s4], $0x80, v17, vm0, $0xb8;
	[tilespmem:$0x18400] =	vst v63  }
0x3f0: {  	s20 =	simm.s32 $0xC00  }
0x3f1: {  	[tilespmem:s20], [sflag:$0x1] =	stream.indirect_vreg.gather [hbm4b:s1+s4], $0x80, v12, vm0, $0xb8;
	[tilespmem:$0x18400] =	vst v63  }
0x3f2: {  	v12 =	vld [tilespmem:$0x110];
	_ =	sdelay $0x4  }
0x3f3: {  	v20 =	vshll.u32 v12, $0x1  }
0x3f4: {  	v12 =	vand.u32 $0x7, v12;
	v13 =	vand.u32 $0xFFFFFFF0, v20  }
0x3f5: {  	v12 =	vor.u32 v12, v13  }
0x3f6: {  	v13 =	vperm.xlane v12, v9;
	_ =	sdelay $0x1  }
0x3f7: {  	v12 =	vperm.xlane v12, v11;
	v13 =	vadd.s32 v10, v13;
	_ =	sdelay $0x1  }
0x3f8: {  	v12 =	vadd.s32 v10, v12;
	_ =	sdelay $0x1  }
0x3f9: {  	s13 =	simm.s32 $0x1400  }
0x3fa: {  	[tilespmem:s13], [sflag:$0x1] =	stream.indirect_vreg.gather [hbm4b:s1+s4], $0x80, v13, vm0, $0xb8;
	[tilespmem:$0x18400] =	vst v63  }
0x3fb: {  	s20 =	simm.s32 $0x1C00  }
0x3fc: {  	[tilespmem:s20], [sflag:$0x1] =	stream.indirect_vreg.gather [hbm4b:s1+s4], $0x80, v12, vm0, $0xb8;
	[tilespmem:$0x18400] =	vst v63  }
0x3fd: {  	v12 =	vld [tilespmem:$0x120];
	_ =	sdelay $0x4  }
0x3fe: {  	v21 =	vshll.u32 v12, $0x1  }
0x3ff: {  	v12 =	vand.u32 $0x7, v12;
	v13 =	vand.u32 $0xFFFFFFF0, v21  }
0x400: {  	v12 =	vor.u32 v12, v13  }
0x401: {  	v13 =	vperm.xlane v12, v9;
	_ =	sdelay $0x1  }
0x402: {  	v12 =	vperm.xlane v12, v11;
	v13 =	vadd.s32 v10, v13;
	_ =	sdelay $0x1  }
0x403: {  	v12 =	vadd.s32 v10, v12;
	_ =	sdelay $0x1  }
0x404: {  	s13 =	simm.s32 $0x2400  }
0x405: {  	[tilespmem:s13], [sflag:$0x1] =	stream.indirect_vreg.gather [hbm4b:s1+s4], $0x80, v13, vm0, $0xb8;
	[tilespmem:$0x18400] =	vst v63  }
0x406: {  	s20 =	simm.s32 $0x2C00  }
0x407: {  	[tilespmem:s20], [sflag:$0x1] =	stream.indirect_vreg.gather [hbm4b:s1+s4], $0x80, v12, vm0, $0xb8;
	[tilespmem:$0x18400] =	vst v63  }
0x408: {  	v12 =	vld [tilespmem:$0x130];
	_ =	sdelay $0x4  }
0x409: {  	v22 =	vshll.u32 v12, $0x1  }
0x40a: {  	v12 =	vand.u32 $0x7, v12;
	v13 =	vand.u32 $0xFFFFFFF0, v22  }
0x40b: {  	v12 =	vor.u32 v12, v13  }
0x40c: {  	v13 =	vperm.xlane v12, v9;
	_ =	sdelay $0x1  }
0x40d: {  	v12 =	vperm.xlane v12, v11;
	v13 =	vadd.s32 v10, v13;
	_ =	sdelay $0x1  }
0x40e: {  	v12 =	vadd.s32 v10, v12;
	_ =	sdelay $0x1  }
0x40f: {  	s22 =	simm.s32 $0x3400  }
0x410: {  	[tilespmem:s22], [sflag:$0x1] =	stream.indirect_vreg.gather [hbm4b:s1+s4], $0x80, v13, vm0, $0xb8;
	[tilespmem:$0x18400] =	vst v63  }
0x411: {  	s20 =	simm.s32 $0x3C00  }
0x412: {  	[tilespmem:s20], [sflag:$0x1] =	stream.indirect_vreg.gather [hbm4b:s1+s4], $0x80, v12, vm0, $0xb8;
	[tilespmem:$0x18400] =	vst v63  }
0x413: {  	_ =	swait.ge [sflag:s8], $0x4000  }
0x414: {  	[sflag:s8] =	ssyncset.done $0x0  }
0x415: {  	s5 =	simm.s32 $0x4400;
	s22 =	rddreg [dreg:$0x16];
	[sflag:s8] =	ssyncadd.s32 $0xFFFFC000  }
0x416: {  	[hbm4b:s22+s4] =	stream.linear.scatter [tilespmem:s5], [sflag:$0x8], $0x4000, $0x38;
	[tilespmem:$0x18400] =	vst v63  }
0x417: {  	_ =	swait.ge [sflag:s9], $0x4000  }
0x418: {  	[sflag:s9] =	ssyncset.done $0x0  }
0x419: {  	[sflag:s9] =	ssyncadd.s32 $0xFFFFC000  }
0x41a: {  	v23 =	vld [tilespmem:$0xC0];
	_ =	sdelay $0x4  }
0x41b: {  	v24 =	vadd.s32 v0, v23  }
0x41c: {  	v25 =	vshll.u32 v24, $0x1  }
0x41d: {  	v26 =	vld [tilespmem:$0xD0];
	v12 =	vand.u32 $0x7, v23;
	v14 =	vand.u32 $0xFFFFFFF0, v25  }
0x41e: {  	v27 =	vld [tilespmem:$0xE0];
	v12 =	vor.u32 v12, v14  }
0x41f: {  	v28 =	vld [tilespmem:$0xF0];
	v29 =	vperm.xlane v12, v9;
	_ =	sdelay $0x1  }
0x420: {  	v12 =	vperm.xlane v12, v11;
	v17 =	vadd.s32 v10, v29  }
0x421: {  	v30 =	vadd.s32 v0, v26;
	[tilespmem:$0x180] =	vst v24  }
0x422: {  	v31 =	vadd.s32 v0, v27;
	[tilespmem:$0x190] =	vst v30;
	v12 =	vadd.s32 v10, v12  }
0x423: {  	v32 =	vadd.s32 v0, v28;
	[tilespmem:$0x1A0] =	vst v31  }
0x424: {  	[tilespmem:$0x1B0] =	vst v32  }
0x425: {  	[tilespmem:s5], [sflag:$0x2] =	stream.indirect_vreg.gather [hbm4b:s1+s4], $0x80, v17, vm0, $0xb8;
	[tilespmem:$0x18400] =	vst v63  }
0x426: {  	s20 =	simm.s32 $0x4C00  }
0x427: {  	[tilespmem:s20], [sflag:$0x2] =	stream.indirect_vreg.gather [hbm4b:s1+s4], $0x80, v12, vm0, $0xb8;
	[tilespmem:$0x18400] =	vst v63  }
0x428: {  	v12 =	vld [tilespmem:$0x190];
	_ =	sdelay $0x4  }
0x429: {  	v33 =	vshll.u32 v12, $0x1  }
0x42a: {  	v12 =	vand.u32 $0x7, v12;
	v13 =	vand.u32 $0xFFFFFFF0, v33  }
0x42b: {  	v12 =	vor.u32 v12, v13  }
0x42c: {  	v13 =	vperm.xlane v12, v9;
	_ =	sdelay $0x1  }
0x42d: {  	v12 =	vperm.xlane v12, v11;
	v13 =	vadd.s32 v10, v13;
	_ =	sdelay $0x1  }
0x42e: {  	v12 =	vadd.s32 v10, v12;
	_ =	sdelay $0x1  }
0x42f: {  	s20 =	simm.s32 $0x5400  }
0x430: {  	[tilespmem:s20], [sflag:$0x2] =	stream.indirect_vreg.gather [hbm4b:s1+s4], $0x80, v13, vm0, $0xb8;
	[tilespmem:$0x18400] =	vst v63  }
0x431: {  	s20 =	simm.s32 $0x5C00  }
0x432: {  	[tilespmem:s20], [sflag:$0x2] =	stream.indirect_vreg.gather [hbm4b:s1+s4], $0x80, v12, vm0, $0xb8;
	[tilespmem:$0x18400] =	vst v63  }
0x433: {  	v12 =	vld [tilespmem:$0x1A0];
	_ =	sdelay $0x4  }
0x434: {  	v34 =	vshll.u32 v12, $0x1  }
0x435: {  	v12 =	vand.u32 $0x7, v12;
	v13 =	vand.u32 $0xFFFFFFF0, v34  }
0x436: {  	v12 =	vor.u32 v12, v13  }
0x437: {  	v13 =	vperm.xlane v12, v9;
	_ =	sdelay $0x1  }
0x438: {  	v12 =	vperm.xlane v12, v11;
	v13 =	vadd.s32 v10, v13;
	_ =	sdelay $0x1  }
0x439: {  	v12 =	vadd.s32 v10, v12;
	_ =	sdelay $0x1  }
0x43a: {  	s26 =	simm.s32 $0x6400  }
0x43b: {  	[tilespmem:s26], [sflag:$0x2] =	stream.indirect_vreg.gather [hbm4b:s1+s4], $0x80, v13, vm0, $0xb8;
	[tilespmem:$0x18400] =	vst v63  }
0x43c: {  	s20 =	simm.s32 $0x6C00  }
0x43d: {  	[tilespmem:s20], [sflag:$0x2] =	stream.indirect_vreg.gather [hbm4b:s1+s4], $0x80, v12, vm0, $0xb8;
	[tilespmem:$0x18400] =	vst v63  }
0x43e: {  	v12 =	vld [tilespmem:$0x1B0];
	_ =	sdelay $0x4  }
0x43f: {  	v35 =	vshll.u32 v12, $0x1  }
0x440: {  	v12 =	vand.u32 $0x7, v12;
	v13 =	vand.u32 $0xFFFFFFF0, v35  }
0x441: {  	v12 =	vor.u32 v12, v13  }
0x442: {  	v13 =	vperm.xlane v12, v9;
	_ =	sdelay $0x1  }
0x443: {  	v12 =	vperm.xlane v12, v11;
	v13 =	vadd.s32 v10, v13;
	_ =	sdelay $0x1  }
0x444: {  	v12 =	vadd.s32 v10, v12;
	_ =	sdelay $0x1  }
0x445: {  	s21 =	simm.s32 $0x7400  }
0x446: {  	[tilespmem:s21], [sflag:$0x2] =	stream.indirect_vreg.gather [hbm4b:s1+s4], $0x80, v13, vm0, $0xb8;
	[tilespmem:$0x18400] =	vst v63  }
0x447: {  	s30 =	simm.s32 $0x7C00  }
0x448: {  	[tilespmem:s30], [sflag:$0x2] =	stream.indirect_vreg.gather [hbm4b:s1+s4], $0x80, v12, vm0, $0xb8;
	[tilespmem:$0x18400] =	vst v63  }
0x449: {  	_ =	swait.ge [sflag:s10], $0x4000  }
0x44a: {  	[sflag:s10] =	ssyncset.done $0x0  }
0x44b: {  	s15 =	simm.s32 $0x8400;
	s21 =	rddreg [dreg:$0x17];
	[sflag:s10] =	ssyncadd.s32 $0xFFFFC000  }
0x44c: {  	[hbm4b:s21+s4] =	stream.linear.scatter [tilespmem:s15], [sflag:$0x9], $0x4000, $0x38;
	[tilespmem:$0x18400] =	vst v63  }
0x44d: {  	_ =	swait.ge [sflag:s11], $0x4000  }
0x44e: {  	[sflag:s11] =	ssyncset.done $0x0  }
0x44f: {  	[sflag:s11] =	ssyncadd.s32 $0xFFFFC000  }
0x450: {  	v36 =	vld [tilespmem:$0x80];
	_ =	sdelay $0x4  }
0x451: {  	v37 =	vadd.s32 v1, v36  }
0x452: {  	v38 =	vshll.u32 v37, $0x1  }
0x453: {  	v39 =	vld [tilespmem:$0x90];
	v12 =	vand.u32 $0x7, v36;
	v14 =	vand.u32 $0xFFFFFFF0, v38  }
0x454: {  	v40 =	vld [tilespmem:$0xA0];
	v12 =	vor.u32 v12, v14  }
0x455: {  	v41 =	vld [tilespmem:$0xB0];
	v42 =	vperm.xlane v12, v9;
	_ =	sdelay $0x1  }
0x456: {  	v12 =	vperm.xlane v12, v11;
	v17 =	vadd.s32 v10, v42  }
0x457: {  	v43 =	vadd.s32 v1, v39;
	[tilespmem:$0x200] =	vst v37  }
0x458: {  	v44 =	vadd.s32 v1, v40;
	[tilespmem:$0x210] =	vst v43;
	v12 =	vadd.s32 v10, v12  }
0x459: {  	v45 =	vadd.s32 v1, v41;
	[tilespmem:$0x220] =	vst v44  }
0x45a: {  	[tilespmem:$0x230] =	vst v45  }
0x45b: {  	[tilespmem:s15], [sflag:$0x3] =	stream.indirect_vreg.gather [hbm4b:s1+s4], $0x80, v17, vm0, $0xb8;
	[tilespmem:$0x18400] =	vst v63  }
0x45c: {  	s26 =	simm.s32 $0x8C00  }
0x45d: {  	[tilespmem:s26], [sflag:$0x3] =	stream.indirect_vreg.gather [hbm4b:s1+s4], $0x80, v12, vm0, $0xb8;
	[tilespmem:$0x18400] =	vst v63  }
0x45e: {  	v12 =	vld [tilespmem:$0x210];
	_ =	sdelay $0x4  }
0x45f: {  	v46 =	vshll.u32 v12, $0x1  }
0x460: {  	v12 =	vand.u32 $0x7, v12;
	v13 =	vand.u32 $0xFFFFFFF0, v46  }
0x461: {  	v12 =	vor.u32 v12, v13  }
0x462: {  	v13 =	vperm.xlane v12, v9;
	_ =	sdelay $0x1  }
0x463: {  	v12 =	vperm.xlane v12, v11;
	v13 =	vadd.s32 v10, v13;
	_ =	sdelay $0x1  }
0x464: {  	v12 =	vadd.s32 v10, v12;
	_ =	sdelay $0x1  }
0x465: {  	s25 =	simm.s32 $0x9400  }
0x466: {  	[tilespmem:s25], [sflag:$0x3] =	stream.indirect_vreg.gather [hbm4b:s1+s4], $0x80, v13, vm0, $0xb8;
	[tilespmem:$0x18400] =	vst v63  }
0x467: {  	s30 =	simm.s32 $0x9C00  }
0x468: {  	[tilespmem:s30], [sflag:$0x3] =	stream.indirect_vreg.gather [hbm4b:s1+s4], $0x80, v12, vm0, $0xb8;
	[tilespmem:$0x18400] =	vst v63  }
0x469: {  	v12 =	vld [tilespmem:$0x220];
	_ =	sdelay $0x4  }
0x46a: {  	v47 =	vshll.u32 v12, $0x1  }
0x46b: {  	v12 =	vand.u32 $0x7, v12;
	v13 =	vand.u32 $0xFFFFFFF0, v47  }
0x46c: {  	v12 =	vor.u32 v12, v13  }
0x46d: {  	v13 =	vperm.xlane v12, v9;
	_ =	sdelay $0x1  }
0x46e: {  	v12 =	vperm.xlane v12, v11;
	v13 =	vadd.s32 v10, v13;
	_ =	sdelay $0x1  }
0x46f: {  	v12 =	vadd.s32 v10, v12;
	_ =	sdelay $0x1  }
0x470: {  	s2 =	simm.s32 $0xA400  }
0x471: {  	[tilespmem:s2], [sflag:$0x3] =	stream.indirect_vreg.gather [hbm4b:s1+s4], $0x80, v13, vm0, $0xb8;
	[tilespmem:$0x18400] =	vst v63  }
0x472: {  	s5 =	simm.s32 $0xAC00  }
0x473: {  	[tilespmem:s5], [sflag:$0x3] =	stream.indirect_vreg.gather [hbm4b:s1+s4], $0x80, v12, vm0, $0xb8;
	[tilespmem:$0x18400] =	vst v63  }
0x474: {  	v12 =	vld [tilespmem:$0x230];
	_ =	sdelay $0x4  }
0x475: {  	v48 =	vshll.u32 v12, $0x1  }
0x476: {  	v12 =	vand.u32 $0x7, v12;
	v13 =	vand.u32 $0xFFFFFFF0, v48  }
0x477: {  	v12 =	vor.u32 v12, v13  }
0x478: {  	v13 =	vperm.xlane v12, v9;
	_ =	sdelay $0x1  }
0x479: {  	v12 =	vperm.xlane v12, v11;
	v13 =	vadd.s32 v10, v13;
	_ =	sdelay $0x1  }
0x47a: {  	v12 =	vadd.s32 v10, v12;
	_ =	sdelay $0x1  }
0x47b: {  	s24 =	simm.s32 $0xB400  }
0x47c: {  	[tilespmem:s24], [sflag:$0x3] =	stream.indirect_vreg.gather [hbm4b:s1+s4], $0x80, v13, vm0, $0xb8;
	[tilespmem:$0x18400] =	vst v63  }
0x47d: {  	s20 =	simm.s32 $0xBC00  }
0x47e: {  	[tilespmem:s20], [sflag:$0x3] =	stream.indirect_vreg.gather [hbm4b:s1+s4], $0x80, v12, vm0, $0xb8;
	[tilespmem:$0x18400] =	vst v63  }
0x47f: {  	_ =	swait.ge [sflag:s12], $0x4000  }
0x480: {  	[sflag:s12] =	ssyncset.done $0x0  }
0x481: {  	s25 =	simm.s32 $0xC400;
	s24 =	rddreg [dreg:$0x18];
	[sflag:s12] =	ssyncadd.s32 $0xFFFFC000  }
0x482: {  	[hbm4b:s24+s4] =	stream.linear.scatter [tilespmem:s25], [sflag:$0xA], $0x4000, $0x38;
	[tilespmem:$0x18400] =	vst v63  }
0x483: {  	_ =	swait.ge [sflag:s14], $0x4000  }
0x484: {  	[sflag:s14] =	ssyncset.done $0x0  }
0x485: {  	[sflag:s14] =	ssyncadd.s32 $0xFFFFC000  }
0x486: {  	v49 =	vld [tilespmem:$0xC0];
	_ =	sdelay $0x4  }
0x487: {  	v50 =	vadd.s32 v1, v49  }
0x488: {  	v51 =	vshll.u32 v50, $0x1  }
0x489: {  	v52 =	vld [tilespmem:$0xD0];
	v12 =	vand.u32 $0x7, v49;
	v14 =	vand.u32 $0xFFFFFFF0, v51  }
0x48a: {  	v53 =	vld [tilespmem:$0xE0];
	v12 =	vor.u32 v12, v14  }
0x48b: {  	v54 =	vld [tilespmem:$0xF0];
	v55 =	vperm.xlane v12, v9;
	_ =	sdelay $0x1  }
0x48c: {  	v12 =	vperm.xlane v12, v11;
	v17 =	vadd.s32 v10, v55  }
0x48d: {  	v56 =	vadd.s32 v1, v52;
	[tilespmem:$0x280] =	vst v50  }
0x48e: {  	v57 =	vadd.s32 v1, v53;
	[tilespmem:$0x290] =	vst v56;
	v12 =	vadd.s32 v10, v12  }
0x48f: {  	v58 =	vadd.s32 v1, v54;
	[tilespmem:$0x2A0] =	vst v57  }
0x490: {  	[tilespmem:$0x2B0] =	vst v58  }
0x491: {  	[tilespmem:s25], [sflag:$0x4] =	stream.indirect_vreg.gather [hbm4b:s1+s4], $0x80, v17, vm0, $0xb8;
	[tilespmem:$0x18400] =	vst v63  }
0x492: {  	s26 =	simm.s32 $0xCC00  }
0x493: {  	[tilespmem:s26], [sflag:$0x4] =	stream.indirect_vreg.gather [hbm4b:s1+s4], $0x80, v12, vm0, $0xb8;
	[tilespmem:$0x18400] =	vst v63  }
0x494: {  	v12 =	vld [tilespmem:$0x290];
	_ =	sdelay $0x4  }
0x495: {  	v59 =	vshll.u32 v12, $0x1  }
0x496: {  	v12 =	vand.u32 $0x7, v12;
	v13 =	vand.u32 $0xFFFFFFF0, v59  }
0x497: {  	v12 =	vor.u32 v12, v13  }
0x498: {  	v13 =	vperm.xlane v12, v9;
	_ =	sdelay $0x1  }
0x499: {  	v12 =	vperm.xlane v12, v11;
	v13 =	vadd.s32 v10, v13;
	_ =	sdelay $0x1  }
0x49a: {  	v12 =	vadd.s32 v10, v12;
	_ =	sdelay $0x1  }
0x49b: {  	s7 =	simm.s32 $0xD400  }
0x49c: {  	[tilespmem:s7], [sflag:$0x4] =	stream.indirect_vreg.gather [hbm4b:s1+s4], $0x80, v13, vm0, $0xb8;
	[tilespmem:$0x18400] =	vst v63  }
0x49d: {  	s7 =	simm.s32 $0xDC00  }
0x49e: {  	[tilespmem:s7], [sflag:$0x4] =	stream.indirect_vreg.gather [hbm4b:s1+s4], $0x80, v12, vm0, $0xb8;
	[tilespmem:$0x18400] =	vst v63  }
0x49f: {  	v12 =	vld [tilespmem:$0x2A0];
	_ =	sdelay $0x4  }
0x4a0: {  	v60 =	vshll.u32 v12, $0x1  }
0x4a1: {  	v12 =	vand.u32 $0x7, v12;
	v13 =	vand.u32 $0xFFFFFFF0, v60  }
0x4a2: {  	v12 =	vor.u32 v12, v13  }
0x4a3: {  	v13 =	vperm.xlane v12, v9;
	_ =	sdelay $0x1  }
0x4a4: {  	v12 =	vperm.xlane v12, v11;
	v13 =	vadd.s32 v10, v13;
	_ =	sdelay $0x1  }
0x4a5: {  	v12 =	vadd.s32 v10, v12;
	_ =	sdelay $0x1  }
0x4a6: {  	s20 =	simm.s32 $0xE400  }
0x4a7: {  	[tilespmem:s20], [sflag:$0x4] =	stream.indirect_vreg.gather [hbm4b:s1+s4], $0x80, v13, vm0, $0xb8;
	[tilespmem:$0x18400] =	vst v63  }
0x4a8: {  	s24 =	simm.s32 $0xEC00  }
0x4a9: {  	[tilespmem:s24], [sflag:$0x4] =	stream.indirect_vreg.gather [hbm4b:s1+s4], $0x80, v12, vm0, $0xb8;
	[tilespmem:$0x18400] =	vst v63  }
0x4aa: {  	v12 =	vld [tilespmem:$0x2B0];
	_ =	sdelay $0x4  }
0x4ab: {  	v61 =	vshll.u32 v12, $0x1  }
0x4ac: {  	v12 =	vand.u32 $0x7, v12;
	v13 =	vand.u32 $0xFFFFFFF0, v61  }
0x4ad: {  	v12 =	vor.u32 v12, v13  }
0x4ae: {  	v13 =	vperm.xlane v12, v9;
	_ =	sdelay $0x1  }
0x4af: {  	v12 =	vperm.xlane v12, v11;
	v13 =	vadd.s32 v10, v13;
	_ =	sdelay $0x1  }
0x4b0: {  	v12 =	vadd.s32 v10, v12;
	_ =	sdelay $0x1  }
0x4b1: {  	s25 =	simm.s32 $0xF400  }
0x4b2: {  	[tilespmem:s25], [sflag:$0x4] =	stream.indirect_vreg.gather [hbm4b:s1+s4], $0x80, v13, vm0, $0xb8;
	[tilespmem:$0x18400] =	vst v63  }
0x4b3: {  	s26 =	simm.s32 $0xFC00  }
0x4b4: {  	[tilespmem:s26], [sflag:$0x4] =	stream.indirect_vreg.gather [hbm4b:s1+s4], $0x80, v12, vm0, $0xb8;
	[tilespmem:$0x18400] =	vst v63  }
0x4b5: {  	_ =	swait.ge [sflag:s16], $0x4000  }
0x4b6: {  	[sflag:s16] =	ssyncset.done $0x0  }
0x4b7: {  	s24 =	simm.s32 $0x10400;
	s7 =	rddreg [dreg:$0x19];
	[sflag:s16] =	ssyncadd.s32 $0xFFFFC000  }
0x4b8: {  	[hbm4b:s7+s4] =	stream.linear.scatter [tilespmem:s24], [sflag:$0xB], $0x4000, $0x38;
	[tilespmem:$0x18400] =	vst v63  }
0x4b9: {  	_ =	swait.ge [sflag:s17], $0x4000  }
0x4ba: {  	[sflag:s17] =	ssyncset.done $0x0  }
0x4bb: {  	[sflag:s17] =	ssyncadd.s32 $0xFFFFC000  }
0x4bc: {  	v62 =	vld [tilespmem:$0x80];
	_ =	sdelay $0x4  }
0x4bd: {  	v63 =	vadd.s32 v2, v62  }
0x4be: {  	v19 =	vshll.u32 v63, $0x1  }
0x4bf: {  	v20 =	vld [tilespmem:$0x90];
	v12 =	vand.u32 $0x7, v62;
	v14 =	vand.u32 $0xFFFFFFF0, v19  }
0x4c0: {  	v21 =	vld [tilespmem:$0xA0];
	v12 =	vor.u32 v12, v14  }
0x4c1: {  	v22 =	vld [tilespmem:$0xB0];
	v23 =	vperm.xlane v12, v9;
	_ =	sdelay $0x1  }
0x4c2: {  	v12 =	vperm.xlane v12, v11;
	v17 =	vadd.s32 v10, v23  }
0x4c3: {  	v24 =	vadd.s32 v2, v20;
	[tilespmem:$0x300] =	vst v63  }
0x4c4: {  	v25 =	vadd.s32 v2, v21;
	[tilespmem:$0x310] =	vst v24;
	v12 =	vadd.s32 v10, v12  }
0x4c5: {  	v26 =	vadd.s32 v2, v22;
	[tilespmem:$0x320] =	vst v25  }
0x4c6: {  	[tilespmem:$0x330] =	vst v26  }
0x4c7: {  	[tilespmem:s24], [sflag:$0x5] =	stream.indirect_vreg.gather [hbm4b:s1+s4], $0x80, v17, vm0, $0xb8;
	[tilespmem:$0x18400] =	vst v63  }
0x4c8: {  	s25 =	simm.s32 $0x10C00  }
0x4c9: {  	[tilespmem:s25], [sflag:$0x5] =	stream.indirect_vreg.gather [hbm4b:s1+s4], $0x80, v12, vm0, $0xb8;
	[tilespmem:$0x18400] =	vst v63  }
0x4ca: {  	v12 =	vld [tilespmem:$0x310];
	_ =	sdelay $0x4  }
0x4cb: {  	v27 =	vshll.u32 v12, $0x1  }
0x4cc: {  	v12 =	vand.u32 $0x7, v12;
	v13 =	vand.u32 $0xFFFFFFF0, v27  }
0x4cd: {  	v12 =	vor.u32 v12, v13  }
0x4ce: {  	v13 =	vperm.xlane v12, v9;
	_ =	sdelay $0x1  }
0x4cf: {  	v12 =	vperm.xlane v12, v11;
	v13 =	vadd.s32 v10, v13;
	_ =	sdelay $0x1  }
0x4d0: {  	v12 =	vadd.s32 v10, v12;
	_ =	sdelay $0x1  }
0x4d1: {  	s26 =	simm.s32 $0x11400  }
0x4d2: {  	[tilespmem:s26], [sflag:$0x5] =	stream.indirect_vreg.gather [hbm4b:s1+s4], $0x80, v13, vm0, $0xb8;
	[tilespmem:$0x18400] =	vst v63  }
0x4d3: {  	s20 =	simm.s32 $0x11C00  }
0x4d4: {  	[tilespmem:s20], [sflag:$0x5] =	stream.indirect_vreg.gather [hbm4b:s1+s4], $0x80, v12, vm0, $0xb8;
	[tilespmem:$0x18400] =	vst v63  }
0x4d5: {  	v12 =	vld [tilespmem:$0x320];
	_ =	sdelay $0x4  }
0x4d6: {  	v28 =	vshll.u32 v12, $0x1  }
0x4d7: {  	v12 =	vand.u32 $0x7, v12;
	v13 =	vand.u32 $0xFFFFFFF0, v28  }
0x4d8: {  	v12 =	vor.u32 v12, v13  }
0x4d9: {  	v13 =	vperm.xlane v12, v9;
	_ =	sdelay $0x1  }
0x4da: {  	v12 =	vperm.xlane v12, v11;
	v13 =	vadd.s32 v10, v13;
	_ =	sdelay $0x1  }
0x4db: {  	v12 =	vadd.s32 v10, v12;
	_ =	sdelay $0x1  }
0x4dc: {  	s24 =	simm.s32 $0x12400  }
0x4dd: {  	[tilespmem:s24], [sflag:$0x5] =	stream.indirect_vreg.gather [hbm4b:s1+s4], $0x80, v13, vm0, $0xb8;
	[tilespmem:$0x18400] =	vst v63  }
0x4de: {  	s25 =	simm.s32 $0x12C00  }
0x4df: {  	[tilespmem:s25], [sflag:$0x5] =	stream.indirect_vreg.gather [hbm4b:s1+s4], $0x80, v12, vm0, $0xb8;
	[tilespmem:$0x18400] =	vst v63  }
0x4e0: {  	v12 =	vld [tilespmem:$0x330];
	_ =	sdelay $0x4  }
0x4e1: {  	v29 =	vshll.u32 v12, $0x1  }
0x4e2: {  	v12 =	vand.u32 $0x7, v12;
	v13 =	vand.u32 $0xFFFFFFF0, v29  }
0x4e3: {  	v12 =	vor.u32 v12, v13  }
0x4e4: {  	v13 =	vperm.xlane v12, v9;
	_ =	sdelay $0x1  }
0x4e5: {  	v12 =	vperm.xlane v12, v11;
	v13 =	vadd.s32 v10, v13;
	_ =	sdelay $0x1  }
0x4e6: {  	v12 =	vadd.s32 v10, v12;
	_ =	sdelay $0x1  }
0x4e7: {  	s26 =	simm.s32 $0x13400  }
0x4e8: {  	[tilespmem:s26], [sflag:$0x5] =	stream.indirect_vreg.gather [hbm4b:s1+s4], $0x80, v13, vm0, $0xb8;
	[tilespmem:$0x18400] =	vst v63  }
0x4e9: {  	s20 =	simm.s32 $0x13C00  }
0x4ea: {  	[tilespmem:s20], [sflag:$0x5] =	stream.indirect_vreg.gather [hbm4b:s1+s4], $0x80, v12, vm0, $0xb8;
	[tilespmem:$0x18400] =	vst v63  }
0x4eb: {  	_ =	swait.ge [sflag:s18], $0x4000  }
0x4ec: {  	[sflag:s18] =	ssyncset.done $0x0  }
0x4ed: {  	s25 =	simm.s32 $0x14400;
	s24 =	rddreg [dreg:$0x1a];
	[sflag:s18] =	ssyncadd.s32 $0xFFFFC000  }
0x4ee: {  	[hbm4b:s24+s4] =	stream.linear.scatter [tilespmem:s25], [sflag:$0xC], $0x4000, $0x38;
	[tilespmem:$0x18400] =	vst v63  }
0x4ef: {  	_ =	swait.ge [sflag:s19], $0x4000  }
0x4f0: {  	[sflag:s19] =	ssyncset.done $0x0  }
0x4f1: {  	[sflag:s19] =	ssyncadd.s32 $0xFFFFC000  }
0x4f2: {  	v30 =	vld [tilespmem:$0xC0];
	_ =	sdelay $0x4  }
0x4f3: {  	v31 =	vadd.s32 v2, v30  }
0x4f4: {  	v32 =	vshll.u32 v31, $0x1  }
0x4f5: {  	v33 =	vld [tilespmem:$0xD0];
	v12 =	vand.u32 $0x7, v30;
	v14 =	vand.u32 $0xFFFFFFF0, v32  }
0x4f6: {  	v34 =	vld [tilespmem:$0xE0];
	v12 =	vor.u32 v12, v14  }
0x4f7: {  	v35 =	vld [tilespmem:$0xF0];
	v36 =	vperm.xlane v12, v9;
	_ =	sdelay $0x1  }
0x4f8: {  	v12 =	vperm.xlane v12, v11;
	v17 =	vadd.s32 v10, v36  }
0x4f9: {  	v37 =	vadd.s32 v2, v33;
	[tilespmem:$0x380] =	vst v31  }
0x4fa: {  	v38 =	vadd.s32 v2, v34;
	[tilespmem:$0x390] =	vst v37;
	v12 =	vadd.s32 v10, v12  }
0x4fb: {  	v39 =	vadd.s32 v2, v35;
	[tilespmem:$0x3A0] =	vst v38  }
0x4fc: {  	[tilespmem:$0x3B0] =	vst v39  }
0x4fd: {  	[tilespmem:s25], [sflag:$0x6] =	stream.indirect_vreg.gather [hbm4b:s1+s4], $0x80, v17, vm0, $0xb8;
	[tilespmem:$0x18400] =	vst v63  }
0x4fe: {  	s26 =	simm.s32 $0x14C00  }
0x4ff: {  	[tilespmem:s26], [sflag:$0x6] =	stream.indirect_vreg.gather [hbm4b:s1+s4], $0x80, v12, vm0, $0xb8;
	[tilespmem:$0x18400] =	vst v63  }
0x500: {  	v12 =	vld [tilespmem:$0x390];
	_ =	sdelay $0x4  }
0x501: {  	v40 =	vshll.u32 v12, $0x1  }
0x502: {  	v12 =	vand.u32 $0x7, v12;
	v13 =	vand.u32 $0xFFFFFFF0, v40  }
0x503: {  	v12 =	vor.u32 v12, v13  }
0x504: {  	v13 =	vperm.xlane v12, v9;
	_ =	sdelay $0x1  }
0x505: {  	v12 =	vperm.xlane v12, v11;
	v13 =	vadd.s32 v10, v13;
	_ =	sdelay $0x1  }
0x506: {  	v12 =	vadd.s32 v10, v12;
	_ =	sdelay $0x1  }
0x507: {  	s28 =	simm.s32 $0x15400  }
0x508: {  	[tilespmem:s28], [sflag:$0x6] =	stream.indirect_vreg.gather [hbm4b:s1+s4], $0x80, v13, vm0, $0xb8;
	[tilespmem:$0x18400] =	vst v63  }
0x509: {  	s20 =	simm.s32 $0x15C00  }
0x50a: {  	[tilespmem:s20], [sflag:$0x6] =	stream.indirect_vreg.gather [hbm4b:s1+s4], $0x80, v12, vm0, $0xb8;
	[tilespmem:$0x18400] =	vst v63  }
0x50b: {  	v12 =	vld [tilespmem:$0x3A0];
	_ =	sdelay $0x4  }
0x50c: {  	v41 =	vshll.u32 v12, $0x1  }
0x50d: {  	v12 =	vand.u32 $0x7, v12;
	v13 =	vand.u32 $0xFFFFFFF0, v41  }
0x50e: {  	v12 =	vor.u32 v12, v13  }
0x50f: {  	v13 =	vperm.xlane v12, v9;
	_ =	sdelay $0x1  }
0x510: {  	v12 =	vperm.xlane v12, v11;
	v13 =	vadd.s32 v10, v13;
	_ =	sdelay $0x1  }
0x511: {  	v12 =	vadd.s32 v10, v12;
	_ =	sdelay $0x1  }
0x512: {  	s29 =	simm.s32 $0x16400  }
0x513: {  	[tilespmem:s29], [sflag:$0x6] =	stream.indirect_vreg.gather [hbm4b:s1+s4], $0x80, v13, vm0, $0xb8;
	[tilespmem:$0x18400] =	vst v63  }
0x514: {  	s25 =	simm.s32 $0x16C00  }
0x515: {  	[tilespmem:s25], [sflag:$0x6] =	stream.indirect_vreg.gather [hbm4b:s1+s4], $0x80, v12, vm0, $0xb8;
	[tilespmem:$0x18400] =	vst v63  }
0x516: {  	v12 =	vld [tilespmem:$0x3B0];
	_ =	sdelay $0x4  }
0x517: {  	v42 =	vshll.u32 v12, $0x1  }
0x518: {  	v12 =	vand.u32 $0x7, v12;
	v13 =	vand.u32 $0xFFFFFFF0, v42  }
0x519: {  	v12 =	vor.u32 v12, v13  }
0x51a: {  	v13 =	vperm.xlane v12, v9;
	_ =	sdelay $0x1  }
0x51b: {  	v12 =	vperm.xlane v12, v11;
	v13 =	vadd.s32 v10, v13;
	_ =	sdelay $0x1  }
0x51c: {  	v12 =	vadd.s32 v10, v12;
	_ =	sdelay $0x1  }
0x51d: {  	s31 =	simm.s32 $0x17400  }
0x51e: {  	[tilespmem:s31], [sflag:$0x6] =	stream.indirect_vreg.gather [hbm4b:s1+s4], $0x80, v13, vm0, $0xb8;
	[tilespmem:$0x18400] =	vst v63  }
0x51f: {  	s26 =	simm.s32 $0x17C00  }
0x520: {  	[tilespmem:s26], [sflag:$0x6] =	stream.indirect_vreg.gather [hbm4b:s1+s4], $0x80, v12, vm0, $0xb8;
	[tilespmem:$0x18400] =	vst v63  }
0x521: {  	_ =	swait.ge [sflag:s23], $0x4000  }
0x522: {  	[sflag:s23] =	ssyncset.done $0x0  }
0x523: {  	s3 =	simm.s32 $0x400;
	s28 =	rddreg [dreg:$0x1b];
	[sflag:s23] =	ssyncadd.s32 $0xFFFFC000  }
0x524: {  	[hbm4b:s28+s4] =	stream.linear.scatter [tilespmem:s3], [sflag:$0x7], $0x4000, $0x38;
	[tilespmem:$0x18400] =	vst v63  }
0x525: {  	_ =	swait.ge [sflag:s6], $0x4000  }
0x526: {  	[sflag:s6] =	ssyncset.done $0x0  }
0x527: {  	[sflag:s6] =	ssyncadd.s32 $0xFFFFC000  }
0x528: {  	v43 =	vld [tilespmem:$0x80];
	_ =	sdelay $0x4  }
0x529: {  	v44 =	vadd.s32 v3, v43  }
0x52a: {  	v45 =	vshll.u32 v44, $0x1  }
0x52b: {  	v46 =	vld [tilespmem:$0x90];
	v12 =	vand.u32 $0x7, v43;
	v14 =	vand.u32 $0xFFFFFFF0, v45  }
0x52c: {  	v47 =	vld [tilespmem:$0xA0];
	v12 =	vor.u32 v12, v14  }
0x52d: {  	v48 =	vld [tilespmem:$0xB0];
	v49 =	vperm.xlane v12, v9;
	_ =	sdelay $0x1  }
0x52e: {  	v12 =	vperm.xlane v12, v11;
	v17 =	vadd.s32 v10, v49  }
0x52f: {  	v50 =	vadd.s32 v3, v46;
	[tilespmem:$0x100] =	vst v44  }
0x530: {  	v51 =	vadd.s32 v3, v47;
	[tilespmem:$0x110] =	vst v50;
	v12 =	vadd.s32 v10, v12  }
0x531: {  	v52 =	vadd.s32 v3, v48;
	[tilespmem:$0x120] =	vst v51  }
0x532: {  	[tilespmem:$0x130] =	vst v52  }
0x533: {  	[tilespmem:s3], [sflag:$0x1] =	stream.indirect_vreg.gather [hbm4b:s1+s4], $0x80, v17, vm0, $0xb8;
	[tilespmem:$0x18400] =	vst v63  }
0x534: {  	s29 =	simm.s32 $0xC00  }
0x535: {  	[tilespmem:s29], [sflag:$0x1] =	stream.indirect_vreg.gather [hbm4b:s1+s4], $0x80, v12, vm0, $0xb8;
	[tilespmem:$0x18400] =	vst v63  }
0x536: {  	v12 =	vld [tilespmem:$0x110];
	_ =	sdelay $0x4  }
0x537: {  	v53 =	vshll.u32 v12, $0x1  }
0x538: {  	v12 =	vand.u32 $0x7, v12;
	v13 =	vand.u32 $0xFFFFFFF0, v53  }
0x539: {  	v12 =	vor.u32 v12, v13  }
0x53a: {  	v13 =	vperm.xlane v12, v9;
	_ =	sdelay $0x1  }
0x53b: {  	v12 =	vperm.xlane v12, v11;
	v13 =	vadd.s32 v10, v13;
	_ =	sdelay $0x1  }
0x53c: {  	v12 =	vadd.s32 v10, v12;
	_ =	sdelay $0x1  }
0x53d: {  	s31 =	simm.s32 $0x1400  }
0x53e: {  	[tilespmem:s31], [sflag:$0x1] =	stream.indirect_vreg.gather [hbm4b:s1+s4], $0x80, v13, vm0, $0xb8;
	[tilespmem:$0x18400] =	vst v63  }
0x53f: {  	s3 =	simm.s32 $0x1C00  }
0x540: {  	[tilespmem:s3], [sflag:$0x1] =	stream.indirect_vreg.gather [hbm4b:s1+s4], $0x80, v12, vm0, $0xb8;
	[tilespmem:$0x18400] =	vst v63  }
0x541: {  	v12 =	vld [tilespmem:$0x120];
	_ =	sdelay $0x4  }
0x542: {  	v54 =	vshll.u32 v12, $0x1  }
0x543: {  	v12 =	vand.u32 $0x7, v12;
	v13 =	vand.u32 $0xFFFFFFF0, v54  }
0x544: {  	v12 =	vor.u32 v12, v13  }
0x545: {  	v13 =	vperm.xlane v12, v9;
	_ =	sdelay $0x1  }
0x546: {  	v12 =	vperm.xlane v12, v11;
	v13 =	vadd.s32 v10, v13;
	_ =	sdelay $0x1  }
0x547: {  	v12 =	vadd.s32 v10, v12;
	_ =	sdelay $0x1  }
0x548: {  	s13 =	simm.s32 $0x2400  }
0x549: {  	[tilespmem:s13], [sflag:$0x1] =	stream.indirect_vreg.gather [hbm4b:s1+s4], $0x80, v13, vm0, $0xb8;
	[tilespmem:$0x18400] =	vst v63  }
0x54a: {  	s20 =	simm.s32 $0x2C00  }
0x54b: {  	[tilespmem:s20], [sflag:$0x1] =	stream.indirect_vreg.gather [hbm4b:s1+s4], $0x80, v12, vm0, $0xb8;
	[tilespmem:$0x18400] =	vst v63  }
0x54c: {  	v12 =	vld [tilespmem:$0x130];
	_ =	sdelay $0x4  }
0x54d: {  	v55 =	vshll.u32 v12, $0x1  }
0x54e: {  	v12 =	vand.u32 $0x7, v12;
	v13 =	vand.u32 $0xFFFFFFF0, v55  }
0x54f: {  	v12 =	vor.u32 v12, v13  }
0x550: {  	v13 =	vperm.xlane v12, v9;
	_ =	sdelay $0x1  }
0x551: {  	v12 =	vperm.xlane v12, v11;
	v13 =	vadd.s32 v10, v13;
	_ =	sdelay $0x1  }
0x552: {  	v12 =	vadd.s32 v10, v12;
	_ =	sdelay $0x1  }
0x553: {  	s26 =	simm.s32 $0x3400  }
0x554: {  	[tilespmem:s26], [sflag:$0x1] =	stream.indirect_vreg.gather [hbm4b:s1+s4], $0x80, v13, vm0, $0xb8;
	[tilespmem:$0x18400] =	vst v63  }
0x555: {  	s28 =	simm.s32 $0x3C00  }
0x556: {  	[tilespmem:s28], [sflag:$0x1] =	stream.indirect_vreg.gather [hbm4b:s1+s4], $0x80, v12, vm0, $0xb8;
	[tilespmem:$0x18400] =	vst v63  }
0x557: {  	_ =	swait.ge [sflag:s8], $0x4000  }
0x558: {  	[sflag:s8] =	ssyncset.done $0x0  }
0x559: {  	s22 =	simm.s32 $0x4400;
	s29 =	rddreg [dreg:$0x1c];
	[sflag:s8] =	ssyncadd.s32 $0xFFFFC000  }
0x55a: {  	[hbm4b:s29+s4] =	stream.linear.scatter [tilespmem:s22], [sflag:$0x8], $0x4000, $0x38;
	[tilespmem:$0x18400] =	vst v63  }
0x55b: {  	_ =	swait.ge [sflag:s9], $0x4000  }
0x55c: {  	[sflag:s9] =	ssyncset.done $0x0  }
0x55d: {  	[sflag:s9] =	ssyncadd.s32 $0xFFFFC000  }
0x55e: {  	v56 =	vld [tilespmem:$0xC0];
	_ =	sdelay $0x4  }
0x55f: {  	v57 =	vadd.s32 v3, v56  }
0x560: {  	v58 =	vshll.u32 v57, $0x1  }
0x561: {  	v59 =	vld [tilespmem:$0xD0];
	v12 =	vand.u32 $0x7, v56;
	v14 =	vand.u32 $0xFFFFFFF0, v58  }
0x562: {  	v60 =	vld [tilespmem:$0xE0];
	v12 =	vor.u32 v12, v14  }
0x563: {  	v61 =	vld [tilespmem:$0xF0];
	v62 =	vperm.xlane v12, v9;
	_ =	sdelay $0x1  }
0x564: {  	v12 =	vperm.xlane v12, v11;
	v17 =	vadd.s32 v10, v62  }
0x565: {  	v63 =	vadd.s32 v3, v59;
	[tilespmem:$0x180] =	vst v57  }
0x566: {  	v18 =	vadd.s32 v3, v60;
	[tilespmem:$0x190] =	vst v63;
	v12 =	vadd.s32 v10, v12  }
0x567: {  	v19 =	vadd.s32 v3, v61;
	[tilespmem:$0x1A0] =	vst v18  }
0x568: {  	[tilespmem:$0x1B0] =	vst v19  }
0x569: {  	[tilespmem:s22], [sflag:$0x2] =	stream.indirect_vreg.gather [hbm4b:s1+s4], $0x80, v17, vm0, $0xb8;
	[tilespmem:$0x18400] =	vst v63  }
0x56a: {  	s31 =	simm.s32 $0x4C00  }
0x56b: {  	[tilespmem:s31], [sflag:$0x2] =	stream.indirect_vreg.gather [hbm4b:s1+s4], $0x80, v12, vm0, $0xb8;
	[tilespmem:$0x18400] =	vst v63  }
0x56c: {  	v12 =	vld [tilespmem:$0x190];
	_ =	sdelay $0x4  }
0x56d: {  	v20 =	vshll.u32 v12, $0x1  }
0x56e: {  	v12 =	vand.u32 $0x7, v12;
	v13 =	vand.u32 $0xFFFFFFF0, v20  }
0x56f: {  	v12 =	vor.u32 v12, v13  }
0x570: {  	v13 =	vperm.xlane v12, v9;
	_ =	sdelay $0x1  }
0x571: {  	v12 =	vperm.xlane v12, v11;
	v13 =	vadd.s32 v10, v13;
	_ =	sdelay $0x1  }
0x572: {  	v12 =	vadd.s32 v10, v12;
	_ =	sdelay $0x1  }
0x573: {  	s5 =	simm.s32 $0x5400  }
0x574: {  	[tilespmem:s5], [sflag:$0x2] =	stream.indirect_vreg.gather [hbm4b:s1+s4], $0x80, v13, vm0, $0xb8;
	[tilespmem:$0x18400] =	vst v63  }
0x575: {  	s20 =	simm.s32 $0x5C00  }
0x576: {  	[tilespmem:s20], [sflag:$0x2] =	stream.indirect_vreg.gather [hbm4b:s1+s4], $0x80, v12, vm0, $0xb8;
	[tilespmem:$0x18400] =	vst v63  }
0x577: {  	v12 =	vld [tilespmem:$0x1A0];
	_ =	sdelay $0x4  }
0x578: {  	v21 =	vshll.u32 v12, $0x1  }
0x579: {  	v12 =	vand.u32 $0x7, v12;
	v13 =	vand.u32 $0xFFFFFFF0, v21  }
0x57a: {  	v12 =	vor.u32 v12, v13  }
0x57b: {  	v13 =	vperm.xlane v12, v9;
	_ =	sdelay $0x1  }
0x57c: {  	v12 =	vperm.xlane v12, v11;
	v13 =	vadd.s32 v10, v13;
	_ =	sdelay $0x1  }
0x57d: {  	v12 =	vadd.s32 v10, v12;
	_ =	sdelay $0x1  }
0x57e: {  	s28 =	simm.s32 $0x6400  }
0x57f: {  	[tilespmem:s28], [sflag:$0x2] =	stream.indirect_vreg.gather [hbm4b:s1+s4], $0x80, v13, vm0, $0xb8;
	[tilespmem:$0x18400] =	vst v63  }
0x580: {  	s29 =	simm.s32 $0x6C00  }
0x581: {  	[tilespmem:s29], [sflag:$0x2] =	stream.indirect_vreg.gather [hbm4b:s1+s4], $0x80, v12, vm0, $0xb8;
	[tilespmem:$0x18400] =	vst v63  }
0x582: {  	v12 =	vld [tilespmem:$0x1B0];
	_ =	sdelay $0x4  }
0x583: {  	v22 =	vshll.u32 v12, $0x1  }
0x584: {  	v12 =	vand.u32 $0x7, v12;
	v13 =	vand.u32 $0xFFFFFFF0, v22  }
0x585: {  	v12 =	vor.u32 v12, v13  }
0x586: {  	v13 =	vperm.xlane v12, v9;
	_ =	sdelay $0x1  }
0x587: {  	v12 =	vperm.xlane v12, v11;
	v13 =	vadd.s32 v10, v13;
	_ =	sdelay $0x1  }
0x588: {  	v12 =	vadd.s32 v10, v12;
	_ =	sdelay $0x1  }
0x589: {  	s31 =	simm.s32 $0x7400  }
0x58a: {  	[tilespmem:s31], [sflag:$0x2] =	stream.indirect_vreg.gather [hbm4b:s1+s4], $0x80, v13, vm0, $0xb8;
	[tilespmem:$0x18400] =	vst v63  }
0x58b: {  	s3 =	simm.s32 $0x7C00  }
0x58c: {  	[tilespmem:s3], [sflag:$0x2] =	stream.indirect_vreg.gather [hbm4b:s1+s4], $0x80, v12, vm0, $0xb8;
	[tilespmem:$0x18400] =	vst v63  }
0x58d: {  	_ =	swait.ge [sflag:s10], $0x4000  }
0x58e: {  	[sflag:s10] =	ssyncset.done $0x0  }
0x58f: {  	s5 =	rddreg [dreg:$0x1d];
	[sflag:s10] =	ssyncadd.s32 $0xFFFFC000  }
0x590: {  	[hbm4b:s5+s4] =	stream.linear.scatter [tilespmem:s15], [sflag:$0x9], $0x4000, $0x38;
	[tilespmem:$0x18400] =	vst v63  }
0x591: {  	_ =	swait.ge [sflag:s11], $0x4000  }
0x592: {  	[sflag:s11] =	ssyncset.done $0x0  }
0x593: {  	[sflag:s11] =	ssyncadd.s32 $0xFFFFC000  }
0x594: {  	v23 =	vld [tilespmem:$0x80];
	_ =	sdelay $0x4  }
0x595: {  	v24 =	vadd.s32 v4, v23  }
0x596: {  	v25 =	vshll.u32 v24, $0x1  }
0x597: {  	v26 =	vld [tilespmem:$0x90];
	v12 =	vand.u32 $0x7, v23;
	v14 =	vand.u32 $0xFFFFFFF0, v25  }
0x598: {  	v27 =	vld [tilespmem:$0xA0];
	v12 =	vor.u32 v12, v14  }
0x599: {  	v28 =	vld [tilespmem:$0xB0];
	v29 =	vperm.xlane v12, v9;
	_ =	sdelay $0x1  }
0x59a: {  	v12 =	vperm.xlane v12, v11;
	v17 =	vadd.s32 v10, v29  }
0x59b: {  	v30 =	vadd.s32 v4, v26;
	[tilespmem:$0x200] =	vst v24  }
0x59c: {  	v31 =	vadd.s32 v4, v27;
	[tilespmem:$0x210] =	vst v30;
	v12 =	vadd.s32 v10, v12  }
0x59d: {  	v32 =	vadd.s32 v4, v28;
	[tilespmem:$0x220] =	vst v31  }
0x59e: {  	[tilespmem:$0x230] =	vst v32  }
0x59f: {  	[tilespmem:s15], [sflag:$0x3] =	stream.indirect_vreg.gather [hbm4b:s1+s4], $0x80, v17, vm0, $0xb8;
	[tilespmem:$0x18400] =	vst v63  }
0x5a0: {  	s15 =	simm.s32 $0x8C00  }
0x5a1: {  	[tilespmem:s15], [sflag:$0x3] =	stream.indirect_vreg.gather [hbm4b:s1+s4], $0x80, v12, vm0, $0xb8;
	[tilespmem:$0x18400] =	vst v63  }
0x5a2: {  	v12 =	vld [tilespmem:$0x210];
	_ =	sdelay $0x4  }
0x5a3: {  	v33 =	vshll.u32 v12, $0x1  }
0x5a4: {  	v12 =	vand.u32 $0x7, v12;
	v13 =	vand.u32 $0xFFFFFFF0, v33  }
0x5a5: {  	v12 =	vor.u32 v12, v13  }
0x5a6: {  	v13 =	vperm.xlane v12, v9;
	_ =	sdelay $0x1  }
0x5a7: {  	v12 =	vperm.xlane v12, v11;
	v13 =	vadd.s32 v10, v13;
	_ =	sdelay $0x1  }
0x5a8: {  	v12 =	vadd.s32 v10, v12;
	_ =	sdelay $0x1  }
0x5a9: {  	s20 =	simm.s32 $0x9400  }
0x5aa: {  	[tilespmem:s20], [sflag:$0x3] =	stream.indirect_vreg.gather [hbm4b:s1+s4], $0x80, v13, vm0, $0xb8;
	[tilespmem:$0x18400] =	vst v63  }
0x5ab: {  	s5 =	simm.s32 $0x9C00  }
0x5ac: {  	[tilespmem:s5], [sflag:$0x3] =	stream.indirect_vreg.gather [hbm4b:s1+s4], $0x80, v12, vm0, $0xb8;
	[tilespmem:$0x18400] =	vst v63  }
0x5ad: {  	v12 =	vld [tilespmem:$0x220];
	_ =	sdelay $0x4  }
0x5ae: {  	v34 =	vshll.u32 v12, $0x1  }
0x5af: {  	v12 =	vand.u32 $0x7, v12;
	v13 =	vand.u32 $0xFFFFFFF0, v34  }
0x5b0: {  	v12 =	vor.u32 v12, v13  }
0x5b1: {  	v13 =	vperm.xlane v12, v9;
	_ =	sdelay $0x1  }
0x5b2: {  	v12 =	vperm.xlane v12, v11;
	v13 =	vadd.s32 v10, v13;
	_ =	sdelay $0x1  }
0x5b3: {  	v12 =	vadd.s32 v10, v12;
	_ =	sdelay $0x1  }
0x5b4: {  	s21 =	simm.s32 $0xA400  }
0x5b5: {  	[tilespmem:s21], [sflag:$0x3] =	stream.indirect_vreg.gather [hbm4b:s1+s4], $0x80, v13, vm0, $0xb8;
	[tilespmem:$0x18400] =	vst v63  }
0x5b6: {  	s15 =	simm.s32 $0xAC00  }
0x5b7: {  	[tilespmem:s15], [sflag:$0x3] =	stream.indirect_vreg.gather [hbm4b:s1+s4], $0x80, v12, vm0, $0xb8;
	[tilespmem:$0x18400] =	vst v63  }
0x5b8: {  	v12 =	vld [tilespmem:$0x230];
	_ =	sdelay $0x4  }
0x5b9: {  	v35 =	vshll.u32 v12, $0x1  }
0x5ba: {  	v12 =	vand.u32 $0x7, v12;
	v13 =	vand.u32 $0xFFFFFFF0, v35  }
0x5bb: {  	v12 =	vor.u32 v12, v13  }
0x5bc: {  	v13 =	vperm.xlane v12, v9;
	_ =	sdelay $0x1  }
0x5bd: {  	v12 =	vperm.xlane v12, v11;
	v13 =	vadd.s32 v10, v13;
	_ =	sdelay $0x1  }
0x5be: {  	v12 =	vadd.s32 v10, v12;
	_ =	sdelay $0x1  }
0x5bf: {  	s30 =	simm.s32 $0xB400  }
0x5c0: {  	[tilespmem:s30], [sflag:$0x3] =	stream.indirect_vreg.gather [hbm4b:s1+s4], $0x80, v13, vm0, $0xb8;
	[tilespmem:$0x18400] =	vst v63  }
0x5c1: {  	s20 =	simm.s32 $0xBC00  }
0x5c2: {  	[tilespmem:s20], [sflag:$0x3] =	stream.indirect_vreg.gather [hbm4b:s1+s4], $0x80, v12, vm0, $0xb8;
	[tilespmem:$0x18400] =	vst v63  }
0x5c3: {  	_ =	swait.ge [sflag:s12], $0x4000  }
0x5c4: {  	[sflag:s12] =	ssyncset.done $0x0  }
0x5c5: {  	s2 =	simm.s32 $0xC400;
	s3 =	rddreg [dreg:$0x1e];
	[sflag:s12] =	ssyncadd.s32 $0xFFFFC000  }
0x5c6: {  	[hbm4b:s3+s4] =	stream.linear.scatter [tilespmem:s2], [sflag:$0xA], $0x4000, $0x38;
	[tilespmem:$0x18400] =	vst v63  }
0x5c7: {  	_ =	swait.ge [sflag:s14], $0x4000  }
0x5c8: {  	[sflag:s14] =	ssyncset.done $0x0  }
0x5c9: {  	[sflag:s14] =	ssyncadd.s32 $0xFFFFC000  }
0x5ca: {  	v36 =	vld [tilespmem:$0xC0];
	_ =	sdelay $0x4  }
0x5cb: {  	v37 =	vadd.s32 v4, v36  }
0x5cc: {  	v38 =	vshll.u32 v37, $0x1  }
0x5cd: {  	v39 =	vld [tilespmem:$0xD0];
	v12 =	vand.u32 $0x7, v36;
	v14 =	vand.u32 $0xFFFFFFF0, v38  }
0x5ce: {  	v40 =	vld [tilespmem:$0xE0];
	v12 =	vor.u32 v12, v14  }
0x5cf: {  	v41 =	vld [tilespmem:$0xF0];
	v42 =	vperm.xlane v12, v9;
	_ =	sdelay $0x1  }
0x5d0: {  	v12 =	vperm.xlane v12, v11;
	v17 =	vadd.s32 v10, v42  }
0x5d1: {  	v43 =	vadd.s32 v4, v39;
	[tilespmem:$0x280] =	vst v37  }
0x5d2: {  	v44 =	vadd.s32 v4, v40;
	[tilespmem:$0x290] =	vst v43;
	v12 =	vadd.s32 v10, v12  }
0x5d3: {  	v45 =	vadd.s32 v4, v41;
	[tilespmem:$0x2A0] =	vst v44  }
0x5d4: {  	[tilespmem:$0x2B0] =	vst v45  }
0x5d5: {  	[tilespmem:s2], [sflag:$0x4] =	stream.indirect_vreg.gather [hbm4b:s1+s4], $0x80, v17, vm0, $0xb8;
	[tilespmem:$0x18400] =	vst v63  }
0x5d6: {  	s5 =	simm.s32 $0xCC00  }
0x5d7: {  	[tilespmem:s5], [sflag:$0x4] =	stream.indirect_vreg.gather [hbm4b:s1+s4], $0x80, v12, vm0, $0xb8;
	[tilespmem:$0x18400] =	vst v63  }
0x5d8: {  	v12 =	vld [tilespmem:$0x290];
	_ =	sdelay $0x4  }
0x5d9: {  	v46 =	vshll.u32 v12, $0x1  }
0x5da: {  	v12 =	vand.u32 $0x7, v12;
	v13 =	vand.u32 $0xFFFFFFF0, v46  }
0x5db: {  	v12 =	vor.u32 v12, v13  }
0x5dc: {  	v13 =	vperm.xlane v12, v9;
	_ =	sdelay $0x1  }
0x5dd: {  	v12 =	vperm.xlane v12, v11;
	v13 =	vadd.s32 v10, v13;
	_ =	sdelay $0x1  }
0x5de: {  	v12 =	vadd.s32 v10, v12;
	_ =	sdelay $0x1  }
0x5df: {  	s15 =	simm.s32 $0xD400  }
0x5e0: {  	[tilespmem:s15], [sflag:$0x4] =	stream.indirect_vreg.gather [hbm4b:s1+s4], $0x80, v13, vm0, $0xb8;
	[tilespmem:$0x18400] =	vst v63  }
0x5e1: {  	s20 =	simm.s32 $0xDC00  }
0x5e2: {  	[tilespmem:s20], [sflag:$0x4] =	stream.indirect_vreg.gather [hbm4b:s1+s4], $0x80, v12, vm0, $0xb8;
	[tilespmem:$0x18400] =	vst v63  }
0x5e3: {  	v12 =	vld [tilespmem:$0x2A0];
	_ =	sdelay $0x4  }
0x5e4: {  	v47 =	vshll.u32 v12, $0x1  }
0x5e5: {  	v12 =	vand.u32 $0x7, v12;
	v13 =	vand.u32 $0xFFFFFFF0, v47  }
0x5e6: {  	v12 =	vor.u32 v12, v13  }
0x5e7: {  	v13 =	vperm.xlane v12, v9;
	_ =	sdelay $0x1  }
0x5e8: {  	v12 =	vperm.xlane v12, v11;
	v13 =	vadd.s32 v10, v13;
	_ =	sdelay $0x1  }
0x5e9: {  	v12 =	vadd.s32 v10, v12;
	_ =	sdelay $0x1  }
0x5ea: {  	s3 =	simm.s32 $0xE400  }
0x5eb: {  	[tilespmem:s3], [sflag:$0x4] =	stream.indirect_vreg.gather [hbm4b:s1+s4], $0x80, v13, vm0, $0xb8;
	[tilespmem:$0x18400] =	vst v63  }
0x5ec: {  	s5 =	simm.s32 $0xEC00  }
0x5ed: {  	[tilespmem:s5], [sflag:$0x4] =	stream.indirect_vreg.gather [hbm4b:s1+s4], $0x80, v12, vm0, $0xb8;
	[tilespmem:$0x18400] =	vst v63  }
0x5ee: {  	v12 =	vld [tilespmem:$0x2B0];
	_ =	sdelay $0x4  }
0x5ef: {  	v48 =	vshll.u32 v12, $0x1  }
0x5f0: {  	v12 =	vand.u32 $0x7, v12;
	v13 =	vand.u32 $0xFFFFFFF0, v48  }
0x5f1: {  	v12 =	vor.u32 v12, v13  }
0x5f2: {  	v13 =	vperm.xlane v12, v9;
	_ =	sdelay $0x1  }
0x5f3: {  	v12 =	vperm.xlane v12, v11;
	v13 =	vadd.s32 v10, v13;
	_ =	sdelay $0x1  }
0x5f4: {  	v12 =	vadd.s32 v10, v12;
	_ =	sdelay $0x1  }
0x5f5: {  	s15 =	simm.s32 $0xF400  }
0x5f6: {  	[tilespmem:s15], [sflag:$0x4] =	stream.indirect_vreg.gather [hbm4b:s1+s4], $0x80, v13, vm0, $0xb8;
	[tilespmem:$0x18400] =	vst v63  }
0x5f7: {  	s20 =	simm.s32 $0xFC00  }
0x5f8: {  	[tilespmem:s20], [sflag:$0x4] =	stream.indirect_vreg.gather [hbm4b:s1+s4], $0x80, v12, vm0, $0xb8;
	[tilespmem:$0x18400] =	vst v63  }
0x5f9: {  	_ =	swait.ge [sflag:s16], $0x4000  }
0x5fa: {  	[sflag:s16] =	ssyncset.done $0x0  }
0x5fb: {  	s7 =	simm.s32 $0x10400;
	s3 =	rddreg [dreg:$0x1f];
	[sflag:s16] =	ssyncadd.s32 $0xFFFFC000  }
0x5fc: {  	[hbm4b:s3+s4] =	stream.linear.scatter [tilespmem:s7], [sflag:$0xB], $0x4000, $0x38;
	[tilespmem:$0x18400] =	vst v63  }
0x5fd: {  	_ =	swait.ge [sflag:s17], $0x4000  }
0x5fe: {  	[sflag:s17] =	ssyncset.done $0x0  }
0x5ff: {  	[sflag:s17] =	ssyncadd.s32 $0xFFFFC000  }
0x600: {  	v49 =	vld [tilespmem:$0x80];
	_ =	sdelay $0x4  }
0x601: {  	v50 =	vadd.s32 v5, v49  }
0x602: {  	v51 =	vshll.u32 v50, $0x1  }
0x603: {  	v52 =	vld [tilespmem:$0x90];
	v12 =	vand.u32 $0x7, v49;
	v14 =	vand.u32 $0xFFFFFFF0, v51  }
0x604: {  	v53 =	vld [tilespmem:$0xA0];
	v12 =	vor.u32 v12, v14  }
0x605: {  	v54 =	vld [tilespmem:$0xB0];
	v55 =	vperm.xlane v12, v9;
	_ =	sdelay $0x1  }
0x606: {  	v12 =	vperm.xlane v12, v11;
	v17 =	vadd.s32 v10, v55  }
0x607: {  	v56 =	vadd.s32 v5, v52;
	[tilespmem:$0x300] =	vst v50  }
0x608: {  	v57 =	vadd.s32 v5, v53;
	[tilespmem:$0x310] =	vst v56;
	v12 =	vadd.s32 v10, v12  }
0x609: {  	v58 =	vadd.s32 v5, v54;
	[tilespmem:$0x320] =	vst v57  }
0x60a: {  	[tilespmem:$0x330] =	vst v58  }
0x60b: {  	[tilespmem:s7], [sflag:$0x5] =	stream.indirect_vreg.gather [hbm4b:s1+s4], $0x80, v17, vm0, $0xb8;
	[tilespmem:$0x18400] =	vst v63  }
0x60c: {  	s5 =	simm.s32 $0x10C00  }
0x60d: {  	[tilespmem:s5], [sflag:$0x5] =	stream.indirect_vreg.gather [hbm4b:s1+s4], $0x80, v12, vm0, $0xb8;
	[tilespmem:$0x18400] =	vst v63  }
0x60e: {  	v12 =	vld [tilespmem:$0x310];
	_ =	sdelay $0x4  }
0x60f: {  	v59 =	vshll.u32 v12, $0x1  }
0x610: {  	v12 =	vand.u32 $0x7, v12;
	v13 =	vand.u32 $0xFFFFFFF0, v59  }
0x611: {  	v12 =	vor.u32 v12, v13  }
0x612: {  	v13 =	vperm.xlane v12, v9;
	_ =	sdelay $0x1  }
0x613: {  	v12 =	vperm.xlane v12, v11;
	v13 =	vadd.s32 v10, v13;
	_ =	sdelay $0x1  }
0x614: {  	v12 =	vadd.s32 v10, v12;
	_ =	sdelay $0x1  }
0x615: {  	s15 =	simm.s32 $0x11400  }
0x616: {  	[tilespmem:s15], [sflag:$0x5] =	stream.indirect_vreg.gather [hbm4b:s1+s4], $0x80, v13, vm0, $0xb8;
	[tilespmem:$0x18400] =	vst v63  }
0x617: {  	s20 =	simm.s32 $0x11C00  }
0x618: {  	[tilespmem:s20], [sflag:$0x5] =	stream.indirect_vreg.gather [hbm4b:s1+s4], $0x80, v12, vm0, $0xb8;
	[tilespmem:$0x18400] =	vst v63  }
0x619: {  	v12 =	vld [tilespmem:$0x320];
	_ =	sdelay $0x4  }
0x61a: {  	v60 =	vshll.u32 v12, $0x1  }
0x61b: {  	v12 =	vand.u32 $0x7, v12;
	v13 =	vand.u32 $0xFFFFFFF0, v60  }
0x61c: {  	v12 =	vor.u32 v12, v13  }
0x61d: {  	v13 =	vperm.xlane v12, v9;
	_ =	sdelay $0x1  }
0x61e: {  	v12 =	vperm.xlane v12, v11;
	v13 =	vadd.s32 v10, v13;
	_ =	sdelay $0x1  }
0x61f: {  	v12 =	vadd.s32 v10, v12;
	_ =	sdelay $0x1  }
0x620: {  	s3 =	simm.s32 $0x12400  }
0x621: {  	[tilespmem:s3], [sflag:$0x5] =	stream.indirect_vreg.gather [hbm4b:s1+s4], $0x80, v13, vm0, $0xb8;
	[tilespmem:$0x18400] =	vst v63  }
0x622: {  	s5 =	simm.s32 $0x12C00  }
0x623: {  	[tilespmem:s5], [sflag:$0x5] =	stream.indirect_vreg.gather [hbm4b:s1+s4], $0x80, v12, vm0, $0xb8;
	[tilespmem:$0x18400] =	vst v63  }
0x624: {  	v12 =	vld [tilespmem:$0x330];
	_ =	sdelay $0x4  }
0x625: {  	v61 =	vshll.u32 v12, $0x1  }
0x626: {  	v12 =	vand.u32 $0x7, v12;
	v13 =	vand.u32 $0xFFFFFFF0, v61  }
0x627: {  	v12 =	vor.u32 v12, v13  }
0x628: {  	v13 =	vperm.xlane v12, v9;
	_ =	sdelay $0x1  }
0x629: {  	v12 =	vperm.xlane v12, v11;
	v13 =	vadd.s32 v10, v13;
	_ =	sdelay $0x1  }
0x62a: {  	v12 =	vadd.s32 v10, v12;
	_ =	sdelay $0x1  }
0x62b: {  	s15 =	simm.s32 $0x13400  }
0x62c: {  	[tilespmem:s15], [sflag:$0x5] =	stream.indirect_vreg.gather [hbm4b:s1+s4], $0x80, v13, vm0, $0xb8;
	[tilespmem:$0x18400] =	vst v63  }
0x62d: {  	s20 =	simm.s32 $0x13C00  }
0x62e: {  	[tilespmem:s20], [sflag:$0x5] =	stream.indirect_vreg.gather [hbm4b:s1+s4], $0x80, v12, vm0, $0xb8;
	[tilespmem:$0x18400] =	vst v63  }
0x62f: {  	_ =	swait.ge [sflag:s18], $0x4000  }
0x630: {  	s3 =	sld [smem:$0x7ED]  }
0x631: {  	[sflag:s18] =	ssyncset.done $0x0  }
0x632: {  	s24 =	simm.s32 $0x14400;
	[sflag:s18] =	ssyncadd.s32 $0xFFFFC000  }
0x633: {  	[hbm4b:s3+s4] =	stream.linear.scatter [tilespmem:s24], [sflag:$0xC], $0x4000, $0x38;
	[tilespmem:$0x18400] =	vst v63  }
0x634: {  	_ =	swait.ge [sflag:s19], $0x4000  }
0x635: {  	[sflag:s19] =	ssyncset.done $0x0  }
0x636: {  	[sflag:s19] =	ssyncadd.s32 $0xFFFFC000  }
0x637: {  	v62 =	vld [tilespmem:$0xC0];
	_ =	sdelay $0x4  }
0x638: {  	v63 =	vadd.s32 v5, v62  }
0x639: {  	v20 =	vshll.u32 v63, $0x1  }
0x63a: {  	v21 =	vld [tilespmem:$0xD0];
	v12 =	vand.u32 $0x7, v62;
	v14 =	vand.u32 $0xFFFFFFF0, v20  }
0x63b: {  	v22 =	vld [tilespmem:$0xE0];
	v12 =	vor.u32 v12, v14  }
0x63c: {  	v23 =	vld [tilespmem:$0xF0];
	v24 =	vperm.xlane v12, v9;
	_ =	sdelay $0x1  }
0x63d: {  	v12 =	vperm.xlane v12, v11;
	v17 =	vadd.s32 v10, v24  }
0x63e: {  	v25 =	vadd.s32 v5, v21;
	[tilespmem:$0x380] =	vst v63  }
0x63f: {  	v26 =	vadd.s32 v5, v22;
	[tilespmem:$0x390] =	vst v25;
	v12 =	vadd.s32 v10, v12  }
0x640: {  	v27 =	vadd.s32 v5, v23;
	[tilespmem:$0x3A0] =	vst v26  }
0x641: {  	[tilespmem:$0x3B0] =	vst v27  }
0x642: {  	[tilespmem:s24], [sflag:$0x6] =	stream.indirect_vreg.gather [hbm4b:s1+s4], $0x80, v17, vm0, $0xb8;
	[tilespmem:$0x18400] =	vst v63  }
0x643: {  	s5 =	simm.s32 $0x14C00  }
0x644: {  	[tilespmem:s5], [sflag:$0x6] =	stream.indirect_vreg.gather [hbm4b:s1+s4], $0x80, v12, vm0, $0xb8;
	[tilespmem:$0x18400] =	vst v63  }
0x645: {  	v12 =	vld [tilespmem:$0x390];
	_ =	sdelay $0x4  }
0x646: {  	v28 =	vshll.u32 v12, $0x1  }
0x647: {  	v12 =	vand.u32 $0x7, v12;
	v13 =	vand.u32 $0xFFFFFFF0, v28  }
0x648: {  	v12 =	vor.u32 v12, v13  }
0x649: {  	v13 =	vperm.xlane v12, v9;
	_ =	sdelay $0x1  }
0x64a: {  	v12 =	vperm.xlane v12, v11;
	v13 =	vadd.s32 v10, v13;
	_ =	sdelay $0x1  }
0x64b: {  	v12 =	vadd.s32 v10, v12;
	_ =	sdelay $0x1  }
0x64c: {  	s15 =	simm.s32 $0x15400  }
0x64d: {  	[tilespmem:s15], [sflag:$0x6] =	stream.indirect_vreg.gather [hbm4b:s1+s4], $0x80, v13, vm0, $0xb8;
	[tilespmem:$0x18400] =	vst v63  }
0x64e: {  	s20 =	simm.s32 $0x15C00  }
0x64f: {  	[tilespmem:s20], [sflag:$0x6] =	stream.indirect_vreg.gather [hbm4b:s1+s4], $0x80, v12, vm0, $0xb8;
	[tilespmem:$0x18400] =	vst v63  }
0x650: {  	v12 =	vld [tilespmem:$0x3A0];
	_ =	sdelay $0x4  }
0x651: {  	v29 =	vshll.u32 v12, $0x1  }
0x652: {  	v12 =	vand.u32 $0x7, v12;
	v13 =	vand.u32 $0xFFFFFFF0, v29  }
0x653: {  	v12 =	vor.u32 v12, v13  }
0x654: {  	v13 =	vperm.xlane v12, v9;
	_ =	sdelay $0x1  }
0x655: {  	v12 =	vperm.xlane v12, v11;
	v13 =	vadd.s32 v10, v13;
	_ =	sdelay $0x1  }
0x656: {  	v12 =	vadd.s32 v10, v12;
	_ =	sdelay $0x1  }
0x657: {  	s3 =	simm.s32 $0x16400  }
0x658: {  	[tilespmem:s3], [sflag:$0x6] =	stream.indirect_vreg.gather [hbm4b:s1+s4], $0x80, v13, vm0, $0xb8;
	[tilespmem:$0x18400] =	vst v63  }
0x659: {  	s5 =	simm.s32 $0x16C00  }
0x65a: {  	[tilespmem:s5], [sflag:$0x6] =	stream.indirect_vreg.gather [hbm4b:s1+s4], $0x80, v12, vm0, $0xb8;
	[tilespmem:$0x18400] =	vst v63  }
0x65b: {  	v12 =	vld [tilespmem:$0x3B0];
	_ =	sdelay $0x4  }
0x65c: {  	v30 =	vshll.u32 v12, $0x1  }
0x65d: {  	v12 =	vand.u32 $0x7, v12;
	v13 =	vand.u32 $0xFFFFFFF0, v30  }
0x65e: {  	v12 =	vor.u32 v12, v13  }
0x65f: {  	v13 =	vperm.xlane v12, v9;
	_ =	sdelay $0x1  }
0x660: {  	v12 =	vperm.xlane v12, v11;
	v13 =	vadd.s32 v10, v13;
	_ =	sdelay $0x1  }
0x661: {  	v12 =	vadd.s32 v10, v12;
	_ =	sdelay $0x1  }
0x662: {  	s15 =	simm.s32 $0x17400  }
0x663: {  	[tilespmem:s15], [sflag:$0x6] =	stream.indirect_vreg.gather [hbm4b:s1+s4], $0x80, v13, vm0, $0xb8;
	[tilespmem:$0x18400] =	vst v63  }
0x664: {  	s20 =	simm.s32 $0x17C00  }
0x665: {  	[tilespmem:s20], [sflag:$0x6] =	stream.indirect_vreg.gather [hbm4b:s1+s4], $0x80, v12, vm0, $0xb8;
	[tilespmem:$0x18400] =	vst v63  }
0x666: {  	_ =	swait.ge [sflag:s23], $0x4000  }
0x667: {  	s2 =	sld [smem:$0x7EE]  }
0x668: {  	[sflag:s23] =	ssyncset.done $0x0  }
0x669: {  	s3 =	simm.s32 $0x400;
	[sflag:s23] =	ssyncadd.s32 $0xFFFFC000  }
0x66a: {  	[hbm4b:s2+s4] =	stream.linear.scatter [tilespmem:s3], [sflag:$0x7], $0x4000, $0x38;
	[tilespmem:$0x18400] =	vst v63  }
0x66b: {  	_ =	swait.ge [sflag:s6], $0x4000  }
0x66c: {  	[sflag:s6] =	ssyncset.done $0x0  }
0x66d: {  	[sflag:s6] =	ssyncadd.s32 $0xFFFFC000  }
0x66e: {  	v31 =	vld [tilespmem:$0x80];
	_ =	sdelay $0x4  }
0x66f: {  	v32 =	vadd.s32 v6, v31  }
0x670: {  	v33 =	vshll.u32 v32, $0x1  }
0x671: {  	v34 =	vld [tilespmem:$0x90];
	v12 =	vand.u32 $0x7, v31;
	v14 =	vand.u32 $0xFFFFFFF0, v33  }
0x672: {  	v35 =	vld [tilespmem:$0xA0];
	v12 =	vor.u32 v12, v14  }
0x673: {  	v36 =	vld [tilespmem:$0xB0];
	v37 =	vperm.xlane v12, v9;
	_ =	sdelay $0x1  }
0x674: {  	v12 =	vperm.xlane v12, v11;
	v17 =	vadd.s32 v10, v37  }
0x675: {  	v38 =	vadd.s32 v6, v34;
	[tilespmem:$0x100] =	vst v32  }
0x676: {  	v39 =	vadd.s32 v6, v35;
	[tilespmem:$0x110] =	vst v38;
	v12 =	vadd.s32 v10, v12  }
0x677: {  	v40 =	vadd.s32 v6, v36;
	[tilespmem:$0x120] =	vst v39  }
0x678: {  	[tilespmem:$0x130] =	vst v40  }
0x679: {  	[tilespmem:s3], [sflag:$0x1] =	stream.indirect_vreg.gather [hbm4b:s1+s4], $0x80, v17, vm0, $0xb8;
	[tilespmem:$0x18400] =	vst v63  }
0x67a: {  	s15 =	simm.s32 $0xC00  }
0x67b: {  	[tilespmem:s15], [sflag:$0x1] =	stream.indirect_vreg.gather [hbm4b:s1+s4], $0x80, v12, vm0, $0xb8;
	[tilespmem:$0x18400] =	vst v63  }
0x67c: {  	v12 =	vld [tilespmem:$0x110];
	_ =	sdelay $0x4  }
0x67d: {  	v41 =	vshll.u32 v12, $0x1  }
0x67e: {  	v12 =	vand.u32 $0x7, v12;
	v13 =	vand.u32 $0xFFFFFFF0, v41  }
0x67f: {  	v12 =	vor.u32 v12, v13  }
0x680: {  	v13 =	vperm.xlane v12, v9;
	_ =	sdelay $0x1  }
0x681: {  	v12 =	vperm.xlane v12, v11;
	v13 =	vadd.s32 v10, v13;
	_ =	sdelay $0x1  }
0x682: {  	v12 =	vadd.s32 v10, v12;
	_ =	sdelay $0x1  }
0x683: {  	s20 =	simm.s32 $0x1400  }
0x684: {  	[tilespmem:s20], [sflag:$0x1] =	stream.indirect_vreg.gather [hbm4b:s1+s4], $0x80, v13, vm0, $0xb8;
	[tilespmem:$0x18400] =	vst v63  }
0x685: {  	s25 =	simm.s32 $0x1C00  }
0x686: {  	[tilespmem:s25], [sflag:$0x1] =	stream.indirect_vreg.gather [hbm4b:s1+s4], $0x80, v12, vm0, $0xb8;
	[tilespmem:$0x18400] =	vst v63  }
0x687: {  	v12 =	vld [tilespmem:$0x120];
	_ =	sdelay $0x4  }
0x688: {  	v42 =	vshll.u32 v12, $0x1  }
0x689: {  	v12 =	vand.u32 $0x7, v12;
	v13 =	vand.u32 $0xFFFFFFF0, v42  }
0x68a: {  	v12 =	vor.u32 v12, v13  }
0x68b: {  	v13 =	vperm.xlane v12, v9;
	_ =	sdelay $0x1  }
0x68c: {  	v12 =	vperm.xlane v12, v11;
	v13 =	vadd.s32 v10, v13;
	_ =	sdelay $0x1  }
0x68d: {  	v12 =	vadd.s32 v10, v12;
	_ =	sdelay $0x1  }
0x68e: {  	s13 =	simm.s32 $0x2400  }
0x68f: {  	[tilespmem:s13], [sflag:$0x1] =	stream.indirect_vreg.gather [hbm4b:s1+s4], $0x80, v13, vm0, $0xb8;
	[tilespmem:$0x18400] =	vst v63  }
0x690: {  	s25 =	simm.s32 $0x2C00  }
0x691: {  	[tilespmem:s25], [sflag:$0x1] =	stream.indirect_vreg.gather [hbm4b:s1+s4], $0x80, v12, vm0, $0xb8;
	[tilespmem:$0x18400] =	vst v63  }
0x692: {  	v12 =	vld [tilespmem:$0x130];
	_ =	sdelay $0x4  }
0x693: {  	v43 =	vshll.u32 v12, $0x1  }
0x694: {  	v12 =	vand.u32 $0x7, v12;
	v13 =	vand.u32 $0xFFFFFFF0, v43  }
0x695: {  	v12 =	vor.u32 v12, v13  }
0x696: {  	v13 =	vperm.xlane v12, v9;
	_ =	sdelay $0x1  }
0x697: {  	v12 =	vperm.xlane v12, v11;
	v13 =	vadd.s32 v10, v13;
	_ =	sdelay $0x1  }
0x698: {  	v12 =	vadd.s32 v10, v12;
	_ =	sdelay $0x1  }
0x699: {  	s26 =	simm.s32 $0x3400  }
0x69a: {  	[tilespmem:s26], [sflag:$0x1] =	stream.indirect_vreg.gather [hbm4b:s1+s4], $0x80, v13, vm0, $0xb8;
	[tilespmem:$0x18400] =	vst v63  }
0x69b: {  	s26 =	simm.s32 $0x3C00  }
0x69c: {  	[tilespmem:s26], [sflag:$0x1] =	stream.indirect_vreg.gather [hbm4b:s1+s4], $0x80, v12, vm0, $0xb8;
	[tilespmem:$0x18400] =	vst v63  }
0x69d: {  	_ =	swait.ge [sflag:s8], $0x4000  }
0x69e: {  	s3 =	sld [smem:$0x7EF]  }
0x69f: {  	[sflag:s8] =	ssyncset.done $0x0  }
0x6a0: {  	s13 =	simm.s32 $0x4400;
	[sflag:s8] =	ssyncadd.s32 $0xFFFFC000  }
0x6a1: {  	[hbm4b:s3+s4] =	stream.linear.scatter [tilespmem:s13], [sflag:$0x8], $0x4000, $0x38;
	[tilespmem:$0x18400] =	vst v63  }
0x6a2: {  	_ =	swait.ge [sflag:s9], $0x4000  }
0x6a3: {  	[sflag:s9] =	ssyncset.done $0x0  }
0x6a4: {  	[sflag:s9] =	ssyncadd.s32 $0xFFFFC000  }
0x6a5: {  	v44 =	vld [tilespmem:$0xC0];
	_ =	sdelay $0x4  }
0x6a6: {  	v45 =	vadd.s32 v6, v44  }
0x6a7: {  	v46 =	vshll.u32 v45, $0x1  }
0x6a8: {  	v47 =	vld [tilespmem:$0xD0];
	v12 =	vand.u32 $0x7, v44;
	v14 =	vand.u32 $0xFFFFFFF0, v46  }
0x6a9: {  	v48 =	vld [tilespmem:$0xE0];
	v12 =	vor.u32 v12, v14  }
0x6aa: {  	v49 =	vld [tilespmem:$0xF0];
	v50 =	vperm.xlane v12, v9;
	_ =	sdelay $0x1  }
0x6ab: {  	v12 =	vperm.xlane v12, v11;
	v17 =	vadd.s32 v10, v50  }
0x6ac: {  	v51 =	vadd.s32 v6, v47;
	[tilespmem:$0x180] =	vst v45  }
0x6ad: {  	v52 =	vadd.s32 v6, v48;
	[tilespmem:$0x190] =	vst v51;
	v12 =	vadd.s32 v10, v12  }
0x6ae: {  	v53 =	vadd.s32 v6, v49;
	[tilespmem:$0x1A0] =	vst v52  }
0x6af: {  	[tilespmem:$0x1B0] =	vst v53  }
0x6b0: {  	[tilespmem:s13], [sflag:$0x2] =	stream.indirect_vreg.gather [hbm4b:s1+s4], $0x80, v17, vm0, $0xb8;
	[tilespmem:$0x18400] =	vst v63  }
0x6b1: {  	s20 =	simm.s32 $0x4C00  }
0x6b2: {  	[tilespmem:s20], [sflag:$0x2] =	stream.indirect_vreg.gather [hbm4b:s1+s4], $0x80, v12, vm0, $0xb8;
	[tilespmem:$0x18400] =	vst v63  }
0x6b3: {  	v12 =	vld [tilespmem:$0x190];
	_ =	sdelay $0x4  }
0x6b4: {  	v54 =	vshll.u32 v12, $0x1  }
0x6b5: {  	v12 =	vand.u32 $0x7, v12;
	v13 =	vand.u32 $0xFFFFFFF0, v54  }
0x6b6: {  	v12 =	vor.u32 v12, v13  }
0x6b7: {  	v13 =	vperm.xlane v12, v9;
	_ =	sdelay $0x1  }
0x6b8: {  	v12 =	vperm.xlane v12, v11;
	v13 =	vadd.s32 v10, v13;
	_ =	sdelay $0x1  }
0x6b9: {  	v12 =	vadd.s32 v10, v12;
	_ =	sdelay $0x1  }
0x6ba: {  	s22 =	simm.s32 $0x5400  }
0x6bb: {  	[tilespmem:s22], [sflag:$0x2] =	stream.indirect_vreg.gather [hbm4b:s1+s4], $0x80, v13, vm0, $0xb8;
	[tilespmem:$0x18400] =	vst v63  }
0x6bc: {  	s25 =	simm.s32 $0x5C00  }
0x6bd: {  	[tilespmem:s25], [sflag:$0x2] =	stream.indirect_vreg.gather [hbm4b:s1+s4], $0x80, v12, vm0, $0xb8;
	[tilespmem:$0x18400] =	vst v63  }
0x6be: {  	v12 =	vld [tilespmem:$0x1A0];
	_ =	sdelay $0x4  }
0x6bf: {  	v55 =	vshll.u32 v12, $0x1  }
0x6c0: {  	v12 =	vand.u32 $0x7, v12;
	v13 =	vand.u32 $0xFFFFFFF0, v55  }
0x6c1: {  	v12 =	vor.u32 v12, v13  }
0x6c2: {  	v13 =	vperm.xlane v12, v9;
	_ =	sdelay $0x1  }
0x6c3: {  	v12 =	vperm.xlane v12, v11;
	v13 =	vadd.s32 v10, v13;
	_ =	sdelay $0x1  }
0x6c4: {  	v12 =	vadd.s32 v10, v12;
	_ =	sdelay $0x1  }
0x6c5: {  	s28 =	simm.s32 $0x6400  }
0x6c6: {  	[tilespmem:s28], [sflag:$0x2] =	stream.indirect_vreg.gather [hbm4b:s1+s4], $0x80, v13, vm0, $0xb8;
	[tilespmem:$0x18400] =	vst v63  }
0x6c7: {  	s26 =	simm.s32 $0x6C00  }
0x6c8: {  	[tilespmem:s26], [sflag:$0x2] =	stream.indirect_vreg.gather [hbm4b:s1+s4], $0x80, v12, vm0, $0xb8;
	[tilespmem:$0x18400] =	vst v63  }
0x6c9: {  	v12 =	vld [tilespmem:$0x1B0];
	_ =	sdelay $0x4  }
0x6ca: {  	v56 =	vshll.u32 v12, $0x1  }
0x6cb: {  	v12 =	vand.u32 $0x7, v12;
	v13 =	vand.u32 $0xFFFFFFF0, v56  }
0x6cc: {  	v12 =	vor.u32 v12, v13  }
0x6cd: {  	v13 =	vperm.xlane v12, v9;
	_ =	sdelay $0x1  }
0x6ce: {  	v12 =	vperm.xlane v12, v11;
	v13 =	vadd.s32 v10, v13;
	_ =	sdelay $0x1  }
0x6cf: {  	v12 =	vadd.s32 v10, v12;
	_ =	sdelay $0x1  }
0x6d0: {  	s29 =	simm.s32 $0x7400  }
0x6d1: {  	[tilespmem:s29], [sflag:$0x2] =	stream.indirect_vreg.gather [hbm4b:s1+s4], $0x80, v13, vm0, $0xb8;
	[tilespmem:$0x18400] =	vst v63  }
0x6d2: {  	s31 =	simm.s32 $0x7C00  }
0x6d3: {  	[tilespmem:s31], [sflag:$0x2] =	stream.indirect_vreg.gather [hbm4b:s1+s4], $0x80, v12, vm0, $0xb8;
	[tilespmem:$0x18400] =	vst v63  }
0x6d4: {  	_ =	swait.ge [sflag:s10], $0x4000  }
0x6d5: {  	s28 =	sld [smem:$0x7F0]  }
0x6d6: {  	[sflag:s10] =	ssyncset.done $0x0  }
0x6d7: {  	s29 =	simm.s32 $0x8400;
	[sflag:s10] =	ssyncadd.s32 $0xFFFFC000  }
0x6d8: {  	[hbm4b:s28+s4] =	stream.linear.scatter [tilespmem:s29], [sflag:$0x9], $0x4000, $0x38;
	[tilespmem:$0x18400] =	vst v63  }
0x6d9: {  	_ =	swait.ge [sflag:s11], $0x4000  }
0x6da: {  	[sflag:s11] =	ssyncset.done $0x0  }
0x6db: {  	[sflag:s11] =	ssyncadd.s32 $0xFFFFC000  }
0x6dc: {  	v57 =	vld [tilespmem:$0x80];
	_ =	sdelay $0x4  }
0x6dd: {  	v58 =	vadd.s32 v7, v57  }
0x6de: {  	v59 =	vshll.u32 v58, $0x1  }
0x6df: {  	v60 =	vld [tilespmem:$0x90];
	v12 =	vand.u32 $0x7, v57;
	v14 =	vand.u32 $0xFFFFFFF0, v59  }
0x6e0: {  	v61 =	vld [tilespmem:$0xA0];
	v12 =	vor.u32 v12, v14  }
0x6e1: {  	v62 =	vld [tilespmem:$0xB0];
	v63 =	vperm.xlane v12, v9;
	_ =	sdelay $0x1  }
0x6e2: {  	v12 =	vperm.xlane v12, v11;
	v17 =	vadd.s32 v10, v63  }
0x6e3: {  	v19 =	vadd.s32 v7, v60;
	[tilespmem:$0x200] =	vst v58  }
0x6e4: {  	v20 =	vadd.s32 v7, v61;
	[tilespmem:$0x210] =	vst v19;
	v12 =	vadd.s32 v10, v12  }
0x6e5: {  	v21 =	vadd.s32 v7, v62;
	[tilespmem:$0x220] =	vst v20  }
0x6e6: {  	[tilespmem:$0x230] =	vst v21  }
0x6e7: {  	[tilespmem:s29], [sflag:$0x3] =	stream.indirect_vreg.gather [hbm4b:s1+s4], $0x80, v17, vm0, $0xb8;
	[tilespmem:$0x18400] =	vst v63  }
0x6e8: {  	s31 =	simm.s32 $0x8C00  }
0x6e9: {  	[tilespmem:s31], [sflag:$0x3] =	stream.indirect_vreg.gather [hbm4b:s1+s4], $0x80, v12, vm0, $0xb8;
	[tilespmem:$0x18400] =	vst v63  }
0x6ea: {  	v12 =	vld [tilespmem:$0x210];
	_ =	sdelay $0x4  }
0x6eb: {  	v22 =	vshll.u32 v12, $0x1  }
0x6ec: {  	v12 =	vand.u32 $0x7, v12;
	v13 =	vand.u32 $0xFFFFFFF0, v22  }
0x6ed: {  	v12 =	vor.u32 v12, v13  }
0x6ee: {  	v13 =	vperm.xlane v12, v9;
	_ =	sdelay $0x1  }
0x6ef: {  	v12 =	vperm.xlane v12, v11;
	v13 =	vadd.s32 v10, v13;
	_ =	sdelay $0x1  }
0x6f0: {  	v12 =	vadd.s32 v10, v12;
	_ =	sdelay $0x1  }
0x6f1: {  	s13 =	simm.s32 $0x9400  }
0x6f2: {  	[tilespmem:s13], [sflag:$0x3] =	stream.indirect_vreg.gather [hbm4b:s1+s4], $0x80, v13, vm0, $0xb8;
	[tilespmem:$0x18400] =	vst v63  }
0x6f3: {  	s20 =	simm.s32 $0x9C00  }
0x6f4: {  	[tilespmem:s20], [sflag:$0x3] =	stream.indirect_vreg.gather [hbm4b:s1+s4], $0x80, v12, vm0, $0xb8;
	[tilespmem:$0x18400] =	vst v63  }
0x6f5: {  	v12 =	vld [tilespmem:$0x220];
	_ =	sdelay $0x4  }
0x6f6: {  	v23 =	vshll.u32 v12, $0x1  }
0x6f7: {  	v12 =	vand.u32 $0x7, v12;
	v13 =	vand.u32 $0xFFFFFFF0, v23  }
0x6f8: {  	v12 =	vor.u32 v12, v13  }
0x6f9: {  	v13 =	vperm.xlane v12, v9;
	_ =	sdelay $0x1  }
0x6fa: {  	v12 =	vperm.xlane v12, v11;
	v13 =	vadd.s32 v10, v13;
	_ =	sdelay $0x1  }
0x6fb: {  	v12 =	vadd.s32 v10, v12;
	_ =	sdelay $0x1  }
0x6fc: {  	s21 =	simm.s32 $0xA400  }
0x6fd: {  	[tilespmem:s21], [sflag:$0x3] =	stream.indirect_vreg.gather [hbm4b:s1+s4], $0x80, v13, vm0, $0xb8;
	[tilespmem:$0x18400] =	vst v63  }
0x6fe: {  	s22 =	simm.s32 $0xAC00  }
0x6ff: {  	[tilespmem:s22], [sflag:$0x3] =	stream.indirect_vreg.gather [hbm4b:s1+s4], $0x80, v12, vm0, $0xb8;
	[tilespmem:$0x18400] =	vst v63  }
0x700: {  	v12 =	vld [tilespmem:$0x230];
	_ =	sdelay $0x4  }
0x701: {  	v24 =	vshll.u32 v12, $0x1  }
0x702: {  	v12 =	vand.u32 $0x7, v12;
	v13 =	vand.u32 $0xFFFFFFF0, v24  }
0x703: {  	v12 =	vor.u32 v12, v13  }
0x704: {  	v13 =	vperm.xlane v12, v9;
	_ =	sdelay $0x1  }
0x705: {  	v12 =	vperm.xlane v12, v11;
	v13 =	vadd.s32 v10, v13;
	_ =	sdelay $0x1  }
0x706: {  	v12 =	vadd.s32 v10, v12;
	_ =	sdelay $0x1  }
0x707: {  	s30 =	simm.s32 $0xB400  }
0x708: {  	[tilespmem:s30], [sflag:$0x3] =	stream.indirect_vreg.gather [hbm4b:s1+s4], $0x80, v13, vm0, $0xb8;
	[tilespmem:$0x18400] =	vst v63  }
0x709: {  	s25 =	simm.s32 $0xBC00  }
0x70a: {  	[tilespmem:s25], [sflag:$0x3] =	stream.indirect_vreg.gather [hbm4b:s1+s4], $0x80, v12, vm0, $0xb8;
	[tilespmem:$0x18400] =	vst v63  }
0x70b: {  	_ =	swait.ge [sflag:s12], $0x4000  }
0x70c: {  	s26 =	sld [smem:$0x7F1]  }
0x70d: {  	[sflag:s12] =	ssyncset.done $0x0  }
0x70e: {  	s28 =	simm.s32 $0xC400;
	[sflag:s12] =	ssyncadd.s32 $0xFFFFC000  }
0x70f: {  	[hbm4b:s26+s4] =	stream.linear.scatter [tilespmem:s28], [sflag:$0xA], $0x4000, $0x38;
	[tilespmem:$0x18400] =	vst v63  }
0x710: {  	_ =	swait.ge [sflag:s14], $0x4000  }
0x711: {  	[sflag:s14] =	ssyncset.done $0x0  }
0x712: {  	[sflag:s14] =	ssyncadd.s32 $0xFFFFC000  }
0x713: {  	v25 =	vld [tilespmem:$0xC0];
	_ =	sdelay $0x4  }
0x714: {  	v26 =	vadd.s32 v7, v25  }
0x715: {  	v27 =	vshll.u32 v26, $0x1  }
0x716: {  	v28 =	vld [tilespmem:$0xD0];
	v12 =	vand.u32 $0x7, v25;
	v14 =	vand.u32 $0xFFFFFFF0, v27  }
0x717: {  	v29 =	vld [tilespmem:$0xE0];
	v12 =	vor.u32 v12, v14  }
0x718: {  	v30 =	vld [tilespmem:$0xF0];
	v31 =	vperm.xlane v12, v9;
	_ =	sdelay $0x1  }
0x719: {  	v12 =	vperm.xlane v12, v11;
	v17 =	vadd.s32 v10, v31  }
0x71a: {  	v32 =	vadd.s32 v7, v28;
	[tilespmem:$0x280] =	vst v26  }
0x71b: {  	v33 =	vadd.s32 v7, v29;
	[tilespmem:$0x290] =	vst v32;
	v12 =	vadd.s32 v10, v12  }
0x71c: {  	v34 =	vadd.s32 v7, v30;
	[tilespmem:$0x2A0] =	vst v33  }
0x71d: {  	[tilespmem:$0x2B0] =	vst v34  }
0x71e: {  	[tilespmem:s28], [sflag:$0x4] =	stream.indirect_vreg.gather [hbm4b:s1+s4], $0x80, v17, vm0, $0xb8;
	[tilespmem:$0x18400] =	vst v63  }
0x71f: {  	s29 =	simm.s32 $0xCC00  }
0x720: {  	[tilespmem:s29], [sflag:$0x4] =	stream.indirect_vreg.gather [hbm4b:s1+s4], $0x80, v12, vm0, $0xb8;
	[tilespmem:$0x18400] =	vst v63  }
0x721: {  	v12 =	vld [tilespmem:$0x290];
	_ =	sdelay $0x4  }
0x722: {  	v35 =	vshll.u32 v12, $0x1  }
0x723: {  	v12 =	vand.u32 $0x7, v12;
	v13 =	vand.u32 $0xFFFFFFF0, v35  }
0x724: {  	v12 =	vor.u32 v12, v13  }
0x725: {  	v13 =	vperm.xlane v12, v9;
	_ =	sdelay $0x1  }
0x726: {  	v12 =	vperm.xlane v12, v11;
	v13 =	vadd.s32 v10, v13;
	_ =	sdelay $0x1  }
0x727: {  	v12 =	vadd.s32 v10, v12;
	_ =	sdelay $0x1  }
0x728: {  	s30 =	simm.s32 $0xD400  }
0x729: {  	[tilespmem:s30], [sflag:$0x4] =	stream.indirect_vreg.gather [hbm4b:s1+s4], $0x80, v13, vm0, $0xb8;
	[tilespmem:$0x18400] =	vst v63  }
0x72a: {  	s31 =	simm.s32 $0xDC00  }
0x72b: {  	[tilespmem:s31], [sflag:$0x4] =	stream.indirect_vreg.gather [hbm4b:s1+s4], $0x80, v12, vm0, $0xb8;
	[tilespmem:$0x18400] =	vst v63  }
0x72c: {  	v12 =	vld [tilespmem:$0x2A0];
	_ =	sdelay $0x4  }
0x72d: {  	v36 =	vshll.u32 v12, $0x1  }
0x72e: {  	v12 =	vand.u32 $0x7, v12;
	v13 =	vand.u32 $0xFFFFFFF0, v36  }
0x72f: {  	v12 =	vor.u32 v12, v13  }
0x730: {  	v13 =	vperm.xlane v12, v9;
	_ =	sdelay $0x1  }
0x731: {  	v12 =	vperm.xlane v12, v11;
	v13 =	vadd.s32 v10, v13;
	_ =	sdelay $0x1  }
0x732: {  	v12 =	vadd.s32 v10, v12;
	_ =	sdelay $0x1  }
0x733: {  	s20 =	simm.s32 $0xE400  }
0x734: {  	[tilespmem:s20], [sflag:$0x4] =	stream.indirect_vreg.gather [hbm4b:s1+s4], $0x80, v13, vm0, $0xb8;
	[tilespmem:$0x18400] =	vst v63  }
0x735: {  	s21 =	simm.s32 $0xEC00  }
0x736: {  	[tilespmem:s21], [sflag:$0x4] =	stream.indirect_vreg.gather [hbm4b:s1+s4], $0x80, v12, vm0, $0xb8;
	[tilespmem:$0x18400] =	vst v63  }
0x737: {  	v12 =	vld [tilespmem:$0x2B0];
	_ =	sdelay $0x4  }
0x738: {  	v37 =	vshll.u32 v12, $0x1  }
0x739: {  	v12 =	vand.u32 $0x7, v12;
	v13 =	vand.u32 $0xFFFFFFF0, v37  }
0x73a: {  	v12 =	vor.u32 v12, v13  }
0x73b: {  	v13 =	vperm.xlane v12, v9;
	_ =	sdelay $0x1  }
0x73c: {  	v12 =	vperm.xlane v12, v11;
	v13 =	vadd.s32 v10, v13;
	_ =	sdelay $0x1  }
0x73d: {  	v12 =	vadd.s32 v10, v12;
	_ =	sdelay $0x1  }
0x73e: {  	s22 =	simm.s32 $0xF400  }
0x73f: {  	[tilespmem:s22], [sflag:$0x4] =	stream.indirect_vreg.gather [hbm4b:s1+s4], $0x80, v13, vm0, $0xb8;
	[tilespmem:$0x18400] =	vst v63  }
0x740: {  	s25 =	simm.s32 $0xFC00  }
0x741: {  	[tilespmem:s25], [sflag:$0x4] =	stream.indirect_vreg.gather [hbm4b:s1+s4], $0x80, v12, vm0, $0xb8;
	[tilespmem:$0x18400] =	vst v63  }
0x742: {  	_ =	swait.ge [sflag:s16], $0x4000  }
0x743: {  	s26 =	sld [smem:$0x7F2]  }
0x744: {  	[sflag:s16] =	ssyncset.done $0x0  }
0x745: {  	[sflag:s16] =	ssyncadd.s32 $0xFFFFC000  }
0x746: {  	[hbm4b:s26+s4] =	stream.linear.scatter [tilespmem:s7], [sflag:$0xB], $0x4000, $0x38;
	[tilespmem:$0x18400] =	vst v63  }
0x747: {  	_ =	swait.ge [sflag:s17], $0x4000  }
0x748: {  	[sflag:s17] =	ssyncset.done $0x0  }
0x749: {  	[sflag:s17] =	ssyncadd.s32 $0xFFFFC000  }
0x74a: {  	v38 =	vld [tilespmem:$0x80];
	_ =	sdelay $0x4  }
0x74b: {  	v39 =	vadd.s32 v8, v38  }
0x74c: {  	v40 =	vshll.u32 v39, $0x1  }
0x74d: {  	v41 =	vld [tilespmem:$0x90];
	v12 =	vand.u32 $0x7, v38;
	v14 =	vand.u32 $0xFFFFFFF0, v40  }
0x74e: {  	v42 =	vld [tilespmem:$0xA0];
	v12 =	vor.u32 v12, v14  }
0x74f: {  	v43 =	vld [tilespmem:$0xB0];
	v44 =	vperm.xlane v12, v9;
	_ =	sdelay $0x1  }
0x750: {  	v12 =	vperm.xlane v12, v11;
	v17 =	vadd.s32 v10, v44  }
0x751: {  	v45 =	vadd.s32 v8, v41;
	[tilespmem:$0x300] =	vst v39  }
0x752: {  	v46 =	vadd.s32 v8, v42;
	[tilespmem:$0x310] =	vst v45;
	v12 =	vadd.s32 v10, v12  }
0x753: {  	v47 =	vadd.s32 v8, v43;
	[tilespmem:$0x320] =	vst v46  }
0x754: {  	[tilespmem:$0x330] =	vst v47  }
0x755: {  	[tilespmem:s7], [sflag:$0x5] =	stream.indirect_vreg.gather [hbm4b:s1+s4], $0x80, v17, vm0, $0xb8;
	[tilespmem:$0x18400] =	vst v63  }
0x756: {  	s28 =	simm.s32 $0x10C00  }
0x757: {  	[tilespmem:s28], [sflag:$0x5] =	stream.indirect_vreg.gather [hbm4b:s1+s4], $0x80, v12, vm0, $0xb8;
	[tilespmem:$0x18400] =	vst v63  }
0x758: {  	v12 =	vld [tilespmem:$0x310];
	_ =	sdelay $0x4  }
0x759: {  	v48 =	vshll.u32 v12, $0x1  }
0x75a: {  	v12 =	vand.u32 $0x7, v12;
	v13 =	vand.u32 $0xFFFFFFF0, v48  }
0x75b: {  	v12 =	vor.u32 v12, v13  }
0x75c: {  	v13 =	vperm.xlane v12, v9;
	_ =	sdelay $0x1  }
0x75d: {  	v12 =	vperm.xlane v12, v11;
	v13 =	vadd.s32 v10, v13;
	_ =	sdelay $0x1  }
0x75e: {  	v12 =	vadd.s32 v10, v12;
	_ =	sdelay $0x1  }
0x75f: {  	s29 =	simm.s32 $0x11400  }
0x760: {  	[tilespmem:s29], [sflag:$0x5] =	stream.indirect_vreg.gather [hbm4b:s1+s4], $0x80, v13, vm0, $0xb8;
	[tilespmem:$0x18400] =	vst v63  }
0x761: {  	s30 =	simm.s32 $0x11C00  }
0x762: {  	[tilespmem:s30], [sflag:$0x5] =	stream.indirect_vreg.gather [hbm4b:s1+s4], $0x80, v12, vm0, $0xb8;
	[tilespmem:$0x18400] =	vst v63  }
0x763: {  	v12 =	vld [tilespmem:$0x320];
	_ =	sdelay $0x4  }
0x764: {  	v49 =	vshll.u32 v12, $0x1  }
0x765: {  	v12 =	vand.u32 $0x7, v12;
	v13 =	vand.u32 $0xFFFFFFF0, v49  }
0x766: {  	v12 =	vor.u32 v12, v13  }
0x767: {  	v13 =	vperm.xlane v12, v9;
	_ =	sdelay $0x1  }
0x768: {  	v12 =	vperm.xlane v12, v11;
	v13 =	vadd.s32 v10, v13;
	_ =	sdelay $0x1  }
0x769: {  	v12 =	vadd.s32 v10, v12;
	_ =	sdelay $0x1  }
0x76a: {  	s31 =	simm.s32 $0x12400  }
0x76b: {  	[tilespmem:s31], [sflag:$0x5] =	stream.indirect_vreg.gather [hbm4b:s1+s4], $0x80, v13, vm0, $0xb8;
	[tilespmem:$0x18400] =	vst v63  }
0x76c: {  	s20 =	simm.s32 $0x12C00  }
0x76d: {  	[tilespmem:s20], [sflag:$0x5] =	stream.indirect_vreg.gather [hbm4b:s1+s4], $0x80, v12, vm0, $0xb8;
	[tilespmem:$0x18400] =	vst v63  }
0x76e: {  	v12 =	vld [tilespmem:$0x330];
	_ =	sdelay $0x4  }
0x76f: {  	v50 =	vshll.u32 v12, $0x1  }
0x770: {  	v12 =	vand.u32 $0x7, v12;
	v13 =	vand.u32 $0xFFFFFFF0, v50  }
0x771: {  	v12 =	vor.u32 v12, v13  }
0x772: {  	v13 =	vperm.xlane v12, v9;
	_ =	sdelay $0x1  }
0x773: {  	v12 =	vperm.xlane v12, v11;
	v13 =	vadd.s32 v10, v13;
	_ =	sdelay $0x1  }
0x774: {  	v12 =	vadd.s32 v10, v12;
	_ =	sdelay $0x1  }
0x775: {  	s21 =	simm.s32 $0x13400  }
0x776: {  	[tilespmem:s21], [sflag:$0x5] =	stream.indirect_vreg.gather [hbm4b:s1+s4], $0x80, v13, vm0, $0xb8;
	[tilespmem:$0x18400] =	vst v63  }
0x777: {  	s22 =	simm.s32 $0x13C00  }
0x778: {  	[tilespmem:s22], [sflag:$0x5] =	stream.indirect_vreg.gather [hbm4b:s1+s4], $0x80, v12, vm0, $0xb8;
	[tilespmem:$0x18400] =	vst v63  }
0x779: {  	_ =	swait.ge [sflag:s18], $0x4000  }
0x77a: {  	s25 =	sld [smem:$0x7F3]  }
0x77b: {  	[sflag:s18] =	ssyncset.done $0x0  }
0x77c: {  	[sflag:s18] =	ssyncadd.s32 $0xFFFFC000  }
0x77d: {  	[hbm4b:s25+s4] =	stream.linear.scatter [tilespmem:s24], [sflag:$0xC], $0x4000, $0x38;
	[tilespmem:$0x18400] =	vst v63  }
0x77e: {  	_ =	swait.ge [sflag:s19], $0x4000  }
0x77f: {  	[sflag:s19] =	ssyncset.done $0x0  }
0x780: {  	[sflag:s19] =	ssyncadd.s32 $0xFFFFC000  }
0x781: {  	v51 =	vld [tilespmem:$0xC0];
	_ =	sdelay $0x4  }
0x782: {  	v52 =	vadd.s32 v8, v51  }
0x783: {  	v53 =	vshll.u32 v52, $0x1  }
0x784: {  	v54 =	vld [tilespmem:$0xD0];
	v12 =	vand.u32 $0x7, v51;
	v14 =	vand.u32 $0xFFFFFFF0, v53  }
0x785: {  	v55 =	vld [tilespmem:$0xE0];
	v12 =	vor.u32 v12, v14  }
0x786: {  	v56 =	vld [tilespmem:$0xF0];
	v57 =	vperm.xlane v12, v9;
	_ =	sdelay $0x1  }
0x787: {  	v12 =	vperm.xlane v12, v11;
	v17 =	vadd.s32 v10, v57  }
0x788: {  	v58 =	vadd.s32 v8, v54;
	[tilespmem:$0x380] =	vst v52  }
0x789: {  	v59 =	vadd.s32 v8, v55;
	[tilespmem:$0x390] =	vst v58;
	v12 =	vadd.s32 v10, v12  }
0x78a: {  	v60 =	vadd.s32 v8, v56;
	[tilespmem:$0x3A0] =	vst v59  }
0x78b: {  	[tilespmem:$0x3B0] =	vst v60  }
0x78c: {  	[tilespmem:s24], [sflag:$0x6] =	stream.indirect_vreg.gather [hbm4b:s1+s4], $0x80, v17, vm0, $0xb8;
	[tilespmem:$0x18400] =	vst v63  }
0x78d: {  	s26 =	simm.s32 $0x14C00  }
0x78e: {  	[tilespmem:s26], [sflag:$0x6] =	stream.indirect_vreg.gather [hbm4b:s1+s4], $0x80, v12, vm0, $0xb8;
	[tilespmem:$0x18400] =	vst v63  }
0x78f: {  	v12 =	vld [tilespmem:$0x390];
	_ =	sdelay $0x4  }
0x790: {  	v61 =	vshll.u32 v12, $0x1  }
0x791: {  	v12 =	vand.u32 $0x7, v12;
	v13 =	vand.u32 $0xFFFFFFF0, v61  }
0x792: {  	v12 =	vor.u32 v12, v13  }
0x793: {  	v13 =	vperm.xlane v12, v9;
	_ =	sdelay $0x1  }
0x794: {  	v12 =	vperm.xlane v12, v11;
	v13 =	vadd.s32 v10, v13;
	_ =	sdelay $0x1  }
0x795: {  	v12 =	vadd.s32 v10, v12;
	_ =	sdelay $0x1  }
0x796: {  	s28 =	simm.s32 $0x15400  }
0x797: {  	[tilespmem:s28], [sflag:$0x6] =	stream.indirect_vreg.gather [hbm4b:s1+s4], $0x80, v13, vm0, $0xb8;
	[tilespmem:$0x18400] =	vst v63  }
0x798: {  	s29 =	simm.s32 $0x15C00  }
0x799: {  	[tilespmem:s29], [sflag:$0x6] =	stream.indirect_vreg.gather [hbm4b:s1+s4], $0x80, v12, vm0, $0xb8;
	[tilespmem:$0x18400] =	vst v63  }
0x79a: {  	v12 =	vld [tilespmem:$0x3A0];
	_ =	sdelay $0x4  }
0x79b: {  	v62 =	vshll.u32 v12, $0x1  }
0x79c: {  	v12 =	vand.u32 $0x7, v12;
	v13 =	vand.u32 $0xFFFFFFF0, v62  }
0x79d: {  	v12 =	vor.u32 v12, v13  }
0x79e: {  	v13 =	vperm.xlane v12, v9;
	_ =	sdelay $0x1  }
0x79f: {  	v12 =	vperm.xlane v12, v11;
	v13 =	vadd.s32 v10, v13;
	_ =	sdelay $0x1  }
0x7a0: {  	v12 =	vadd.s32 v10, v12;
	_ =	sdelay $0x1  }
0x7a1: {  	s30 =	simm.s32 $0x16400  }
0x7a2: {  	[tilespmem:s30], [sflag:$0x6] =	stream.indirect_vreg.gather [hbm4b:s1+s4], $0x80, v13, vm0, $0xb8;
	[tilespmem:$0x18400] =	vst v63  }
0x7a3: {  	s31 =	simm.s32 $0x16C00  }
0x7a4: {  	[tilespmem:s31], [sflag:$0x6] =	stream.indirect_vreg.gather [hbm4b:s1+s4], $0x80, v12, vm0, $0xb8;
	[tilespmem:$0x18400] =	vst v63  }
0x7a5: {  	v12 =	vld [tilespmem:$0x3B0];
	_ =	sdelay $0x4  }
0x7a6: {  	v63 =	vshll.u32 v12, $0x1  }
0x7a7: {  	v12 =	vand.u32 $0x7, v12;
	v13 =	vand.u32 $0xFFFFFFF0, v63  }
0x7a8: {  	v12 =	vor.u32 v12, v13  }
0x7a9: {  	v13 =	vperm.xlane v12, v9;
	_ =	sdelay $0x1  }
0x7aa: {  	v12 =	vperm.xlane v12, v11;
	v13 =	vadd.s32 v10, v13;
	_ =	sdelay $0x1  }
0x7ab: {  	v12 =	vadd.s32 v10, v12;
	_ =	sdelay $0x1  }
0x7ac: {  	s20 =	simm.s32 $0x17400  }
0x7ad: {  	[tilespmem:s20], [sflag:$0x6] =	stream.indirect_vreg.gather [hbm4b:s1+s4], $0x80, v13, vm0, $0xb8;
	[tilespmem:$0x18400] =	vst v63  }
0x7ae: {  	s21 =	simm.s32 $0x17C00  }
0x7af: {  	[tilespmem:s21], [sflag:$0x6] =	stream.indirect_vreg.gather [hbm4b:s1+s4], $0x80, v12, vm0, $0xb8;
	[tilespmem:$0x18400] =	vst v63  }
0x7b0: {  	_ =	swait.ge [sflag:s23], $0x4000  }
0x7b1: {  	s22 =	sld [smem:$0x7F4]  }
0x7b2: {  	[sflag:s23] =	ssyncset.done $0x0  }
0x7b3: {  	s5 =	simm.s32 $0x400;
	[sflag:s23] =	ssyncadd.s32 $0xFFFFC000  }
0x7b4: {  	[hbm4b:s22+s4] =	stream.linear.scatter [tilespmem:s5], [sflag:$0x7], $0x4000, $0x38;
	[tilespmem:$0x18400] =	vst v63  }
0x7b5: {  	_ =	swait.ge [sflag:s8], $0x4000  }
0x7b6: {  	s25 =	sld [smem:$0x7F5]  }
0x7b7: {  	[sflag:s8] =	ssyncset.done $0x0  }
0x7b8: {  	s15 =	simm.s32 $0x4400;
	[sflag:s8] =	ssyncadd.s32 $0xFFFFC000  }
0x7b9: {  	[hbm4b:s25+s4] =	stream.linear.scatter [tilespmem:s15], [sflag:$0x8], $0x4000, $0x38;
	[tilespmem:$0x18400] =	vst v63  }
0x7ba: {  	_ =	swait.ge [sflag:s10], $0x4000  }
0x7bb: {  	s26 =	sld [smem:$0x7F6]  }
0x7bc: {  	[sflag:s10] =	ssyncset.done $0x0  }
0x7bd: {  	s3 =	simm.s32 $0x8400;
	[sflag:s10] =	ssyncadd.s32 $0xFFFFC000  }
0x7be: {  	[hbm4b:s26+s4] =	stream.linear.scatter [tilespmem:s3], [sflag:$0x9], $0x4000, $0x38;
	[tilespmem:$0x18400] =	vst v63  }
0x7bf: {  	s28 =	sld [smem:$0x7EC];
	_ =	swait.ge [sflag:s12], $0x4000  }
0x7c0: {  	s29 =	sld [smem:$0x7F7]  }
0x7c1: {  	[sflag:s12] =	ssyncset.done $0x0  }
0x7c2: {  	s2 =	simm.s32 $0xC400;
	[sflag:s12] =	ssyncadd.s32 $0xFFFFC000  }
0x7c3: {  	[hbm4b:s29+s4] =	stream.linear.scatter [tilespmem:s2], [sflag:$0xA], $0x4000, $0x38;
	[tilespmem:$0x18400] =	vst v63  }
0x7c4: {  	_ =	swait.ge [sflag:s16], $0x4000  }
0x7c5: {  	s30 =	sld [smem:$0x7F8]  }
0x7c6: {  	[sflag:s16] =	ssyncset.done $0x0  }
0x7c7: {  	[sflag:s16] =	ssyncadd.s32 $0xFFFFC000  }
0x7c8: {  	[hbm4b:s30+s4] =	stream.linear.scatter [tilespmem:s7], [sflag:$0xB], $0x4000, $0x38;
	[tilespmem:$0x18400] =	vst v63  }
0x7c9: {  	_ =	swait.ge [sflag:s18], $0x4000  }
0x7ca: {  	s31 =	sld [smem:$0x7F9]  }
0x7cb: {  	[sflag:s18] =	ssyncset.done $0x0  }
0x7cc: {  	[sflag:s18] =	ssyncadd.s32 $0xFFFFC000  }
0x7cd: {  	[hbm4b:s31+s4] =	stream.linear.scatter [tilespmem:s24], [sflag:$0xC], $0x4000, $0x38;
	[tilespmem:$0x18400] =	vst v63  }
0x7ce: {  	_ =	swait.ge [sflag:s6], $0x4000  }
0x7cf: {  	[sflag:s6] =	ssyncset.done $0x0  }
0x7d0: {  	[sflag:s6] =	ssyncadd.s32 $0xFFFFC000  }
0x7d1: {  	_ =	swait.ge [sflag:s9], $0x4000  }
0x7d2: {  	[sflag:s9] =	ssyncset.done $0x0  }
0x7d3: {  	[sflag:s9] =	ssyncadd.s32 $0xFFFFC000  }
0x7d4: {  	_ =	swait.ge [sflag:s11], $0x4000  }
0x7d5: {  	[sflag:s11] =	ssyncset.done $0x0  }
0x7d6: {  	[sflag:s11] =	ssyncadd.s32 $0xFFFFC000  }
0x7d7: {  	_ =	swait.ge [sflag:s14], $0x4000  }
0x7d8: {  	[sflag:s14] =	ssyncset.done $0x0  }
0x7d9: {  	[sflag:s14] =	ssyncadd.s32 $0xFFFFC000  }
0x7da: {  	p0 =	sne.s32 s28, $0x1;
	_ =	swait.ge [sflag:s17], $0x4000  }
.Ltmp0:
0x7db: {  	[sflag:s17] =	ssyncset.done $0x0;
	(pc) =	sbr.rel @p0 .LBB2_1-.Ltmp0, $4  }
0x7dc: {  	[sflag:s17] =	ssyncadd.s32 $0xFFFFC000  }
0x7dd: {  	_ =	swait.ge [sflag:s19], $0x4000  }
0x7de: {  	[sflag:s19] =	ssyncset.done $0x0  }
0x7df: {  	s3 =	sadd.s32 $0xFFFFFFFF, s28;
	[sflag:s19] =	ssyncadd.s32 $0xFFFFC000  }
0x7e0: {  	_ =	sfence.sel $0x180000  }
0x7e1: {  	[bflag:$0x0] =	sbarrier.arrive $0xFFFF  }
0x7e2: {  	_ =	strace $0x90000047  }
0x7e3: {  	s0 =	stileid.u32;
	[bflag:$0x2] =	sbarrier.arrive $0xFFFF  }
0x7e4: {  	p0 =	sne.s32 s0, $0x0;
	s0 =	rddreg [dreg:$0x6]  }
0x7e5: {  	s0 =	sadd.s32 @!p0 $0x100000, s0  }
0x7e6: {  	[sflag:s0] =	ssyncadd.tile.s32 @!p0 $0x1;
	_ =	shalt  }
.Lfunc_end2:
_tile_overlayer_lowered:
.L_overlay_start_2:
0x7e7: {  	(tag) =	ssettag $0x2  }
0x7e8: {  	s0 =	rddreg [dreg:$0x0];
	s2 =	stileid.u32  }
0x7e9: {  	s1 =	rddreg [dreg:$0x1];
	p0 =	sne.s32 s2, $0x0  }
0x7ea: {  	s3 =	rddreg [dreg:$0x2];
	[bflag:$0x3] =	sbarrier.arrive $0xFFFF;
	s2 =	simm.s32 @!p0 $0x1C0D  }
0x7eb: {  	[timem:s3], [sflag:s2] =	dma.local @!p0 [hbm:s0], s1  }
0x7ec: {  	s0 =	simm.s32 @!p0 $0xD  }
0x7ed: {  	_ =	swait.ge @!p0 [sflag:s0], s1  }
0x7ee: {  	s1 =	ssub.s32 @!p0 $0x0, s1;
	[sflag:s0] =	ssyncset.done @!p0 $0x0  }
0x7ef: {  	[sflag:s0] =	ssyncadd.s32 @!p0 s1  }
0x7f0: {  	[bflag:$0x3] =	sbarrier.arrive $0xFFFF  }
0x7f1: {  	_ =	shalt  }

</sc_bundles>
